<compile_context>
chip_gen: v7x
topology: tpu7x:2x2x1
jax: 0.10.2.dev20260603
libtpu: 0.0.44.dev20260713+nightly
codegen_flags: <defaults>
</compile_context>

<pallas_src>
import functools

import jax
import jax.numpy as jnp
from jax import lax
from jax.experimental import pallas as pl
from jax.experimental.pallas import tpu as pltpu
from jax.experimental.pallas import tpu_sc as plsc

IMG_ID = 100015
NC, NS = 2, 16
NW = NC * NS
H = 1024
N_TOK = 4 * 4096
SEG = N_TOK // NW
NG = SEG // 16
ROW_S = 4096
W_PER_ROW = ROW_S // SEG
CH = 16
NCH = SEG // CH
NBUF = 6
LAG = 3
PAD_ROW = 1024


def _body(ids_hbm, img_hbm, emb_hbm, out_hbm,
          row_ids, buf_a, buf_b, buf_c, buf_d, buf_e, buf_f, imgbuf, gidx, posl, pos16, gidx16,
          gsem_a, gsem_b, gsem_c, gsem_d, gsem_e, gsem_f,
          ssem_a, ssem_b, ssem_c, ssem_d, ssem_e, ssem_f, fsem):
    wid = lax.axis_index("s") * NC + lax.axis_index("c")
    row = wid // W_PER_ROW
    seg = wid % W_PER_ROW
    tok0 = wid * SEG

    pltpu.sync_copy(ids_hbm.at[row], row_ids)

    iota = lax.broadcasted_iota(jnp.int32, (16,), 0)
    zero16 = jnp.zeros((16,), jnp.float32)
    nan16 = jnp.full((16,), jnp.nan, jnp.float32)
    bufs = (buf_a, buf_b, buf_c, buf_d, buf_e, buf_f)
    gsems = (gsem_a, gsem_b, gsem_c, gsem_d, gsem_e, gsem_f)
    ssems = (ssem_a, ssem_b, ssem_c, ssem_d, ssem_e, ssem_f)

    def issue_gather(c):
        idx = row_ids.at[pl.ds(pl.multiple_of(seg * SEG + c * CH, CH), CH)]
        return pltpu.async_copy(emb_hbm.at[idx], bufs[c % NBUF], gsems[c % NBUF])

    def issue_scatter(c):
        return pltpu.async_copy(
            bufs[c % NBUF], out_hbm.at[pl.ds(tok0 + c * CH, CH)], ssems[c % NBUF])

    def scan_phase():
        def cnt_body(i, acc):
            v = row_ids[pl.ds(pl.multiple_of(i * 16, 16), 16)]
            return acc + jnp.sum(jnp.where(v == IMG_ID, jnp.int32(1), jnp.int32(0)))

        base = lax.fori_loop(0, seg * NG, cnt_body, jnp.int32(0))
        seg_g0 = seg * NG

        def seg_body(g, carry):
            s, bm = carry
            off = pl.multiple_of((seg_g0 + g) * 16, 16)
            v = row_ids[pl.ds(off, 16)]
            m = v == IMG_ID
            mi = jnp.where(m, jnp.int32(1), jnp.int32(0))
            cs = plsc.cumsum(mi)
            gi_raw = s + cs - 1
            pv_raw = tok0 + g * 16 + iota
            ffs = jnp.minimum(plsc.all_reduce_ffs(m), 15)
            gi = jnp.where(m, gi_raw, jnp.take_along_axis(gi_raw, ffs, axis=0))
            pv = jnp.where(m, pv_raw, jnp.take_along_axis(pv_raw, ffs, axis=0))
            woff = pl.multiple_of(g * 16, 16)
            gidx[pl.ds(woff, 16)] = gi
            posl[pl.ds(woff, 16)] = pv
            cnt = jnp.sum(mi)
            bit = jnp.where(cnt > 0, jnp.int32(1), jnp.int32(0)) << g
            return s + cnt, bm | bit

        _, bm = lax.fori_loop(0, NG, seg_body, (base, jnp.int32(0)))
        return bm

    g_h = [None] * NCH
    s_h = [None] * NCH
    bmask = None
    for c in range(NCH + LAG):
        if c < NCH:
            if c >= NBUF:
                s_h[c - NBUF].wait()
            g_h[c] = issue_gather(c)
            if c == LAG - 1:
                bmask = scan_phase()
        if c >= LAG:
            cc = c - LAG
            g_h[cc].wait()
            s_h[cc] = issue_scatter(cc)
    for cc in range(NCH - NBUF, NCH):
        s_h[cc].wait()

    def fix_body(g, carry):
        @pl.when(((bmask >> g) & 1) != 0)
        def _():
            off = pl.multiple_of(g * 16, 16)
            giv = gidx[pl.ds(off, 16)]
            gidx16[...] = jnp.minimum(giv, PAD_ROW - 1)
            ovm0 = jnp.sum(jnp.where(giv == PAD_ROW, jnp.int32(1) << iota,
                                     jnp.int32(0)))
            ovmn = jnp.sum(jnp.where(giv > PAD_ROW, jnp.int32(1) << iota,
                                     jnp.int32(0)))
            pos16[...] = posl[pl.ds(off, 16)]
            pltpu.async_copy(img_hbm.at[gidx16], imgbuf, fsem).wait()

            def fill_lane(j, acc):
                @pl.when(((ovm0 >> j) & 1) != 0)
                def _zero():
                    for kk in range(H // 16):
                        imgbuf[j, pl.ds(kk * 16, 16)] = zero16

                @pl.when(((ovmn >> j) & 1) != 0)
                def _nan():
                    for kk in range(H // 16):
                        imgbuf[j, pl.ds(kk * 16, 16)] = nan16
                return acc

            @pl.when((ovm0 | ovmn) != 0)
            def _fills():
                lax.fori_loop(0, 16, fill_lane, jnp.int32(0))

            pltpu.async_copy(imgbuf, out_hbm.at[pos16], fsem).wait()
        return carry

    lax.fori_loop(0, NG, fix_body, jnp.int32(0))


@functools.partial(
    pl.kernel,
    mesh=plsc.VectorSubcoreMesh(core_axis_name="c", subcore_axis_name="s"),
    compiler_params=pltpu.CompilerParams(needs_layout_passes=False),
    out_type=jax.ShapeDtypeStruct((N_TOK, H), jnp.float32),
    scratch_types=[
        pltpu.VMEM((ROW_S,), jnp.int32),
        pltpu.VMEM((CH, H), jnp.float32),
        pltpu.VMEM((CH, H), jnp.float32),
        pltpu.VMEM((CH, H), jnp.float32),
        pltpu.VMEM((CH, H), jnp.float32),
        pltpu.VMEM((CH, H), jnp.float32),
        pltpu.VMEM((CH, H), jnp.float32),
        pltpu.VMEM((16, H), jnp.float32),
        pltpu.VMEM((SEG,), jnp.int32),
        pltpu.VMEM((SEG,), jnp.int32),
        pltpu.VMEM((16,), jnp.int32),
        pltpu.VMEM((16,), jnp.int32),
        pltpu.SemaphoreType.DMA,
        pltpu.SemaphoreType.DMA,
        pltpu.SemaphoreType.DMA,
        pltpu.SemaphoreType.DMA,
        pltpu.SemaphoreType.DMA,
        pltpu.SemaphoreType.DMA,
        pltpu.SemaphoreType.DMA,
        pltpu.SemaphoreType.DMA,
        pltpu.SemaphoreType.DMA,
        pltpu.SemaphoreType.DMA,
        pltpu.SemaphoreType.DMA,
        pltpu.SemaphoreType.DMA,
        pltpu.SemaphoreType.DMA,
    ],
)
def _emb_kernel(ids_hbm, img_hbm, emb_hbm, out_hbm, *scratch):
    _body(ids_hbm, img_hbm, emb_hbm, out_hbm, *scratch)


def kernel(input_ids, image_features, embed_weight):
    ids = input_ids.astype(jnp.int32)
    out = _emb_kernel(ids, image_features, embed_weight)
    return out.reshape(input_ids.shape + (embed_weight.shape[1],))

# --- scband reference (transcript-rebuilt; emitter-appended) ---
"""Pipeline reference for scband-deep-seek-ocr2-embedding-model-22797686407826 (READ-ONLY COPY).

The authoritative reference and input builder live on the scoring server;
editing this copy changes nothing except your own understanding.
"""

import jax, jax.numpy as jnp
import numpy as np

VOCAB_SIZE = 102400
HIDDEN_SIZE = 1024
IMAGE_TOKEN_ID = 100015


def setup_inputs(seed: int = 0) -> dict:
    key = jax.random.key(seed)
    k_ids, k_img, k_emb = jax.random.split(key, 3)
    input_ids = jax.random.randint(k_ids, (4, 4096), 0, VOCAB_SIZE, dtype=jnp.int64)
    image_features = jax.random.normal(k_img, (1024, HIDDEN_SIZE), dtype=jnp.float32)
    embed_weight = jax.random.normal(k_emb, (VOCAB_SIZE, HIDDEN_SIZE), dtype=jnp.float32) * 0.02
    return {"input_ids": input_ids, "image_features": image_features, "embed_weight": embed_weight}


def reference(input_ids, image_features, embed_weight):
    # text token embedding lookup (gather on SparseCore)
    text_embeds = jnp.take(embed_weight, input_ids, axis=0)  # (B, S, H)
    # identify image placeholder positions
    image_mask = (input_ids == IMAGE_TOKEN_ID)               # (B, S) bool
    image_mask_3d = image_mask[..., None]                    # (B, S, 1)
    # running index into image_features for each placeholder (cumsum along seq axis=1)
    mask_int = image_mask.astype(jnp.int64)
    cumsum = jnp.cumsum(mask_int, axis=1)
    indices = cumsum - 1
    indices = jnp.clip(indices, 0)                           # Clip(min=0)
    # pad one zero row at end of image_features (matches Expand+Concat of pad_row)
    pad_row = jnp.zeros((1, image_features.shape[1]), dtype=image_features.dtype)
    padded_features = jnp.concatenate([image_features, pad_row], axis=0)
    # gather image features to every sequence position
    gathered = jnp.take(padded_features, indices, axis=0)    # (B, S, H)
    # select image features at placeholder positions, text embeds elsewhere
    inputs_embeds = jnp.where(image_mask_3d, gathered, text_embeds)
    return inputs_embeds

if __name__ == "__main__":
    import jax
    _d = setup_inputs()
    print(jax.jit(kernel)(*tuple(_d.values())))

</pallas_src>

<mosaic_0001>
#map = affine_map<(d0, d1) -> (0, 0)>
module attributes {stable_mosaic.version = 14 : i64} {
  func.func @_emb_kernel(%arg0: i32, %arg1: i32, %arg2: memref<4x4096xi32, #tpu.memory_space<hbm>>, %arg3: memref<1024x1024xf32, #tpu.memory_space<hbm>>, %arg4: memref<102400x1024xf32, #tpu.memory_space<hbm>>, %arg5: memref<16384x1024xf32, #tpu.memory_space<hbm>>, %arg6: memref<4096xi32, #tpu.memory_space<vmem>>, %arg7: memref<16x1024xf32, #tpu.memory_space<vmem>>, %arg8: memref<16x1024xf32, #tpu.memory_space<vmem>>, %arg9: memref<16x1024xf32, #tpu.memory_space<vmem>>, %arg10: memref<16x1024xf32, #tpu.memory_space<vmem>>, %arg11: memref<16x1024xf32, #tpu.memory_space<vmem>>, %arg12: memref<16x1024xf32, #tpu.memory_space<vmem>>, %arg13: memref<16x1024xf32, #tpu.memory_space<vmem>>, %arg14: memref<512xi32, #tpu.memory_space<vmem>>, %arg15: memref<512xi32, #tpu.memory_space<vmem>>, %arg16: memref<16xi32, #tpu.memory_space<vmem>>, %arg17: memref<16xi32, #tpu.memory_space<vmem>>, %arg18: memref<!tpu.dma_semaphore, #tpu.memory_space<semaphore_mem>>, %arg19: memref<!tpu.dma_semaphore, #tpu.memory_space<semaphore_mem>>, %arg20: memref<!tpu.dma_semaphore, #tpu.memory_space<semaphore_mem>>, %arg21: memref<!tpu.dma_semaphore, #tpu.memory_space<semaphore_mem>>, %arg22: memref<!tpu.dma_semaphore, #tpu.memory_space<semaphore_mem>>, %arg23: memref<!tpu.dma_semaphore, #tpu.memory_space<semaphore_mem>>, %arg24: memref<!tpu.dma_semaphore, #tpu.memory_space<semaphore_mem>>, %arg25: memref<!tpu.dma_semaphore, #tpu.memory_space<semaphore_mem>>, %arg26: memref<!tpu.dma_semaphore, #tpu.memory_space<semaphore_mem>>, %arg27: memref<!tpu.dma_semaphore, #tpu.memory_space<semaphore_mem>>, %arg28: memref<!tpu.dma_semaphore, #tpu.memory_space<semaphore_mem>>, %arg29: memref<!tpu.dma_semaphore, #tpu.memory_space<semaphore_mem>>, %arg30: memref<!tpu.dma_semaphore, #tpu.memory_space<semaphore_mem>>) attributes {dimension_semantics = [#tpu.dimension_semantics<core_parallel>, #tpu.dimension_semantics<subcore_parallel>], iteration_bounds = array<i64: 2, 16>, scalar_prefetch = 0 : i64, scratch_operands = 25 : i64, tpu.core_type = #tpu.core_type<sc_vector_subcore>, window_params = [{transform_indices = #map}, {transform_indices = #map}, {transform_indices = #map}, {transform_indices = #map}]} {
    %mul3A = arith.constant 2 : i32
    %mul3A_0 = arith.muli %arg1, %mul3A : i32
    %add3A = arith.addi %mul3A_0, %arg0 : i32
    %jit3A = arith.constant 8 : i32
    %div3A = arith.divsi %add3A, %jit3A : i32
    %sign3A = arith.constant 0 : i32
    %sign3A_1 = arith.cmpi sgt, %add3A, %sign3A : i32
    %sign3A_2 = arith.extui %sign3A_1 : i1 to i32
    %sign3A_3 = arith.constant 0 : i32
    %sign3A_4 = arith.cmpi slt, %add3A, %sign3A_3 : i32
    %sign3A_5 = arith.extui %sign3A_4 : i1 to i32
    %sign3A_6 = arith.subi %sign3A_2, %sign3A_5 : i32
    %sign3A_7 = arith.constant 0 : i32
    %sign3A_8 = arith.cmpi sgt, %jit3A, %sign3A_7 : i32
    %sign3A_9 = arith.extui %sign3A_8 : i1 to i32
    %sign3A_10 = arith.constant 0 : i32
    %sign3A_11 = arith.cmpi slt, %jit3A, %sign3A_10 : i32
    %sign3A_12 = arith.extui %sign3A_11 : i1 to i32
    %sign3A_13 = arith.subi %sign3A_9, %sign3A_12 : i32
    %ne3A = arith.cmpi ne, %sign3A_6, %sign3A_13 : i32
    %rem3A = arith.remsi %add3A, %jit3A : i32
    %ne3A_14 = arith.constant 0 : i32
    %ne3A_15 = arith.cmpi ne, %rem3A, %ne3A_14 : i32
    %and3A = arith.andi %ne3A, %ne3A_15 : i1
    %sub3A = arith.constant 1 : i32
    %sub3A_16 = arith.subi %div3A, %sub3A : i32
    %select_n3A = arith.select %and3A, %sub3A_16, %div3A : i32
    %jit3A_17 = arith.constant 8 : i32
    %eq3A = arith.constant 0 : i32
    %eq3A_18 = arith.cmpi eq, %jit3A_17, %eq3A : i32
    %jit3A_19 = arith.constant 1 : i32
    %select_n3A_20 = arith.select %eq3A_18, %jit3A_19, %jit3A_17 : i32
    %rem3A_21 = arith.remsi %add3A, %select_n3A_20 : i32
    %ne3A_22 = arith.constant 0 : i32
    %ne3A_23 = arith.cmpi ne, %rem3A_21, %ne3A_22 : i32
    %lt3A = arith.constant 0 : i32
    %lt3A_24 = arith.cmpi slt, %rem3A_21, %lt3A : i32
    %lt3A_25 = arith.constant 0 : i32
    %lt3A_26 = arith.cmpi slt, %select_n3A_20, %lt3A_25 : i32
    %ne3A_27 = arith.xori %lt3A_24, %lt3A_26 : i1
    %and3A_28 = arith.andi %ne3A_27, %ne3A_23 : i1
    %add3A_29 = arith.addi %rem3A_21, %select_n3A_20 : i32
    %select_n3A_30 = arith.select %and3A_28, %add3A_29, %rem3A_21 : i32
    %mul3A_31 = arith.constant 512 : i32
    %mul3A_32 = arith.muli %add3A, %mul3A_31 : i32
    "tpu.region"() ({
      %run_scoped3A = tpu.sem_alloc : memref<!tpu.dma_semaphore, #tpu.memory_space<semaphore_mem>>
      %dma_start3A_796 = arith.constant 0 : i32
      %dma_start3A_797 = tpu.memref_slice %arg2[%select_n3A, %dma_start3A_796] : memref<4x4096xi32, #tpu.memory_space<hbm>> -> memref<1x4096xi32, #tpu.memory_space<hbm>>
      %dma_start3A_798 = tpu.memref_squeeze %dma_start3A_797 : memref<1x4096xi32, #tpu.memory_space<hbm>> -> memref<4096xi32, #tpu.memory_space<hbm>>
      %dma_start3A_799 = arith.constant 0 : i32
      %dma_start3A_800 = tpu.memref_slice %arg2[%select_n3A, %dma_start3A_799] : memref<4x4096xi32, #tpu.memory_space<hbm>> -> memref<1x4096xi32, #tpu.memory_space<hbm>>
      %dma_start3A_801 = tpu.memref_squeeze %dma_start3A_800 : memref<1x4096xi32, #tpu.memory_space<hbm>> -> memref<4096xi32, #tpu.memory_space<hbm>>
      tpu.enqueue_dma source(%dma_start3A_801 : memref<4096xi32, #tpu.memory_space<hbm>>) target(%arg6 : memref<4096xi32, #tpu.memory_space<vmem>>) target_semaphore(%run_scoped3A : memref<!tpu.dma_semaphore, #tpu.memory_space<semaphore_mem>>)
      %dma_wait3A_802 = arith.constant 0 : i32
      %dma_wait3A_803 = tpu.memref_slice %arg2[%select_n3A, %dma_wait3A_802] : memref<4x4096xi32, #tpu.memory_space<hbm>> -> memref<1x4096xi32, #tpu.memory_space<hbm>>
      %dma_wait3A_804 = tpu.memref_squeeze %dma_wait3A_803 : memref<1x4096xi32, #tpu.memory_space<hbm>> -> memref<4096xi32, #tpu.memory_space<hbm>>
      %dma_wait3A_805 = arith.constant 0 : i32
      %dma_wait3A_806 = tpu.memref_slice %arg2[%select_n3A, %dma_wait3A_805] : memref<4x4096xi32, #tpu.memory_space<hbm>> -> memref<1x4096xi32, #tpu.memory_space<hbm>>
      %dma_wait3A_807 = tpu.memref_squeeze %dma_wait3A_806 : memref<1x4096xi32, #tpu.memory_space<hbm>> -> memref<4096xi32, #tpu.memory_space<hbm>>
      tpu.wait_dma2 semaphore(%run_scoped3A : memref<!tpu.dma_semaphore, #tpu.memory_space<semaphore_mem>>) src(%dma_wait3A_807 : memref<4096xi32, #tpu.memory_space<hbm>>) dst(%arg6 : memref<4096xi32, #tpu.memory_space<vmem>>)
      tpu.yield
    }) : () -> ()
    %iota3A = tpu.iota {dimensions = array<i32: 0>} : vector<16xi32>
    %broadcast_in_dim3A = arith.constant 0.000000e+00 : f32
    %broadcast_in_dim3A_33 = vector.broadcast %broadcast_in_dim3A : f32 to vector<16xf32>
    %broadcast_in_dim3A_34 = arith.constant 0x7FC00000 : f32
    %broadcast_in_dim3A_35 = vector.broadcast %broadcast_in_dim3A_34 : f32 to vector<16xf32>
    %mul3A_36 = arith.constant 512 : i32
    %mul3A_37 = arith.muli %select_n3A_30, %mul3A_36 : i32
    %add3A_38 = arith.constant 0 : i32
    %add3A_39 = arith.addi %mul3A_37, %add3A_38 : i32
    %multiple_of3A = tpu.assume_multiple %add3A_39, 16 : i32
    %dma_start3A = tpu.memref_slice %arg6[%multiple_of3A] : memref<4096xi32, #tpu.memory_space<vmem>> -> memref<16xi32, #tpu.memory_space<vmem>>
    %dma_start3A_40 = arith.constant 0 : i32
    %dma_start3A_41 = arith.constant 0 : i32
    %dma_start3A_42 = tpu.memref_slice %arg4[%dma_start3A_40, %dma_start3A_41] : memref<102400x1024xf32, #tpu.memory_space<hbm>> -> memref<102400x1024xf32, #tpu.memory_space<hbm>>
    tpu.enqueue_indirect_dma source(%dma_start3A_42 : memref<102400x1024xf32, #tpu.memory_space<hbm>>) target(%arg7 : memref<16x1024xf32, #tpu.memory_space<vmem>>) offsets(%dma_start3A : memref<16xi32, #tpu.memory_space<vmem>>) semaphore(%arg18 : memref<!tpu.dma_semaphore, #tpu.memory_space<semaphore_mem>>)
    %mul3A_43 = arith.constant 512 : i32
    %mul3A_44 = arith.muli %select_n3A_30, %mul3A_43 : i32
    %add3A_45 = arith.constant 16 : i32
    %add3A_46 = arith.addi %mul3A_44, %add3A_45 : i32
    %multiple_of3A_47 = tpu.assume_multiple %add3A_46, 16 : i32
    %dma_start3A_48 = tpu.memref_slice %arg6[%multiple_of3A_47] : memref<4096xi32, #tpu.memory_space<vmem>> -> memref<16xi32, #tpu.memory_space<vmem>>
    %dma_start3A_49 = arith.constant 0 : i32
    %dma_start3A_50 = arith.constant 0 : i32
    %dma_start3A_51 = tpu.memref_slice %arg4[%dma_start3A_49, %dma_start3A_50] : memref<102400x1024xf32, #tpu.memory_space<hbm>> -> memref<102400x1024xf32, #tpu.memory_space<hbm>>
    tpu.enqueue_indirect_dma source(%dma_start3A_51 : memref<102400x1024xf32, #tpu.memory_space<hbm>>) target(%arg8 : memref<16x1024xf32, #tpu.memory_space<vmem>>) offsets(%dma_start3A_48 : memref<16xi32, #tpu.memory_space<vmem>>) semaphore(%arg19 : memref<!tpu.dma_semaphore, #tpu.memory_space<semaphore_mem>>)
    %mul3A_52 = arith.constant 512 : i32
    %mul3A_53 = arith.muli %select_n3A_30, %mul3A_52 : i32
    %add3A_54 = arith.constant 32 : i32
    %add3A_55 = arith.addi %mul3A_53, %add3A_54 : i32
    %multiple_of3A_56 = tpu.assume_multiple %add3A_55, 16 : i32
    %dma_start3A_57 = tpu.memref_slice %arg6[%multiple_of3A_56] : memref<4096xi32, #tpu.memory_space<vmem>> -> memref<16xi32, #tpu.memory_space<vmem>>
    %dma_start3A_58 = arith.constant 0 : i32
    %dma_start3A_59 = arith.constant 0 : i32
    %dma_start3A_60 = tpu.memref_slice %arg4[%dma_start3A_58, %dma_start3A_59] : memref<102400x1024xf32, #tpu.memory_space<hbm>> -> memref<102400x1024xf32, #tpu.memory_space<hbm>>
    tpu.enqueue_indirect_dma source(%dma_start3A_60 : memref<102400x1024xf32, #tpu.memory_space<hbm>>) target(%arg9 : memref<16x1024xf32, #tpu.memory_space<vmem>>) offsets(%dma_start3A_57 : memref<16xi32, #tpu.memory_space<vmem>>) semaphore(%arg20 : memref<!tpu.dma_semaphore, #tpu.memory_space<semaphore_mem>>)
    %mul3A_61 = arith.constant 32 : i32
    %mul3A_62 = arith.muli %select_n3A_30, %mul3A_61 : i32
    %while3A = arith.constant 0 : i32
    %while3A_63 = arith.constant 0 : i32
    %while3A_64 = arith.subi %mul3A_62, %while3A : i32
    %while3A_65 = arith.addi %while3A, %while3A_64 : i32
    %while3A_66 = arith.constant 1 : i32
    %while3A_67 = arith.divsi %while3A_64, %while3A_66 : i32
    %while3A_68 = arith.muli %while3A_67, %while3A_66 : i32
    %while3A_69 = arith.addi %while3A, %while3A_68 : i32
    %while3A_70 = arith.constant 1 : i32
    %while3A_71 = scf.for %while3A_796 = %while3A to %while3A_69 step %while3A_70 iter_args(%while3A_797 = %while3A_63) -> (i32)  : i32 {
      %mul3A_798 = arith.constant 16 : i32
      %mul3A_799 = arith.muli %while3A_796, %mul3A_798 : i32
      %multiple_of3A_800 = tpu.assume_multiple %mul3A_799, 16 : i32
      %get3A = arith.index_cast %multiple_of3A_800 : i32 to index
      %get3A_801 = tpu.vector_load %arg6[%get3A] {strides = array<i32>} : memref<4096xi32, #tpu.memory_space<vmem>>, vector<16xi32>,
      %eq3A_802 = arith.constant 100015 : i32
      %eq3A_803 = vector.broadcast %eq3A_802 : i32 to vector<16xi32>
      %eq3A_804 = arith.cmpi eq, %get3A_801, %eq3A_803 : vector<16xi32>
      %jit3A_805 = arith.constant 1 : i32
      %jit3A_806 = arith.constant 0 : i32
      %broadcast_in_dim3A_807 = vector.broadcast %jit3A_805 : i32 to vector<16xi32>
      %broadcast_in_dim3A_808 = vector.broadcast %jit3A_806 : i32 to vector<16xi32>
      %select_n3A_809 = arith.select %eq3A_804, %broadcast_in_dim3A_807, %broadcast_in_dim3A_808 : vector<16xi1>, vector<16xi32>
      %reduce_sum3A = arith.constant true
      %reduce_sum3A_810 = vector.broadcast %reduce_sum3A : i1 to vector<16xi1>
      %reduce_sum3A_811 = tpu.scan <sum>, %select_n3A_809 masked %reduce_sum3A_810 : vector<16xi32>, vector<16xi1> -> vector<16xi32>
      %reduce_sum3A_812 = vector.extract %reduce_sum3A_811[15] : i32 from vector<16xi32>
      %add3A_813 = arith.addi %while3A_797, %reduce_sum3A_812 : i32
      scf.yield %add3A_813 : i32
    }
    %while3A_72 = arith.constant 1 : i32
    %while3A_73 = scf.for %while3A_796 = %while3A_69 to %while3A_65 step %while3A_72 iter_args(%while3A_797 = %while3A_71) -> (i32)  : i32 {
      %mul3A_798 = arith.constant 16 : i32
      %mul3A_799 = arith.muli %while3A_796, %mul3A_798 : i32
      %multiple_of3A_800 = tpu.assume_multiple %mul3A_799, 16 : i32
      %get3A = arith.index_cast %multiple_of3A_800 : i32 to index
      %get3A_801 = tpu.vector_load %arg6[%get3A] {strides = array<i32>} : memref<4096xi32, #tpu.memory_space<vmem>>, vector<16xi32>,
      %eq3A_802 = arith.constant 100015 : i32
      %eq3A_803 = vector.broadcast %eq3A_802 : i32 to vector<16xi32>
      %eq3A_804 = arith.cmpi eq, %get3A_801, %eq3A_803 : vector<16xi32>
      %jit3A_805 = arith.constant 1 : i32
      %jit3A_806 = arith.constant 0 : i32
      %broadcast_in_dim3A_807 = vector.broadcast %jit3A_805 : i32 to vector<16xi32>
      %broadcast_in_dim3A_808 = vector.broadcast %jit3A_806 : i32 to vector<16xi32>
      %select_n3A_809 = arith.select %eq3A_804, %broadcast_in_dim3A_807, %broadcast_in_dim3A_808 : vector<16xi1>, vector<16xi32>
      %reduce_sum3A = arith.constant true
      %reduce_sum3A_810 = vector.broadcast %reduce_sum3A : i1 to vector<16xi1>
      %reduce_sum3A_811 = tpu.scan <sum>, %select_n3A_809 masked %reduce_sum3A_810 : vector<16xi32>, vector<16xi1> -> vector<16xi32>
      %reduce_sum3A_812 = vector.extract %reduce_sum3A_811[15] : i32 from vector<16xi32>
      %add3A_813 = arith.addi %while3A_797, %reduce_sum3A_812 : i32
      scf.yield %add3A_813 : i32
    }
    %mul3A_74 = arith.constant 32 : i32
    %mul3A_75 = arith.muli %select_n3A_30, %mul3A_74 : i32
    %scan3A = arith.constant 0 : i32
    %scan3A_76 = arith.constant 0 : i32
    %scan3A_77 = arith.constant 32 : i32
    %scan3A_78 = arith.addi %scan3A_76, %scan3A_77 : i32
    %scan3A_79 = arith.constant 1 : i32
    %scan3A_80:2 = scf.for %scan3A_796 = %scan3A_76 to %scan3A_78 step %scan3A_79 iter_args(%scan3A_797 = %while3A_73, %scan3A_798 = %scan3A) -> (i32, i32)  : i32 {
      %add3A_799 = arith.addi %mul3A_75, %scan3A_796 : i32
      %mul3A_800 = arith.constant 16 : i32
      %mul3A_801 = arith.muli %add3A_799, %mul3A_800 : i32
      %multiple_of3A_802 = tpu.assume_multiple %mul3A_801, 16 : i32
      %get3A = arith.index_cast %multiple_of3A_802 : i32 to index
      %get3A_803 = tpu.vector_load %arg6[%get3A] {strides = array<i32>} : memref<4096xi32, #tpu.memory_space<vmem>>, vector<16xi32>,
      %eq3A_804 = arith.constant 100015 : i32
      %eq3A_805 = vector.broadcast %eq3A_804 : i32 to vector<16xi32>
      %eq3A_806 = arith.cmpi eq, %get3A_803, %eq3A_805 : vector<16xi32>
      %jit3A_807 = arith.constant 1 : i32
      %jit3A_808 = arith.constant 0 : i32
      %broadcast_in_dim3A_809 = vector.broadcast %jit3A_807 : i32 to vector<16xi32>
      %broadcast_in_dim3A_810 = vector.broadcast %jit3A_808 : i32 to vector<16xi32>
      %select_n3A_811 = arith.select %eq3A_806, %broadcast_in_dim3A_809, %broadcast_in_dim3A_810 : vector<16xi1>, vector<16xi32>
      %broadcast_in_dim3A_812 = arith.constant true
      %broadcast_in_dim3A_813 = vector.broadcast %broadcast_in_dim3A_812 : i1 to vector<16xi1>
      %masked_cumsum3A = tpu.scan <sum>, %select_n3A_811 masked %broadcast_in_dim3A_813 : vector<16xi32>, vector<16xi1> -> vector<16xi32>
      %add3A_814 = vector.broadcast %scan3A_797 : i32 to vector<16xi32>
      %add3A_815 = arith.addi %add3A_814, %masked_cumsum3A : vector<16xi32>
      %sub3A_816 = arith.constant 1 : i32
      %sub3A_817 = vector.broadcast %sub3A_816 : i32 to vector<16xi32>
      %sub3A_818 = arith.subi %add3A_815, %sub3A_817 : vector<16xi32>
      %mul3A_819 = arith.constant 16 : i32
      %mul3A_820 = arith.muli %scan3A_796, %mul3A_819 : i32
      %add3A_821 = arith.addi %mul3A_32, %mul3A_820 : i32
      %add3A_822 = vector.broadcast %add3A_821 : i32 to vector<16xi32>
      %add3A_823 = arith.addi %add3A_822, %iota3A : vector<16xi32>
      %all_reduce_ffs3A = tpu.all_reduce %eq3A_806 {dim = 0 : i64, kind = #tpu.reduction_kind<find_first_set>} : vector<16xi1> -> vector<16xi32>
      %min3A = arith.constant 15 : i32
      %min3A_824 = vector.broadcast %min3A : i32 to vector<16xi32>
      %min3A_825 = arith.minsi %all_reduce_ffs3A, %min3A_824 : vector<16xi32>
      %lt3A_826 = arith.constant 0 : i32
      %lt3A_827 = vector.broadcast %lt3A_826 : i32 to vector<16xi32>
      %lt3A_828 = arith.cmpi slt, %min3A_825, %lt3A_827 : vector<16xi32>
      %add3A_829 = arith.constant 16 : i32
      %add3A_830 = vector.broadcast %add3A_829 : i32 to vector<16xi32>
      %add3A_831 = arith.addi %min3A_825, %add3A_830 : vector<16xi32>
      %select_n3A_832 = arith.select %lt3A_828, %add3A_831, %min3A_825 : vector<16xi1>, vector<16xi32>
      %reshape3A = vector.shape_cast %select_n3A_832 : vector<16xi32> to vector<16x1xi32>
      %gather3A = vector.shape_cast %reshape3A : vector<16x1xi32> to vector<16xi32>
      %gather3A_833 = tpu.dynamic_gather %sub3A_818[%gather3A] in [0] : vector<16xi32>, vector<16xi32> -> vector<16xi32>
      %select_n3A_834 = arith.select %eq3A_806, %sub3A_818, %gather3A_833 : vector<16xi1>, vector<16xi32>
      %lt3A_835 = arith.constant 0 : i32
      %lt3A_836 = vector.broadcast %lt3A_835 : i32 to vector<16xi32>
      %lt3A_837 = arith.cmpi slt, %min3A_825, %lt3A_836 : vector<16xi32>
      %add3A_838 = arith.constant 16 : i32
      %add3A_839 = vector.broadcast %add3A_838 : i32 to vector<16xi32>
      %add3A_840 = arith.addi %min3A_825, %add3A_839 : vector<16xi32>
      %select_n3A_841 = arith.select %lt3A_837, %add3A_840, %min3A_825 : vector<16xi1>, vector<16xi32>
      %reshape3A_842 = vector.shape_cast %select_n3A_841 : vector<16xi32> to vector<16x1xi32>
      %gather3A_843 = vector.shape_cast %reshape3A_842 : vector<16x1xi32> to vector<16xi32>
      %gather3A_844 = tpu.dynamic_gather %add3A_823[%gather3A_843] in [0] : vector<16xi32>, vector<16xi32> -> vector<16xi32>
      %select_n3A_845 = arith.select %eq3A_806, %add3A_823, %gather3A_844 : vector<16xi1>, vector<16xi32>
      %mul3A_846 = arith.constant 16 : i32
      %mul3A_847 = arith.muli %scan3A_796, %mul3A_846 : i32
      %multiple_of3A_848 = tpu.assume_multiple %mul3A_847, 16 : i32
      %swap3A = arith.index_cast %multiple_of3A_848 : i32 to index
      %swap3A_849 = tpu.vector_load %arg14[%swap3A] {strides = array<i32>} : memref<512xi32, #tpu.memory_space<vmem>>, vector<16xi32>,
      tpu.vector_store %arg14[%swap3A], %select_n3A_834 {strides = array<i32>} : memref<512xi32, #tpu.memory_space<vmem>>, vector<16xi32>,
      %swap3A_850 = arith.index_cast %multiple_of3A_848 : i32 to index
      %swap3A_851 = tpu.vector_load %arg15[%swap3A_850] {strides = array<i32>} : memref<512xi32, #tpu.memory_space<vmem>>, vector<16xi32>,
      tpu.vector_store %arg15[%swap3A_850], %select_n3A_845 {strides = array<i32>} : memref<512xi32, #tpu.memory_space<vmem>>, vector<16xi32>,
      %reduce_sum3A = arith.constant true
      %reduce_sum3A_852 = vector.broadcast %reduce_sum3A : i1 to vector<16xi1>
      %reduce_sum3A_853 = tpu.scan <sum>, %select_n3A_811 masked %reduce_sum3A_852 : vector<16xi32>, vector<16xi1> -> vector<16xi32>
      %reduce_sum3A_854 = vector.extract %reduce_sum3A_853[15] : i32 from vector<16xi32>
      %gt3A = arith.constant 0 : i32
      %gt3A_855 = arith.cmpi sgt, %reduce_sum3A_854, %gt3A : i32
      %jit3A_856 = arith.constant 1 : i32
      %jit3A_857 = arith.constant 0 : i32
      %select_n3A_858 = arith.select %gt3A_855, %jit3A_856, %jit3A_857 : i32
      %shift_left3A = arith.shli %select_n3A_858, %scan3A_796 : i32
      %add3A_859 = arith.addi %scan3A_797, %reduce_sum3A_854 : i32
      %or3A = arith.ori %scan3A_798, %shift_left3A : i32
      scf.yield %add3A_859, %or3A : i32, i32
    }
    %scan3A_81 = arith.constant 32 : i32
    %mul3A_82 = arith.constant 512 : i32
    %mul3A_83 = arith.muli %select_n3A_30, %mul3A_82 : i32
    %add3A_84 = arith.constant 48 : i32
    %add3A_85 = arith.addi %mul3A_83, %add3A_84 : i32
    %multiple_of3A_86 = tpu.assume_multiple %add3A_85, 16 : i32
    %dma_start3A_87 = tpu.memref_slice %arg6[%multiple_of3A_86] : memref<4096xi32, #tpu.memory_space<vmem>> -> memref<16xi32, #tpu.memory_space<vmem>>
    %dma_start3A_88 = arith.constant 0 : i32
    %dma_start3A_89 = arith.constant 0 : i32
    %dma_start3A_90 = tpu.memref_slice %arg4[%dma_start3A_88, %dma_start3A_89] : memref<102400x1024xf32, #tpu.memory_space<hbm>> -> memref<102400x1024xf32, #tpu.memory_space<hbm>>
    tpu.enqueue_indirect_dma source(%dma_start3A_90 : memref<102400x1024xf32, #tpu.memory_space<hbm>>) target(%arg10 : memref<16x1024xf32, #tpu.memory_space<vmem>>) offsets(%dma_start3A_87 : memref<16xi32, #tpu.memory_space<vmem>>) semaphore(%arg21 : memref<!tpu.dma_semaphore, #tpu.memory_space<semaphore_mem>>)
    %dma_wait3A = tpu.memref_slice %arg6[%multiple_of3A] : memref<4096xi32, #tpu.memory_space<vmem>> -> memref<16xi32, #tpu.memory_space<vmem>>
    %dma_wait3A_91 = arith.constant 0 : i32
    %dma_wait3A_92 = arith.constant 0 : i32
    %dma_wait3A_93 = tpu.memref_slice %arg4[%dma_wait3A_91, %dma_wait3A_92] : memref<102400x1024xf32, #tpu.memory_space<hbm>> -> memref<102400x1024xf32, #tpu.memory_space<hbm>>
    tpu.wait_indirect_dma semaphore(%arg18 : memref<!tpu.dma_semaphore, #tpu.memory_space<semaphore_mem>>) src(%dma_wait3A_93 : memref<102400x1024xf32, #tpu.memory_space<hbm>>) dst(%arg7 : memref<16x1024xf32, #tpu.memory_space<vmem>>)
    %add3A_94 = arith.constant 0 : i32
    %add3A_95 = arith.addi %mul3A_32, %add3A_94 : i32
    %dma_start3A_96 = arith.constant 0 : i32
    %dma_start3A_97 = tpu.memref_slice %arg5[%add3A_95, %dma_start3A_96] : memref<16384x1024xf32, #tpu.memory_space<hbm>> -> memref<16x1024xf32, #tpu.memory_space<hbm>>
    %dma_start3A_98 = arith.constant 0 : i32
    %dma_start3A_99 = tpu.memref_slice %arg5[%add3A_95, %dma_start3A_98] : memref<16384x1024xf32, #tpu.memory_space<hbm>> -> memref<16x1024xf32, #tpu.memory_space<hbm>>
    tpu.enqueue_dma source(%arg7 : memref<16x1024xf32, #tpu.memory_space<vmem>>) target(%dma_start3A_99 : memref<16x1024xf32, #tpu.memory_space<hbm>>) target_semaphore(%arg24 : memref<!tpu.dma_semaphore, #tpu.memory_space<semaphore_mem>>)
    %mul3A_100 = arith.constant 512 : i32
    %mul3A_101 = arith.muli %select_n3A_30, %mul3A_100 : i32
    %add3A_102 = arith.constant 64 : i32
    %add3A_103 = arith.addi %mul3A_101, %add3A_102 : i32
    %multiple_of3A_104 = tpu.assume_multiple %add3A_103, 16 : i32
    %dma_start3A_105 = tpu.memref_slice %arg6[%multiple_of3A_104] : memref<4096xi32, #tpu.memory_space<vmem>> -> memref<16xi32, #tpu.memory_space<vmem>>
    %dma_start3A_106 = arith.constant 0 : i32
    %dma_start3A_107 = arith.constant 0 : i32
    %dma_start3A_108 = tpu.memref_slice %arg4[%dma_start3A_106, %dma_start3A_107] : memref<102400x1024xf32, #tpu.memory_space<hbm>> -> memref<102400x1024xf32, #tpu.memory_space<hbm>>
    tpu.enqueue_indirect_dma source(%dma_start3A_108 : memref<102400x1024xf32, #tpu.memory_space<hbm>>) target(%arg11 : memref<16x1024xf32, #tpu.memory_space<vmem>>) offsets(%dma_start3A_105 : memref<16xi32, #tpu.memory_space<vmem>>) semaphore(%arg22 : memref<!tpu.dma_semaphore, #tpu.memory_space<semaphore_mem>>)
    %dma_wait3A_109 = tpu.memref_slice %arg6[%multiple_of3A_47] : memref<4096xi32, #tpu.memory_space<vmem>> -> memref<16xi32, #tpu.memory_space<vmem>>
    %dma_wait3A_110 = arith.constant 0 : i32
    %dma_wait3A_111 = arith.constant 0 : i32
    %dma_wait3A_112 = tpu.memref_slice %arg4[%dma_wait3A_110, %dma_wait3A_111] : memref<102400x1024xf32, #tpu.memory_space<hbm>> -> memref<102400x1024xf32, #tpu.memory_space<hbm>>
    tpu.wait_indirect_dma semaphore(%arg19 : memref<!tpu.dma_semaphore, #tpu.memory_space<semaphore_mem>>) src(%dma_wait3A_112 : memref<102400x1024xf32, #tpu.memory_space<hbm>>) dst(%arg8 : memref<16x1024xf32, #tpu.memory_space<vmem>>)
    %add3A_113 = arith.constant 16 : i32
    %add3A_114 = arith.addi %mul3A_32, %add3A_113 : i32
    %dma_start3A_115 = arith.constant 0 : i32
    %dma_start3A_116 = tpu.memref_slice %arg5[%add3A_114, %dma_start3A_115] : memref<16384x1024xf32, #tpu.memory_space<hbm>> -> memref<16x1024xf32, #tpu.memory_space<hbm>>
    %dma_start3A_117 = arith.constant 0 : i32
    %dma_start3A_118 = tpu.memref_slice %arg5[%add3A_114, %dma_start3A_117] : memref<16384x1024xf32, #tpu.memory_space<hbm>> -> memref<16x1024xf32, #tpu.memory_space<hbm>>
    tpu.enqueue_dma source(%arg8 : memref<16x1024xf32, #tpu.memory_space<vmem>>) target(%dma_start3A_118 : memref<16x1024xf32, #tpu.memory_space<hbm>>) target_semaphore(%arg25 : memref<!tpu.dma_semaphore, #tpu.memory_space<semaphore_mem>>)
    %mul3A_119 = arith.constant 512 : i32
    %mul3A_120 = arith.muli %select_n3A_30, %mul3A_119 : i32
    %add3A_121 = arith.constant 80 : i32
    %add3A_122 = arith.addi %mul3A_120, %add3A_121 : i32
    %multiple_of3A_123 = tpu.assume_multiple %add3A_122, 16 : i32
    %dma_start3A_124 = tpu.memref_slice %arg6[%multiple_of3A_123] : memref<4096xi32, #tpu.memory_space<vmem>> -> memref<16xi32, #tpu.memory_space<vmem>>
    %dma_start3A_125 = arith.constant 0 : i32
    %dma_start3A_126 = arith.constant 0 : i32
    %dma_start3A_127 = tpu.memref_slice %arg4[%dma_start3A_125, %dma_start3A_126] : memref<102400x1024xf32, #tpu.memory_space<hbm>> -> memref<102400x1024xf32, #tpu.memory_space<hbm>>
    tpu.enqueue_indirect_dma source(%dma_start3A_127 : memref<102400x1024xf32, #tpu.memory_space<hbm>>) target(%arg12 : memref<16x1024xf32, #tpu.memory_space<vmem>>) offsets(%dma_start3A_124 : memref<16xi32, #tpu.memory_space<vmem>>) semaphore(%arg23 : memref<!tpu.dma_semaphore, #tpu.memory_space<semaphore_mem>>)
    %dma_wait3A_128 = tpu.memref_slice %arg6[%multiple_of3A_56] : memref<4096xi32, #tpu.memory_space<vmem>> -> memref<16xi32, #tpu.memory_space<vmem>>
    %dma_wait3A_129 = arith.constant 0 : i32
    %dma_wait3A_130 = arith.constant 0 : i32
    %dma_wait3A_131 = tpu.memref_slice %arg4[%dma_wait3A_129, %dma_wait3A_130] : memref<102400x1024xf32, #tpu.memory_space<hbm>> -> memref<102400x1024xf32, #tpu.memory_space<hbm>>
    tpu.wait_indirect_dma semaphore(%arg20 : memref<!tpu.dma_semaphore, #tpu.memory_space<semaphore_mem>>) src(%dma_wait3A_131 : memref<102400x1024xf32, #tpu.memory_space<hbm>>) dst(%arg9 : memref<16x1024xf32, #tpu.memory_space<vmem>>)
    %add3A_132 = arith.constant 32 : i32
    %add3A_133 = arith.addi %mul3A_32, %add3A_132 : i32
    %dma_start3A_134 = arith.constant 0 : i32
    %dma_start3A_135 = tpu.memref_slice %arg5[%add3A_133, %dma_start3A_134] : memref<16384x1024xf32, #tpu.memory_space<hbm>> -> memref<16x1024xf32, #tpu.memory_space<hbm>>
    %dma_start3A_136 = arith.constant 0 : i32
    %dma_start3A_137 = tpu.memref_slice %arg5[%add3A_133, %dma_start3A_136] : memref<16384x1024xf32, #tpu.memory_space<hbm>> -> memref<16x1024xf32, #tpu.memory_space<hbm>>
    tpu.enqueue_dma source(%arg9 : memref<16x1024xf32, #tpu.memory_space<vmem>>) target(%dma_start3A_137 : memref<16x1024xf32, #tpu.memory_space<hbm>>) target_semaphore(%arg26 : memref<!tpu.dma_semaphore, #tpu.memory_space<semaphore_mem>>)
    %dma_wait3A_138 = arith.constant 0 : i32
    %dma_wait3A_139 = tpu.memref_slice %arg5[%add3A_95, %dma_wait3A_138] : memref<16384x1024xf32, #tpu.memory_space<hbm>> -> memref<16x1024xf32, #tpu.memory_space<hbm>>
    %dma_wait3A_140 = arith.constant 0 : i32
    %dma_wait3A_141 = tpu.memref_slice %arg5[%add3A_95, %dma_wait3A_140] : memref<16384x1024xf32, #tpu.memory_space<hbm>> -> memref<16x1024xf32, #tpu.memory_space<hbm>>
    tpu.wait_dma2 semaphore(%arg24 : memref<!tpu.dma_semaphore, #tpu.memory_space<semaphore_mem>>) src(%arg7 : memref<16x1024xf32, #tpu.memory_space<vmem>>) dst(%dma_wait3A_141 : memref<16x1024xf32, #tpu.memory_space<hbm>>)
    %mul3A_142 = arith.constant 512 : i32
    %mul3A_143 = arith.muli %select_n3A_30, %mul3A_142 : i32
    %add3A_144 = arith.constant 96 : i32
    %add3A_145 = arith.addi %mul3A_143, %add3A_144 : i32
    %multiple_of3A_146 = tpu.assume_multiple %add3A_145, 16 : i32
    %dma_start3A_147 = tpu.memref_slice %arg6[%multiple_of3A_146] : memref<4096xi32, #tpu.memory_space<vmem>> -> memref<16xi32, #tpu.memory_space<vmem>>
    %dma_start3A_148 = arith.constant 0 : i32
    %dma_start3A_149 = arith.constant 0 : i32
    %dma_start3A_150 = tpu.memref_slice %arg4[%dma_start3A_148, %dma_start3A_149] : memref<102400x1024xf32, #tpu.memory_space<hbm>> -> memref<102400x1024xf32, #tpu.memory_space<hbm>>
    tpu.enqueue_indirect_dma source(%dma_start3A_150 : memref<102400x1024xf32, #tpu.memory_space<hbm>>) target(%arg7 : memref<16x1024xf32, #tpu.memory_space<vmem>>) offsets(%dma_start3A_147 : memref<16xi32, #tpu.memory_space<vmem>>) semaphore(%arg18 : memref<!tpu.dma_semaphore, #tpu.memory_space<semaphore_mem>>)
    %dma_wait3A_151 = tpu.memref_slice %arg6[%multiple_of3A_86] : memref<4096xi32, #tpu.memory_space<vmem>> -> memref<16xi32, #tpu.memory_space<vmem>>
    %dma_wait3A_152 = arith.constant 0 : i32
    %dma_wait3A_153 = arith.constant 0 : i32
    %dma_wait3A_154 = tpu.memref_slice %arg4[%dma_wait3A_152, %dma_wait3A_153] : memref<102400x1024xf32, #tpu.memory_space<hbm>> -> memref<102400x1024xf32, #tpu.memory_space<hbm>>
    tpu.wait_indirect_dma semaphore(%arg21 : memref<!tpu.dma_semaphore, #tpu.memory_space<semaphore_mem>>) src(%dma_wait3A_154 : memref<102400x1024xf32, #tpu.memory_space<hbm>>) dst(%arg10 : memref<16x1024xf32, #tpu.memory_space<vmem>>)
    %add3A_155 = arith.constant 48 : i32
    %add3A_156 = arith.addi %mul3A_32, %add3A_155 : i32
    %dma_start3A_157 = arith.constant 0 : i32
    %dma_start3A_158 = tpu.memref_slice %arg5[%add3A_156, %dma_start3A_157] : memref<16384x1024xf32, #tpu.memory_space<hbm>> -> memref<16x1024xf32, #tpu.memory_space<hbm>>
    %dma_start3A_159 = arith.constant 0 : i32
    %dma_start3A_160 = tpu.memref_slice %arg5[%add3A_156, %dma_start3A_159] : memref<16384x1024xf32, #tpu.memory_space<hbm>> -> memref<16x1024xf32, #tpu.memory_space<hbm>>
    tpu.enqueue_dma source(%arg10 : memref<16x1024xf32, #tpu.memory_space<vmem>>) target(%dma_start3A_160 : memref<16x1024xf32, #tpu.memory_space<hbm>>) target_semaphore(%arg27 : memref<!tpu.dma_semaphore, #tpu.memory_space<semaphore_mem>>)
    %dma_wait3A_161 = arith.constant 0 : i32
    %dma_wait3A_162 = tpu.memref_slice %arg5[%add3A_114, %dma_wait3A_161] : memref<16384x1024xf32, #tpu.memory_space<hbm>> -> memref<16x1024xf32, #tpu.memory_space<hbm>>
    %dma_wait3A_163 = arith.constant 0 : i32
    %dma_wait3A_164 = tpu.memref_slice %arg5[%add3A_114, %dma_wait3A_163] : memref<16384x1024xf32, #tpu.memory_space<hbm>> -> memref<16x1024xf32, #tpu.memory_space<hbm>>
    tpu.wait_dma2 semaphore(%arg25 : memref<!tpu.dma_semaphore, #tpu.memory_space<semaphore_mem>>) src(%arg8 : memref<16x1024xf32, #tpu.memory_space<vmem>>) dst(%dma_wait3A_164 : memref<16x1024xf32, #tpu.memory_space<hbm>>)
    %mul3A_165 = arith.constant 512 : i32
    %mul3A_166 = arith.muli %select_n3A_30, %mul3A_165 : i32
    %add3A_167 = arith.constant 112 : i32
    %add3A_168 = arith.addi %mul3A_166, %add3A_167 : i32
    %multiple_of3A_169 = tpu.assume_multiple %add3A_168, 16 : i32
    %dma_start3A_170 = tpu.memref_slice %arg6[%multiple_of3A_169] : memref<4096xi32, #tpu.memory_space<vmem>> -> memref<16xi32, #tpu.memory_space<vmem>>
    %dma_start3A_171 = arith.constant 0 : i32
    %dma_start3A_172 = arith.constant 0 : i32
    %dma_start3A_173 = tpu.memref_slice %arg4[%dma_start3A_171, %dma_start3A_172] : memref<102400x1024xf32, #tpu.memory_space<hbm>> -> memref<102400x1024xf32, #tpu.memory_space<hbm>>
    tpu.enqueue_indirect_dma source(%dma_start3A_173 : memref<102400x1024xf32, #tpu.memory_space<hbm>>) target(%arg8 : memref<16x1024xf32, #tpu.memory_space<vmem>>) offsets(%dma_start3A_170 : memref<16xi32, #tpu.memory_space<vmem>>) semaphore(%arg19 : memref<!tpu.dma_semaphore, #tpu.memory_space<semaphore_mem>>)
    %dma_wait3A_174 = tpu.memref_slice %arg6[%multiple_of3A_104] : memref<4096xi32, #tpu.memory_space<vmem>> -> memref<16xi32, #tpu.memory_space<vmem>>
    %dma_wait3A_175 = arith.constant 0 : i32
    %dma_wait3A_176 = arith.constant 0 : i32
    %dma_wait3A_177 = tpu.memref_slice %arg4[%dma_wait3A_175, %dma_wait3A_176] : memref<102400x1024xf32, #tpu.memory_space<hbm>> -> memref<102400x1024xf32, #tpu.memory_space<hbm>>
    tpu.wait_indirect_dma semaphore(%arg22 : memref<!tpu.dma_semaphore, #tpu.memory_space<semaphore_mem>>) src(%dma_wait3A_177 : memref<102400x1024xf32, #tpu.memory_space<hbm>>) dst(%arg11 : memref<16x1024xf32, #tpu.memory_space<vmem>>)
    %add3A_178 = arith.constant 64 : i32
    %add3A_179 = arith.addi %mul3A_32, %add3A_178 : i32
    %dma_start3A_180 = arith.constant 0 : i32
    %dma_start3A_181 = tpu.memref_slice %arg5[%add3A_179, %dma_start3A_180] : memref<16384x1024xf32, #tpu.memory_space<hbm>> -> memref<16x1024xf32, #tpu.memory_space<hbm>>
    %dma_start3A_182 = arith.constant 0 : i32
    %dma_start3A_183 = tpu.memref_slice %arg5[%add3A_179, %dma_start3A_182] : memref<16384x1024xf32, #tpu.memory_space<hbm>> -> memref<16x1024xf32, #tpu.memory_space<hbm>>
    tpu.enqueue_dma source(%arg11 : memref<16x1024xf32, #tpu.memory_space<vmem>>) target(%dma_start3A_183 : memref<16x1024xf32, #tpu.memory_space<hbm>>) target_semaphore(%arg28 : memref<!tpu.dma_semaphore, #tpu.memory_space<semaphore_mem>>)
    %dma_wait3A_184 = arith.constant 0 : i32
    %dma_wait3A_185 = tpu.memref_slice %arg5[%add3A_133, %dma_wait3A_184] : memref<16384x1024xf32, #tpu.memory_space<hbm>> -> memref<16x1024xf32, #tpu.memory_space<hbm>>
    %dma_wait3A_186 = arith.constant 0 : i32
    %dma_wait3A_187 = tpu.memref_slice %arg5[%add3A_133, %dma_wait3A_186] : memref<16384x1024xf32, #tpu.memory_space<hbm>> -> memref<16x1024xf32, #tpu.memory_space<hbm>>
    tpu.wait_dma2 semaphore(%arg26 : memref<!tpu.dma_semaphore, #tpu.memory_space<semaphore_mem>>) src(%arg9 : memref<16x1024xf32, #tpu.memory_space<vmem>>) dst(%dma_wait3A_187 : memref<16x1024xf32, #tpu.memory_space<hbm>>)
    %mul3A_188 = arith.constant 512 : i32
    %mul3A_189 = arith.muli %select_n3A_30, %mul3A_188 : i32
    %add3A_190 = arith.constant 128 : i32
    %add3A_191 = arith.addi %mul3A_189, %add3A_190 : i32
    %multiple_of3A_192 = tpu.assume_multiple %add3A_191, 16 : i32
    %dma_start3A_193 = tpu.memref_slice %arg6[%multiple_of3A_192] : memref<4096xi32, #tpu.memory_space<vmem>> -> memref<16xi32, #tpu.memory_space<vmem>>
    %dma_start3A_194 = arith.constant 0 : i32
    %dma_start3A_195 = arith.constant 0 : i32
    %dma_start3A_196 = tpu.memref_slice %arg4[%dma_start3A_194, %dma_start3A_195] : memref<102400x1024xf32, #tpu.memory_space<hbm>> -> memref<102400x1024xf32, #tpu.memory_space<hbm>>
    tpu.enqueue_indirect_dma source(%dma_start3A_196 : memref<102400x1024xf32, #tpu.memory_space<hbm>>) target(%arg9 : memref<16x1024xf32, #tpu.memory_space<vmem>>) offsets(%dma_start3A_193 : memref<16xi32, #tpu.memory_space<vmem>>) semaphore(%arg20 : memref<!tpu.dma_semaphore, #tpu.memory_space<semaphore_mem>>)
    %dma_wait3A_197 = tpu.memref_slice %arg6[%multiple_of3A_123] : memref<4096xi32, #tpu.memory_space<vmem>> -> memref<16xi32, #tpu.memory_space<vmem>>
    %dma_wait3A_198 = arith.constant 0 : i32
    %dma_wait3A_199 = arith.constant 0 : i32
    %dma_wait3A_200 = tpu.memref_slice %arg4[%dma_wait3A_198, %dma_wait3A_199] : memref<102400x1024xf32, #tpu.memory_space<hbm>> -> memref<102400x1024xf32, #tpu.memory_space<hbm>>
    tpu.wait_indirect_dma semaphore(%arg23 : memref<!tpu.dma_semaphore, #tpu.memory_space<semaphore_mem>>) src(%dma_wait3A_200 : memref<102400x1024xf32, #tpu.memory_space<hbm>>) dst(%arg12 : memref<16x1024xf32, #tpu.memory_space<vmem>>)
    %add3A_201 = arith.constant 80 : i32
    %add3A_202 = arith.addi %mul3A_32, %add3A_201 : i32
    %dma_start3A_203 = arith.constant 0 : i32
    %dma_start3A_204 = tpu.memref_slice %arg5[%add3A_202, %dma_start3A_203] : memref<16384x1024xf32, #tpu.memory_space<hbm>> -> memref<16x1024xf32, #tpu.memory_space<hbm>>
    %dma_start3A_205 = arith.constant 0 : i32
    %dma_start3A_206 = tpu.memref_slice %arg5[%add3A_202, %dma_start3A_205] : memref<16384x1024xf32, #tpu.memory_space<hbm>> -> memref<16x1024xf32, #tpu.memory_space<hbm>>
    tpu.enqueue_dma source(%arg12 : memref<16x1024xf32, #tpu.memory_space<vmem>>) target(%dma_start3A_206 : memref<16x1024xf32, #tpu.memory_space<hbm>>) target_semaphore(%arg29 : memref<!tpu.dma_semaphore, #tpu.memory_space<semaphore_mem>>)
    %dma_wait3A_207 = arith.constant 0 : i32
    %dma_wait3A_208 = tpu.memref_slice %arg5[%add3A_156, %dma_wait3A_207] : memref<16384x1024xf32, #tpu.memory_space<hbm>> -> memref<16x1024xf32, #tpu.memory_space<hbm>>
    %dma_wait3A_209 = arith.constant 0 : i32
    %dma_wait3A_210 = tpu.memref_slice %arg5[%add3A_156, %dma_wait3A_209] : memref<16384x1024xf32, #tpu.memory_space<hbm>> -> memref<16x1024xf32, #tpu.memory_space<hbm>>
    tpu.wait_dma2 semaphore(%arg27 : memref<!tpu.dma_semaphore, #tpu.memory_space<semaphore_mem>>) src(%arg10 : memref<16x1024xf32, #tpu.memory_space<vmem>>) dst(%dma_wait3A_210 : memref<16x1024xf32, #tpu.memory_space<hbm>>)
    %mul3A_211 = arith.constant 512 : i32
    %mul3A_212 = arith.muli %select_n3A_30, %mul3A_211 : i32
    %add3A_213 = arith.constant 144 : i32
    %add3A_214 = arith.addi %mul3A_212, %add3A_213 : i32
    %multiple_of3A_215 = tpu.assume_multiple %add3A_214, 16 : i32
    %dma_start3A_216 = tpu.memref_slice %arg6[%multiple_of3A_215] : memref<4096xi32, #tpu.memory_space<vmem>> -> memref<16xi32, #tpu.memory_space<vmem>>
    %dma_start3A_217 = arith.constant 0 : i32
    %dma_start3A_218 = arith.constant 0 : i32
    %dma_start3A_219 = tpu.memref_slice %arg4[%dma_start3A_217, %dma_start3A_218] : memref<102400x1024xf32, #tpu.memory_space<hbm>> -> memref<102400x1024xf32, #tpu.memory_space<hbm>>
    tpu.enqueue_indirect_dma source(%dma_start3A_219 : memref<102400x1024xf32, #tpu.memory_space<hbm>>) target(%arg10 : memref<16x1024xf32, #tpu.memory_space<vmem>>) offsets(%dma_start3A_216 : memref<16xi32, #tpu.memory_space<vmem>>) semaphore(%arg21 : memref<!tpu.dma_semaphore, #tpu.memory_space<semaphore_mem>>)
    %dma_wait3A_220 = tpu.memref_slice %arg6[%multiple_of3A_146] : memref<4096xi32, #tpu.memory_space<vmem>> -> memref<16xi32, #tpu.memory_space<vmem>>
    %dma_wait3A_221 = arith.constant 0 : i32
    %dma_wait3A_222 = arith.constant 0 : i32
    %dma_wait3A_223 = tpu.memref_slice %arg4[%dma_wait3A_221, %dma_wait3A_222] : memref<102400x1024xf32, #tpu.memory_space<hbm>> -> memref<102400x1024xf32, #tpu.memory_space<hbm>>
    tpu.wait_indirect_dma semaphore(%arg18 : memref<!tpu.dma_semaphore, #tpu.memory_space<semaphore_mem>>) src(%dma_wait3A_223 : memref<102400x1024xf32, #tpu.memory_space<hbm>>) dst(%arg7 : memref<16x1024xf32, #tpu.memory_space<vmem>>)
    %add3A_224 = arith.constant 96 : i32
    %add3A_225 = arith.addi %mul3A_32, %add3A_224 : i32
    %dma_start3A_226 = arith.constant 0 : i32
    %dma_start3A_227 = tpu.memref_slice %arg5[%add3A_225, %dma_start3A_226] : memref<16384x1024xf32, #tpu.memory_space<hbm>> -> memref<16x1024xf32, #tpu.memory_space<hbm>>
    %dma_start3A_228 = arith.constant 0 : i32
    %dma_start3A_229 = tpu.memref_slice %arg5[%add3A_225, %dma_start3A_228] : memref<16384x1024xf32, #tpu.memory_space<hbm>> -> memref<16x1024xf32, #tpu.memory_space<hbm>>
    tpu.enqueue_dma source(%arg7 : memref<16x1024xf32, #tpu.memory_space<vmem>>) target(%dma_start3A_229 : memref<16x1024xf32, #tpu.memory_space<hbm>>) target_semaphore(%arg24 : memref<!tpu.dma_semaphore, #tpu.memory_space<semaphore_mem>>)
    %dma_wait3A_230 = arith.constant 0 : i32
    %dma_wait3A_231 = tpu.memref_slice %arg5[%add3A_179, %dma_wait3A_230] : memref<16384x1024xf32, #tpu.memory_space<hbm>> -> memref<16x1024xf32, #tpu.memory_space<hbm>>
    %dma_wait3A_232 = arith.constant 0 : i32
    %dma_wait3A_233 = tpu.memref_slice %arg5[%add3A_179, %dma_wait3A_232] : memref<16384x1024xf32, #tpu.memory_space<hbm>> -> memref<16x1024xf32, #tpu.memory_space<hbm>>
    tpu.wait_dma2 semaphore(%arg28 : memref<!tpu.dma_semaphore, #tpu.memory_space<semaphore_mem>>) src(%arg11 : memref<16x1024xf32, #tpu.memory_space<vmem>>) dst(%dma_wait3A_233 : memref<16x1024xf32, #tpu.memory_space<hbm>>)
    %mul3A_234 = arith.constant 512 : i32
    %mul3A_235 = arith.muli %select_n3A_30, %mul3A_234 : i32
    %add3A_236 = arith.constant 160 : i32
    %add3A_237 = arith.addi %mul3A_235, %add3A_236 : i32
    %multiple_of3A_238 = tpu.assume_multiple %add3A_237, 16 : i32
    %dma_start3A_239 = tpu.memref_slice %arg6[%multiple_of3A_238] : memref<4096xi32, #tpu.memory_space<vmem>> -> memref<16xi32, #tpu.memory_space<vmem>>
    %dma_start3A_240 = arith.constant 0 : i32
    %dma_start3A_241 = arith.constant 0 : i32
    %dma_start3A_242 = tpu.memref_slice %arg4[%dma_start3A_240, %dma_start3A_241] : memref<102400x1024xf32, #tpu.memory_space<hbm>> -> memref<102400x1024xf32, #tpu.memory_space<hbm>>
    tpu.enqueue_indirect_dma source(%dma_start3A_242 : memref<102400x1024xf32, #tpu.memory_space<hbm>>) target(%arg11 : memref<16x1024xf32, #tpu.memory_space<vmem>>) offsets(%dma_start3A_239 : memref<16xi32, #tpu.memory_space<vmem>>) semaphore(%arg22 : memref<!tpu.dma_semaphore, #tpu.memory_space<semaphore_mem>>)
    %dma_wait3A_243 = tpu.memref_slice %arg6[%multiple_of3A_169] : memref<4096xi32, #tpu.memory_space<vmem>> -> memref<16xi32, #tpu.memory_space<vmem>>
    %dma_wait3A_244 = arith.constant 0 : i32
    %dma_wait3A_245 = arith.constant 0 : i32
    %dma_wait3A_246 = tpu.memref_slice %arg4[%dma_wait3A_244, %dma_wait3A_245] : memref<102400x1024xf32, #tpu.memory_space<hbm>> -> memref<102400x1024xf32, #tpu.memory_space<hbm>>
    tpu.wait_indirect_dma semaphore(%arg19 : memref<!tpu.dma_semaphore, #tpu.memory_space<semaphore_mem>>) src(%dma_wait3A_246 : memref<102400x1024xf32, #tpu.memory_space<hbm>>) dst(%arg8 : memref<16x1024xf32, #tpu.memory_space<vmem>>)
    %add3A_247 = arith.constant 112 : i32
    %add3A_248 = arith.addi %mul3A_32, %add3A_247 : i32
    %dma_start3A_249 = arith.constant 0 : i32
    %dma_start3A_250 = tpu.memref_slice %arg5[%add3A_248, %dma_start3A_249] : memref<16384x1024xf32, #tpu.memory_space<hbm>> -> memref<16x1024xf32, #tpu.memory_space<hbm>>
    %dma_start3A_251 = arith.constant 0 : i32
    %dma_start3A_252 = tpu.memref_slice %arg5[%add3A_248, %dma_start3A_251] : memref<16384x1024xf32, #tpu.memory_space<hbm>> -> memref<16x1024xf32, #tpu.memory_space<hbm>>
    tpu.enqueue_dma source(%arg8 : memref<16x1024xf32, #tpu.memory_space<vmem>>) target(%dma_start3A_252 : memref<16x1024xf32, #tpu.memory_space<hbm>>) target_semaphore(%arg25 : memref<!tpu.dma_semaphore, #tpu.memory_space<semaphore_mem>>)
    %dma_wait3A_253 = arith.constant 0 : i32
    %dma_wait3A_254 = tpu.memref_slice %arg5[%add3A_202, %dma_wait3A_253] : memref<16384x1024xf32, #tpu.memory_space<hbm>> -> memref<16x1024xf32, #tpu.memory_space<hbm>>
    %dma_wait3A_255 = arith.constant 0 : i32
    %dma_wait3A_256 = tpu.memref_slice %arg5[%add3A_202, %dma_wait3A_255] : memref<16384x1024xf32, #tpu.memory_space<hbm>> -> memref<16x1024xf32, #tpu.memory_space<hbm>>
    tpu.wait_dma2 semaphore(%arg29 : memref<!tpu.dma_semaphore, #tpu.memory_space<semaphore_mem>>) src(%arg12 : memref<16x1024xf32, #tpu.memory_space<vmem>>) dst(%dma_wait3A_256 : memref<16x1024xf32, #tpu.memory_space<hbm>>)
    %mul3A_257 = arith.constant 512 : i32
    %mul3A_258 = arith.muli %select_n3A_30, %mul3A_257 : i32
    %add3A_259 = arith.constant 176 : i32
    %add3A_260 = arith.addi %mul3A_258, %add3A_259 : i32
    %multiple_of3A_261 = tpu.assume_multiple %add3A_260, 16 : i32
    %dma_start3A_262 = tpu.memref_slice %arg6[%multiple_of3A_261] : memref<4096xi32, #tpu.memory_space<vmem>> -> memref<16xi32, #tpu.memory_space<vmem>>
    %dma_start3A_263 = arith.constant 0 : i32
    %dma_start3A_264 = arith.constant 0 : i32
    %dma_start3A_265 = tpu.memref_slice %arg4[%dma_start3A_263, %dma_start3A_264] : memref<102400x1024xf32, #tpu.memory_space<hbm>> -> memref<102400x1024xf32, #tpu.memory_space<hbm>>
    tpu.enqueue_indirect_dma source(%dma_start3A_265 : memref<102400x1024xf32, #tpu.memory_space<hbm>>) target(%arg12 : memref<16x1024xf32, #tpu.memory_space<vmem>>) offsets(%dma_start3A_262 : memref<16xi32, #tpu.memory_space<vmem>>) semaphore(%arg23 : memref<!tpu.dma_semaphore, #tpu.memory_space<semaphore_mem>>)
    %dma_wait3A_266 = tpu.memref_slice %arg6[%multiple_of3A_192] : memref<4096xi32, #tpu.memory_space<vmem>> -> memref<16xi32, #tpu.memory_space<vmem>>
    %dma_wait3A_267 = arith.constant 0 : i32
    %dma_wait3A_268 = arith.constant 0 : i32
    %dma_wait3A_269 = tpu.memref_slice %arg4[%dma_wait3A_267, %dma_wait3A_268] : memref<102400x1024xf32, #tpu.memory_space<hbm>> -> memref<102400x1024xf32, #tpu.memory_space<hbm>>
    tpu.wait_indirect_dma semaphore(%arg20 : memref<!tpu.dma_semaphore, #tpu.memory_space<semaphore_mem>>) src(%dma_wait3A_269 : memref<102400x1024xf32, #tpu.memory_space<hbm>>) dst(%arg9 : memref<16x1024xf32, #tpu.memory_space<vmem>>)
    %add3A_270 = arith.constant 128 : i32
    %add3A_271 = arith.addi %mul3A_32, %add3A_270 : i32
    %dma_start3A_272 = arith.constant 0 : i32
    %dma_start3A_273 = tpu.memref_slice %arg5[%add3A_271, %dma_start3A_272] : memref<16384x1024xf32, #tpu.memory_space<hbm>> -> memref<16x1024xf32, #tpu.memory_space<hbm>>
    %dma_start3A_274 = arith.constant 0 : i32
    %dma_start3A_275 = tpu.memref_slice %arg5[%add3A_271, %dma_start3A_274] : memref<16384x1024xf32, #tpu.memory_space<hbm>> -> memref<16x1024xf32, #tpu.memory_space<hbm>>
    tpu.enqueue_dma source(%arg9 : memref<16x1024xf32, #tpu.memory_space<vmem>>) target(%dma_start3A_275 : memref<16x1024xf32, #tpu.memory_space<hbm>>) target_semaphore(%arg26 : memref<!tpu.dma_semaphore, #tpu.memory_space<semaphore_mem>>)
    %dma_wait3A_276 = arith.constant 0 : i32
    %dma_wait3A_277 = tpu.memref_slice %arg5[%add3A_225, %dma_wait3A_276] : memref<16384x1024xf32, #tpu.memory_space<hbm>> -> memref<16x1024xf32, #tpu.memory_space<hbm>>
    %dma_wait3A_278 = arith.constant 0 : i32
    %dma_wait3A_279 = tpu.memref_slice %arg5[%add3A_225, %dma_wait3A_278] : memref<16384x1024xf32, #tpu.memory_space<hbm>> -> memref<16x1024xf32, #tpu.memory_space<hbm>>
    tpu.wait_dma2 semaphore(%arg24 : memref<!tpu.dma_semaphore, #tpu.memory_space<semaphore_mem>>) src(%arg7 : memref<16x1024xf32, #tpu.memory_space<vmem>>) dst(%dma_wait3A_279 : memref<16x1024xf32, #tpu.memory_space<hbm>>)
    %mul3A_280 = arith.constant 512 : i32
    %mul3A_281 = arith.muli %select_n3A_30, %mul3A_280 : i32
    %add3A_282 = arith.constant 192 : i32
    %add3A_283 = arith.addi %mul3A_281, %add3A_282 : i32
    %multiple_of3A_284 = tpu.assume_multiple %add3A_283, 16 : i32
    %dma_start3A_285 = tpu.memref_slice %arg6[%multiple_of3A_284] : memref<4096xi32, #tpu.memory_space<vmem>> -> memref<16xi32, #tpu.memory_space<vmem>>
    %dma_start3A_286 = arith.constant 0 : i32
    %dma_start3A_287 = arith.constant 0 : i32
    %dma_start3A_288 = tpu.memref_slice %arg4[%dma_start3A_286, %dma_start3A_287] : memref<102400x1024xf32, #tpu.memory_space<hbm>> -> memref<102400x1024xf32, #tpu.memory_space<hbm>>
    tpu.enqueue_indirect_dma source(%dma_start3A_288 : memref<102400x1024xf32, #tpu.memory_space<hbm>>) target(%arg7 : memref<16x1024xf32, #tpu.memory_space<vmem>>) offsets(%dma_start3A_285 : memref<16xi32, #tpu.memory_space<vmem>>) semaphore(%arg18 : memref<!tpu.dma_semaphore, #tpu.memory_space<semaphore_mem>>)
    %dma_wait3A_289 = tpu.memref_slice %arg6[%multiple_of3A_215] : memref<4096xi32, #tpu.memory_space<vmem>> -> memref<16xi32, #tpu.memory_space<vmem>>
    %dma_wait3A_290 = arith.constant 0 : i32
    %dma_wait3A_291 = arith.constant 0 : i32
    %dma_wait3A_292 = tpu.memref_slice %arg4[%dma_wait3A_290, %dma_wait3A_291] : memref<102400x1024xf32, #tpu.memory_space<hbm>> -> memref<102400x1024xf32, #tpu.memory_space<hbm>>
    tpu.wait_indirect_dma semaphore(%arg21 : memref<!tpu.dma_semaphore, #tpu.memory_space<semaphore_mem>>) src(%dma_wait3A_292 : memref<102400x1024xf32, #tpu.memory_space<hbm>>) dst(%arg10 : memref<16x1024xf32, #tpu.memory_space<vmem>>)
    %add3A_293 = arith.constant 144 : i32
    %add3A_294 = arith.addi %mul3A_32, %add3A_293 : i32
    %dma_start3A_295 = arith.constant 0 : i32
    %dma_start3A_296 = tpu.memref_slice %arg5[%add3A_294, %dma_start3A_295] : memref<16384x1024xf32, #tpu.memory_space<hbm>> -> memref<16x1024xf32, #tpu.memory_space<hbm>>
    %dma_start3A_297 = arith.constant 0 : i32
    %dma_start3A_298 = tpu.memref_slice %arg5[%add3A_294, %dma_start3A_297] : memref<16384x1024xf32, #tpu.memory_space<hbm>> -> memref<16x1024xf32, #tpu.memory_space<hbm>>
    tpu.enqueue_dma source(%arg10 : memref<16x1024xf32, #tpu.memory_space<vmem>>) target(%dma_start3A_298 : memref<16x1024xf32, #tpu.memory_space<hbm>>) target_semaphore(%arg27 : memref<!tpu.dma_semaphore, #tpu.memory_space<semaphore_mem>>)
    %dma_wait3A_299 = arith.constant 0 : i32
    %dma_wait3A_300 = tpu.memref_slice %arg5[%add3A_248, %dma_wait3A_299] : memref<16384x1024xf32, #tpu.memory_space<hbm>> -> memref<16x1024xf32, #tpu.memory_space<hbm>>
    %dma_wait3A_301 = arith.constant 0 : i32
    %dma_wait3A_302 = tpu.memref_slice %arg5[%add3A_248, %dma_wait3A_301] : memref<16384x1024xf32, #tpu.memory_space<hbm>> -> memref<16x1024xf32, #tpu.memory_space<hbm>>
    tpu.wait_dma2 semaphore(%arg25 : memref<!tpu.dma_semaphore, #tpu.memory_space<semaphore_mem>>) src(%arg8 : memref<16x1024xf32, #tpu.memory_space<vmem>>) dst(%dma_wait3A_302 : memref<16x1024xf32, #tpu.memory_space<hbm>>)
    %mul3A_303 = arith.constant 512 : i32
    %mul3A_304 = arith.muli %select_n3A_30, %mul3A_303 : i32
    %add3A_305 = arith.constant 208 : i32
    %add3A_306 = arith.addi %mul3A_304, %add3A_305 : i32
    %multiple_of3A_307 = tpu.assume_multiple %add3A_306, 16 : i32
    %dma_start3A_308 = tpu.memref_slice %arg6[%multiple_of3A_307] : memref<4096xi32, #tpu.memory_space<vmem>> -> memref<16xi32, #tpu.memory_space<vmem>>
    %dma_start3A_309 = arith.constant 0 : i32
    %dma_start3A_310 = arith.constant 0 : i32
    %dma_start3A_311 = tpu.memref_slice %arg4[%dma_start3A_309, %dma_start3A_310] : memref<102400x1024xf32, #tpu.memory_space<hbm>> -> memref<102400x1024xf32, #tpu.memory_space<hbm>>
    tpu.enqueue_indirect_dma source(%dma_start3A_311 : memref<102400x1024xf32, #tpu.memory_space<hbm>>) target(%arg8 : memref<16x1024xf32, #tpu.memory_space<vmem>>) offsets(%dma_start3A_308 : memref<16xi32, #tpu.memory_space<vmem>>) semaphore(%arg19 : memref<!tpu.dma_semaphore, #tpu.memory_space<semaphore_mem>>)
    %dma_wait3A_312 = tpu.memref_slice %arg6[%multiple_of3A_238] : memref<4096xi32, #tpu.memory_space<vmem>> -> memref<16xi32, #tpu.memory_space<vmem>>
    %dma_wait3A_313 = arith.constant 0 : i32
    %dma_wait3A_314 = arith.constant 0 : i32
    %dma_wait3A_315 = tpu.memref_slice %arg4[%dma_wait3A_313, %dma_wait3A_314] : memref<102400x1024xf32, #tpu.memory_space<hbm>> -> memref<102400x1024xf32, #tpu.memory_space<hbm>>
    tpu.wait_indirect_dma semaphore(%arg22 : memref<!tpu.dma_semaphore, #tpu.memory_space<semaphore_mem>>) src(%dma_wait3A_315 : memref<102400x1024xf32, #tpu.memory_space<hbm>>) dst(%arg11 : memref<16x1024xf32, #tpu.memory_space<vmem>>)
    %add3A_316 = arith.constant 160 : i32
    %add3A_317 = arith.addi %mul3A_32, %add3A_316 : i32
    %dma_start3A_318 = arith.constant 0 : i32
    %dma_start3A_319 = tpu.memref_slice %arg5[%add3A_317, %dma_start3A_318] : memref<16384x1024xf32, #tpu.memory_space<hbm>> -> memref<16x1024xf32, #tpu.memory_space<hbm>>
    %dma_start3A_320 = arith.constant 0 : i32
    %dma_start3A_321 = tpu.memref_slice %arg5[%add3A_317, %dma_start3A_320] : memref<16384x1024xf32, #tpu.memory_space<hbm>> -> memref<16x1024xf32, #tpu.memory_space<hbm>>
    tpu.enqueue_dma source(%arg11 : memref<16x1024xf32, #tpu.memory_space<vmem>>) target(%dma_start3A_321 : memref<16x1024xf32, #tpu.memory_space<hbm>>) target_semaphore(%arg28 : memref<!tpu.dma_semaphore, #tpu.memory_space<semaphore_mem>>)
    %dma_wait3A_322 = arith.constant 0 : i32
    %dma_wait3A_323 = tpu.memref_slice %arg5[%add3A_271, %dma_wait3A_322] : memref<16384x1024xf32, #tpu.memory_space<hbm>> -> memref<16x1024xf32, #tpu.memory_space<hbm>>
    %dma_wait3A_324 = arith.constant 0 : i32
    %dma_wait3A_325 = tpu.memref_slice %arg5[%add3A_271, %dma_wait3A_324] : memref<16384x1024xf32, #tpu.memory_space<hbm>> -> memref<16x1024xf32, #tpu.memory_space<hbm>>
    tpu.wait_dma2 semaphore(%arg26 : memref<!tpu.dma_semaphore, #tpu.memory_space<semaphore_mem>>) src(%arg9 : memref<16x1024xf32, #tpu.memory_space<vmem>>) dst(%dma_wait3A_325 : memref<16x1024xf32, #tpu.memory_space<hbm>>)
    %mul3A_326 = arith.constant 512 : i32
    %mul3A_327 = arith.muli %select_n3A_30, %mul3A_326 : i32
    %add3A_328 = arith.constant 224 : i32
    %add3A_329 = arith.addi %mul3A_327, %add3A_328 : i32
    %multiple_of3A_330 = tpu.assume_multiple %add3A_329, 16 : i32
    %dma_start3A_331 = tpu.memref_slice %arg6[%multiple_of3A_330] : memref<4096xi32, #tpu.memory_space<vmem>> -> memref<16xi32, #tpu.memory_space<vmem>>
    %dma_start3A_332 = arith.constant 0 : i32
    %dma_start3A_333 = arith.constant 0 : i32
    %dma_start3A_334 = tpu.memref_slice %arg4[%dma_start3A_332, %dma_start3A_333] : memref<102400x1024xf32, #tpu.memory_space<hbm>> -> memref<102400x1024xf32, #tpu.memory_space<hbm>>
    tpu.enqueue_indirect_dma source(%dma_start3A_334 : memref<102400x1024xf32, #tpu.memory_space<hbm>>) target(%arg9 : memref<16x1024xf32, #tpu.memory_space<vmem>>) offsets(%dma_start3A_331 : memref<16xi32, #tpu.memory_space<vmem>>) semaphore(%arg20 : memref<!tpu.dma_semaphore, #tpu.memory_space<semaphore_mem>>)
    %dma_wait3A_335 = tpu.memref_slice %arg6[%multiple_of3A_261] : memref<4096xi32, #tpu.memory_space<vmem>> -> memref<16xi32, #tpu.memory_space<vmem>>
    %dma_wait3A_336 = arith.constant 0 : i32
    %dma_wait3A_337 = arith.constant 0 : i32
    %dma_wait3A_338 = tpu.memref_slice %arg4[%dma_wait3A_336, %dma_wait3A_337] : memref<102400x1024xf32, #tpu.memory_space<hbm>> -> memref<102400x1024xf32, #tpu.memory_space<hbm>>
    tpu.wait_indirect_dma semaphore(%arg23 : memref<!tpu.dma_semaphore, #tpu.memory_space<semaphore_mem>>) src(%dma_wait3A_338 : memref<102400x1024xf32, #tpu.memory_space<hbm>>) dst(%arg12 : memref<16x1024xf32, #tpu.memory_space<vmem>>)
    %add3A_339 = arith.constant 176 : i32
    %add3A_340 = arith.addi %mul3A_32, %add3A_339 : i32
    %dma_start3A_341 = arith.constant 0 : i32
    %dma_start3A_342 = tpu.memref_slice %arg5[%add3A_340, %dma_start3A_341] : memref<16384x1024xf32, #tpu.memory_space<hbm>> -> memref<16x1024xf32, #tpu.memory_space<hbm>>
    %dma_start3A_343 = arith.constant 0 : i32
    %dma_start3A_344 = tpu.memref_slice %arg5[%add3A_340, %dma_start3A_343] : memref<16384x1024xf32, #tpu.memory_space<hbm>> -> memref<16x1024xf32, #tpu.memory_space<hbm>>
    tpu.enqueue_dma source(%arg12 : memref<16x1024xf32, #tpu.memory_space<vmem>>) target(%dma_start3A_344 : memref<16x1024xf32, #tpu.memory_space<hbm>>) target_semaphore(%arg29 : memref<!tpu.dma_semaphore, #tpu.memory_space<semaphore_mem>>)
    %dma_wait3A_345 = arith.constant 0 : i32
    %dma_wait3A_346 = tpu.memref_slice %arg5[%add3A_294, %dma_wait3A_345] : memref<16384x1024xf32, #tpu.memory_space<hbm>> -> memref<16x1024xf32, #tpu.memory_space<hbm>>
    %dma_wait3A_347 = arith.constant 0 : i32
    %dma_wait3A_348 = tpu.memref_slice %arg5[%add3A_294, %dma_wait3A_347] : memref<16384x1024xf32, #tpu.memory_space<hbm>> -> memref<16x1024xf32, #tpu.memory_space<hbm>>
    tpu.wait_dma2 semaphore(%arg27 : memref<!tpu.dma_semaphore, #tpu.memory_space<semaphore_mem>>) src(%arg10 : memref<16x1024xf32, #tpu.memory_space<vmem>>) dst(%dma_wait3A_348 : memref<16x1024xf32, #tpu.memory_space<hbm>>)
    %mul3A_349 = arith.constant 512 : i32
    %mul3A_350 = arith.muli %select_n3A_30, %mul3A_349 : i32
    %add3A_351 = arith.constant 240 : i32
    %add3A_352 = arith.addi %mul3A_350, %add3A_351 : i32
    %multiple_of3A_353 = tpu.assume_multiple %add3A_352, 16 : i32
    %dma_start3A_354 = tpu.memref_slice %arg6[%multiple_of3A_353] : memref<4096xi32, #tpu.memory_space<vmem>> -> memref<16xi32, #tpu.memory_space<vmem>>
    %dma_start3A_355 = arith.constant 0 : i32
    %dma_start3A_356 = arith.constant 0 : i32
    %dma_start3A_357 = tpu.memref_slice %arg4[%dma_start3A_355, %dma_start3A_356] : memref<102400x1024xf32, #tpu.memory_space<hbm>> -> memref<102400x1024xf32, #tpu.memory_space<hbm>>
    tpu.enqueue_indirect_dma source(%dma_start3A_357 : memref<102400x1024xf32, #tpu.memory_space<hbm>>) target(%arg10 : memref<16x1024xf32, #tpu.memory_space<vmem>>) offsets(%dma_start3A_354 : memref<16xi32, #tpu.memory_space<vmem>>) semaphore(%arg21 : memref<!tpu.dma_semaphore, #tpu.memory_space<semaphore_mem>>)
    %dma_wait3A_358 = tpu.memref_slice %arg6[%multiple_of3A_284] : memref<4096xi32, #tpu.memory_space<vmem>> -> memref<16xi32, #tpu.memory_space<vmem>>
    %dma_wait3A_359 = arith.constant 0 : i32
    %dma_wait3A_360 = arith.constant 0 : i32
    %dma_wait3A_361 = tpu.memref_slice %arg4[%dma_wait3A_359, %dma_wait3A_360] : memref<102400x1024xf32, #tpu.memory_space<hbm>> -> memref<102400x1024xf32, #tpu.memory_space<hbm>>
    tpu.wait_indirect_dma semaphore(%arg18 : memref<!tpu.dma_semaphore, #tpu.memory_space<semaphore_mem>>) src(%dma_wait3A_361 : memref<102400x1024xf32, #tpu.memory_space<hbm>>) dst(%arg7 : memref<16x1024xf32, #tpu.memory_space<vmem>>)
    %add3A_362 = arith.constant 192 : i32
    %add3A_363 = arith.addi %mul3A_32, %add3A_362 : i32
    %dma_start3A_364 = arith.constant 0 : i32
    %dma_start3A_365 = tpu.memref_slice %arg5[%add3A_363, %dma_start3A_364] : memref<16384x1024xf32, #tpu.memory_space<hbm>> -> memref<16x1024xf32, #tpu.memory_space<hbm>>
    %dma_start3A_366 = arith.constant 0 : i32
    %dma_start3A_367 = tpu.memref_slice %arg5[%add3A_363, %dma_start3A_366] : memref<16384x1024xf32, #tpu.memory_space<hbm>> -> memref<16x1024xf32, #tpu.memory_space<hbm>>
    tpu.enqueue_dma source(%arg7 : memref<16x1024xf32, #tpu.memory_space<vmem>>) target(%dma_start3A_367 : memref<16x1024xf32, #tpu.memory_space<hbm>>) target_semaphore(%arg24 : memref<!tpu.dma_semaphore, #tpu.memory_space<semaphore_mem>>)
    %dma_wait3A_368 = arith.constant 0 : i32
    %dma_wait3A_369 = tpu.memref_slice %arg5[%add3A_317, %dma_wait3A_368] : memref<16384x1024xf32, #tpu.memory_space<hbm>> -> memref<16x1024xf32, #tpu.memory_space<hbm>>
    %dma_wait3A_370 = arith.constant 0 : i32
    %dma_wait3A_371 = tpu.memref_slice %arg5[%add3A_317, %dma_wait3A_370] : memref<16384x1024xf32, #tpu.memory_space<hbm>> -> memref<16x1024xf32, #tpu.memory_space<hbm>>
    tpu.wait_dma2 semaphore(%arg28 : memref<!tpu.dma_semaphore, #tpu.memory_space<semaphore_mem>>) src(%arg11 : memref<16x1024xf32, #tpu.memory_space<vmem>>) dst(%dma_wait3A_371 : memref<16x1024xf32, #tpu.memory_space<hbm>>)
    %mul3A_372 = arith.constant 512 : i32
    %mul3A_373 = arith.muli %select_n3A_30, %mul3A_372 : i32
    %add3A_374 = arith.constant 256 : i32
    %add3A_375 = arith.addi %mul3A_373, %add3A_374 : i32
    %multiple_of3A_376 = tpu.assume_multiple %add3A_375, 16 : i32
    %dma_start3A_377 = tpu.memref_slice %arg6[%multiple_of3A_376] : memref<4096xi32, #tpu.memory_space<vmem>> -> memref<16xi32, #tpu.memory_space<vmem>>
    %dma_start3A_378 = arith.constant 0 : i32
    %dma_start3A_379 = arith.constant 0 : i32
    %dma_start3A_380 = tpu.memref_slice %arg4[%dma_start3A_378, %dma_start3A_379] : memref<102400x1024xf32, #tpu.memory_space<hbm>> -> memref<102400x1024xf32, #tpu.memory_space<hbm>>
    tpu.enqueue_indirect_dma source(%dma_start3A_380 : memref<102400x1024xf32, #tpu.memory_space<hbm>>) target(%arg11 : memref<16x1024xf32, #tpu.memory_space<vmem>>) offsets(%dma_start3A_377 : memref<16xi32, #tpu.memory_space<vmem>>) semaphore(%arg22 : memref<!tpu.dma_semaphore, #tpu.memory_space<semaphore_mem>>)
    %dma_wait3A_381 = tpu.memref_slice %arg6[%multiple_of3A_307] : memref<4096xi32, #tpu.memory_space<vmem>> -> memref<16xi32, #tpu.memory_space<vmem>>
    %dma_wait3A_382 = arith.constant 0 : i32
    %dma_wait3A_383 = arith.constant 0 : i32
    %dma_wait3A_384 = tpu.memref_slice %arg4[%dma_wait3A_382, %dma_wait3A_383] : memref<102400x1024xf32, #tpu.memory_space<hbm>> -> memref<102400x1024xf32, #tpu.memory_space<hbm>>
    tpu.wait_indirect_dma semaphore(%arg19 : memref<!tpu.dma_semaphore, #tpu.memory_space<semaphore_mem>>) src(%dma_wait3A_384 : memref<102400x1024xf32, #tpu.memory_space<hbm>>) dst(%arg8 : memref<16x1024xf32, #tpu.memory_space<vmem>>)
    %add3A_385 = arith.constant 208 : i32
    %add3A_386 = arith.addi %mul3A_32, %add3A_385 : i32
    %dma_start3A_387 = arith.constant 0 : i32
    %dma_start3A_388 = tpu.memref_slice %arg5[%add3A_386, %dma_start3A_387] : memref<16384x1024xf32, #tpu.memory_space<hbm>> -> memref<16x1024xf32, #tpu.memory_space<hbm>>
    %dma_start3A_389 = arith.constant 0 : i32
    %dma_start3A_390 = tpu.memref_slice %arg5[%add3A_386, %dma_start3A_389] : memref<16384x1024xf32, #tpu.memory_space<hbm>> -> memref<16x1024xf32, #tpu.memory_space<hbm>>
    tpu.enqueue_dma source(%arg8 : memref<16x1024xf32, #tpu.memory_space<vmem>>) target(%dma_start3A_390 : memref<16x1024xf32, #tpu.memory_space<hbm>>) target_semaphore(%arg25 : memref<!tpu.dma_semaphore, #tpu.memory_space<semaphore_mem>>)
    %dma_wait3A_391 = arith.constant 0 : i32
    %dma_wait3A_392 = tpu.memref_slice %arg5[%add3A_340, %dma_wait3A_391] : memref<16384x1024xf32, #tpu.memory_space<hbm>> -> memref<16x1024xf32, #tpu.memory_space<hbm>>
    %dma_wait3A_393 = arith.constant 0 : i32
    %dma_wait3A_394 = tpu.memref_slice %arg5[%add3A_340, %dma_wait3A_393] : memref<16384x1024xf32, #tpu.memory_space<hbm>> -> memref<16x1024xf32, #tpu.memory_space<hbm>>
    tpu.wait_dma2 semaphore(%arg29 : memref<!tpu.dma_semaphore, #tpu.memory_space<semaphore_mem>>) src(%arg12 : memref<16x1024xf32, #tpu.memory_space<vmem>>) dst(%dma_wait3A_394 : memref<16x1024xf32, #tpu.memory_space<hbm>>)
    %mul3A_395 = arith.constant 512 : i32
    %mul3A_396 = arith.muli %select_n3A_30, %mul3A_395 : i32
    %add3A_397 = arith.constant 272 : i32
    %add3A_398 = arith.addi %mul3A_396, %add3A_397 : i32
    %multiple_of3A_399 = tpu.assume_multiple %add3A_398, 16 : i32
    %dma_start3A_400 = tpu.memref_slice %arg6[%multiple_of3A_399] : memref<4096xi32, #tpu.memory_space<vmem>> -> memref<16xi32, #tpu.memory_space<vmem>>
    %dma_start3A_401 = arith.constant 0 : i32
    %dma_start3A_402 = arith.constant 0 : i32
    %dma_start3A_403 = tpu.memref_slice %arg4[%dma_start3A_401, %dma_start3A_402] : memref<102400x1024xf32, #tpu.memory_space<hbm>> -> memref<102400x1024xf32, #tpu.memory_space<hbm>>
    tpu.enqueue_indirect_dma source(%dma_start3A_403 : memref<102400x1024xf32, #tpu.memory_space<hbm>>) target(%arg12 : memref<16x1024xf32, #tpu.memory_space<vmem>>) offsets(%dma_start3A_400 : memref<16xi32, #tpu.memory_space<vmem>>) semaphore(%arg23 : memref<!tpu.dma_semaphore, #tpu.memory_space<semaphore_mem>>)
    %dma_wait3A_404 = tpu.memref_slice %arg6[%multiple_of3A_330] : memref<4096xi32, #tpu.memory_space<vmem>> -> memref<16xi32, #tpu.memory_space<vmem>>
    %dma_wait3A_405 = arith.constant 0 : i32
    %dma_wait3A_406 = arith.constant 0 : i32
    %dma_wait3A_407 = tpu.memref_slice %arg4[%dma_wait3A_405, %dma_wait3A_406] : memref<102400x1024xf32, #tpu.memory_space<hbm>> -> memref<102400x1024xf32, #tpu.memory_space<hbm>>
    tpu.wait_indirect_dma semaphore(%arg20 : memref<!tpu.dma_semaphore, #tpu.memory_space<semaphore_mem>>) src(%dma_wait3A_407 : memref<102400x1024xf32, #tpu.memory_space<hbm>>) dst(%arg9 : memref<16x1024xf32, #tpu.memory_space<vmem>>)
    %add3A_408 = arith.constant 224 : i32
    %add3A_409 = arith.addi %mul3A_32, %add3A_408 : i32
    %dma_start3A_410 = arith.constant 0 : i32
    %dma_start3A_411 = tpu.memref_slice %arg5[%add3A_409, %dma_start3A_410] : memref<16384x1024xf32, #tpu.memory_space<hbm>> -> memref<16x1024xf32, #tpu.memory_space<hbm>>
    %dma_start3A_412 = arith.constant 0 : i32
    %dma_start3A_413 = tpu.memref_slice %arg5[%add3A_409, %dma_start3A_412] : memref<16384x1024xf32, #tpu.memory_space<hbm>> -> memref<16x1024xf32, #tpu.memory_space<hbm>>
    tpu.enqueue_dma source(%arg9 : memref<16x1024xf32, #tpu.memory_space<vmem>>) target(%dma_start3A_413 : memref<16x1024xf32, #tpu.memory_space<hbm>>) target_semaphore(%arg26 : memref<!tpu.dma_semaphore, #tpu.memory_space<semaphore_mem>>)
    %dma_wait3A_414 = arith.constant 0 : i32
    %dma_wait3A_415 = tpu.memref_slice %arg5[%add3A_363, %dma_wait3A_414] : memref<16384x1024xf32, #tpu.memory_space<hbm>> -> memref<16x1024xf32, #tpu.memory_space<hbm>>
    %dma_wait3A_416 = arith.constant 0 : i32
    %dma_wait3A_417 = tpu.memref_slice %arg5[%add3A_363, %dma_wait3A_416] : memref<16384x1024xf32, #tpu.memory_space<hbm>> -> memref<16x1024xf32, #tpu.memory_space<hbm>>
    tpu.wait_dma2 semaphore(%arg24 : memref<!tpu.dma_semaphore, #tpu.memory_space<semaphore_mem>>) src(%arg7 : memref<16x1024xf32, #tpu.memory_space<vmem>>) dst(%dma_wait3A_417 : memref<16x1024xf32, #tpu.memory_space<hbm>>)
    %mul3A_418 = arith.constant 512 : i32
    %mul3A_419 = arith.muli %select_n3A_30, %mul3A_418 : i32
    %add3A_420 = arith.constant 288 : i32
    %add3A_421 = arith.addi %mul3A_419, %add3A_420 : i32
    %multiple_of3A_422 = tpu.assume_multiple %add3A_421, 16 : i32
    %dma_start3A_423 = tpu.memref_slice %arg6[%multiple_of3A_422] : memref<4096xi32, #tpu.memory_space<vmem>> -> memref<16xi32, #tpu.memory_space<vmem>>
    %dma_start3A_424 = arith.constant 0 : i32
    %dma_start3A_425 = arith.constant 0 : i32
    %dma_start3A_426 = tpu.memref_slice %arg4[%dma_start3A_424, %dma_start3A_425] : memref<102400x1024xf32, #tpu.memory_space<hbm>> -> memref<102400x1024xf32, #tpu.memory_space<hbm>>
    tpu.enqueue_indirect_dma source(%dma_start3A_426 : memref<102400x1024xf32, #tpu.memory_space<hbm>>) target(%arg7 : memref<16x1024xf32, #tpu.memory_space<vmem>>) offsets(%dma_start3A_423 : memref<16xi32, #tpu.memory_space<vmem>>) semaphore(%arg18 : memref<!tpu.dma_semaphore, #tpu.memory_space<semaphore_mem>>)
    %dma_wait3A_427 = tpu.memref_slice %arg6[%multiple_of3A_353] : memref<4096xi32, #tpu.memory_space<vmem>> -> memref<16xi32, #tpu.memory_space<vmem>>
    %dma_wait3A_428 = arith.constant 0 : i32
    %dma_wait3A_429 = arith.constant 0 : i32
    %dma_wait3A_430 = tpu.memref_slice %arg4[%dma_wait3A_428, %dma_wait3A_429] : memref<102400x1024xf32, #tpu.memory_space<hbm>> -> memref<102400x1024xf32, #tpu.memory_space<hbm>>
    tpu.wait_indirect_dma semaphore(%arg21 : memref<!tpu.dma_semaphore, #tpu.memory_space<semaphore_mem>>) src(%dma_wait3A_430 : memref<102400x1024xf32, #tpu.memory_space<hbm>>) dst(%arg10 : memref<16x1024xf32, #tpu.memory_space<vmem>>)
    %add3A_431 = arith.constant 240 : i32
    %add3A_432 = arith.addi %mul3A_32, %add3A_431 : i32
    %dma_start3A_433 = arith.constant 0 : i32
    %dma_start3A_434 = tpu.memref_slice %arg5[%add3A_432, %dma_start3A_433] : memref<16384x1024xf32, #tpu.memory_space<hbm>> -> memref<16x1024xf32, #tpu.memory_space<hbm>>
    %dma_start3A_435 = arith.constant 0 : i32
    %dma_start3A_436 = tpu.memref_slice %arg5[%add3A_432, %dma_start3A_435] : memref<16384x1024xf32, #tpu.memory_space<hbm>> -> memref<16x1024xf32, #tpu.memory_space<hbm>>
    tpu.enqueue_dma source(%arg10 : memref<16x1024xf32, #tpu.memory_space<vmem>>) target(%dma_start3A_436 : memref<16x1024xf32, #tpu.memory_space<hbm>>) target_semaphore(%arg27 : memref<!tpu.dma_semaphore, #tpu.memory_space<semaphore_mem>>)
    %dma_wait3A_437 = arith.constant 0 : i32
    %dma_wait3A_438 = tpu.memref_slice %arg5[%add3A_386, %dma_wait3A_437] : memref<16384x1024xf32, #tpu.memory_space<hbm>> -> memref<16x1024xf32, #tpu.memory_space<hbm>>
    %dma_wait3A_439 = arith.constant 0 : i32
    %dma_wait3A_440 = tpu.memref_slice %arg5[%add3A_386, %dma_wait3A_439] : memref<16384x1024xf32, #tpu.memory_space<hbm>> -> memref<16x1024xf32, #tpu.memory_space<hbm>>
    tpu.wait_dma2 semaphore(%arg25 : memref<!tpu.dma_semaphore, #tpu.memory_space<semaphore_mem>>) src(%arg8 : memref<16x1024xf32, #tpu.memory_space<vmem>>) dst(%dma_wait3A_440 : memref<16x1024xf32, #tpu.memory_space<hbm>>)
    %mul3A_441 = arith.constant 512 : i32
    %mul3A_442 = arith.muli %select_n3A_30, %mul3A_441 : i32
    %add3A_443 = arith.constant 304 : i32
    %add3A_444 = arith.addi %mul3A_442, %add3A_443 : i32
    %multiple_of3A_445 = tpu.assume_multiple %add3A_444, 16 : i32
    %dma_start3A_446 = tpu.memref_slice %arg6[%multiple_of3A_445] : memref<4096xi32, #tpu.memory_space<vmem>> -> memref<16xi32, #tpu.memory_space<vmem>>
    %dma_start3A_447 = arith.constant 0 : i32
    %dma_start3A_448 = arith.constant 0 : i32
    %dma_start3A_449 = tpu.memref_slice %arg4[%dma_start3A_447, %dma_start3A_448] : memref<102400x1024xf32, #tpu.memory_space<hbm>> -> memref<102400x1024xf32, #tpu.memory_space<hbm>>
    tpu.enqueue_indirect_dma source(%dma_start3A_449 : memref<102400x1024xf32, #tpu.memory_space<hbm>>) target(%arg8 : memref<16x1024xf32, #tpu.memory_space<vmem>>) offsets(%dma_start3A_446 : memref<16xi32, #tpu.memory_space<vmem>>) semaphore(%arg19 : memref<!tpu.dma_semaphore, #tpu.memory_space<semaphore_mem>>)
    %dma_wait3A_450 = tpu.memref_slice %arg6[%multiple_of3A_376] : memref<4096xi32, #tpu.memory_space<vmem>> -> memref<16xi32, #tpu.memory_space<vmem>>
    %dma_wait3A_451 = arith.constant 0 : i32
    %dma_wait3A_452 = arith.constant 0 : i32
    %dma_wait3A_453 = tpu.memref_slice %arg4[%dma_wait3A_451, %dma_wait3A_452] : memref<102400x1024xf32, #tpu.memory_space<hbm>> -> memref<102400x1024xf32, #tpu.memory_space<hbm>>
    tpu.wait_indirect_dma semaphore(%arg22 : memref<!tpu.dma_semaphore, #tpu.memory_space<semaphore_mem>>) src(%dma_wait3A_453 : memref<102400x1024xf32, #tpu.memory_space<hbm>>) dst(%arg11 : memref<16x1024xf32, #tpu.memory_space<vmem>>)
    %add3A_454 = arith.constant 256 : i32
    %add3A_455 = arith.addi %mul3A_32, %add3A_454 : i32
    %dma_start3A_456 = arith.constant 0 : i32
    %dma_start3A_457 = tpu.memref_slice %arg5[%add3A_455, %dma_start3A_456] : memref<16384x1024xf32, #tpu.memory_space<hbm>> -> memref<16x1024xf32, #tpu.memory_space<hbm>>
    %dma_start3A_458 = arith.constant 0 : i32
    %dma_start3A_459 = tpu.memref_slice %arg5[%add3A_455, %dma_start3A_458] : memref<16384x1024xf32, #tpu.memory_space<hbm>> -> memref<16x1024xf32, #tpu.memory_space<hbm>>
    tpu.enqueue_dma source(%arg11 : memref<16x1024xf32, #tpu.memory_space<vmem>>) target(%dma_start3A_459 : memref<16x1024xf32, #tpu.memory_space<hbm>>) target_semaphore(%arg28 : memref<!tpu.dma_semaphore, #tpu.memory_space<semaphore_mem>>)
    %dma_wait3A_460 = arith.constant 0 : i32
    %dma_wait3A_461 = tpu.memref_slice %arg5[%add3A_409, %dma_wait3A_460] : memref<16384x1024xf32, #tpu.memory_space<hbm>> -> memref<16x1024xf32, #tpu.memory_space<hbm>>
    %dma_wait3A_462 = arith.constant 0 : i32
    %dma_wait3A_463 = tpu.memref_slice %arg5[%add3A_409, %dma_wait3A_462] : memref<16384x1024xf32, #tpu.memory_space<hbm>> -> memref<16x1024xf32, #tpu.memory_space<hbm>>
    tpu.wait_dma2 semaphore(%arg26 : memref<!tpu.dma_semaphore, #tpu.memory_space<semaphore_mem>>) src(%arg9 : memref<16x1024xf32, #tpu.memory_space<vmem>>) dst(%dma_wait3A_463 : memref<16x1024xf32, #tpu.memory_space<hbm>>)
    %mul3A_464 = arith.constant 512 : i32
    %mul3A_465 = arith.muli %select_n3A_30, %mul3A_464 : i32
    %add3A_466 = arith.constant 320 : i32
    %add3A_467 = arith.addi %mul3A_465, %add3A_466 : i32
    %multiple_of3A_468 = tpu.assume_multiple %add3A_467, 16 : i32
    %dma_start3A_469 = tpu.memref_slice %arg6[%multiple_of3A_468] : memref<4096xi32, #tpu.memory_space<vmem>> -> memref<16xi32, #tpu.memory_space<vmem>>
    %dma_start3A_470 = arith.constant 0 : i32
    %dma_start3A_471 = arith.constant 0 : i32
    %dma_start3A_472 = tpu.memref_slice %arg4[%dma_start3A_470, %dma_start3A_471] : memref<102400x1024xf32, #tpu.memory_space<hbm>> -> memref<102400x1024xf32, #tpu.memory_space<hbm>>
    tpu.enqueue_indirect_dma source(%dma_start3A_472 : memref<102400x1024xf32, #tpu.memory_space<hbm>>) target(%arg9 : memref<16x1024xf32, #tpu.memory_space<vmem>>) offsets(%dma_start3A_469 : memref<16xi32, #tpu.memory_space<vmem>>) semaphore(%arg20 : memref<!tpu.dma_semaphore, #tpu.memory_space<semaphore_mem>>)
    %dma_wait3A_473 = tpu.memref_slice %arg6[%multiple_of3A_399] : memref<4096xi32, #tpu.memory_space<vmem>> -> memref<16xi32, #tpu.memory_space<vmem>>
    %dma_wait3A_474 = arith.constant 0 : i32
    %dma_wait3A_475 = arith.constant 0 : i32
    %dma_wait3A_476 = tpu.memref_slice %arg4[%dma_wait3A_474, %dma_wait3A_475] : memref<102400x1024xf32, #tpu.memory_space<hbm>> -> memref<102400x1024xf32, #tpu.memory_space<hbm>>
    tpu.wait_indirect_dma semaphore(%arg23 : memref<!tpu.dma_semaphore, #tpu.memory_space<semaphore_mem>>) src(%dma_wait3A_476 : memref<102400x1024xf32, #tpu.memory_space<hbm>>) dst(%arg12 : memref<16x1024xf32, #tpu.memory_space<vmem>>)
    %add3A_477 = arith.constant 272 : i32
    %add3A_478 = arith.addi %mul3A_32, %add3A_477 : i32
    %dma_start3A_479 = arith.constant 0 : i32
    %dma_start3A_480 = tpu.memref_slice %arg5[%add3A_478, %dma_start3A_479] : memref<16384x1024xf32, #tpu.memory_space<hbm>> -> memref<16x1024xf32, #tpu.memory_space<hbm>>
    %dma_start3A_481 = arith.constant 0 : i32
    %dma_start3A_482 = tpu.memref_slice %arg5[%add3A_478, %dma_start3A_481] : memref<16384x1024xf32, #tpu.memory_space<hbm>> -> memref<16x1024xf32, #tpu.memory_space<hbm>>
    tpu.enqueue_dma source(%arg12 : memref<16x1024xf32, #tpu.memory_space<vmem>>) target(%dma_start3A_482 : memref<16x1024xf32, #tpu.memory_space<hbm>>) target_semaphore(%arg29 : memref<!tpu.dma_semaphore, #tpu.memory_space<semaphore_mem>>)
    %dma_wait3A_483 = arith.constant 0 : i32
    %dma_wait3A_484 = tpu.memref_slice %arg5[%add3A_432, %dma_wait3A_483] : memref<16384x1024xf32, #tpu.memory_space<hbm>> -> memref<16x1024xf32, #tpu.memory_space<hbm>>
    %dma_wait3A_485 = arith.constant 0 : i32
    %dma_wait3A_486 = tpu.memref_slice %arg5[%add3A_432, %dma_wait3A_485] : memref<16384x1024xf32, #tpu.memory_space<hbm>> -> memref<16x1024xf32, #tpu.memory_space<hbm>>
    tpu.wait_dma2 semaphore(%arg27 : memref<!tpu.dma_semaphore, #tpu.memory_space<semaphore_mem>>) src(%arg10 : memref<16x1024xf32, #tpu.memory_space<vmem>>) dst(%dma_wait3A_486 : memref<16x1024xf32, #tpu.memory_space<hbm>>)
    %mul3A_487 = arith.constant 512 : i32
    %mul3A_488 = arith.muli %select_n3A_30, %mul3A_487 : i32
    %add3A_489 = arith.constant 336 : i32
    %add3A_490 = arith.addi %mul3A_488, %add3A_489 : i32
    %multiple_of3A_491 = tpu.assume_multiple %add3A_490, 16 : i32
    %dma_start3A_492 = tpu.memref_slice %arg6[%multiple_of3A_491] : memref<4096xi32, #tpu.memory_space<vmem>> -> memref<16xi32, #tpu.memory_space<vmem>>
    %dma_start3A_493 = arith.constant 0 : i32
    %dma_start3A_494 = arith.constant 0 : i32
    %dma_start3A_495 = tpu.memref_slice %arg4[%dma_start3A_493, %dma_start3A_494] : memref<102400x1024xf32, #tpu.memory_space<hbm>> -> memref<102400x1024xf32, #tpu.memory_space<hbm>>
    tpu.enqueue_indirect_dma source(%dma_start3A_495 : memref<102400x1024xf32, #tpu.memory_space<hbm>>) target(%arg10 : memref<16x1024xf32, #tpu.memory_space<vmem>>) offsets(%dma_start3A_492 : memref<16xi32, #tpu.memory_space<vmem>>) semaphore(%arg21 : memref<!tpu.dma_semaphore, #tpu.memory_space<semaphore_mem>>)
    %dma_wait3A_496 = tpu.memref_slice %arg6[%multiple_of3A_422] : memref<4096xi32, #tpu.memory_space<vmem>> -> memref<16xi32, #tpu.memory_space<vmem>>
    %dma_wait3A_497 = arith.constant 0 : i32
    %dma_wait3A_498 = arith.constant 0 : i32
    %dma_wait3A_499 = tpu.memref_slice %arg4[%dma_wait3A_497, %dma_wait3A_498] : memref<102400x1024xf32, #tpu.memory_space<hbm>> -> memref<102400x1024xf32, #tpu.memory_space<hbm>>
    tpu.wait_indirect_dma semaphore(%arg18 : memref<!tpu.dma_semaphore, #tpu.memory_space<semaphore_mem>>) src(%dma_wait3A_499 : memref<102400x1024xf32, #tpu.memory_space<hbm>>) dst(%arg7 : memref<16x1024xf32, #tpu.memory_space<vmem>>)
    %add3A_500 = arith.constant 288 : i32
    %add3A_501 = arith.addi %mul3A_32, %add3A_500 : i32
    %dma_start3A_502 = arith.constant 0 : i32
    %dma_start3A_503 = tpu.memref_slice %arg5[%add3A_501, %dma_start3A_502] : memref<16384x1024xf32, #tpu.memory_space<hbm>> -> memref<16x1024xf32, #tpu.memory_space<hbm>>
    %dma_start3A_504 = arith.constant 0 : i32
    %dma_start3A_505 = tpu.memref_slice %arg5[%add3A_501, %dma_start3A_504] : memref<16384x1024xf32, #tpu.memory_space<hbm>> -> memref<16x1024xf32, #tpu.memory_space<hbm>>
    tpu.enqueue_dma source(%arg7 : memref<16x1024xf32, #tpu.memory_space<vmem>>) target(%dma_start3A_505 : memref<16x1024xf32, #tpu.memory_space<hbm>>) target_semaphore(%arg24 : memref<!tpu.dma_semaphore, #tpu.memory_space<semaphore_mem>>)
    %dma_wait3A_506 = arith.constant 0 : i32
    %dma_wait3A_507 = tpu.memref_slice %arg5[%add3A_455, %dma_wait3A_506] : memref<16384x1024xf32, #tpu.memory_space<hbm>> -> memref<16x1024xf32, #tpu.memory_space<hbm>>
    %dma_wait3A_508 = arith.constant 0 : i32
    %dma_wait3A_509 = tpu.memref_slice %arg5[%add3A_455, %dma_wait3A_508] : memref<16384x1024xf32, #tpu.memory_space<hbm>> -> memref<16x1024xf32, #tpu.memory_space<hbm>>
    tpu.wait_dma2 semaphore(%arg28 : memref<!tpu.dma_semaphore, #tpu.memory_space<semaphore_mem>>) src(%arg11 : memref<16x1024xf32, #tpu.memory_space<vmem>>) dst(%dma_wait3A_509 : memref<16x1024xf32, #tpu.memory_space<hbm>>)
    %mul3A_510 = arith.constant 512 : i32
    %mul3A_511 = arith.muli %select_n3A_30, %mul3A_510 : i32
    %add3A_512 = arith.constant 352 : i32
    %add3A_513 = arith.addi %mul3A_511, %add3A_512 : i32
    %multiple_of3A_514 = tpu.assume_multiple %add3A_513, 16 : i32
    %dma_start3A_515 = tpu.memref_slice %arg6[%multiple_of3A_514] : memref<4096xi32, #tpu.memory_space<vmem>> -> memref<16xi32, #tpu.memory_space<vmem>>
    %dma_start3A_516 = arith.constant 0 : i32
    %dma_start3A_517 = arith.constant 0 : i32
    %dma_start3A_518 = tpu.memref_slice %arg4[%dma_start3A_516, %dma_start3A_517] : memref<102400x1024xf32, #tpu.memory_space<hbm>> -> memref<102400x1024xf32, #tpu.memory_space<hbm>>
    tpu.enqueue_indirect_dma source(%dma_start3A_518 : memref<102400x1024xf32, #tpu.memory_space<hbm>>) target(%arg11 : memref<16x1024xf32, #tpu.memory_space<vmem>>) offsets(%dma_start3A_515 : memref<16xi32, #tpu.memory_space<vmem>>) semaphore(%arg22 : memref<!tpu.dma_semaphore, #tpu.memory_space<semaphore_mem>>)
    %dma_wait3A_519 = tpu.memref_slice %arg6[%multiple_of3A_445] : memref<4096xi32, #tpu.memory_space<vmem>> -> memref<16xi32, #tpu.memory_space<vmem>>
    %dma_wait3A_520 = arith.constant 0 : i32
    %dma_wait3A_521 = arith.constant 0 : i32
    %dma_wait3A_522 = tpu.memref_slice %arg4[%dma_wait3A_520, %dma_wait3A_521] : memref<102400x1024xf32, #tpu.memory_space<hbm>> -> memref<102400x1024xf32, #tpu.memory_space<hbm>>
    tpu.wait_indirect_dma semaphore(%arg19 : memref<!tpu.dma_semaphore, #tpu.memory_space<semaphore_mem>>) src(%dma_wait3A_522 : memref<102400x1024xf32, #tpu.memory_space<hbm>>) dst(%arg8 : memref<16x1024xf32, #tpu.memory_space<vmem>>)
    %add3A_523 = arith.constant 304 : i32
    %add3A_524 = arith.addi %mul3A_32, %add3A_523 : i32
    %dma_start3A_525 = arith.constant 0 : i32
    %dma_start3A_526 = tpu.memref_slice %arg5[%add3A_524, %dma_start3A_525] : memref<16384x1024xf32, #tpu.memory_space<hbm>> -> memref<16x1024xf32, #tpu.memory_space<hbm>>
    %dma_start3A_527 = arith.constant 0 : i32
    %dma_start3A_528 = tpu.memref_slice %arg5[%add3A_524, %dma_start3A_527] : memref<16384x1024xf32, #tpu.memory_space<hbm>> -> memref<16x1024xf32, #tpu.memory_space<hbm>>
    tpu.enqueue_dma source(%arg8 : memref<16x1024xf32, #tpu.memory_space<vmem>>) target(%dma_start3A_528 : memref<16x1024xf32, #tpu.memory_space<hbm>>) target_semaphore(%arg25 : memref<!tpu.dma_semaphore, #tpu.memory_space<semaphore_mem>>)
    %dma_wait3A_529 = arith.constant 0 : i32
    %dma_wait3A_530 = tpu.memref_slice %arg5[%add3A_478, %dma_wait3A_529] : memref<16384x1024xf32, #tpu.memory_space<hbm>> -> memref<16x1024xf32, #tpu.memory_space<hbm>>
    %dma_wait3A_531 = arith.constant 0 : i32
    %dma_wait3A_532 = tpu.memref_slice %arg5[%add3A_478, %dma_wait3A_531] : memref<16384x1024xf32, #tpu.memory_space<hbm>> -> memref<16x1024xf32, #tpu.memory_space<hbm>>
    tpu.wait_dma2 semaphore(%arg29 : memref<!tpu.dma_semaphore, #tpu.memory_space<semaphore_mem>>) src(%arg12 : memref<16x1024xf32, #tpu.memory_space<vmem>>) dst(%dma_wait3A_532 : memref<16x1024xf32, #tpu.memory_space<hbm>>)
    %mul3A_533 = arith.constant 512 : i32
    %mul3A_534 = arith.muli %select_n3A_30, %mul3A_533 : i32
    %add3A_535 = arith.constant 368 : i32
    %add3A_536 = arith.addi %mul3A_534, %add3A_535 : i32
    %multiple_of3A_537 = tpu.assume_multiple %add3A_536, 16 : i32
    %dma_start3A_538 = tpu.memref_slice %arg6[%multiple_of3A_537] : memref<4096xi32, #tpu.memory_space<vmem>> -> memref<16xi32, #tpu.memory_space<vmem>>
    %dma_start3A_539 = arith.constant 0 : i32
    %dma_start3A_540 = arith.constant 0 : i32
    %dma_start3A_541 = tpu.memref_slice %arg4[%dma_start3A_539, %dma_start3A_540] : memref<102400x1024xf32, #tpu.memory_space<hbm>> -> memref<102400x1024xf32, #tpu.memory_space<hbm>>
    tpu.enqueue_indirect_dma source(%dma_start3A_541 : memref<102400x1024xf32, #tpu.memory_space<hbm>>) target(%arg12 : memref<16x1024xf32, #tpu.memory_space<vmem>>) offsets(%dma_start3A_538 : memref<16xi32, #tpu.memory_space<vmem>>) semaphore(%arg23 : memref<!tpu.dma_semaphore, #tpu.memory_space<semaphore_mem>>)
    %dma_wait3A_542 = tpu.memref_slice %arg6[%multiple_of3A_468] : memref<4096xi32, #tpu.memory_space<vmem>> -> memref<16xi32, #tpu.memory_space<vmem>>
    %dma_wait3A_543 = arith.constant 0 : i32
    %dma_wait3A_544 = arith.constant 0 : i32
    %dma_wait3A_545 = tpu.memref_slice %arg4[%dma_wait3A_543, %dma_wait3A_544] : memref<102400x1024xf32, #tpu.memory_space<hbm>> -> memref<102400x1024xf32, #tpu.memory_space<hbm>>
    tpu.wait_indirect_dma semaphore(%arg20 : memref<!tpu.dma_semaphore, #tpu.memory_space<semaphore_mem>>) src(%dma_wait3A_545 : memref<102400x1024xf32, #tpu.memory_space<hbm>>) dst(%arg9 : memref<16x1024xf32, #tpu.memory_space<vmem>>)
    %add3A_546 = arith.constant 320 : i32
    %add3A_547 = arith.addi %mul3A_32, %add3A_546 : i32
    %dma_start3A_548 = arith.constant 0 : i32
    %dma_start3A_549 = tpu.memref_slice %arg5[%add3A_547, %dma_start3A_548] : memref<16384x1024xf32, #tpu.memory_space<hbm>> -> memref<16x1024xf32, #tpu.memory_space<hbm>>
    %dma_start3A_550 = arith.constant 0 : i32
    %dma_start3A_551 = tpu.memref_slice %arg5[%add3A_547, %dma_start3A_550] : memref<16384x1024xf32, #tpu.memory_space<hbm>> -> memref<16x1024xf32, #tpu.memory_space<hbm>>
    tpu.enqueue_dma source(%arg9 : memref<16x1024xf32, #tpu.memory_space<vmem>>) target(%dma_start3A_551 : memref<16x1024xf32, #tpu.memory_space<hbm>>) target_semaphore(%arg26 : memref<!tpu.dma_semaphore, #tpu.memory_space<semaphore_mem>>)
    %dma_wait3A_552 = arith.constant 0 : i32
    %dma_wait3A_553 = tpu.memref_slice %arg5[%add3A_501, %dma_wait3A_552] : memref<16384x1024xf32, #tpu.memory_space<hbm>> -> memref<16x1024xf32, #tpu.memory_space<hbm>>
    %dma_wait3A_554 = arith.constant 0 : i32
    %dma_wait3A_555 = tpu.memref_slice %arg5[%add3A_501, %dma_wait3A_554] : memref<16384x1024xf32, #tpu.memory_space<hbm>> -> memref<16x1024xf32, #tpu.memory_space<hbm>>
    tpu.wait_dma2 semaphore(%arg24 : memref<!tpu.dma_semaphore, #tpu.memory_space<semaphore_mem>>) src(%arg7 : memref<16x1024xf32, #tpu.memory_space<vmem>>) dst(%dma_wait3A_555 : memref<16x1024xf32, #tpu.memory_space<hbm>>)
    %mul3A_556 = arith.constant 512 : i32
    %mul3A_557 = arith.muli %select_n3A_30, %mul3A_556 : i32
    %add3A_558 = arith.constant 384 : i32
    %add3A_559 = arith.addi %mul3A_557, %add3A_558 : i32
    %multiple_of3A_560 = tpu.assume_multiple %add3A_559, 16 : i32
    %dma_start3A_561 = tpu.memref_slice %arg6[%multiple_of3A_560] : memref<4096xi32, #tpu.memory_space<vmem>> -> memref<16xi32, #tpu.memory_space<vmem>>
    %dma_start3A_562 = arith.constant 0 : i32
    %dma_start3A_563 = arith.constant 0 : i32
    %dma_start3A_564 = tpu.memref_slice %arg4[%dma_start3A_562, %dma_start3A_563] : memref<102400x1024xf32, #tpu.memory_space<hbm>> -> memref<102400x1024xf32, #tpu.memory_space<hbm>>
    tpu.enqueue_indirect_dma source(%dma_start3A_564 : memref<102400x1024xf32, #tpu.memory_space<hbm>>) target(%arg7 : memref<16x1024xf32, #tpu.memory_space<vmem>>) offsets(%dma_start3A_561 : memref<16xi32, #tpu.memory_space<vmem>>) semaphore(%arg18 : memref<!tpu.dma_semaphore, #tpu.memory_space<semaphore_mem>>)
    %dma_wait3A_565 = tpu.memref_slice %arg6[%multiple_of3A_491] : memref<4096xi32, #tpu.memory_space<vmem>> -> memref<16xi32, #tpu.memory_space<vmem>>
    %dma_wait3A_566 = arith.constant 0 : i32
    %dma_wait3A_567 = arith.constant 0 : i32
    %dma_wait3A_568 = tpu.memref_slice %arg4[%dma_wait3A_566, %dma_wait3A_567] : memref<102400x1024xf32, #tpu.memory_space<hbm>> -> memref<102400x1024xf32, #tpu.memory_space<hbm>>
    tpu.wait_indirect_dma semaphore(%arg21 : memref<!tpu.dma_semaphore, #tpu.memory_space<semaphore_mem>>) src(%dma_wait3A_568 : memref<102400x1024xf32, #tpu.memory_space<hbm>>) dst(%arg10 : memref<16x1024xf32, #tpu.memory_space<vmem>>)
    %add3A_569 = arith.constant 336 : i32
    %add3A_570 = arith.addi %mul3A_32, %add3A_569 : i32
    %dma_start3A_571 = arith.constant 0 : i32
    %dma_start3A_572 = tpu.memref_slice %arg5[%add3A_570, %dma_start3A_571] : memref<16384x1024xf32, #tpu.memory_space<hbm>> -> memref<16x1024xf32, #tpu.memory_space<hbm>>
    %dma_start3A_573 = arith.constant 0 : i32
    %dma_start3A_574 = tpu.memref_slice %arg5[%add3A_570, %dma_start3A_573] : memref<16384x1024xf32, #tpu.memory_space<hbm>> -> memref<16x1024xf32, #tpu.memory_space<hbm>>
    tpu.enqueue_dma source(%arg10 : memref<16x1024xf32, #tpu.memory_space<vmem>>) target(%dma_start3A_574 : memref<16x1024xf32, #tpu.memory_space<hbm>>) target_semaphore(%arg27 : memref<!tpu.dma_semaphore, #tpu.memory_space<semaphore_mem>>)
    %dma_wait3A_575 = arith.constant 0 : i32
    %dma_wait3A_576 = tpu.memref_slice %arg5[%add3A_524, %dma_wait3A_575] : memref<16384x1024xf32, #tpu.memory_space<hbm>> -> memref<16x1024xf32, #tpu.memory_space<hbm>>
    %dma_wait3A_577 = arith.constant 0 : i32
    %dma_wait3A_578 = tpu.memref_slice %arg5[%add3A_524, %dma_wait3A_577] : memref<16384x1024xf32, #tpu.memory_space<hbm>> -> memref<16x1024xf32, #tpu.memory_space<hbm>>
    tpu.wait_dma2 semaphore(%arg25 : memref<!tpu.dma_semaphore, #tpu.memory_space<semaphore_mem>>) src(%arg8 : memref<16x1024xf32, #tpu.memory_space<vmem>>) dst(%dma_wait3A_578 : memref<16x1024xf32, #tpu.memory_space<hbm>>)
    %mul3A_579 = arith.constant 512 : i32
    %mul3A_580 = arith.muli %select_n3A_30, %mul3A_579 : i32
    %add3A_581 = arith.constant 400 : i32
    %add3A_582 = arith.addi %mul3A_580, %add3A_581 : i32
    %multiple_of3A_583 = tpu.assume_multiple %add3A_582, 16 : i32
    %dma_start3A_584 = tpu.memref_slice %arg6[%multiple_of3A_583] : memref<4096xi32, #tpu.memory_space<vmem>> -> memref<16xi32, #tpu.memory_space<vmem>>
    %dma_start3A_585 = arith.constant 0 : i32
    %dma_start3A_586 = arith.constant 0 : i32
    %dma_start3A_587 = tpu.memref_slice %arg4[%dma_start3A_585, %dma_start3A_586] : memref<102400x1024xf32, #tpu.memory_space<hbm>> -> memref<102400x1024xf32, #tpu.memory_space<hbm>>
    tpu.enqueue_indirect_dma source(%dma_start3A_587 : memref<102400x1024xf32, #tpu.memory_space<hbm>>) target(%arg8 : memref<16x1024xf32, #tpu.memory_space<vmem>>) offsets(%dma_start3A_584 : memref<16xi32, #tpu.memory_space<vmem>>) semaphore(%arg19 : memref<!tpu.dma_semaphore, #tpu.memory_space<semaphore_mem>>)
    %dma_wait3A_588 = tpu.memref_slice %arg6[%multiple_of3A_514] : memref<4096xi32, #tpu.memory_space<vmem>> -> memref<16xi32, #tpu.memory_space<vmem>>
    %dma_wait3A_589 = arith.constant 0 : i32
    %dma_wait3A_590 = arith.constant 0 : i32
    %dma_wait3A_591 = tpu.memref_slice %arg4[%dma_wait3A_589, %dma_wait3A_590] : memref<102400x1024xf32, #tpu.memory_space<hbm>> -> memref<102400x1024xf32, #tpu.memory_space<hbm>>
    tpu.wait_indirect_dma semaphore(%arg22 : memref<!tpu.dma_semaphore, #tpu.memory_space<semaphore_mem>>) src(%dma_wait3A_591 : memref<102400x1024xf32, #tpu.memory_space<hbm>>) dst(%arg11 : memref<16x1024xf32, #tpu.memory_space<vmem>>)
    %add3A_592 = arith.constant 352 : i32
    %add3A_593 = arith.addi %mul3A_32, %add3A_592 : i32
    %dma_start3A_594 = arith.constant 0 : i32
    %dma_start3A_595 = tpu.memref_slice %arg5[%add3A_593, %dma_start3A_594] : memref<16384x1024xf32, #tpu.memory_space<hbm>> -> memref<16x1024xf32, #tpu.memory_space<hbm>>
    %dma_start3A_596 = arith.constant 0 : i32
    %dma_start3A_597 = tpu.memref_slice %arg5[%add3A_593, %dma_start3A_596] : memref<16384x1024xf32, #tpu.memory_space<hbm>> -> memref<16x1024xf32, #tpu.memory_space<hbm>>
    tpu.enqueue_dma source(%arg11 : memref<16x1024xf32, #tpu.memory_space<vmem>>) target(%dma_start3A_597 : memref<16x1024xf32, #tpu.memory_space<hbm>>) target_semaphore(%arg28 : memref<!tpu.dma_semaphore, #tpu.memory_space<semaphore_mem>>)
    %dma_wait3A_598 = arith.constant 0 : i32
    %dma_wait3A_599 = tpu.memref_slice %arg5[%add3A_547, %dma_wait3A_598] : memref<16384x1024xf32, #tpu.memory_space<hbm>> -> memref<16x1024xf32, #tpu.memory_space<hbm>>
    %dma_wait3A_600 = arith.constant 0 : i32
    %dma_wait3A_601 = tpu.memref_slice %arg5[%add3A_547, %dma_wait3A_600] : memref<16384x1024xf32, #tpu.memory_space<hbm>> -> memref<16x1024xf32, #tpu.memory_space<hbm>>
    tpu.wait_dma2 semaphore(%arg26 : memref<!tpu.dma_semaphore, #tpu.memory_space<semaphore_mem>>) src(%arg9 : memref<16x1024xf32, #tpu.memory_space<vmem>>) dst(%dma_wait3A_601 : memref<16x1024xf32, #tpu.memory_space<hbm>>)
    %mul3A_602 = arith.constant 512 : i32
    %mul3A_603 = arith.muli %select_n3A_30, %mul3A_602 : i32
    %add3A_604 = arith.constant 416 : i32
    %add3A_605 = arith.addi %mul3A_603, %add3A_604 : i32
    %multiple_of3A_606 = tpu.assume_multiple %add3A_605, 16 : i32
    %dma_start3A_607 = tpu.memref_slice %arg6[%multiple_of3A_606] : memref<4096xi32, #tpu.memory_space<vmem>> -> memref<16xi32, #tpu.memory_space<vmem>>
    %dma_start3A_608 = arith.constant 0 : i32
    %dma_start3A_609 = arith.constant 0 : i32
    %dma_start3A_610 = tpu.memref_slice %arg4[%dma_start3A_608, %dma_start3A_609] : memref<102400x1024xf32, #tpu.memory_space<hbm>> -> memref<102400x1024xf32, #tpu.memory_space<hbm>>
    tpu.enqueue_indirect_dma source(%dma_start3A_610 : memref<102400x1024xf32, #tpu.memory_space<hbm>>) target(%arg9 : memref<16x1024xf32, #tpu.memory_space<vmem>>) offsets(%dma_start3A_607 : memref<16xi32, #tpu.memory_space<vmem>>) semaphore(%arg20 : memref<!tpu.dma_semaphore, #tpu.memory_space<semaphore_mem>>)
    %dma_wait3A_611 = tpu.memref_slice %arg6[%multiple_of3A_537] : memref<4096xi32, #tpu.memory_space<vmem>> -> memref<16xi32, #tpu.memory_space<vmem>>
    %dma_wait3A_612 = arith.constant 0 : i32
    %dma_wait3A_613 = arith.constant 0 : i32
    %dma_wait3A_614 = tpu.memref_slice %arg4[%dma_wait3A_612, %dma_wait3A_613] : memref<102400x1024xf32, #tpu.memory_space<hbm>> -> memref<102400x1024xf32, #tpu.memory_space<hbm>>
    tpu.wait_indirect_dma semaphore(%arg23 : memref<!tpu.dma_semaphore, #tpu.memory_space<semaphore_mem>>) src(%dma_wait3A_614 : memref<102400x1024xf32, #tpu.memory_space<hbm>>) dst(%arg12 : memref<16x1024xf32, #tpu.memory_space<vmem>>)
    %add3A_615 = arith.constant 368 : i32
    %add3A_616 = arith.addi %mul3A_32, %add3A_615 : i32
    %dma_start3A_617 = arith.constant 0 : i32
    %dma_start3A_618 = tpu.memref_slice %arg5[%add3A_616, %dma_start3A_617] : memref<16384x1024xf32, #tpu.memory_space<hbm>> -> memref<16x1024xf32, #tpu.memory_space<hbm>>
    %dma_start3A_619 = arith.constant 0 : i32
    %dma_start3A_620 = tpu.memref_slice %arg5[%add3A_616, %dma_start3A_619] : memref<16384x1024xf32, #tpu.memory_space<hbm>> -> memref<16x1024xf32, #tpu.memory_space<hbm>>
    tpu.enqueue_dma source(%arg12 : memref<16x1024xf32, #tpu.memory_space<vmem>>) target(%dma_start3A_620 : memref<16x1024xf32, #tpu.memory_space<hbm>>) target_semaphore(%arg29 : memref<!tpu.dma_semaphore, #tpu.memory_space<semaphore_mem>>)
    %dma_wait3A_621 = arith.constant 0 : i32
    %dma_wait3A_622 = tpu.memref_slice %arg5[%add3A_570, %dma_wait3A_621] : memref<16384x1024xf32, #tpu.memory_space<hbm>> -> memref<16x1024xf32, #tpu.memory_space<hbm>>
    %dma_wait3A_623 = arith.constant 0 : i32
    %dma_wait3A_624 = tpu.memref_slice %arg5[%add3A_570, %dma_wait3A_623] : memref<16384x1024xf32, #tpu.memory_space<hbm>> -> memref<16x1024xf32, #tpu.memory_space<hbm>>
    tpu.wait_dma2 semaphore(%arg27 : memref<!tpu.dma_semaphore, #tpu.memory_space<semaphore_mem>>) src(%arg10 : memref<16x1024xf32, #tpu.memory_space<vmem>>) dst(%dma_wait3A_624 : memref<16x1024xf32, #tpu.memory_space<hbm>>)
    %mul3A_625 = arith.constant 512 : i32
    %mul3A_626 = arith.muli %select_n3A_30, %mul3A_625 : i32
    %add3A_627 = arith.constant 432 : i32
    %add3A_628 = arith.addi %mul3A_626, %add3A_627 : i32
    %multiple_of3A_629 = tpu.assume_multiple %add3A_628, 16 : i32
    %dma_start3A_630 = tpu.memref_slice %arg6[%multiple_of3A_629] : memref<4096xi32, #tpu.memory_space<vmem>> -> memref<16xi32, #tpu.memory_space<vmem>>
    %dma_start3A_631 = arith.constant 0 : i32
    %dma_start3A_632 = arith.constant 0 : i32
    %dma_start3A_633 = tpu.memref_slice %arg4[%dma_start3A_631, %dma_start3A_632] : memref<102400x1024xf32, #tpu.memory_space<hbm>> -> memref<102400x1024xf32, #tpu.memory_space<hbm>>
    tpu.enqueue_indirect_dma source(%dma_start3A_633 : memref<102400x1024xf32, #tpu.memory_space<hbm>>) target(%arg10 : memref<16x1024xf32, #tpu.memory_space<vmem>>) offsets(%dma_start3A_630 : memref<16xi32, #tpu.memory_space<vmem>>) semaphore(%arg21 : memref<!tpu.dma_semaphore, #tpu.memory_space<semaphore_mem>>)
    %dma_wait3A_634 = tpu.memref_slice %arg6[%multiple_of3A_560] : memref<4096xi32, #tpu.memory_space<vmem>> -> memref<16xi32, #tpu.memory_space<vmem>>
    %dma_wait3A_635 = arith.constant 0 : i32
    %dma_wait3A_636 = arith.constant 0 : i32
    %dma_wait3A_637 = tpu.memref_slice %arg4[%dma_wait3A_635, %dma_wait3A_636] : memref<102400x1024xf32, #tpu.memory_space<hbm>> -> memref<102400x1024xf32, #tpu.memory_space<hbm>>
    tpu.wait_indirect_dma semaphore(%arg18 : memref<!tpu.dma_semaphore, #tpu.memory_space<semaphore_mem>>) src(%dma_wait3A_637 : memref<102400x1024xf32, #tpu.memory_space<hbm>>) dst(%arg7 : memref<16x1024xf32, #tpu.memory_space<vmem>>)
    %add3A_638 = arith.constant 384 : i32
    %add3A_639 = arith.addi %mul3A_32, %add3A_638 : i32
    %dma_start3A_640 = arith.constant 0 : i32
    %dma_start3A_641 = tpu.memref_slice %arg5[%add3A_639, %dma_start3A_640] : memref<16384x1024xf32, #tpu.memory_space<hbm>> -> memref<16x1024xf32, #tpu.memory_space<hbm>>
    %dma_start3A_642 = arith.constant 0 : i32
    %dma_start3A_643 = tpu.memref_slice %arg5[%add3A_639, %dma_start3A_642] : memref<16384x1024xf32, #tpu.memory_space<hbm>> -> memref<16x1024xf32, #tpu.memory_space<hbm>>
    tpu.enqueue_dma source(%arg7 : memref<16x1024xf32, #tpu.memory_space<vmem>>) target(%dma_start3A_643 : memref<16x1024xf32, #tpu.memory_space<hbm>>) target_semaphore(%arg24 : memref<!tpu.dma_semaphore, #tpu.memory_space<semaphore_mem>>)
    %dma_wait3A_644 = arith.constant 0 : i32
    %dma_wait3A_645 = tpu.memref_slice %arg5[%add3A_593, %dma_wait3A_644] : memref<16384x1024xf32, #tpu.memory_space<hbm>> -> memref<16x1024xf32, #tpu.memory_space<hbm>>
    %dma_wait3A_646 = arith.constant 0 : i32
    %dma_wait3A_647 = tpu.memref_slice %arg5[%add3A_593, %dma_wait3A_646] : memref<16384x1024xf32, #tpu.memory_space<hbm>> -> memref<16x1024xf32, #tpu.memory_space<hbm>>
    tpu.wait_dma2 semaphore(%arg28 : memref<!tpu.dma_semaphore, #tpu.memory_space<semaphore_mem>>) src(%arg11 : memref<16x1024xf32, #tpu.memory_space<vmem>>) dst(%dma_wait3A_647 : memref<16x1024xf32, #tpu.memory_space<hbm>>)
    %mul3A_648 = arith.constant 512 : i32
    %mul3A_649 = arith.muli %select_n3A_30, %mul3A_648 : i32
    %add3A_650 = arith.constant 448 : i32
    %add3A_651 = arith.addi %mul3A_649, %add3A_650 : i32
    %multiple_of3A_652 = tpu.assume_multiple %add3A_651, 16 : i32
    %dma_start3A_653 = tpu.memref_slice %arg6[%multiple_of3A_652] : memref<4096xi32, #tpu.memory_space<vmem>> -> memref<16xi32, #tpu.memory_space<vmem>>
    %dma_start3A_654 = arith.constant 0 : i32
    %dma_start3A_655 = arith.constant 0 : i32
    %dma_start3A_656 = tpu.memref_slice %arg4[%dma_start3A_654, %dma_start3A_655] : memref<102400x1024xf32, #tpu.memory_space<hbm>> -> memref<102400x1024xf32, #tpu.memory_space<hbm>>
    tpu.enqueue_indirect_dma source(%dma_start3A_656 : memref<102400x1024xf32, #tpu.memory_space<hbm>>) target(%arg11 : memref<16x1024xf32, #tpu.memory_space<vmem>>) offsets(%dma_start3A_653 : memref<16xi32, #tpu.memory_space<vmem>>) semaphore(%arg22 : memref<!tpu.dma_semaphore, #tpu.memory_space<semaphore_mem>>)
    %dma_wait3A_657 = tpu.memref_slice %arg6[%multiple_of3A_583] : memref<4096xi32, #tpu.memory_space<vmem>> -> memref<16xi32, #tpu.memory_space<vmem>>
    %dma_wait3A_658 = arith.constant 0 : i32
    %dma_wait3A_659 = arith.constant 0 : i32
    %dma_wait3A_660 = tpu.memref_slice %arg4[%dma_wait3A_658, %dma_wait3A_659] : memref<102400x1024xf32, #tpu.memory_space<hbm>> -> memref<102400x1024xf32, #tpu.memory_space<hbm>>
    tpu.wait_indirect_dma semaphore(%arg19 : memref<!tpu.dma_semaphore, #tpu.memory_space<semaphore_mem>>) src(%dma_wait3A_660 : memref<102400x1024xf32, #tpu.memory_space<hbm>>) dst(%arg8 : memref<16x1024xf32, #tpu.memory_space<vmem>>)
    %add3A_661 = arith.constant 400 : i32
    %add3A_662 = arith.addi %mul3A_32, %add3A_661 : i32
    %dma_start3A_663 = arith.constant 0 : i32
    %dma_start3A_664 = tpu.memref_slice %arg5[%add3A_662, %dma_start3A_663] : memref<16384x1024xf32, #tpu.memory_space<hbm>> -> memref<16x1024xf32, #tpu.memory_space<hbm>>
    %dma_start3A_665 = arith.constant 0 : i32
    %dma_start3A_666 = tpu.memref_slice %arg5[%add3A_662, %dma_start3A_665] : memref<16384x1024xf32, #tpu.memory_space<hbm>> -> memref<16x1024xf32, #tpu.memory_space<hbm>>
    tpu.enqueue_dma source(%arg8 : memref<16x1024xf32, #tpu.memory_space<vmem>>) target(%dma_start3A_666 : memref<16x1024xf32, #tpu.memory_space<hbm>>) target_semaphore(%arg25 : memref<!tpu.dma_semaphore, #tpu.memory_space<semaphore_mem>>)
    %dma_wait3A_667 = arith.constant 0 : i32
    %dma_wait3A_668 = tpu.memref_slice %arg5[%add3A_616, %dma_wait3A_667] : memref<16384x1024xf32, #tpu.memory_space<hbm>> -> memref<16x1024xf32, #tpu.memory_space<hbm>>
    %dma_wait3A_669 = arith.constant 0 : i32
    %dma_wait3A_670 = tpu.memref_slice %arg5[%add3A_616, %dma_wait3A_669] : memref<16384x1024xf32, #tpu.memory_space<hbm>> -> memref<16x1024xf32, #tpu.memory_space<hbm>>
    tpu.wait_dma2 semaphore(%arg29 : memref<!tpu.dma_semaphore, #tpu.memory_space<semaphore_mem>>) src(%arg12 : memref<16x1024xf32, #tpu.memory_space<vmem>>) dst(%dma_wait3A_670 : memref<16x1024xf32, #tpu.memory_space<hbm>>)
    %mul3A_671 = arith.constant 512 : i32
    %mul3A_672 = arith.muli %select_n3A_30, %mul3A_671 : i32
    %add3A_673 = arith.constant 464 : i32
    %add3A_674 = arith.addi %mul3A_672, %add3A_673 : i32
    %multiple_of3A_675 = tpu.assume_multiple %add3A_674, 16 : i32
    %dma_start3A_676 = tpu.memref_slice %arg6[%multiple_of3A_675] : memref<4096xi32, #tpu.memory_space<vmem>> -> memref<16xi32, #tpu.memory_space<vmem>>
    %dma_start3A_677 = arith.constant 0 : i32
    %dma_start3A_678 = arith.constant 0 : i32
    %dma_start3A_679 = tpu.memref_slice %arg4[%dma_start3A_677, %dma_start3A_678] : memref<102400x1024xf32, #tpu.memory_space<hbm>> -> memref<102400x1024xf32, #tpu.memory_space<hbm>>
    tpu.enqueue_indirect_dma source(%dma_start3A_679 : memref<102400x1024xf32, #tpu.memory_space<hbm>>) target(%arg12 : memref<16x1024xf32, #tpu.memory_space<vmem>>) offsets(%dma_start3A_676 : memref<16xi32, #tpu.memory_space<vmem>>) semaphore(%arg23 : memref<!tpu.dma_semaphore, #tpu.memory_space<semaphore_mem>>)
    %dma_wait3A_680 = tpu.memref_slice %arg6[%multiple_of3A_606] : memref<4096xi32, #tpu.memory_space<vmem>> -> memref<16xi32, #tpu.memory_space<vmem>>
    %dma_wait3A_681 = arith.constant 0 : i32
    %dma_wait3A_682 = arith.constant 0 : i32
    %dma_wait3A_683 = tpu.memref_slice %arg4[%dma_wait3A_681, %dma_wait3A_682] : memref<102400x1024xf32, #tpu.memory_space<hbm>> -> memref<102400x1024xf32, #tpu.memory_space<hbm>>
    tpu.wait_indirect_dma semaphore(%arg20 : memref<!tpu.dma_semaphore, #tpu.memory_space<semaphore_mem>>) src(%dma_wait3A_683 : memref<102400x1024xf32, #tpu.memory_space<hbm>>) dst(%arg9 : memref<16x1024xf32, #tpu.memory_space<vmem>>)
    %add3A_684 = arith.constant 416 : i32
    %add3A_685 = arith.addi %mul3A_32, %add3A_684 : i32
    %dma_start3A_686 = arith.constant 0 : i32
    %dma_start3A_687 = tpu.memref_slice %arg5[%add3A_685, %dma_start3A_686] : memref<16384x1024xf32, #tpu.memory_space<hbm>> -> memref<16x1024xf32, #tpu.memory_space<hbm>>
    %dma_start3A_688 = arith.constant 0 : i32
    %dma_start3A_689 = tpu.memref_slice %arg5[%add3A_685, %dma_start3A_688] : memref<16384x1024xf32, #tpu.memory_space<hbm>> -> memref<16x1024xf32, #tpu.memory_space<hbm>>
    tpu.enqueue_dma source(%arg9 : memref<16x1024xf32, #tpu.memory_space<vmem>>) target(%dma_start3A_689 : memref<16x1024xf32, #tpu.memory_space<hbm>>) target_semaphore(%arg26 : memref<!tpu.dma_semaphore, #tpu.memory_space<semaphore_mem>>)
    %dma_wait3A_690 = arith.constant 0 : i32
    %dma_wait3A_691 = tpu.memref_slice %arg5[%add3A_639, %dma_wait3A_690] : memref<16384x1024xf32, #tpu.memory_space<hbm>> -> memref<16x1024xf32, #tpu.memory_space<hbm>>
    %dma_wait3A_692 = arith.constant 0 : i32
    %dma_wait3A_693 = tpu.memref_slice %arg5[%add3A_639, %dma_wait3A_692] : memref<16384x1024xf32, #tpu.memory_space<hbm>> -> memref<16x1024xf32, #tpu.memory_space<hbm>>
    tpu.wait_dma2 semaphore(%arg24 : memref<!tpu.dma_semaphore, #tpu.memory_space<semaphore_mem>>) src(%arg7 : memref<16x1024xf32, #tpu.memory_space<vmem>>) dst(%dma_wait3A_693 : memref<16x1024xf32, #tpu.memory_space<hbm>>)
    %mul3A_694 = arith.constant 512 : i32
    %mul3A_695 = arith.muli %select_n3A_30, %mul3A_694 : i32
    %add3A_696 = arith.constant 480 : i32
    %add3A_697 = arith.addi %mul3A_695, %add3A_696 : i32
    %multiple_of3A_698 = tpu.assume_multiple %add3A_697, 16 : i32
    %dma_start3A_699 = tpu.memref_slice %arg6[%multiple_of3A_698] : memref<4096xi32, #tpu.memory_space<vmem>> -> memref<16xi32, #tpu.memory_space<vmem>>
    %dma_start3A_700 = arith.constant 0 : i32
    %dma_start3A_701 = arith.constant 0 : i32
    %dma_start3A_702 = tpu.memref_slice %arg4[%dma_start3A_700, %dma_start3A_701] : memref<102400x1024xf32, #tpu.memory_space<hbm>> -> memref<102400x1024xf32, #tpu.memory_space<hbm>>
    tpu.enqueue_indirect_dma source(%dma_start3A_702 : memref<102400x1024xf32, #tpu.memory_space<hbm>>) target(%arg7 : memref<16x1024xf32, #tpu.memory_space<vmem>>) offsets(%dma_start3A_699 : memref<16xi32, #tpu.memory_space<vmem>>) semaphore(%arg18 : memref<!tpu.dma_semaphore, #tpu.memory_space<semaphore_mem>>)
    %dma_wait3A_703 = tpu.memref_slice %arg6[%multiple_of3A_629] : memref<4096xi32, #tpu.memory_space<vmem>> -> memref<16xi32, #tpu.memory_space<vmem>>
    %dma_wait3A_704 = arith.constant 0 : i32
    %dma_wait3A_705 = arith.constant 0 : i32
    %dma_wait3A_706 = tpu.memref_slice %arg4[%dma_wait3A_704, %dma_wait3A_705] : memref<102400x1024xf32, #tpu.memory_space<hbm>> -> memref<102400x1024xf32, #tpu.memory_space<hbm>>
    tpu.wait_indirect_dma semaphore(%arg21 : memref<!tpu.dma_semaphore, #tpu.memory_space<semaphore_mem>>) src(%dma_wait3A_706 : memref<102400x1024xf32, #tpu.memory_space<hbm>>) dst(%arg10 : memref<16x1024xf32, #tpu.memory_space<vmem>>)
    %add3A_707 = arith.constant 432 : i32
    %add3A_708 = arith.addi %mul3A_32, %add3A_707 : i32
    %dma_start3A_709 = arith.constant 0 : i32
    %dma_start3A_710 = tpu.memref_slice %arg5[%add3A_708, %dma_start3A_709] : memref<16384x1024xf32, #tpu.memory_space<hbm>> -> memref<16x1024xf32, #tpu.memory_space<hbm>>
    %dma_start3A_711 = arith.constant 0 : i32
    %dma_start3A_712 = tpu.memref_slice %arg5[%add3A_708, %dma_start3A_711] : memref<16384x1024xf32, #tpu.memory_space<hbm>> -> memref<16x1024xf32, #tpu.memory_space<hbm>>
    tpu.enqueue_dma source(%arg10 : memref<16x1024xf32, #tpu.memory_space<vmem>>) target(%dma_start3A_712 : memref<16x1024xf32, #tpu.memory_space<hbm>>) target_semaphore(%arg27 : memref<!tpu.dma_semaphore, #tpu.memory_space<semaphore_mem>>)
    %dma_wait3A_713 = arith.constant 0 : i32
    %dma_wait3A_714 = tpu.memref_slice %arg5[%add3A_662, %dma_wait3A_713] : memref<16384x1024xf32, #tpu.memory_space<hbm>> -> memref<16x1024xf32, #tpu.memory_space<hbm>>
    %dma_wait3A_715 = arith.constant 0 : i32
    %dma_wait3A_716 = tpu.memref_slice %arg5[%add3A_662, %dma_wait3A_715] : memref<16384x1024xf32, #tpu.memory_space<hbm>> -> memref<16x1024xf32, #tpu.memory_space<hbm>>
    tpu.wait_dma2 semaphore(%arg25 : memref<!tpu.dma_semaphore, #tpu.memory_space<semaphore_mem>>) src(%arg8 : memref<16x1024xf32, #tpu.memory_space<vmem>>) dst(%dma_wait3A_716 : memref<16x1024xf32, #tpu.memory_space<hbm>>)
    %mul3A_717 = arith.constant 512 : i32
    %mul3A_718 = arith.muli %select_n3A_30, %mul3A_717 : i32
    %add3A_719 = arith.constant 496 : i32
    %add3A_720 = arith.addi %mul3A_718, %add3A_719 : i32
    %multiple_of3A_721 = tpu.assume_multiple %add3A_720, 16 : i32
    %dma_start3A_722 = tpu.memref_slice %arg6[%multiple_of3A_721] : memref<4096xi32, #tpu.memory_space<vmem>> -> memref<16xi32, #tpu.memory_space<vmem>>
    %dma_start3A_723 = arith.constant 0 : i32
    %dma_start3A_724 = arith.constant 0 : i32
    %dma_start3A_725 = tpu.memref_slice %arg4[%dma_start3A_723, %dma_start3A_724] : memref<102400x1024xf32, #tpu.memory_space<hbm>> -> memref<102400x1024xf32, #tpu.memory_space<hbm>>
    tpu.enqueue_indirect_dma source(%dma_start3A_725 : memref<102400x1024xf32, #tpu.memory_space<hbm>>) target(%arg8 : memref<16x1024xf32, #tpu.memory_space<vmem>>) offsets(%dma_start3A_722 : memref<16xi32, #tpu.memory_space<vmem>>) semaphore(%arg19 : memref<!tpu.dma_semaphore, #tpu.memory_space<semaphore_mem>>)
    %dma_wait3A_726 = tpu.memref_slice %arg6[%multiple_of3A_652] : memref<4096xi32, #tpu.memory_space<vmem>> -> memref<16xi32, #tpu.memory_space<vmem>>
    %dma_wait3A_727 = arith.constant 0 : i32
    %dma_wait3A_728 = arith.constant 0 : i32
    %dma_wait3A_729 = tpu.memref_slice %arg4[%dma_wait3A_727, %dma_wait3A_728] : memref<102400x1024xf32, #tpu.memory_space<hbm>> -> memref<102400x1024xf32, #tpu.memory_space<hbm>>
    tpu.wait_indirect_dma semaphore(%arg22 : memref<!tpu.dma_semaphore, #tpu.memory_space<semaphore_mem>>) src(%dma_wait3A_729 : memref<102400x1024xf32, #tpu.memory_space<hbm>>) dst(%arg11 : memref<16x1024xf32, #tpu.memory_space<vmem>>)
    %add3A_730 = arith.constant 448 : i32
    %add3A_731 = arith.addi %mul3A_32, %add3A_730 : i32
    %dma_start3A_732 = arith.constant 0 : i32
    %dma_start3A_733 = tpu.memref_slice %arg5[%add3A_731, %dma_start3A_732] : memref<16384x1024xf32, #tpu.memory_space<hbm>> -> memref<16x1024xf32, #tpu.memory_space<hbm>>
    %dma_start3A_734 = arith.constant 0 : i32
    %dma_start3A_735 = tpu.memref_slice %arg5[%add3A_731, %dma_start3A_734] : memref<16384x1024xf32, #tpu.memory_space<hbm>> -> memref<16x1024xf32, #tpu.memory_space<hbm>>
    tpu.enqueue_dma source(%arg11 : memref<16x1024xf32, #tpu.memory_space<vmem>>) target(%dma_start3A_735 : memref<16x1024xf32, #tpu.memory_space<hbm>>) target_semaphore(%arg28 : memref<!tpu.dma_semaphore, #tpu.memory_space<semaphore_mem>>)
    %dma_wait3A_736 = tpu.memref_slice %arg6[%multiple_of3A_675] : memref<4096xi32, #tpu.memory_space<vmem>> -> memref<16xi32, #tpu.memory_space<vmem>>
    %dma_wait3A_737 = arith.constant 0 : i32
    %dma_wait3A_738 = arith.constant 0 : i32
    %dma_wait3A_739 = tpu.memref_slice %arg4[%dma_wait3A_737, %dma_wait3A_738] : memref<102400x1024xf32, #tpu.memory_space<hbm>> -> memref<102400x1024xf32, #tpu.memory_space<hbm>>
    tpu.wait_indirect_dma semaphore(%arg23 : memref<!tpu.dma_semaphore, #tpu.memory_space<semaphore_mem>>) src(%dma_wait3A_739 : memref<102400x1024xf32, #tpu.memory_space<hbm>>) dst(%arg12 : memref<16x1024xf32, #tpu.memory_space<vmem>>)
    %add3A_740 = arith.constant 464 : i32
    %add3A_741 = arith.addi %mul3A_32, %add3A_740 : i32
    %dma_start3A_742 = arith.constant 0 : i32
    %dma_start3A_743 = tpu.memref_slice %arg5[%add3A_741, %dma_start3A_742] : memref<16384x1024xf32, #tpu.memory_space<hbm>> -> memref<16x1024xf32, #tpu.memory_space<hbm>>
    %dma_start3A_744 = arith.constant 0 : i32
    %dma_start3A_745 = tpu.memref_slice %arg5[%add3A_741, %dma_start3A_744] : memref<16384x1024xf32, #tpu.memory_space<hbm>> -> memref<16x1024xf32, #tpu.memory_space<hbm>>
    tpu.enqueue_dma source(%arg12 : memref<16x1024xf32, #tpu.memory_space<vmem>>) target(%dma_start3A_745 : memref<16x1024xf32, #tpu.memory_space<hbm>>) target_semaphore(%arg29 : memref<!tpu.dma_semaphore, #tpu.memory_space<semaphore_mem>>)
    %dma_wait3A_746 = tpu.memref_slice %arg6[%multiple_of3A_698] : memref<4096xi32, #tpu.memory_space<vmem>> -> memref<16xi32, #tpu.memory_space<vmem>>
    %dma_wait3A_747 = arith.constant 0 : i32
    %dma_wait3A_748 = arith.constant 0 : i32
    %dma_wait3A_749 = tpu.memref_slice %arg4[%dma_wait3A_747, %dma_wait3A_748] : memref<102400x1024xf32, #tpu.memory_space<hbm>> -> memref<102400x1024xf32, #tpu.memory_space<hbm>>
    tpu.wait_indirect_dma semaphore(%arg18 : memref<!tpu.dma_semaphore, #tpu.memory_space<semaphore_mem>>) src(%dma_wait3A_749 : memref<102400x1024xf32, #tpu.memory_space<hbm>>) dst(%arg7 : memref<16x1024xf32, #tpu.memory_space<vmem>>)
    %add3A_750 = arith.constant 480 : i32
    %add3A_751 = arith.addi %mul3A_32, %add3A_750 : i32
    %dma_start3A_752 = arith.constant 0 : i32
    %dma_start3A_753 = tpu.memref_slice %arg5[%add3A_751, %dma_start3A_752] : memref<16384x1024xf32, #tpu.memory_space<hbm>> -> memref<16x1024xf32, #tpu.memory_space<hbm>>
    %dma_start3A_754 = arith.constant 0 : i32
    %dma_start3A_755 = tpu.memref_slice %arg5[%add3A_751, %dma_start3A_754] : memref<16384x1024xf32, #tpu.memory_space<hbm>> -> memref<16x1024xf32, #tpu.memory_space<hbm>>
    tpu.enqueue_dma source(%arg7 : memref<16x1024xf32, #tpu.memory_space<vmem>>) target(%dma_start3A_755 : memref<16x1024xf32, #tpu.memory_space<hbm>>) target_semaphore(%arg24 : memref<!tpu.dma_semaphore, #tpu.memory_space<semaphore_mem>>)
    %dma_wait3A_756 = tpu.memref_slice %arg6[%multiple_of3A_721] : memref<4096xi32, #tpu.memory_space<vmem>> -> memref<16xi32, #tpu.memory_space<vmem>>
    %dma_wait3A_757 = arith.constant 0 : i32
    %dma_wait3A_758 = arith.constant 0 : i32
    %dma_wait3A_759 = tpu.memref_slice %arg4[%dma_wait3A_757, %dma_wait3A_758] : memref<102400x1024xf32, #tpu.memory_space<hbm>> -> memref<102400x1024xf32, #tpu.memory_space<hbm>>
    tpu.wait_indirect_dma semaphore(%arg19 : memref<!tpu.dma_semaphore, #tpu.memory_space<semaphore_mem>>) src(%dma_wait3A_759 : memref<102400x1024xf32, #tpu.memory_space<hbm>>) dst(%arg8 : memref<16x1024xf32, #tpu.memory_space<vmem>>)
    %add3A_760 = arith.constant 496 : i32
    %add3A_761 = arith.addi %mul3A_32, %add3A_760 : i32
    %dma_start3A_762 = arith.constant 0 : i32
    %dma_start3A_763 = tpu.memref_slice %arg5[%add3A_761, %dma_start3A_762] : memref<16384x1024xf32, #tpu.memory_space<hbm>> -> memref<16x1024xf32, #tpu.memory_space<hbm>>
    %dma_start3A_764 = arith.constant 0 : i32
    %dma_start3A_765 = tpu.memref_slice %arg5[%add3A_761, %dma_start3A_764] : memref<16384x1024xf32, #tpu.memory_space<hbm>> -> memref<16x1024xf32, #tpu.memory_space<hbm>>
    tpu.enqueue_dma source(%arg8 : memref<16x1024xf32, #tpu.memory_space<vmem>>) target(%dma_start3A_765 : memref<16x1024xf32, #tpu.memory_space<hbm>>) target_semaphore(%arg25 : memref<!tpu.dma_semaphore, #tpu.memory_space<semaphore_mem>>)
    %dma_wait3A_766 = arith.constant 0 : i32
    %dma_wait3A_767 = tpu.memref_slice %arg5[%add3A_685, %dma_wait3A_766] : memref<16384x1024xf32, #tpu.memory_space<hbm>> -> memref<16x1024xf32, #tpu.memory_space<hbm>>
    %dma_wait3A_768 = arith.constant 0 : i32
    %dma_wait3A_769 = tpu.memref_slice %arg5[%add3A_685, %dma_wait3A_768] : memref<16384x1024xf32, #tpu.memory_space<hbm>> -> memref<16x1024xf32, #tpu.memory_space<hbm>>
    tpu.wait_dma2 semaphore(%arg26 : memref<!tpu.dma_semaphore, #tpu.memory_space<semaphore_mem>>) src(%arg9 : memref<16x1024xf32, #tpu.memory_space<vmem>>) dst(%dma_wait3A_769 : memref<16x1024xf32, #tpu.memory_space<hbm>>)
    %dma_wait3A_770 = arith.constant 0 : i32
    %dma_wait3A_771 = tpu.memref_slice %arg5[%add3A_708, %dma_wait3A_770] : memref<16384x1024xf32, #tpu.memory_space<hbm>> -> memref<16x1024xf32, #tpu.memory_space<hbm>>
    %dma_wait3A_772 = arith.constant 0 : i32
    %dma_wait3A_773 = tpu.memref_slice %arg5[%add3A_708, %dma_wait3A_772] : memref<16384x1024xf32, #tpu.memory_space<hbm>> -> memref<16x1024xf32, #tpu.memory_space<hbm>>
    tpu.wait_dma2 semaphore(%arg27 : memref<!tpu.dma_semaphore, #tpu.memory_space<semaphore_mem>>) src(%arg10 : memref<16x1024xf32, #tpu.memory_space<vmem>>) dst(%dma_wait3A_773 : memref<16x1024xf32, #tpu.memory_space<hbm>>)
    %dma_wait3A_774 = arith.constant 0 : i32
    %dma_wait3A_775 = tpu.memref_slice %arg5[%add3A_731, %dma_wait3A_774] : memref<16384x1024xf32, #tpu.memory_space<hbm>> -> memref<16x1024xf32, #tpu.memory_space<hbm>>
    %dma_wait3A_776 = arith.constant 0 : i32
    %dma_wait3A_777 = tpu.memref_slice %arg5[%add3A_731, %dma_wait3A_776] : memref<16384x1024xf32, #tpu.memory_space<hbm>> -> memref<16x1024xf32, #tpu.memory_space<hbm>>
    tpu.wait_dma2 semaphore(%arg28 : memref<!tpu.dma_semaphore, #tpu.memory_space<semaphore_mem>>) src(%arg11 : memref<16x1024xf32, #tpu.memory_space<vmem>>) dst(%dma_wait3A_777 : memref<16x1024xf32, #tpu.memory_space<hbm>>)
    %dma_wait3A_778 = arith.constant 0 : i32
    %dma_wait3A_779 = tpu.memref_slice %arg5[%add3A_741, %dma_wait3A_778] : memref<16384x1024xf32, #tpu.memory_space<hbm>> -> memref<16x1024xf32, #tpu.memory_space<hbm>>
    %dma_wait3A_780 = arith.constant 0 : i32
    %dma_wait3A_781 = tpu.memref_slice %arg5[%add3A_741, %dma_wait3A_780] : memref<16384x1024xf32, #tpu.memory_space<hbm>> -> memref<16x1024xf32, #tpu.memory_space<hbm>>
    tpu.wait_dma2 semaphore(%arg29 : memref<!tpu.dma_semaphore, #tpu.memory_space<semaphore_mem>>) src(%arg12 : memref<16x1024xf32, #tpu.memory_space<vmem>>) dst(%dma_wait3A_781 : memref<16x1024xf32, #tpu.memory_space<hbm>>)
    %dma_wait3A_782 = arith.constant 0 : i32
    %dma_wait3A_783 = tpu.memref_slice %arg5[%add3A_751, %dma_wait3A_782] : memref<16384x1024xf32, #tpu.memory_space<hbm>> -> memref<16x1024xf32, #tpu.memory_space<hbm>>
    %dma_wait3A_784 = arith.constant 0 : i32
    %dma_wait3A_785 = tpu.memref_slice %arg5[%add3A_751, %dma_wait3A_784] : memref<16384x1024xf32, #tpu.memory_space<hbm>> -> memref<16x1024xf32, #tpu.memory_space<hbm>>
    tpu.wait_dma2 semaphore(%arg24 : memref<!tpu.dma_semaphore, #tpu.memory_space<semaphore_mem>>) src(%arg7 : memref<16x1024xf32, #tpu.memory_space<vmem>>) dst(%dma_wait3A_785 : memref<16x1024xf32, #tpu.memory_space<hbm>>)
    %dma_wait3A_786 = arith.constant 0 : i32
    %dma_wait3A_787 = tpu.memref_slice %arg5[%add3A_761, %dma_wait3A_786] : memref<16384x1024xf32, #tpu.memory_space<hbm>> -> memref<16x1024xf32, #tpu.memory_space<hbm>>
    %dma_wait3A_788 = arith.constant 0 : i32
    %dma_wait3A_789 = tpu.memref_slice %arg5[%add3A_761, %dma_wait3A_788] : memref<16384x1024xf32, #tpu.memory_space<hbm>> -> memref<16x1024xf32, #tpu.memory_space<hbm>>
    tpu.wait_dma2 semaphore(%arg25 : memref<!tpu.dma_semaphore, #tpu.memory_space<semaphore_mem>>) src(%arg8 : memref<16x1024xf32, #tpu.memory_space<vmem>>) dst(%dma_wait3A_789 : memref<16x1024xf32, #tpu.memory_space<hbm>>)
    %scan3A_790 = arith.constant 0 : i32
    %scan3A_791 = arith.constant 0 : i32
    %scan3A_792 = arith.constant 32 : i32
    %scan3A_793 = arith.addi %scan3A_791, %scan3A_792 : i32
    %scan3A_794 = arith.constant 1 : i32
    scf.for %scan3A_796 = %scan3A_791 to %scan3A_793 step %scan3A_794  : i32 {
      %shift_right_arithmetic3A = arith.shrsi %scan3A_80#1, %scan3A_796 : i32
      %and3A_797 = arith.constant 1 : i32
      %and3A_798 = arith.andi %shift_right_arithmetic3A, %and3A_797 : i32
      %ne3A_799 = arith.constant 0 : i32
      %ne3A_800 = arith.cmpi ne, %and3A_798, %ne3A_799 : i32
      %convert_element_type3A = arith.extui %ne3A_800 : i1 to i32
      %cond3A = arith.constant 0 : i32
      %cond3A_801 = arith.cmpi ne, %convert_element_type3A, %cond3A : i32
      scf.if %cond3A_801 {
        %mul3A_802 = arith.constant 16 : i32
        %mul3A_803 = arith.muli %scan3A_796, %mul3A_802 : i32
        %multiple_of3A_804 = tpu.assume_multiple %mul3A_803, 16 : i32
        %get3A = arith.index_cast %multiple_of3A_804 : i32 to index
        %get3A_805 = tpu.vector_load %arg14[%get3A] {strides = array<i32>} : memref<512xi32, #tpu.memory_space<vmem>>, vector<16xi32>,
        %min3A = arith.constant 1023 : i32
        %min3A_806 = vector.broadcast %min3A : i32 to vector<16xi32>
        %min3A_807 = arith.minsi %get3A_805, %min3A_806 : vector<16xi32>
        %swap3A = arith.constant 0 : index
        %swap3A_808 = tpu.vector_load %arg17[%swap3A] {strides = array<i32>} : memref<16xi32, #tpu.memory_space<vmem>>, vector<16xi32>,
        tpu.vector_store %arg17[%swap3A], %min3A_807 {strides = array<i32>} : memref<16xi32, #tpu.memory_space<vmem>>, vector<16xi32>,
        %eq3A_809 = arith.constant 1024 : i32
        %eq3A_810 = vector.broadcast %eq3A_809 : i32 to vector<16xi32>
        %eq3A_811 = arith.cmpi eq, %get3A_805, %eq3A_810 : vector<16xi32>
        %shift_left3A = arith.constant 1 : i32
        %shift_left3A_812 = vector.broadcast %shift_left3A : i32 to vector<16xi32>
        %shift_left3A_813 = arith.shli %shift_left3A_812, %iota3A : vector<16xi32>
        %jit3A_814 = arith.constant 0 : i32
        %broadcast_in_dim3A_815 = vector.broadcast %jit3A_814 : i32 to vector<16xi32>
        %select_n3A_816 = arith.select %eq3A_811, %shift_left3A_813, %broadcast_in_dim3A_815 : vector<16xi1>, vector<16xi32>
        %reduce_sum3A = arith.constant true
        %reduce_sum3A_817 = vector.broadcast %reduce_sum3A : i1 to vector<16xi1>
        %reduce_sum3A_818 = tpu.scan <sum>, %select_n3A_816 masked %reduce_sum3A_817 : vector<16xi32>, vector<16xi1> -> vector<16xi32>
        %reduce_sum3A_819 = vector.extract %reduce_sum3A_818[15] : i32 from vector<16xi32>
        %gt3A = arith.constant 1024 : i32
        %gt3A_820 = vector.broadcast %gt3A : i32 to vector<16xi32>
        %gt3A_821 = arith.cmpi sgt, %get3A_805, %gt3A_820 : vector<16xi32>
        %shift_left3A_822 = arith.constant 1 : i32
        %shift_left3A_823 = vector.broadcast %shift_left3A_822 : i32 to vector<16xi32>
        %shift_left3A_824 = arith.shli %shift_left3A_823, %iota3A : vector<16xi32>
        %jit3A_825 = arith.constant 0 : i32
        %broadcast_in_dim3A_826 = vector.broadcast %jit3A_825 : i32 to vector<16xi32>
        %select_n3A_827 = arith.select %gt3A_821, %shift_left3A_824, %broadcast_in_dim3A_826 : vector<16xi1>, vector<16xi32>
        %reduce_sum3A_828 = arith.constant true
        %reduce_sum3A_829 = vector.broadcast %reduce_sum3A_828 : i1 to vector<16xi1>
        %reduce_sum3A_830 = tpu.scan <sum>, %select_n3A_827 masked %reduce_sum3A_829 : vector<16xi32>, vector<16xi1> -> vector<16xi32>
        %reduce_sum3A_831 = vector.extract %reduce_sum3A_830[15] : i32 from vector<16xi32>
        %get3A_832 = arith.index_cast %multiple_of3A_804 : i32 to index
        %get3A_833 = tpu.vector_load %arg15[%get3A_832] {strides = array<i32>} : memref<512xi32, #tpu.memory_space<vmem>>, vector<16xi32>,
        %swap3A_834 = arith.constant 0 : index
        %swap3A_835 = tpu.vector_load %arg16[%swap3A_834] {strides = array<i32>} : memref<16xi32, #tpu.memory_space<vmem>>, vector<16xi32>,
        tpu.vector_store %arg16[%swap3A_834], %get3A_833 {strides = array<i32>} : memref<16xi32, #tpu.memory_space<vmem>>, vector<16xi32>,
        %dma_start3A_836 = arith.constant 0 : i32
        %dma_start3A_837 = arith.constant 0 : i32
        %dma_start3A_838 = tpu.memref_slice %arg3[%dma_start3A_836, %dma_start3A_837] : memref<1024x1024xf32, #tpu.memory_space<hbm>> -> memref<1024x1024xf32, #tpu.memory_space<hbm>>
        tpu.enqueue_indirect_dma source(%dma_start3A_838 : memref<1024x1024xf32, #tpu.memory_space<hbm>>) target(%arg13 : memref<16x1024xf32, #tpu.memory_space<vmem>>) offsets(%arg17 : memref<16xi32, #tpu.memory_space<vmem>>) semaphore(%arg30 : memref<!tpu.dma_semaphore, #tpu.memory_space<semaphore_mem>>)
        %dma_wait3A_839 = arith.constant 0 : i32
        %dma_wait3A_840 = arith.constant 0 : i32
        %dma_wait3A_841 = tpu.memref_slice %arg3[%dma_wait3A_839, %dma_wait3A_840] : memref<1024x1024xf32, #tpu.memory_space<hbm>> -> memref<1024x1024xf32, #tpu.memory_space<hbm>>
        tpu.wait_indirect_dma semaphore(%arg30 : memref<!tpu.dma_semaphore, #tpu.memory_space<semaphore_mem>>) src(%dma_wait3A_841 : memref<1024x1024xf32, #tpu.memory_space<hbm>>) dst(%arg13 : memref<16x1024xf32, #tpu.memory_space<vmem>>)
        %or3A = arith.ori %reduce_sum3A_819, %reduce_sum3A_831 : i32
        %ne3A_842 = arith.constant 0 : i32
        %ne3A_843 = arith.cmpi ne, %or3A, %ne3A_842 : i32
        %convert_element_type3A_844 = arith.extui %ne3A_843 : i1 to i32
        %cond3A_845 = arith.constant 0 : i32
        %cond3A_846 = arith.cmpi ne, %convert_element_type3A_844, %cond3A_845 : i32
        scf.if %cond3A_846 {
          %scan3A_853 = arith.constant 0 : i32
          %scan3A_854 = arith.constant 0 : i32
          %scan3A_855 = arith.constant 16 : i32
          %scan3A_856 = arith.addi %scan3A_854, %scan3A_855 : i32
          %scan3A_857 = arith.constant 1 : i32
          scf.for %scan3A_859 = %scan3A_854 to %scan3A_856 step %scan3A_857  : i32 {
            %shift_right_arithmetic3A_860 = arith.shrsi %reduce_sum3A_819, %scan3A_859 : i32
            %and3A_861 = arith.constant 1 : i32
            %and3A_862 = arith.andi %shift_right_arithmetic3A_860, %and3A_861 : i32
            %ne3A_863 = arith.constant 0 : i32
            %ne3A_864 = arith.cmpi ne, %and3A_862, %ne3A_863 : i32
            %convert_element_type3A_865 = arith.extui %ne3A_864 : i1 to i32
            %cond3A_866 = arith.constant 0 : i32
            %cond3A_867 = arith.cmpi ne, %convert_element_type3A_865, %cond3A_866 : i32
            scf.if %cond3A_867 {
              %swap3A_876 = arith.index_cast %scan3A_859 : i32 to index
              %swap3A_877 = arith.constant 0 : index
              %swap3A_878 = tpu.vector_load %arg13[%swap3A_876, %swap3A_877] {strides = array<i32>} : memref<16x1024xf32, #tpu.memory_space<vmem>>, vector<16xf32>,
              tpu.vector_store %arg13[%swap3A_876, %swap3A_877], %broadcast_in_dim3A_33 {strides = array<i32>} : memref<16x1024xf32, #tpu.memory_space<vmem>>, vector<16xf32>,
              %swap3A_879 = arith.index_cast %scan3A_859 : i32 to index
              %swap3A_880 = arith.constant 16 : index
              %swap3A_881 = tpu.vector_load %arg13[%swap3A_879, %swap3A_880] {strides = array<i32>} : memref<16x1024xf32, #tpu.memory_space<vmem>>, vector<16xf32>,
              tpu.vector_store %arg13[%swap3A_879, %swap3A_880], %broadcast_in_dim3A_33 {strides = array<i32>} : memref<16x1024xf32, #tpu.memory_space<vmem>>, vector<16xf32>,
              %swap3A_882 = arith.index_cast %scan3A_859 : i32 to index
              %swap3A_883 = arith.constant 32 : index
              %swap3A_884 = tpu.vector_load %arg13[%swap3A_882, %swap3A_883] {strides = array<i32>} : memref<16x1024xf32, #tpu.memory_space<vmem>>, vector<16xf32>,
              tpu.vector_store %arg13[%swap3A_882, %swap3A_883], %broadcast_in_dim3A_33 {strides = array<i32>} : memref<16x1024xf32, #tpu.memory_space<vmem>>, vector<16xf32>,
              %swap3A_885 = arith.index_cast %scan3A_859 : i32 to index
              %swap3A_886 = arith.constant 48 : index
              %swap3A_887 = tpu.vector_load %arg13[%swap3A_885, %swap3A_886] {strides = array<i32>} : memref<16x1024xf32, #tpu.memory_space<vmem>>, vector<16xf32>,
              tpu.vector_store %arg13[%swap3A_885, %swap3A_886], %broadcast_in_dim3A_33 {strides = array<i32>} : memref<16x1024xf32, #tpu.memory_space<vmem>>, vector<16xf32>,
              %swap3A_888 = arith.index_cast %scan3A_859 : i32 to index
              %swap3A_889 = arith.constant 64 : index
              %swap3A_890 = tpu.vector_load %arg13[%swap3A_888, %swap3A_889] {strides = array<i32>} : memref<16x1024xf32, #tpu.memory_space<vmem>>, vector<16xf32>,
              tpu.vector_store %arg13[%swap3A_888, %swap3A_889], %broadcast_in_dim3A_33 {strides = array<i32>} : memref<16x1024xf32, #tpu.memory_space<vmem>>, vector<16xf32>,
              %swap3A_891 = arith.index_cast %scan3A_859 : i32 to index
              %swap3A_892 = arith.constant 80 : index
              %swap3A_893 = tpu.vector_load %arg13[%swap3A_891, %swap3A_892] {strides = array<i32>} : memref<16x1024xf32, #tpu.memory_space<vmem>>, vector<16xf32>,
              tpu.vector_store %arg13[%swap3A_891, %swap3A_892], %broadcast_in_dim3A_33 {strides = array<i32>} : memref<16x1024xf32, #tpu.memory_space<vmem>>, vector<16xf32>,
              %swap3A_894 = arith.index_cast %scan3A_859 : i32 to index
              %swap3A_895 = arith.constant 96 : index
              %swap3A_896 = tpu.vector_load %arg13[%swap3A_894, %swap3A_895] {strides = array<i32>} : memref<16x1024xf32, #tpu.memory_space<vmem>>, vector<16xf32>,
              tpu.vector_store %arg13[%swap3A_894, %swap3A_895], %broadcast_in_dim3A_33 {strides = array<i32>} : memref<16x1024xf32, #tpu.memory_space<vmem>>, vector<16xf32>,
              %swap3A_897 = arith.index_cast %scan3A_859 : i32 to index
              %swap3A_898 = arith.constant 112 : index
              %swap3A_899 = tpu.vector_load %arg13[%swap3A_897, %swap3A_898] {strides = array<i32>} : memref<16x1024xf32, #tpu.memory_space<vmem>>, vector<16xf32>,
              tpu.vector_store %arg13[%swap3A_897, %swap3A_898], %broadcast_in_dim3A_33 {strides = array<i32>} : memref<16x1024xf32, #tpu.memory_space<vmem>>, vector<16xf32>,
              %swap3A_900 = arith.index_cast %scan3A_859 : i32 to index
              %swap3A_901 = arith.constant 128 : index
              %swap3A_902 = tpu.vector_load %arg13[%swap3A_900, %swap3A_901] {strides = array<i32>} : memref<16x1024xf32, #tpu.memory_space<vmem>>, vector<16xf32>,
              tpu.vector_store %arg13[%swap3A_900, %swap3A_901], %broadcast_in_dim3A_33 {strides = array<i32>} : memref<16x1024xf32, #tpu.memory_space<vmem>>, vector<16xf32>,
              %swap3A_903 = arith.index_cast %scan3A_859 : i32 to index
              %swap3A_904 = arith.constant 144 : index
              %swap3A_905 = tpu.vector_load %arg13[%swap3A_903, %swap3A_904] {strides = array<i32>} : memref<16x1024xf32, #tpu.memory_space<vmem>>, vector<16xf32>,
              tpu.vector_store %arg13[%swap3A_903, %swap3A_904], %broadcast_in_dim3A_33 {strides = array<i32>} : memref<16x1024xf32, #tpu.memory_space<vmem>>, vector<16xf32>,
              %swap3A_906 = arith.index_cast %scan3A_859 : i32 to index
              %swap3A_907 = arith.constant 160 : index
              %swap3A_908 = tpu.vector_load %arg13[%swap3A_906, %swap3A_907] {strides = array<i32>} : memref<16x1024xf32, #tpu.memory_space<vmem>>, vector<16xf32>,
              tpu.vector_store %arg13[%swap3A_906, %swap3A_907], %broadcast_in_dim3A_33 {strides = array<i32>} : memref<16x1024xf32, #tpu.memory_space<vmem>>, vector<16xf32>,
              %swap3A_909 = arith.index_cast %scan3A_859 : i32 to index
              %swap3A_910 = arith.constant 176 : index
              %swap3A_911 = tpu.vector_load %arg13[%swap3A_909, %swap3A_910] {strides = array<i32>} : memref<16x1024xf32, #tpu.memory_space<vmem>>, vector<16xf32>,
              tpu.vector_store %arg13[%swap3A_909, %swap3A_910], %broadcast_in_dim3A_33 {strides = array<i32>} : memref<16x1024xf32, #tpu.memory_space<vmem>>, vector<16xf32>,
              %swap3A_912 = arith.index_cast %scan3A_859 : i32 to index
              %swap3A_913 = arith.constant 192 : index
              %swap3A_914 = tpu.vector_load %arg13[%swap3A_912, %swap3A_913] {strides = array<i32>} : memref<16x1024xf32, #tpu.memory_space<vmem>>, vector<16xf32>,
              tpu.vector_store %arg13[%swap3A_912, %swap3A_913], %broadcast_in_dim3A_33 {strides = array<i32>} : memref<16x1024xf32, #tpu.memory_space<vmem>>, vector<16xf32>,
              %swap3A_915 = arith.index_cast %scan3A_859 : i32 to index
              %swap3A_916 = arith.constant 208 : index
              %swap3A_917 = tpu.vector_load %arg13[%swap3A_915, %swap3A_916] {strides = array<i32>} : memref<16x1024xf32, #tpu.memory_space<vmem>>, vector<16xf32>,
              tpu.vector_store %arg13[%swap3A_915, %swap3A_916], %broadcast_in_dim3A_33 {strides = array<i32>} : memref<16x1024xf32, #tpu.memory_space<vmem>>, vector<16xf32>,
              %swap3A_918 = arith.index_cast %scan3A_859 : i32 to index
              %swap3A_919 = arith.constant 224 : index
              %swap3A_920 = tpu.vector_load %arg13[%swap3A_918, %swap3A_919] {strides = array<i32>} : memref<16x1024xf32, #tpu.memory_space<vmem>>, vector<16xf32>,
              tpu.vector_store %arg13[%swap3A_918, %swap3A_919], %broadcast_in_dim3A_33 {strides = array<i32>} : memref<16x1024xf32, #tpu.memory_space<vmem>>, vector<16xf32>,
              %swap3A_921 = arith.index_cast %scan3A_859 : i32 to index
              %swap3A_922 = arith.constant 240 : index
              %swap3A_923 = tpu.vector_load %arg13[%swap3A_921, %swap3A_922] {strides = array<i32>} : memref<16x1024xf32, #tpu.memory_space<vmem>>, vector<16xf32>,
              tpu.vector_store %arg13[%swap3A_921, %swap3A_922], %broadcast_in_dim3A_33 {strides = array<i32>} : memref<16x1024xf32, #tpu.memory_space<vmem>>, vector<16xf32>,
              %swap3A_924 = arith.index_cast %scan3A_859 : i32 to index
              %swap3A_925 = arith.constant 256 : index
              %swap3A_926 = tpu.vector_load %arg13[%swap3A_924, %swap3A_925] {strides = array<i32>} : memref<16x1024xf32, #tpu.memory_space<vmem>>, vector<16xf32>,
              tpu.vector_store %arg13[%swap3A_924, %swap3A_925], %broadcast_in_dim3A_33 {strides = array<i32>} : memref<16x1024xf32, #tpu.memory_space<vmem>>, vector<16xf32>,
              %swap3A_927 = arith.index_cast %scan3A_859 : i32 to index
              %swap3A_928 = arith.constant 272 : index
              %swap3A_929 = tpu.vector_load %arg13[%swap3A_927, %swap3A_928] {strides = array<i32>} : memref<16x1024xf32, #tpu.memory_space<vmem>>, vector<16xf32>,
              tpu.vector_store %arg13[%swap3A_927, %swap3A_928], %broadcast_in_dim3A_33 {strides = array<i32>} : memref<16x1024xf32, #tpu.memory_space<vmem>>, vector<16xf32>,
              %swap3A_930 = arith.index_cast %scan3A_859 : i32 to index
              %swap3A_931 = arith.constant 288 : index
              %swap3A_932 = tpu.vector_load %arg13[%swap3A_930, %swap3A_931] {strides = array<i32>} : memref<16x1024xf32, #tpu.memory_space<vmem>>, vector<16xf32>,
              tpu.vector_store %arg13[%swap3A_930, %swap3A_931], %broadcast_in_dim3A_33 {strides = array<i32>} : memref<16x1024xf32, #tpu.memory_space<vmem>>, vector<16xf32>,
              %swap3A_933 = arith.index_cast %scan3A_859 : i32 to index
              %swap3A_934 = arith.constant 304 : index
              %swap3A_935 = tpu.vector_load %arg13[%swap3A_933, %swap3A_934] {strides = array<i32>} : memref<16x1024xf32, #tpu.memory_space<vmem>>, vector<16xf32>,
              tpu.vector_store %arg13[%swap3A_933, %swap3A_934], %broadcast_in_dim3A_33 {strides = array<i32>} : memref<16x1024xf32, #tpu.memory_space<vmem>>, vector<16xf32>,
              %swap3A_936 = arith.index_cast %scan3A_859 : i32 to index
              %swap3A_937 = arith.constant 320 : index
              %swap3A_938 = tpu.vector_load %arg13[%swap3A_936, %swap3A_937] {strides = array<i32>} : memref<16x1024xf32, #tpu.memory_space<vmem>>, vector<16xf32>,
              tpu.vector_store %arg13[%swap3A_936, %swap3A_937], %broadcast_in_dim3A_33 {strides = array<i32>} : memref<16x1024xf32, #tpu.memory_space<vmem>>, vector<16xf32>,
              %swap3A_939 = arith.index_cast %scan3A_859 : i32 to index
              %swap3A_940 = arith.constant 336 : index
              %swap3A_941 = tpu.vector_load %arg13[%swap3A_939, %swap3A_940] {strides = array<i32>} : memref<16x1024xf32, #tpu.memory_space<vmem>>, vector<16xf32>,
              tpu.vector_store %arg13[%swap3A_939, %swap3A_940], %broadcast_in_dim3A_33 {strides = array<i32>} : memref<16x1024xf32, #tpu.memory_space<vmem>>, vector<16xf32>,
              %swap3A_942 = arith.index_cast %scan3A_859 : i32 to index
              %swap3A_943 = arith.constant 352 : index
              %swap3A_944 = tpu.vector_load %arg13[%swap3A_942, %swap3A_943] {strides = array<i32>} : memref<16x1024xf32, #tpu.memory_space<vmem>>, vector<16xf32>,
              tpu.vector_store %arg13[%swap3A_942, %swap3A_943], %broadcast_in_dim3A_33 {strides = array<i32>} : memref<16x1024xf32, #tpu.memory_space<vmem>>, vector<16xf32>,
              %swap3A_945 = arith.index_cast %scan3A_859 : i32 to index
              %swap3A_946 = arith.constant 368 : index
              %swap3A_947 = tpu.vector_load %arg13[%swap3A_945, %swap3A_946] {strides = array<i32>} : memref<16x1024xf32, #tpu.memory_space<vmem>>, vector<16xf32>,
              tpu.vector_store %arg13[%swap3A_945, %swap3A_946], %broadcast_in_dim3A_33 {strides = array<i32>} : memref<16x1024xf32, #tpu.memory_space<vmem>>, vector<16xf32>,
              %swap3A_948 = arith.index_cast %scan3A_859 : i32 to index
              %swap3A_949 = arith.constant 384 : index
              %swap3A_950 = tpu.vector_load %arg13[%swap3A_948, %swap3A_949] {strides = array<i32>} : memref<16x1024xf32, #tpu.memory_space<vmem>>, vector<16xf32>,
              tpu.vector_store %arg13[%swap3A_948, %swap3A_949], %broadcast_in_dim3A_33 {strides = array<i32>} : memref<16x1024xf32, #tpu.memory_space<vmem>>, vector<16xf32>,
              %swap3A_951 = arith.index_cast %scan3A_859 : i32 to index
              %swap3A_952 = arith.constant 400 : index
              %swap3A_953 = tpu.vector_load %arg13[%swap3A_951, %swap3A_952] {strides = array<i32>} : memref<16x1024xf32, #tpu.memory_space<vmem>>, vector<16xf32>,
              tpu.vector_store %arg13[%swap3A_951, %swap3A_952], %broadcast_in_dim3A_33 {strides = array<i32>} : memref<16x1024xf32, #tpu.memory_space<vmem>>, vector<16xf32>,
              %swap3A_954 = arith.index_cast %scan3A_859 : i32 to index
              %swap3A_955 = arith.constant 416 : index
              %swap3A_956 = tpu.vector_load %arg13[%swap3A_954, %swap3A_955] {strides = array<i32>} : memref<16x1024xf32, #tpu.memory_space<vmem>>, vector<16xf32>,
              tpu.vector_store %arg13[%swap3A_954, %swap3A_955], %broadcast_in_dim3A_33 {strides = array<i32>} : memref<16x1024xf32, #tpu.memory_space<vmem>>, vector<16xf32>,
              %swap3A_957 = arith.index_cast %scan3A_859 : i32 to index
              %swap3A_958 = arith.constant 432 : index
              %swap3A_959 = tpu.vector_load %arg13[%swap3A_957, %swap3A_958] {strides = array<i32>} : memref<16x1024xf32, #tpu.memory_space<vmem>>, vector<16xf32>,
              tpu.vector_store %arg13[%swap3A_957, %swap3A_958], %broadcast_in_dim3A_33 {strides = array<i32>} : memref<16x1024xf32, #tpu.memory_space<vmem>>, vector<16xf32>,
              %swap3A_960 = arith.index_cast %scan3A_859 : i32 to index
              %swap3A_961 = arith.constant 448 : index
              %swap3A_962 = tpu.vector_load %arg13[%swap3A_960, %swap3A_961] {strides = array<i32>} : memref<16x1024xf32, #tpu.memory_space<vmem>>, vector<16xf32>,
              tpu.vector_store %arg13[%swap3A_960, %swap3A_961], %broadcast_in_dim3A_33 {strides = array<i32>} : memref<16x1024xf32, #tpu.memory_space<vmem>>, vector<16xf32>,
              %swap3A_963 = arith.index_cast %scan3A_859 : i32 to index
              %swap3A_964 = arith.constant 464 : index
              %swap3A_965 = tpu.vector_load %arg13[%swap3A_963, %swap3A_964] {strides = array<i32>} : memref<16x1024xf32, #tpu.memory_space<vmem>>, vector<16xf32>,
              tpu.vector_store %arg13[%swap3A_963, %swap3A_964], %broadcast_in_dim3A_33 {strides = array<i32>} : memref<16x1024xf32, #tpu.memory_space<vmem>>, vector<16xf32>,
              %swap3A_966 = arith.index_cast %scan3A_859 : i32 to index
              %swap3A_967 = arith.constant 480 : index
              %swap3A_968 = tpu.vector_load %arg13[%swap3A_966, %swap3A_967] {strides = array<i32>} : memref<16x1024xf32, #tpu.memory_space<vmem>>, vector<16xf32>,
              tpu.vector_store %arg13[%swap3A_966, %swap3A_967], %broadcast_in_dim3A_33 {strides = array<i32>} : memref<16x1024xf32, #tpu.memory_space<vmem>>, vector<16xf32>,
              %swap3A_969 = arith.index_cast %scan3A_859 : i32 to index
              %swap3A_970 = arith.constant 496 : index
              %swap3A_971 = tpu.vector_load %arg13[%swap3A_969, %swap3A_970] {strides = array<i32>} : memref<16x1024xf32, #tpu.memory_space<vmem>>, vector<16xf32>,
              tpu.vector_store %arg13[%swap3A_969, %swap3A_970], %broadcast_in_dim3A_33 {strides = array<i32>} : memref<16x1024xf32, #tpu.memory_space<vmem>>, vector<16xf32>,
              %swap3A_972 = arith.index_cast %scan3A_859 : i32 to index
              %swap3A_973 = arith.constant 512 : index
              %swap3A_974 = tpu.vector_load %arg13[%swap3A_972, %swap3A_973] {strides = array<i32>} : memref<16x1024xf32, #tpu.memory_space<vmem>>, vector<16xf32>,
              tpu.vector_store %arg13[%swap3A_972, %swap3A_973], %broadcast_in_dim3A_33 {strides = array<i32>} : memref<16x1024xf32, #tpu.memory_space<vmem>>, vector<16xf32>,
              %swap3A_975 = arith.index_cast %scan3A_859 : i32 to index
              %swap3A_976 = arith.constant 528 : index
              %swap3A_977 = tpu.vector_load %arg13[%swap3A_975, %swap3A_976] {strides = array<i32>} : memref<16x1024xf32, #tpu.memory_space<vmem>>, vector<16xf32>,
              tpu.vector_store %arg13[%swap3A_975, %swap3A_976], %broadcast_in_dim3A_33 {strides = array<i32>} : memref<16x1024xf32, #tpu.memory_space<vmem>>, vector<16xf32>,
              %swap3A_978 = arith.index_cast %scan3A_859 : i32 to index
              %swap3A_979 = arith.constant 544 : index
              %swap3A_980 = tpu.vector_load %arg13[%swap3A_978, %swap3A_979] {strides = array<i32>} : memref<16x1024xf32, #tpu.memory_space<vmem>>, vector<16xf32>,
              tpu.vector_store %arg13[%swap3A_978, %swap3A_979], %broadcast_in_dim3A_33 {strides = array<i32>} : memref<16x1024xf32, #tpu.memory_space<vmem>>, vector<16xf32>,
              %swap3A_981 = arith.index_cast %scan3A_859 : i32 to index
              %swap3A_982 = arith.constant 560 : index
              %swap3A_983 = tpu.vector_load %arg13[%swap3A_981, %swap3A_982] {strides = array<i32>} : memref<16x1024xf32, #tpu.memory_space<vmem>>, vector<16xf32>,
              tpu.vector_store %arg13[%swap3A_981, %swap3A_982], %broadcast_in_dim3A_33 {strides = array<i32>} : memref<16x1024xf32, #tpu.memory_space<vmem>>, vector<16xf32>,
              %swap3A_984 = arith.index_cast %scan3A_859 : i32 to index
              %swap3A_985 = arith.constant 576 : index
              %swap3A_986 = tpu.vector_load %arg13[%swap3A_984, %swap3A_985] {strides = array<i32>} : memref<16x1024xf32, #tpu.memory_space<vmem>>, vector<16xf32>,
              tpu.vector_store %arg13[%swap3A_984, %swap3A_985], %broadcast_in_dim3A_33 {strides = array<i32>} : memref<16x1024xf32, #tpu.memory_space<vmem>>, vector<16xf32>,
              %swap3A_987 = arith.index_cast %scan3A_859 : i32 to index
              %swap3A_988 = arith.constant 592 : index
              %swap3A_989 = tpu.vector_load %arg13[%swap3A_987, %swap3A_988] {strides = array<i32>} : memref<16x1024xf32, #tpu.memory_space<vmem>>, vector<16xf32>,
              tpu.vector_store %arg13[%swap3A_987, %swap3A_988], %broadcast_in_dim3A_33 {strides = array<i32>} : memref<16x1024xf32, #tpu.memory_space<vmem>>, vector<16xf32>,
              %swap3A_990 = arith.index_cast %scan3A_859 : i32 to index
              %swap3A_991 = arith.constant 608 : index
              %swap3A_992 = tpu.vector_load %arg13[%swap3A_990, %swap3A_991] {strides = array<i32>} : memref<16x1024xf32, #tpu.memory_space<vmem>>, vector<16xf32>,
              tpu.vector_store %arg13[%swap3A_990, %swap3A_991], %broadcast_in_dim3A_33 {strides = array<i32>} : memref<16x1024xf32, #tpu.memory_space<vmem>>, vector<16xf32>,
              %swap3A_993 = arith.index_cast %scan3A_859 : i32 to index
              %swap3A_994 = arith.constant 624 : index
              %swap3A_995 = tpu.vector_load %arg13[%swap3A_993, %swap3A_994] {strides = array<i32>} : memref<16x1024xf32, #tpu.memory_space<vmem>>, vector<16xf32>,
              tpu.vector_store %arg13[%swap3A_993, %swap3A_994], %broadcast_in_dim3A_33 {strides = array<i32>} : memref<16x1024xf32, #tpu.memory_space<vmem>>, vector<16xf32>,
              %swap3A_996 = arith.index_cast %scan3A_859 : i32 to index
              %swap3A_997 = arith.constant 640 : index
              %swap3A_998 = tpu.vector_load %arg13[%swap3A_996, %swap3A_997] {strides = array<i32>} : memref<16x1024xf32, #tpu.memory_space<vmem>>, vector<16xf32>,
              tpu.vector_store %arg13[%swap3A_996, %swap3A_997], %broadcast_in_dim3A_33 {strides = array<i32>} : memref<16x1024xf32, #tpu.memory_space<vmem>>, vector<16xf32>,
              %swap3A_999 = arith.index_cast %scan3A_859 : i32 to index
              %swap3A_1000 = arith.constant 656 : index
              %swap3A_1001 = tpu.vector_load %arg13[%swap3A_999, %swap3A_1000] {strides = array<i32>} : memref<16x1024xf32, #tpu.memory_space<vmem>>, vector<16xf32>,
              tpu.vector_store %arg13[%swap3A_999, %swap3A_1000], %broadcast_in_dim3A_33 {strides = array<i32>} : memref<16x1024xf32, #tpu.memory_space<vmem>>, vector<16xf32>,
              %swap3A_1002 = arith.index_cast %scan3A_859 : i32 to index
              %swap3A_1003 = arith.constant 672 : index
              %swap3A_1004 = tpu.vector_load %arg13[%swap3A_1002, %swap3A_1003] {strides = array<i32>} : memref<16x1024xf32, #tpu.memory_space<vmem>>, vector<16xf32>,
              tpu.vector_store %arg13[%swap3A_1002, %swap3A_1003], %broadcast_in_dim3A_33 {strides = array<i32>} : memref<16x1024xf32, #tpu.memory_space<vmem>>, vector<16xf32>,
              %swap3A_1005 = arith.index_cast %scan3A_859 : i32 to index
              %swap3A_1006 = arith.constant 688 : index
              %swap3A_1007 = tpu.vector_load %arg13[%swap3A_1005, %swap3A_1006] {strides = array<i32>} : memref<16x1024xf32, #tpu.memory_space<vmem>>, vector<16xf32>,
              tpu.vector_store %arg13[%swap3A_1005, %swap3A_1006], %broadcast_in_dim3A_33 {strides = array<i32>} : memref<16x1024xf32, #tpu.memory_space<vmem>>, vector<16xf32>,
              %swap3A_1008 = arith.index_cast %scan3A_859 : i32 to index
              %swap3A_1009 = arith.constant 704 : index
              %swap3A_1010 = tpu.vector_load %arg13[%swap3A_1008, %swap3A_1009] {strides = array<i32>} : memref<16x1024xf32, #tpu.memory_space<vmem>>, vector<16xf32>,
              tpu.vector_store %arg13[%swap3A_1008, %swap3A_1009], %broadcast_in_dim3A_33 {strides = array<i32>} : memref<16x1024xf32, #tpu.memory_space<vmem>>, vector<16xf32>,
              %swap3A_1011 = arith.index_cast %scan3A_859 : i32 to index
              %swap3A_1012 = arith.constant 720 : index
              %swap3A_1013 = tpu.vector_load %arg13[%swap3A_1011, %swap3A_1012] {strides = array<i32>} : memref<16x1024xf32, #tpu.memory_space<vmem>>, vector<16xf32>,
              tpu.vector_store %arg13[%swap3A_1011, %swap3A_1012], %broadcast_in_dim3A_33 {strides = array<i32>} : memref<16x1024xf32, #tpu.memory_space<vmem>>, vector<16xf32>,
              %swap3A_1014 = arith.index_cast %scan3A_859 : i32 to index
              %swap3A_1015 = arith.constant 736 : index
              %swap3A_1016 = tpu.vector_load %arg13[%swap3A_1014, %swap3A_1015] {strides = array<i32>} : memref<16x1024xf32, #tpu.memory_space<vmem>>, vector<16xf32>,
              tpu.vector_store %arg13[%swap3A_1014, %swap3A_1015], %broadcast_in_dim3A_33 {strides = array<i32>} : memref<16x1024xf32, #tpu.memory_space<vmem>>, vector<16xf32>,
              %swap3A_1017 = arith.index_cast %scan3A_859 : i32 to index
              %swap3A_1018 = arith.constant 752 : index
              %swap3A_1019 = tpu.vector_load %arg13[%swap3A_1017, %swap3A_1018] {strides = array<i32>} : memref<16x1024xf32, #tpu.memory_space<vmem>>, vector<16xf32>,
              tpu.vector_store %arg13[%swap3A_1017, %swap3A_1018], %broadcast_in_dim3A_33 {strides = array<i32>} : memref<16x1024xf32, #tpu.memory_space<vmem>>, vector<16xf32>,
              %swap3A_1020 = arith.index_cast %scan3A_859 : i32 to index
              %swap3A_1021 = arith.constant 768 : index
              %swap3A_1022 = tpu.vector_load %arg13[%swap3A_1020, %swap3A_1021] {strides = array<i32>} : memref<16x1024xf32, #tpu.memory_space<vmem>>, vector<16xf32>,
              tpu.vector_store %arg13[%swap3A_1020, %swap3A_1021], %broadcast_in_dim3A_33 {strides = array<i32>} : memref<16x1024xf32, #tpu.memory_space<vmem>>, vector<16xf32>,
              %swap3A_1023 = arith.index_cast %scan3A_859 : i32 to index
              %swap3A_1024 = arith.constant 784 : index
              %swap3A_1025 = tpu.vector_load %arg13[%swap3A_1023, %swap3A_1024] {strides = array<i32>} : memref<16x1024xf32, #tpu.memory_space<vmem>>, vector<16xf32>,
              tpu.vector_store %arg13[%swap3A_1023, %swap3A_1024], %broadcast_in_dim3A_33 {strides = array<i32>} : memref<16x1024xf32, #tpu.memory_space<vmem>>, vector<16xf32>,
              %swap3A_1026 = arith.index_cast %scan3A_859 : i32 to index
              %swap3A_1027 = arith.constant 800 : index
              %swap3A_1028 = tpu.vector_load %arg13[%swap3A_1026, %swap3A_1027] {strides = array<i32>} : memref<16x1024xf32, #tpu.memory_space<vmem>>, vector<16xf32>,
              tpu.vector_store %arg13[%swap3A_1026, %swap3A_1027], %broadcast_in_dim3A_33 {strides = array<i32>} : memref<16x1024xf32, #tpu.memory_space<vmem>>, vector<16xf32>,
              %swap3A_1029 = arith.index_cast %scan3A_859 : i32 to index
              %swap3A_1030 = arith.constant 816 : index
              %swap3A_1031 = tpu.vector_load %arg13[%swap3A_1029, %swap3A_1030] {strides = array<i32>} : memref<16x1024xf32, #tpu.memory_space<vmem>>, vector<16xf32>,
              tpu.vector_store %arg13[%swap3A_1029, %swap3A_1030], %broadcast_in_dim3A_33 {strides = array<i32>} : memref<16x1024xf32, #tpu.memory_space<vmem>>, vector<16xf32>,
              %swap3A_1032 = arith.index_cast %scan3A_859 : i32 to index
              %swap3A_1033 = arith.constant 832 : index
              %swap3A_1034 = tpu.vector_load %arg13[%swap3A_1032, %swap3A_1033] {strides = array<i32>} : memref<16x1024xf32, #tpu.memory_space<vmem>>, vector<16xf32>,
              tpu.vector_store %arg13[%swap3A_1032, %swap3A_1033], %broadcast_in_dim3A_33 {strides = array<i32>} : memref<16x1024xf32, #tpu.memory_space<vmem>>, vector<16xf32>,
              %swap3A_1035 = arith.index_cast %scan3A_859 : i32 to index
              %swap3A_1036 = arith.constant 848 : index
              %swap3A_1037 = tpu.vector_load %arg13[%swap3A_1035, %swap3A_1036] {strides = array<i32>} : memref<16x1024xf32, #tpu.memory_space<vmem>>, vector<16xf32>,
              tpu.vector_store %arg13[%swap3A_1035, %swap3A_1036], %broadcast_in_dim3A_33 {strides = array<i32>} : memref<16x1024xf32, #tpu.memory_space<vmem>>, vector<16xf32>,
              %swap3A_1038 = arith.index_cast %scan3A_859 : i32 to index
              %swap3A_1039 = arith.constant 864 : index
              %swap3A_1040 = tpu.vector_load %arg13[%swap3A_1038, %swap3A_1039] {strides = array<i32>} : memref<16x1024xf32, #tpu.memory_space<vmem>>, vector<16xf32>,
              tpu.vector_store %arg13[%swap3A_1038, %swap3A_1039], %broadcast_in_dim3A_33 {strides = array<i32>} : memref<16x1024xf32, #tpu.memory_space<vmem>>, vector<16xf32>,
              %swap3A_1041 = arith.index_cast %scan3A_859 : i32 to index
              %swap3A_1042 = arith.constant 880 : index
              %swap3A_1043 = tpu.vector_load %arg13[%swap3A_1041, %swap3A_1042] {strides = array<i32>} : memref<16x1024xf32, #tpu.memory_space<vmem>>, vector<16xf32>,
              tpu.vector_store %arg13[%swap3A_1041, %swap3A_1042], %broadcast_in_dim3A_33 {strides = array<i32>} : memref<16x1024xf32, #tpu.memory_space<vmem>>, vector<16xf32>,
              %swap3A_1044 = arith.index_cast %scan3A_859 : i32 to index
              %swap3A_1045 = arith.constant 896 : index
              %swap3A_1046 = tpu.vector_load %arg13[%swap3A_1044, %swap3A_1045] {strides = array<i32>} : memref<16x1024xf32, #tpu.memory_space<vmem>>, vector<16xf32>,
              tpu.vector_store %arg13[%swap3A_1044, %swap3A_1045], %broadcast_in_dim3A_33 {strides = array<i32>} : memref<16x1024xf32, #tpu.memory_space<vmem>>, vector<16xf32>,
              %swap3A_1047 = arith.index_cast %scan3A_859 : i32 to index
              %swap3A_1048 = arith.constant 912 : index
              %swap3A_1049 = tpu.vector_load %arg13[%swap3A_1047, %swap3A_1048] {strides = array<i32>} : memref<16x1024xf32, #tpu.memory_space<vmem>>, vector<16xf32>,
              tpu.vector_store %arg13[%swap3A_1047, %swap3A_1048], %broadcast_in_dim3A_33 {strides = array<i32>} : memref<16x1024xf32, #tpu.memory_space<vmem>>, vector<16xf32>,
              %swap3A_1050 = arith.index_cast %scan3A_859 : i32 to index
              %swap3A_1051 = arith.constant 928 : index
              %swap3A_1052 = tpu.vector_load %arg13[%swap3A_1050, %swap3A_1051] {strides = array<i32>} : memref<16x1024xf32, #tpu.memory_space<vmem>>, vector<16xf32>,
              tpu.vector_store %arg13[%swap3A_1050, %swap3A_1051], %broadcast_in_dim3A_33 {strides = array<i32>} : memref<16x1024xf32, #tpu.memory_space<vmem>>, vector<16xf32>,
              %swap3A_1053 = arith.index_cast %scan3A_859 : i32 to index
              %swap3A_1054 = arith.constant 944 : index
              %swap3A_1055 = tpu.vector_load %arg13[%swap3A_1053, %swap3A_1054] {strides = array<i32>} : memref<16x1024xf32, #tpu.memory_space<vmem>>, vector<16xf32>,
              tpu.vector_store %arg13[%swap3A_1053, %swap3A_1054], %broadcast_in_dim3A_33 {strides = array<i32>} : memref<16x1024xf32, #tpu.memory_space<vmem>>, vector<16xf32>,
              %swap3A_1056 = arith.index_cast %scan3A_859 : i32 to index
              %swap3A_1057 = arith.constant 960 : index
              %swap3A_1058 = tpu.vector_load %arg13[%swap3A_1056, %swap3A_1057] {strides = array<i32>} : memref<16x1024xf32, #tpu.memory_space<vmem>>, vector<16xf32>,
              tpu.vector_store %arg13[%swap3A_1056, %swap3A_1057], %broadcast_in_dim3A_33 {strides = array<i32>} : memref<16x1024xf32, #tpu.memory_space<vmem>>, vector<16xf32>,
              %swap3A_1059 = arith.index_cast %scan3A_859 : i32 to index
              %swap3A_1060 = arith.constant 976 : index
              %swap3A_1061 = tpu.vector_load %arg13[%swap3A_1059, %swap3A_1060] {strides = array<i32>} : memref<16x1024xf32, #tpu.memory_space<vmem>>, vector<16xf32>,
              tpu.vector_store %arg13[%swap3A_1059, %swap3A_1060], %broadcast_in_dim3A_33 {strides = array<i32>} : memref<16x1024xf32, #tpu.memory_space<vmem>>, vector<16xf32>,
              %swap3A_1062 = arith.index_cast %scan3A_859 : i32 to index
              %swap3A_1063 = arith.constant 992 : index
              %swap3A_1064 = tpu.vector_load %arg13[%swap3A_1062, %swap3A_1063] {strides = array<i32>} : memref<16x1024xf32, #tpu.memory_space<vmem>>, vector<16xf32>,
              tpu.vector_store %arg13[%swap3A_1062, %swap3A_1063], %broadcast_in_dim3A_33 {strides = array<i32>} : memref<16x1024xf32, #tpu.memory_space<vmem>>, vector<16xf32>,
              %swap3A_1065 = arith.index_cast %scan3A_859 : i32 to index
              %swap3A_1066 = arith.constant 1008 : index
              %swap3A_1067 = tpu.vector_load %arg13[%swap3A_1065, %swap3A_1066] {strides = array<i32>} : memref<16x1024xf32, #tpu.memory_space<vmem>>, vector<16xf32>,
              tpu.vector_store %arg13[%swap3A_1065, %swap3A_1066], %broadcast_in_dim3A_33 {strides = array<i32>} : memref<16x1024xf32, #tpu.memory_space<vmem>>, vector<16xf32>,
            } else {
            }
            %shift_right_arithmetic3A_868 = arith.shrsi %reduce_sum3A_831, %scan3A_859 : i32
            %and3A_869 = arith.constant 1 : i32
            %and3A_870 = arith.andi %shift_right_arithmetic3A_868, %and3A_869 : i32
            %ne3A_871 = arith.constant 0 : i32
            %ne3A_872 = arith.cmpi ne, %and3A_870, %ne3A_871 : i32
            %convert_element_type3A_873 = arith.extui %ne3A_872 : i1 to i32
            %cond3A_874 = arith.constant 0 : i32
            %cond3A_875 = arith.cmpi ne, %convert_element_type3A_873, %cond3A_874 : i32
            scf.if %cond3A_875 {
              %swap3A_876 = arith.index_cast %scan3A_859 : i32 to index
              %swap3A_877 = arith.constant 0 : index
              %swap3A_878 = tpu.vector_load %arg13[%swap3A_876, %swap3A_877] {strides = array<i32>} : memref<16x1024xf32, #tpu.memory_space<vmem>>, vector<16xf32>,
              tpu.vector_store %arg13[%swap3A_876, %swap3A_877], %broadcast_in_dim3A_35 {strides = array<i32>} : memref<16x1024xf32, #tpu.memory_space<vmem>>, vector<16xf32>,
              %swap3A_879 = arith.index_cast %scan3A_859 : i32 to index
              %swap3A_880 = arith.constant 16 : index
              %swap3A_881 = tpu.vector_load %arg13[%swap3A_879, %swap3A_880] {strides = array<i32>} : memref<16x1024xf32, #tpu.memory_space<vmem>>, vector<16xf32>,
              tpu.vector_store %arg13[%swap3A_879, %swap3A_880], %broadcast_in_dim3A_35 {strides = array<i32>} : memref<16x1024xf32, #tpu.memory_space<vmem>>, vector<16xf32>,
              %swap3A_882 = arith.index_cast %scan3A_859 : i32 to index
              %swap3A_883 = arith.constant 32 : index
              %swap3A_884 = tpu.vector_load %arg13[%swap3A_882, %swap3A_883] {strides = array<i32>} : memref<16x1024xf32, #tpu.memory_space<vmem>>, vector<16xf32>,
              tpu.vector_store %arg13[%swap3A_882, %swap3A_883], %broadcast_in_dim3A_35 {strides = array<i32>} : memref<16x1024xf32, #tpu.memory_space<vmem>>, vector<16xf32>,
              %swap3A_885 = arith.index_cast %scan3A_859 : i32 to index
              %swap3A_886 = arith.constant 48 : index
              %swap3A_887 = tpu.vector_load %arg13[%swap3A_885, %swap3A_886] {strides = array<i32>} : memref<16x1024xf32, #tpu.memory_space<vmem>>, vector<16xf32>,
              tpu.vector_store %arg13[%swap3A_885, %swap3A_886], %broadcast_in_dim3A_35 {strides = array<i32>} : memref<16x1024xf32, #tpu.memory_space<vmem>>, vector<16xf32>,
              %swap3A_888 = arith.index_cast %scan3A_859 : i32 to index
              %swap3A_889 = arith.constant 64 : index
              %swap3A_890 = tpu.vector_load %arg13[%swap3A_888, %swap3A_889] {strides = array<i32>} : memref<16x1024xf32, #tpu.memory_space<vmem>>, vector<16xf32>,
              tpu.vector_store %arg13[%swap3A_888, %swap3A_889], %broadcast_in_dim3A_35 {strides = array<i32>} : memref<16x1024xf32, #tpu.memory_space<vmem>>, vector<16xf32>,
              %swap3A_891 = arith.index_cast %scan3A_859 : i32 to index
              %swap3A_892 = arith.constant 80 : index
              %swap3A_893 = tpu.vector_load %arg13[%swap3A_891, %swap3A_892] {strides = array<i32>} : memref<16x1024xf32, #tpu.memory_space<vmem>>, vector<16xf32>,
              tpu.vector_store %arg13[%swap3A_891, %swap3A_892], %broadcast_in_dim3A_35 {strides = array<i32>} : memref<16x1024xf32, #tpu.memory_space<vmem>>, vector<16xf32>,
              %swap3A_894 = arith.index_cast %scan3A_859 : i32 to index
              %swap3A_895 = arith.constant 96 : index
              %swap3A_896 = tpu.vector_load %arg13[%swap3A_894, %swap3A_895] {strides = array<i32>} : memref<16x1024xf32, #tpu.memory_space<vmem>>, vector<16xf32>,
              tpu.vector_store %arg13[%swap3A_894, %swap3A_895], %broadcast_in_dim3A_35 {strides = array<i32>} : memref<16x1024xf32, #tpu.memory_space<vmem>>, vector<16xf32>,
              %swap3A_897 = arith.index_cast %scan3A_859 : i32 to index
              %swap3A_898 = arith.constant 112 : index
              %swap3A_899 = tpu.vector_load %arg13[%swap3A_897, %swap3A_898] {strides = array<i32>} : memref<16x1024xf32, #tpu.memory_space<vmem>>, vector<16xf32>,
              tpu.vector_store %arg13[%swap3A_897, %swap3A_898], %broadcast_in_dim3A_35 {strides = array<i32>} : memref<16x1024xf32, #tpu.memory_space<vmem>>, vector<16xf32>,
              %swap3A_900 = arith.index_cast %scan3A_859 : i32 to index
              %swap3A_901 = arith.constant 128 : index
              %swap3A_902 = tpu.vector_load %arg13[%swap3A_900, %swap3A_901] {strides = array<i32>} : memref<16x1024xf32, #tpu.memory_space<vmem>>, vector<16xf32>,
              tpu.vector_store %arg13[%swap3A_900, %swap3A_901], %broadcast_in_dim3A_35 {strides = array<i32>} : memref<16x1024xf32, #tpu.memory_space<vmem>>, vector<16xf32>,
              %swap3A_903 = arith.index_cast %scan3A_859 : i32 to index
              %swap3A_904 = arith.constant 144 : index
              %swap3A_905 = tpu.vector_load %arg13[%swap3A_903, %swap3A_904] {strides = array<i32>} : memref<16x1024xf32, #tpu.memory_space<vmem>>, vector<16xf32>,
              tpu.vector_store %arg13[%swap3A_903, %swap3A_904], %broadcast_in_dim3A_35 {strides = array<i32>} : memref<16x1024xf32, #tpu.memory_space<vmem>>, vector<16xf32>,
              %swap3A_906 = arith.index_cast %scan3A_859 : i32 to index
              %swap3A_907 = arith.constant 160 : index
              %swap3A_908 = tpu.vector_load %arg13[%swap3A_906, %swap3A_907] {strides = array<i32>} : memref<16x1024xf32, #tpu.memory_space<vmem>>, vector<16xf32>,
              tpu.vector_store %arg13[%swap3A_906, %swap3A_907], %broadcast_in_dim3A_35 {strides = array<i32>} : memref<16x1024xf32, #tpu.memory_space<vmem>>, vector<16xf32>,
              %swap3A_909 = arith.index_cast %scan3A_859 : i32 to index
              %swap3A_910 = arith.constant 176 : index
              %swap3A_911 = tpu.vector_load %arg13[%swap3A_909, %swap3A_910] {strides = array<i32>} : memref<16x1024xf32, #tpu.memory_space<vmem>>, vector<16xf32>,
              tpu.vector_store %arg13[%swap3A_909, %swap3A_910], %broadcast_in_dim3A_35 {strides = array<i32>} : memref<16x1024xf32, #tpu.memory_space<vmem>>, vector<16xf32>,
              %swap3A_912 = arith.index_cast %scan3A_859 : i32 to index
              %swap3A_913 = arith.constant 192 : index
              %swap3A_914 = tpu.vector_load %arg13[%swap3A_912, %swap3A_913] {strides = array<i32>} : memref<16x1024xf32, #tpu.memory_space<vmem>>, vector<16xf32>,
              tpu.vector_store %arg13[%swap3A_912, %swap3A_913], %broadcast_in_dim3A_35 {strides = array<i32>} : memref<16x1024xf32, #tpu.memory_space<vmem>>, vector<16xf32>,
              %swap3A_915 = arith.index_cast %scan3A_859 : i32 to index
              %swap3A_916 = arith.constant 208 : index
              %swap3A_917 = tpu.vector_load %arg13[%swap3A_915, %swap3A_916] {strides = array<i32>} : memref<16x1024xf32, #tpu.memory_space<vmem>>, vector<16xf32>,
              tpu.vector_store %arg13[%swap3A_915, %swap3A_916], %broadcast_in_dim3A_35 {strides = array<i32>} : memref<16x1024xf32, #tpu.memory_space<vmem>>, vector<16xf32>,
              %swap3A_918 = arith.index_cast %scan3A_859 : i32 to index
              %swap3A_919 = arith.constant 224 : index
              %swap3A_920 = tpu.vector_load %arg13[%swap3A_918, %swap3A_919] {strides = array<i32>} : memref<16x1024xf32, #tpu.memory_space<vmem>>, vector<16xf32>,
              tpu.vector_store %arg13[%swap3A_918, %swap3A_919], %broadcast_in_dim3A_35 {strides = array<i32>} : memref<16x1024xf32, #tpu.memory_space<vmem>>, vector<16xf32>,
              %swap3A_921 = arith.index_cast %scan3A_859 : i32 to index
              %swap3A_922 = arith.constant 240 : index
              %swap3A_923 = tpu.vector_load %arg13[%swap3A_921, %swap3A_922] {strides = array<i32>} : memref<16x1024xf32, #tpu.memory_space<vmem>>, vector<16xf32>,
              tpu.vector_store %arg13[%swap3A_921, %swap3A_922], %broadcast_in_dim3A_35 {strides = array<i32>} : memref<16x1024xf32, #tpu.memory_space<vmem>>, vector<16xf32>,
              %swap3A_924 = arith.index_cast %scan3A_859 : i32 to index
              %swap3A_925 = arith.constant 256 : index
              %swap3A_926 = tpu.vector_load %arg13[%swap3A_924, %swap3A_925] {strides = array<i32>} : memref<16x1024xf32, #tpu.memory_space<vmem>>, vector<16xf32>,
              tpu.vector_store %arg13[%swap3A_924, %swap3A_925], %broadcast_in_dim3A_35 {strides = array<i32>} : memref<16x1024xf32, #tpu.memory_space<vmem>>, vector<16xf32>,
              %swap3A_927 = arith.index_cast %scan3A_859 : i32 to index
              %swap3A_928 = arith.constant 272 : index
              %swap3A_929 = tpu.vector_load %arg13[%swap3A_927, %swap3A_928] {strides = array<i32>} : memref<16x1024xf32, #tpu.memory_space<vmem>>, vector<16xf32>,
              tpu.vector_store %arg13[%swap3A_927, %swap3A_928], %broadcast_in_dim3A_35 {strides = array<i32>} : memref<16x1024xf32, #tpu.memory_space<vmem>>, vector<16xf32>,
              %swap3A_930 = arith.index_cast %scan3A_859 : i32 to index
              %swap3A_931 = arith.constant 288 : index
              %swap3A_932 = tpu.vector_load %arg13[%swap3A_930, %swap3A_931] {strides = array<i32>} : memref<16x1024xf32, #tpu.memory_space<vmem>>, vector<16xf32>,
              tpu.vector_store %arg13[%swap3A_930, %swap3A_931], %broadcast_in_dim3A_35 {strides = array<i32>} : memref<16x1024xf32, #tpu.memory_space<vmem>>, vector<16xf32>,
              %swap3A_933 = arith.index_cast %scan3A_859 : i32 to index
              %swap3A_934 = arith.constant 304 : index
              %swap3A_935 = tpu.vector_load %arg13[%swap3A_933, %swap3A_934] {strides = array<i32>} : memref<16x1024xf32, #tpu.memory_space<vmem>>, vector<16xf32>,
              tpu.vector_store %arg13[%swap3A_933, %swap3A_934], %broadcast_in_dim3A_35 {strides = array<i32>} : memref<16x1024xf32, #tpu.memory_space<vmem>>, vector<16xf32>,
              %swap3A_936 = arith.index_cast %scan3A_859 : i32 to index
              %swap3A_937 = arith.constant 320 : index
              %swap3A_938 = tpu.vector_load %arg13[%swap3A_936, %swap3A_937] {strides = array<i32>} : memref<16x1024xf32, #tpu.memory_space<vmem>>, vector<16xf32>,
              tpu.vector_store %arg13[%swap3A_936, %swap3A_937], %broadcast_in_dim3A_35 {strides = array<i32>} : memref<16x1024xf32, #tpu.memory_space<vmem>>, vector<16xf32>,
              %swap3A_939 = arith.index_cast %scan3A_859 : i32 to index
              %swap3A_940 = arith.constant 336 : index
              %swap3A_941 = tpu.vector_load %arg13[%swap3A_939, %swap3A_940] {strides = array<i32>} : memref<16x1024xf32, #tpu.memory_space<vmem>>, vector<16xf32>,
              tpu.vector_store %arg13[%swap3A_939, %swap3A_940], %broadcast_in_dim3A_35 {strides = array<i32>} : memref<16x1024xf32, #tpu.memory_space<vmem>>, vector<16xf32>,
              %swap3A_942 = arith.index_cast %scan3A_859 : i32 to index
              %swap3A_943 = arith.constant 352 : index
              %swap3A_944 = tpu.vector_load %arg13[%swap3A_942, %swap3A_943] {strides = array<i32>} : memref<16x1024xf32, #tpu.memory_space<vmem>>, vector<16xf32>,
              tpu.vector_store %arg13[%swap3A_942, %swap3A_943], %broadcast_in_dim3A_35 {strides = array<i32>} : memref<16x1024xf32, #tpu.memory_space<vmem>>, vector<16xf32>,
              %swap3A_945 = arith.index_cast %scan3A_859 : i32 to index
              %swap3A_946 = arith.constant 368 : index
              %swap3A_947 = tpu.vector_load %arg13[%swap3A_945, %swap3A_946] {strides = array<i32>} : memref<16x1024xf32, #tpu.memory_space<vmem>>, vector<16xf32>,
              tpu.vector_store %arg13[%swap3A_945, %swap3A_946], %broadcast_in_dim3A_35 {strides = array<i32>} : memref<16x1024xf32, #tpu.memory_space<vmem>>, vector<16xf32>,
              %swap3A_948 = arith.index_cast %scan3A_859 : i32 to index
              %swap3A_949 = arith.constant 384 : index
              %swap3A_950 = tpu.vector_load %arg13[%swap3A_948, %swap3A_949] {strides = array<i32>} : memref<16x1024xf32, #tpu.memory_space<vmem>>, vector<16xf32>,
              tpu.vector_store %arg13[%swap3A_948, %swap3A_949], %broadcast_in_dim3A_35 {strides = array<i32>} : memref<16x1024xf32, #tpu.memory_space<vmem>>, vector<16xf32>,
              %swap3A_951 = arith.index_cast %scan3A_859 : i32 to index
              %swap3A_952 = arith.constant 400 : index
              %swap3A_953 = tpu.vector_load %arg13[%swap3A_951, %swap3A_952] {strides = array<i32>} : memref<16x1024xf32, #tpu.memory_space<vmem>>, vector<16xf32>,
              tpu.vector_store %arg13[%swap3A_951, %swap3A_952], %broadcast_in_dim3A_35 {strides = array<i32>} : memref<16x1024xf32, #tpu.memory_space<vmem>>, vector<16xf32>,
              %swap3A_954 = arith.index_cast %scan3A_859 : i32 to index
              %swap3A_955 = arith.constant 416 : index
              %swap3A_956 = tpu.vector_load %arg13[%swap3A_954, %swap3A_955] {strides = array<i32>} : memref<16x1024xf32, #tpu.memory_space<vmem>>, vector<16xf32>,
              tpu.vector_store %arg13[%swap3A_954, %swap3A_955], %broadcast_in_dim3A_35 {strides = array<i32>} : memref<16x1024xf32, #tpu.memory_space<vmem>>, vector<16xf32>,
              %swap3A_957 = arith.index_cast %scan3A_859 : i32 to index
              %swap3A_958 = arith.constant 432 : index
              %swap3A_959 = tpu.vector_load %arg13[%swap3A_957, %swap3A_958] {strides = array<i32>} : memref<16x1024xf32, #tpu.memory_space<vmem>>, vector<16xf32>,
              tpu.vector_store %arg13[%swap3A_957, %swap3A_958], %broadcast_in_dim3A_35 {strides = array<i32>} : memref<16x1024xf32, #tpu.memory_space<vmem>>, vector<16xf32>,
              %swap3A_960 = arith.index_cast %scan3A_859 : i32 to index
              %swap3A_961 = arith.constant 448 : index
              %swap3A_962 = tpu.vector_load %arg13[%swap3A_960, %swap3A_961] {strides = array<i32>} : memref<16x1024xf32, #tpu.memory_space<vmem>>, vector<16xf32>,
              tpu.vector_store %arg13[%swap3A_960, %swap3A_961], %broadcast_in_dim3A_35 {strides = array<i32>} : memref<16x1024xf32, #tpu.memory_space<vmem>>, vector<16xf32>,
              %swap3A_963 = arith.index_cast %scan3A_859 : i32 to index
              %swap3A_964 = arith.constant 464 : index
              %swap3A_965 = tpu.vector_load %arg13[%swap3A_963, %swap3A_964] {strides = array<i32>} : memref<16x1024xf32, #tpu.memory_space<vmem>>, vector<16xf32>,
              tpu.vector_store %arg13[%swap3A_963, %swap3A_964], %broadcast_in_dim3A_35 {strides = array<i32>} : memref<16x1024xf32, #tpu.memory_space<vmem>>, vector<16xf32>,
              %swap3A_966 = arith.index_cast %scan3A_859 : i32 to index
              %swap3A_967 = arith.constant 480 : index
              %swap3A_968 = tpu.vector_load %arg13[%swap3A_966, %swap3A_967] {strides = array<i32>} : memref<16x1024xf32, #tpu.memory_space<vmem>>, vector<16xf32>,
              tpu.vector_store %arg13[%swap3A_966, %swap3A_967], %broadcast_in_dim3A_35 {strides = array<i32>} : memref<16x1024xf32, #tpu.memory_space<vmem>>, vector<16xf32>,
              %swap3A_969 = arith.index_cast %scan3A_859 : i32 to index
              %swap3A_970 = arith.constant 496 : index
              %swap3A_971 = tpu.vector_load %arg13[%swap3A_969, %swap3A_970] {strides = array<i32>} : memref<16x1024xf32, #tpu.memory_space<vmem>>, vector<16xf32>,
              tpu.vector_store %arg13[%swap3A_969, %swap3A_970], %broadcast_in_dim3A_35 {strides = array<i32>} : memref<16x1024xf32, #tpu.memory_space<vmem>>, vector<16xf32>,
              %swap3A_972 = arith.index_cast %scan3A_859 : i32 to index
              %swap3A_973 = arith.constant 512 : index
              %swap3A_974 = tpu.vector_load %arg13[%swap3A_972, %swap3A_973] {strides = array<i32>} : memref<16x1024xf32, #tpu.memory_space<vmem>>, vector<16xf32>,
              tpu.vector_store %arg13[%swap3A_972, %swap3A_973], %broadcast_in_dim3A_35 {strides = array<i32>} : memref<16x1024xf32, #tpu.memory_space<vmem>>, vector<16xf32>,
              %swap3A_975 = arith.index_cast %scan3A_859 : i32 to index
              %swap3A_976 = arith.constant 528 : index
              %swap3A_977 = tpu.vector_load %arg13[%swap3A_975, %swap3A_976] {strides = array<i32>} : memref<16x1024xf32, #tpu.memory_space<vmem>>, vector<16xf32>,
              tpu.vector_store %arg13[%swap3A_975, %swap3A_976], %broadcast_in_dim3A_35 {strides = array<i32>} : memref<16x1024xf32, #tpu.memory_space<vmem>>, vector<16xf32>,
              %swap3A_978 = arith.index_cast %scan3A_859 : i32 to index
              %swap3A_979 = arith.constant 544 : index
              %swap3A_980 = tpu.vector_load %arg13[%swap3A_978, %swap3A_979] {strides = array<i32>} : memref<16x1024xf32, #tpu.memory_space<vmem>>, vector<16xf32>,
              tpu.vector_store %arg13[%swap3A_978, %swap3A_979], %broadcast_in_dim3A_35 {strides = array<i32>} : memref<16x1024xf32, #tpu.memory_space<vmem>>, vector<16xf32>,
              %swap3A_981 = arith.index_cast %scan3A_859 : i32 to index
              %swap3A_982 = arith.constant 560 : index
              %swap3A_983 = tpu.vector_load %arg13[%swap3A_981, %swap3A_982] {strides = array<i32>} : memref<16x1024xf32, #tpu.memory_space<vmem>>, vector<16xf32>,
              tpu.vector_store %arg13[%swap3A_981, %swap3A_982], %broadcast_in_dim3A_35 {strides = array<i32>} : memref<16x1024xf32, #tpu.memory_space<vmem>>, vector<16xf32>,
              %swap3A_984 = arith.index_cast %scan3A_859 : i32 to index
              %swap3A_985 = arith.constant 576 : index
              %swap3A_986 = tpu.vector_load %arg13[%swap3A_984, %swap3A_985] {strides = array<i32>} : memref<16x1024xf32, #tpu.memory_space<vmem>>, vector<16xf32>,
              tpu.vector_store %arg13[%swap3A_984, %swap3A_985], %broadcast_in_dim3A_35 {strides = array<i32>} : memref<16x1024xf32, #tpu.memory_space<vmem>>, vector<16xf32>,
              %swap3A_987 = arith.index_cast %scan3A_859 : i32 to index
              %swap3A_988 = arith.constant 592 : index
              %swap3A_989 = tpu.vector_load %arg13[%swap3A_987, %swap3A_988] {strides = array<i32>} : memref<16x1024xf32, #tpu.memory_space<vmem>>, vector<16xf32>,
              tpu.vector_store %arg13[%swap3A_987, %swap3A_988], %broadcast_in_dim3A_35 {strides = array<i32>} : memref<16x1024xf32, #tpu.memory_space<vmem>>, vector<16xf32>,
              %swap3A_990 = arith.index_cast %scan3A_859 : i32 to index
              %swap3A_991 = arith.constant 608 : index
              %swap3A_992 = tpu.vector_load %arg13[%swap3A_990, %swap3A_991] {strides = array<i32>} : memref<16x1024xf32, #tpu.memory_space<vmem>>, vector<16xf32>,
              tpu.vector_store %arg13[%swap3A_990, %swap3A_991], %broadcast_in_dim3A_35 {strides = array<i32>} : memref<16x1024xf32, #tpu.memory_space<vmem>>, vector<16xf32>,
              %swap3A_993 = arith.index_cast %scan3A_859 : i32 to index
              %swap3A_994 = arith.constant 624 : index
              %swap3A_995 = tpu.vector_load %arg13[%swap3A_993, %swap3A_994] {strides = array<i32>} : memref<16x1024xf32, #tpu.memory_space<vmem>>, vector<16xf32>,
              tpu.vector_store %arg13[%swap3A_993, %swap3A_994], %broadcast_in_dim3A_35 {strides = array<i32>} : memref<16x1024xf32, #tpu.memory_space<vmem>>, vector<16xf32>,
              %swap3A_996 = arith.index_cast %scan3A_859 : i32 to index
              %swap3A_997 = arith.constant 640 : index
              %swap3A_998 = tpu.vector_load %arg13[%swap3A_996, %swap3A_997] {strides = array<i32>} : memref<16x1024xf32, #tpu.memory_space<vmem>>, vector<16xf32>,
              tpu.vector_store %arg13[%swap3A_996, %swap3A_997], %broadcast_in_dim3A_35 {strides = array<i32>} : memref<16x1024xf32, #tpu.memory_space<vmem>>, vector<16xf32>,
              %swap3A_999 = arith.index_cast %scan3A_859 : i32 to index
              %swap3A_1000 = arith.constant 656 : index
              %swap3A_1001 = tpu.vector_load %arg13[%swap3A_999, %swap3A_1000] {strides = array<i32>} : memref<16x1024xf32, #tpu.memory_space<vmem>>, vector<16xf32>,
              tpu.vector_store %arg13[%swap3A_999, %swap3A_1000], %broadcast_in_dim3A_35 {strides = array<i32>} : memref<16x1024xf32, #tpu.memory_space<vmem>>, vector<16xf32>,
              %swap3A_1002 = arith.index_cast %scan3A_859 : i32 to index
              %swap3A_1003 = arith.constant 672 : index
              %swap3A_1004 = tpu.vector_load %arg13[%swap3A_1002, %swap3A_1003] {strides = array<i32>} : memref<16x1024xf32, #tpu.memory_space<vmem>>, vector<16xf32>,
              tpu.vector_store %arg13[%swap3A_1002, %swap3A_1003], %broadcast_in_dim3A_35 {strides = array<i32>} : memref<16x1024xf32, #tpu.memory_space<vmem>>, vector<16xf32>,
              %swap3A_1005 = arith.index_cast %scan3A_859 : i32 to index
              %swap3A_1006 = arith.constant 688 : index
              %swap3A_1007 = tpu.vector_load %arg13[%swap3A_1005, %swap3A_1006] {strides = array<i32>} : memref<16x1024xf32, #tpu.memory_space<vmem>>, vector<16xf32>,
              tpu.vector_store %arg13[%swap3A_1005, %swap3A_1006], %broadcast_in_dim3A_35 {strides = array<i32>} : memref<16x1024xf32, #tpu.memory_space<vmem>>, vector<16xf32>,
              %swap3A_1008 = arith.index_cast %scan3A_859 : i32 to index
              %swap3A_1009 = arith.constant 704 : index
              %swap3A_1010 = tpu.vector_load %arg13[%swap3A_1008, %swap3A_1009] {strides = array<i32>} : memref<16x1024xf32, #tpu.memory_space<vmem>>, vector<16xf32>,
              tpu.vector_store %arg13[%swap3A_1008, %swap3A_1009], %broadcast_in_dim3A_35 {strides = array<i32>} : memref<16x1024xf32, #tpu.memory_space<vmem>>, vector<16xf32>,
              %swap3A_1011 = arith.index_cast %scan3A_859 : i32 to index
              %swap3A_1012 = arith.constant 720 : index
              %swap3A_1013 = tpu.vector_load %arg13[%swap3A_1011, %swap3A_1012] {strides = array<i32>} : memref<16x1024xf32, #tpu.memory_space<vmem>>, vector<16xf32>,
              tpu.vector_store %arg13[%swap3A_1011, %swap3A_1012], %broadcast_in_dim3A_35 {strides = array<i32>} : memref<16x1024xf32, #tpu.memory_space<vmem>>, vector<16xf32>,
              %swap3A_1014 = arith.index_cast %scan3A_859 : i32 to index
              %swap3A_1015 = arith.constant 736 : index
              %swap3A_1016 = tpu.vector_load %arg13[%swap3A_1014, %swap3A_1015] {strides = array<i32>} : memref<16x1024xf32, #tpu.memory_space<vmem>>, vector<16xf32>,
              tpu.vector_store %arg13[%swap3A_1014, %swap3A_1015], %broadcast_in_dim3A_35 {strides = array<i32>} : memref<16x1024xf32, #tpu.memory_space<vmem>>, vector<16xf32>,
              %swap3A_1017 = arith.index_cast %scan3A_859 : i32 to index
              %swap3A_1018 = arith.constant 752 : index
              %swap3A_1019 = tpu.vector_load %arg13[%swap3A_1017, %swap3A_1018] {strides = array<i32>} : memref<16x1024xf32, #tpu.memory_space<vmem>>, vector<16xf32>,
              tpu.vector_store %arg13[%swap3A_1017, %swap3A_1018], %broadcast_in_dim3A_35 {strides = array<i32>} : memref<16x1024xf32, #tpu.memory_space<vmem>>, vector<16xf32>,
              %swap3A_1020 = arith.index_cast %scan3A_859 : i32 to index
              %swap3A_1021 = arith.constant 768 : index
              %swap3A_1022 = tpu.vector_load %arg13[%swap3A_1020, %swap3A_1021] {strides = array<i32>} : memref<16x1024xf32, #tpu.memory_space<vmem>>, vector<16xf32>,
              tpu.vector_store %arg13[%swap3A_1020, %swap3A_1021], %broadcast_in_dim3A_35 {strides = array<i32>} : memref<16x1024xf32, #tpu.memory_space<vmem>>, vector<16xf32>,
              %swap3A_1023 = arith.index_cast %scan3A_859 : i32 to index
              %swap3A_1024 = arith.constant 784 : index
              %swap3A_1025 = tpu.vector_load %arg13[%swap3A_1023, %swap3A_1024] {strides = array<i32>} : memref<16x1024xf32, #tpu.memory_space<vmem>>, vector<16xf32>,
              tpu.vector_store %arg13[%swap3A_1023, %swap3A_1024], %broadcast_in_dim3A_35 {strides = array<i32>} : memref<16x1024xf32, #tpu.memory_space<vmem>>, vector<16xf32>,
              %swap3A_1026 = arith.index_cast %scan3A_859 : i32 to index
              %swap3A_1027 = arith.constant 800 : index
              %swap3A_1028 = tpu.vector_load %arg13[%swap3A_1026, %swap3A_1027] {strides = array<i32>} : memref<16x1024xf32, #tpu.memory_space<vmem>>, vector<16xf32>,
              tpu.vector_store %arg13[%swap3A_1026, %swap3A_1027], %broadcast_in_dim3A_35 {strides = array<i32>} : memref<16x1024xf32, #tpu.memory_space<vmem>>, vector<16xf32>,
              %swap3A_1029 = arith.index_cast %scan3A_859 : i32 to index
              %swap3A_1030 = arith.constant 816 : index
              %swap3A_1031 = tpu.vector_load %arg13[%swap3A_1029, %swap3A_1030] {strides = array<i32>} : memref<16x1024xf32, #tpu.memory_space<vmem>>, vector<16xf32>,
              tpu.vector_store %arg13[%swap3A_1029, %swap3A_1030], %broadcast_in_dim3A_35 {strides = array<i32>} : memref<16x1024xf32, #tpu.memory_space<vmem>>, vector<16xf32>,
              %swap3A_1032 = arith.index_cast %scan3A_859 : i32 to index
              %swap3A_1033 = arith.constant 832 : index
              %swap3A_1034 = tpu.vector_load %arg13[%swap3A_1032, %swap3A_1033] {strides = array<i32>} : memref<16x1024xf32, #tpu.memory_space<vmem>>, vector<16xf32>,
              tpu.vector_store %arg13[%swap3A_1032, %swap3A_1033], %broadcast_in_dim3A_35 {strides = array<i32>} : memref<16x1024xf32, #tpu.memory_space<vmem>>, vector<16xf32>,
              %swap3A_1035 = arith.index_cast %scan3A_859 : i32 to index
              %swap3A_1036 = arith.constant 848 : index
              %swap3A_1037 = tpu.vector_load %arg13[%swap3A_1035, %swap3A_1036] {strides = array<i32>} : memref<16x1024xf32, #tpu.memory_space<vmem>>, vector<16xf32>,
              tpu.vector_store %arg13[%swap3A_1035, %swap3A_1036], %broadcast_in_dim3A_35 {strides = array<i32>} : memref<16x1024xf32, #tpu.memory_space<vmem>>, vector<16xf32>,
              %swap3A_1038 = arith.index_cast %scan3A_859 : i32 to index
              %swap3A_1039 = arith.constant 864 : index
              %swap3A_1040 = tpu.vector_load %arg13[%swap3A_1038, %swap3A_1039] {strides = array<i32>} : memref<16x1024xf32, #tpu.memory_space<vmem>>, vector<16xf32>,
              tpu.vector_store %arg13[%swap3A_1038, %swap3A_1039], %broadcast_in_dim3A_35 {strides = array<i32>} : memref<16x1024xf32, #tpu.memory_space<vmem>>, vector<16xf32>,
              %swap3A_1041 = arith.index_cast %scan3A_859 : i32 to index
              %swap3A_1042 = arith.constant 880 : index
              %swap3A_1043 = tpu.vector_load %arg13[%swap3A_1041, %swap3A_1042] {strides = array<i32>} : memref<16x1024xf32, #tpu.memory_space<vmem>>, vector<16xf32>,
              tpu.vector_store %arg13[%swap3A_1041, %swap3A_1042], %broadcast_in_dim3A_35 {strides = array<i32>} : memref<16x1024xf32, #tpu.memory_space<vmem>>, vector<16xf32>,
              %swap3A_1044 = arith.index_cast %scan3A_859 : i32 to index
              %swap3A_1045 = arith.constant 896 : index
              %swap3A_1046 = tpu.vector_load %arg13[%swap3A_1044, %swap3A_1045] {strides = array<i32>} : memref<16x1024xf32, #tpu.memory_space<vmem>>, vector<16xf32>,
              tpu.vector_store %arg13[%swap3A_1044, %swap3A_1045], %broadcast_in_dim3A_35 {strides = array<i32>} : memref<16x1024xf32, #tpu.memory_space<vmem>>, vector<16xf32>,
              %swap3A_1047 = arith.index_cast %scan3A_859 : i32 to index
              %swap3A_1048 = arith.constant 912 : index
              %swap3A_1049 = tpu.vector_load %arg13[%swap3A_1047, %swap3A_1048] {strides = array<i32>} : memref<16x1024xf32, #tpu.memory_space<vmem>>, vector<16xf32>,
              tpu.vector_store %arg13[%swap3A_1047, %swap3A_1048], %broadcast_in_dim3A_35 {strides = array<i32>} : memref<16x1024xf32, #tpu.memory_space<vmem>>, vector<16xf32>,
              %swap3A_1050 = arith.index_cast %scan3A_859 : i32 to index
              %swap3A_1051 = arith.constant 928 : index
              %swap3A_1052 = tpu.vector_load %arg13[%swap3A_1050, %swap3A_1051] {strides = array<i32>} : memref<16x1024xf32, #tpu.memory_space<vmem>>, vector<16xf32>,
              tpu.vector_store %arg13[%swap3A_1050, %swap3A_1051], %broadcast_in_dim3A_35 {strides = array<i32>} : memref<16x1024xf32, #tpu.memory_space<vmem>>, vector<16xf32>,
              %swap3A_1053 = arith.index_cast %scan3A_859 : i32 to index
              %swap3A_1054 = arith.constant 944 : index
              %swap3A_1055 = tpu.vector_load %arg13[%swap3A_1053, %swap3A_1054] {strides = array<i32>} : memref<16x1024xf32, #tpu.memory_space<vmem>>, vector<16xf32>,
              tpu.vector_store %arg13[%swap3A_1053, %swap3A_1054], %broadcast_in_dim3A_35 {strides = array<i32>} : memref<16x1024xf32, #tpu.memory_space<vmem>>, vector<16xf32>,
              %swap3A_1056 = arith.index_cast %scan3A_859 : i32 to index
              %swap3A_1057 = arith.constant 960 : index
              %swap3A_1058 = tpu.vector_load %arg13[%swap3A_1056, %swap3A_1057] {strides = array<i32>} : memref<16x1024xf32, #tpu.memory_space<vmem>>, vector<16xf32>,
              tpu.vector_store %arg13[%swap3A_1056, %swap3A_1057], %broadcast_in_dim3A_35 {strides = array<i32>} : memref<16x1024xf32, #tpu.memory_space<vmem>>, vector<16xf32>,
              %swap3A_1059 = arith.index_cast %scan3A_859 : i32 to index
              %swap3A_1060 = arith.constant 976 : index
              %swap3A_1061 = tpu.vector_load %arg13[%swap3A_1059, %swap3A_1060] {strides = array<i32>} : memref<16x1024xf32, #tpu.memory_space<vmem>>, vector<16xf32>,
              tpu.vector_store %arg13[%swap3A_1059, %swap3A_1060], %broadcast_in_dim3A_35 {strides = array<i32>} : memref<16x1024xf32, #tpu.memory_space<vmem>>, vector<16xf32>,
              %swap3A_1062 = arith.index_cast %scan3A_859 : i32 to index
              %swap3A_1063 = arith.constant 992 : index
              %swap3A_1064 = tpu.vector_load %arg13[%swap3A_1062, %swap3A_1063] {strides = array<i32>} : memref<16x1024xf32, #tpu.memory_space<vmem>>, vector<16xf32>,
              tpu.vector_store %arg13[%swap3A_1062, %swap3A_1063], %broadcast_in_dim3A_35 {strides = array<i32>} : memref<16x1024xf32, #tpu.memory_space<vmem>>, vector<16xf32>,
              %swap3A_1065 = arith.index_cast %scan3A_859 : i32 to index
              %swap3A_1066 = arith.constant 1008 : index
              %swap3A_1067 = tpu.vector_load %arg13[%swap3A_1065, %swap3A_1066] {strides = array<i32>} : memref<16x1024xf32, #tpu.memory_space<vmem>>, vector<16xf32>,
              tpu.vector_store %arg13[%swap3A_1065, %swap3A_1066], %broadcast_in_dim3A_35 {strides = array<i32>} : memref<16x1024xf32, #tpu.memory_space<vmem>>, vector<16xf32>,
            } else {
            }
          }
          %scan3A_858 = arith.constant 16 : i32
        } else {
        }
        %dma_start3A_847 = arith.constant 0 : i32
        %dma_start3A_848 = arith.constant 0 : i32
        %dma_start3A_849 = tpu.memref_slice %arg5[%dma_start3A_847, %dma_start3A_848] : memref<16384x1024xf32, #tpu.memory_space<hbm>> -> memref<16384x1024xf32, #tpu.memory_space<hbm>>
        tpu.enqueue_indirect_dma source(%arg13 : memref<16x1024xf32, #tpu.memory_space<vmem>>) target(%dma_start3A_849 : memref<16384x1024xf32, #tpu.memory_space<hbm>>) offsets(%arg16 : memref<16xi32, #tpu.memory_space<vmem>>) semaphore(%arg30 : memref<!tpu.dma_semaphore, #tpu.memory_space<semaphore_mem>>)
        %dma_wait3A_850 = arith.constant 0 : i32
        %dma_wait3A_851 = arith.constant 0 : i32
        %dma_wait3A_852 = tpu.memref_slice %arg5[%dma_wait3A_850, %dma_wait3A_851] : memref<16384x1024xf32, #tpu.memory_space<hbm>> -> memref<16384x1024xf32, #tpu.memory_space<hbm>>
        tpu.wait_indirect_dma semaphore(%arg30 : memref<!tpu.dma_semaphore, #tpu.memory_space<semaphore_mem>>) src(%arg13 : memref<16x1024xf32, #tpu.memory_space<vmem>>) dst(%dma_wait3A_852 : memref<16384x1024xf32, #tpu.memory_space<hbm>>)
      } else {
      }
    }
    %scan3A_795 = arith.constant 32 : i32
    return
  }
}

</mosaic_0001>

<sc_bundles>
// kernel: kernel.3.cloned.1.call-start
scs
__scs_entry_jumppad:
0x0: {  	(pc) =	sbr.rel $0x88, $3  }
0x1: {  	(tag) =	ssettag $0x0;
	lr =	simm.s32 $0x1  }
0x2: {  	[smem:$0x3F9E] =	sst lr;
	_ =	strace $0xD0000000  }
0x3: {  	_ = 	snop  }
0x4: {  	_ = 	snop  }
0x5: {  	_ = 	snop  }
0x6: {  	_ = 	snop  }
0x7: {  	_ = 	snop  }
__scs_overlays_trampoline_lowered:
0x8: {  	[smem:$0x3FAD] =	sst s0  }
0x9: {  	[smem:$0x3FAE] =	sst s1  }
0xa: {  	[smem:$0x3FAF] =	sst s2  }
0xb: {  	[smem:$0x3FB0] =	sst s3  }
0xc: {  	[smem:$0x3FB1] =	sst s4  }
0xd: {  	[smem:$0x3FB2] =	sst s5  }
0xe: {  	[smem:$0x3FB3] =	sst s6  }
0xf: {  	[smem:$0x3FB4] =	sst s7  }
0x10: {  	[smem:$0x3FB5] =	sst s8  }
0x11: {  	[smem:$0x3FB6] =	sst s9;
	s0 =	simm.s32 @!p0 $0x0  }
0x12: {  	s1 =	sld [smem:$0x3F9C];
	s0 =	simm.s32 @p0 $0x1  }
0x13: {  	[smem:$0x3FB7] =	sst s0;
	s0 =	simm.s32 @!p1 $0x0  }
0x14: {  	s2 =	sld [smem:$0x3F9B];
	s0 =	simm.s32 @p1 $0x1  }
0x15: {  	[smem:$0x3FB8] =	sst s0;
	s0 =	simm.s32 @!p2 $0x0  }
0x16: {  	s3 =	sld [smem:$0x3FDB];
	s0 =	simm.s32 @p2 $0x1  }
0x17: {  	s4 =	simm.s32 $0x1BF5;
	[smem:$0x3FBA] =	sst s0  }
0x18: {  	s0 =	sld [smem:$0x3F9D];
	_ =	swait.ge [sflag:s4], $0x0  }
0x19: {  	s7 =	sld [smem:$0x3F9E]  }
0x1a: {  	s8 =	sadd.s32 $0xFFFFE003, lr  }
0x1b: {  	s9 =	sadd.s32 $0xFFFFFEF7, lr;
	s5 =	simm.s32 $0xFFFFFFFF;
	p2 =	slt.u32 s8, $0xFFFFF086  }
0x1c: {  	p1 =	slt.u32 s9, $0xF7A;
	s5 =	simm.s32 @!p2 $0x0  }
0x1d: {  	s5 =	simm.s32 @p1 $0x1;
	p0 =	seq.s32 s7, s2  }
0x1e: {  	s7 =	smul.u32 @!p0 $0xF7A, s2;
	p2 =	seq.s32 @!p0 s5, $0x0  }
0x1f: {  	s9 =	smul.u32 $0xF7A, s1;
	s8 =	simm.s32 @!p0 $0x1BF5;
	p2 =	por !p2, p0  }
0x20: {  	[sflag:s8] =	ssyncset.s32 @!p0 $0xFFFFF086;
	s6 =	sadd.s32 @!p0 s3, s7;
	s7 =	simm.s32 @!p0 $0x108  }
0x21: {  	s3 =	sadd.s32 s3, s9;
	s6 =	sadd.s32 @!p0 $0x88, s6;
	s7 =	simm.s32 @p2 $0x1082  }
0x22: {  	[simem:s7], [sflag:s8] =	dma.local @!p0 [hbm:s6], $0xF7A  }
0x23: {  	s9 =	sor.u32 $0xD0000000, s2;
	s6 =	simm.s32 $0x108;
	_ =	swait.ge @!p0 [sflag:s8], $0x0  }
0x24: {  	s3 =	sadd.s32 $0x88, s3;
	s6 =	simm.s32 @!p1 $0x1082;
	[sflag:s4] =	ssyncset.s32 $0xFFFFF086  }
0x25: {  	[simem:s6], [sflag:s4] =	dma.local [hbm:s3], $0xF7A  }
0x26: {  	[smem:$0x3F9E] =	sst s1;
	(tag) =	ssettag s2;
	_ =	strace s9  }
0x27: {  	s1 =	sld [smem:$0x3FAE]  }
0x28: {  	s2 =	sld [smem:$0x3FAF]  }
0x29: {  	s4 =	sld [smem:$0x3FB1]  }
0x2a: {  	p0 =	seq.s32 s5, $0x0;
	s5 =	sld [smem:$0x3FB2]  }
0x2b: {  	s6 =	sld [smem:$0x3FB3]  }
0x2c: {  	s7 =	sld [smem:$0x3FB4]  }
0x2d: {  	s3 =	simm.s32 $0x108;
	s8 =	sld [smem:$0x3FB5]  }
0x2e: {  	s3 =	simm.s32 @!p0 $0x1082;
	s9 =	sld [smem:$0x3FB6]  }
0x2f: {  	lr =	sadd.s32 s0, s3;
	s0 =	sld [smem:$0x3FAD]  }
0x30: {  	s3 =	sld [smem:$0x3FB0]  }
0x31: {  	[smem:$0x3FB9] =	sst s10  }
0x32: {  	s10 =	sld [smem:$0x3FB7];
	_ =	sdelay $0x3  }
0x33: {  	p0 =	seq.s32 s10, $0x1;
	s10 =	sld [smem:$0x3FB9];
	_ =	sdelay $0x3  }
0x34: {  	[smem:$0x3FB9] =	sst s10  }
0x35: {  	s10 =	sld [smem:$0x3FB8];
	_ =	sdelay $0x3  }
0x36: {  	p1 =	seq.s32 s10, $0x1;
	s10 =	sld [smem:$0x3FB9];
	_ =	sdelay $0x3  }
0x37: {  	[smem:$0x3FB9] =	sst s10  }
0x38: {  	s10 =	sld [smem:$0x3FBA]  }
0x39: {  	_ = 	snop;
	(pc) =	sbr.ind lr, $3  }
0x3a: {  	_ = 	snop  }
0x3b: {  	_ = 	snop  }
0x3c: {  	p2 =	seq.s32 s10, $0x1;
	s10 =	sld [smem:$0x3FB9]  }
0x3d: {  	_ =	shalt  }
0x3e: {  	_ =	shalt  }
0x3f: {  	_ =	shalt  }
0x40: {  	_ =	shalt  }
0x41: {  	_ =	shalt  }
0x42: {  	_ =	shalt  }
0x43: {  	_ =	shalt  }
0x44: {  	_ =	shalt  }
0x45: {  	_ =	shalt  }
0x46: {  	_ =	shalt  }
0x47: {  	_ =	shalt  }
0x48: {  	_ =	shalt  }
0x49: {  	_ =	shalt  }
0x4a: {  	_ =	shalt  }
0x4b: {  	_ =	shalt  }
0x4c: {  	_ =	shalt  }
0x4d: {  	_ =	shalt  }
0x4e: {  	_ =	shalt  }
0x4f: {  	_ =	shalt  }
0x50: {  	_ =	shalt  }
0x51: {  	_ =	shalt  }
0x52: {  	_ =	shalt  }
0x53: {  	_ =	shalt  }
0x54: {  	_ =	shalt  }
0x55: {  	_ =	shalt  }
0x56: {  	_ =	shalt  }
0x57: {  	_ =	shalt  }
0x58: {  	_ =	shalt  }
0x59: {  	_ =	shalt  }
0x5a: {  	_ =	shalt  }
0x5b: {  	_ =	shalt  }
0x5c: {  	_ =	shalt  }
0x5d: {  	_ =	shalt  }
0x5e: {  	_ =	shalt  }
0x5f: {  	_ =	shalt  }
0x60: {  	_ =	shalt  }
0x61: {  	_ =	shalt  }
0x62: {  	_ =	shalt  }
0x63: {  	_ =	shalt  }
0x64: {  	_ =	shalt  }
0x65: {  	_ =	shalt  }
0x66: {  	_ =	shalt  }
0x67: {  	_ =	shalt  }
0x68: {  	_ =	shalt  }
0x69: {  	_ =	shalt  }
0x6a: {  	_ =	shalt  }
0x6b: {  	_ =	shalt  }
0x6c: {  	_ =	shalt  }
0x6d: {  	_ =	shalt  }
0x6e: {  	_ =	shalt  }
0x6f: {  	_ =	shalt  }
0x70: {  	_ =	shalt  }
0x71: {  	_ =	shalt  }
0x72: {  	_ =	shalt  }
0x73: {  	_ =	shalt  }
0x74: {  	_ =	shalt  }
0x75: {  	_ =	shalt  }
0x76: {  	_ =	shalt  }
0x77: {  	_ =	shalt  }
0x78: {  	_ =	shalt  }
0x79: {  	_ =	shalt  }
0x7a: {  	_ =	shalt  }
0x7b: {  	_ =	shalt  }
0x7c: {  	_ =	shalt  }
0x7d: {  	_ =	shalt  }
0x7e: {  	_ =	shalt  }
0x7f: {  	_ =	shalt  }
0x80: {  	_ =	shalt  }
0x81: {  	_ =	shalt  }
0x82: {  	_ =	shalt  }
0x83: {  	_ =	shalt  }
0x84: {  	_ =	shalt  }
0x85: {  	_ =	shalt  }
0x86: {  	_ =	shalt  }
0x87: {  	_ =	shalt  }
.Lfunc_end0:
.L_simem_size_0:
called_computation_lowered:
.L_overlay_start_0:
0x88: {  	s2 =	sld [smem:$0x3FD9]  }
0x89: {  	s3 =	sld [smem:$0x3FFE];
	_ =	sdelay $0x1  }
0x8a: {  	s1 =	srdreg.scid  }
0x8b: {  	s0 =	sand.u32 $0x1, s1  }
0x8c: {  	s18 =	sshll.u32 s0, $0xA;
	s2 =	sadd.s32 s3, s2  }
0x8d: {  	s2 =	sadd.s32 s2, s18  }
0x8e: {  	[smem:$0x3FC5] =	sst s2  }
0x8f: {  	_ = 	snop  }
0x90: {  	s2 =	sld [smem:$0x3FC9]  }
0x91: {  	s19 =	sld [smem:$0x3FC8]  }
0x92: {  	s4 =	sld [smem:$0x3FC7]  }
0x93: {  	s5 =	sld [smem:$0x3FD0];
	(tm) =	ssettm $0x1  }
0x94: {  	s6 =	sld [smem:$0x3FFB];
	_ =	sdelay $0x3  }
0x95: {  	_ =	strace s6  }
0x96: {  	s6 =	sld [smem:$0x3FFC];
	_ =	sdelay $0x3  }
0x97: {  	_ =	strace s6  }
0x98: {  	s6 =	sld [smem:$0x3FFD];
	_ =	sdelay $0x3  }
0x99: {  	_ =	strace s6  }
0x9a: {  	_ =	strace $0x8FFFFFFF  }
0x9b: {  	s20 =	sld [smem:$0x3FDB];
	_ =	sdelay $0x1  }
0x9c: {  	s7 =	simm.s32 $_scs_section_size  }
0x9d: {  	s8 =	simm.s32 $_size__tile_overlayer_lowered;
	s9 =	simm.s32 $_tile_overlayer_lowered  }
0x9e: {  	s23 =	simm.s32 $0x1BFF;
	s22 =	sshll.u32 s9, $0x1;
	s6 =	sadd.s32 s7, s20  }
0x9f: {  	s10 =	simm.s32 $0x0;
	s21 =	sshll.u32 s8, $0x1;
	s8 =	sadd.s32 s22, s6  }
0xa0: {  	[timem:s10], [sflag:s23] =	dma.local [hbm:s8], s21  }
0xa1: {  	_ =	swait.ge [sflag:s23], s21  }
0xa2: {  	s7 =	ssub.s32 $0x0, s21;
	[sflag:s23] =	ssyncset.done $0x0  }
0xa3: {  	[sflag:s23] =	ssyncadd.s32 s7;
	_ =	sdelay $0x1  }
0xa4: {  	s24 =	simm.s32 $0x1B8B  }
0xa5: {  	_ =	swait.ge [sflag:s24], $0x1  }
0xa6: {  	[sflag:s24] =	ssyncset.done $0x0  }
0xa7: {  	s25 =	simm.s32 $0x1B8E;
	[sflag:s24] =	ssyncadd.s32 $0xFFFFFFFF  }
0xa8: {  	s26 =	simm.s32 $execute0_lowered;
	[smem:$0x3FD2] =	sst s25  }
0xa9: {  	s7 =	sshll.u32 s26, $0x1;
	_ =	strace $0x80000046;
	[dreg:$0x1] =	wrdreg $0xFFFFFFFF  }
0xaa: {  	s28 =	simm.s32 $_size_execute0_lowered;
	s6 =	sadd.s32 s6, s7;
	[dreg:$0x0] =	wrdreg $0x0  }
0xab: {  	s7 =	sshll.u32 s28, $0x1;
	[dreg:$0x2] =	wrdreg s6  }
0xac: {  	[dreg:$0x3] =	wrdreg s7  }
0xad: {  	[dreg:$0x4] =	wrdreg $0xC0  }
0xae: {  	_ =	task [dreg:s10], $0x5FFFF  }
0xaf: {  	[dreg:$0x1] =	wrdreg $0xFFFFFFFF  }
0xb0: {  	[dreg:$0x0] =	wrdreg $0x60  }
0xb1: {  	[dreg:$0x2] =	wrdreg s2  }
0xb2: {  	[dreg:$0x3] =	wrdreg s19  }
0xb3: {  	[dreg:$0x4] =	wrdreg s4  }
0xb4: {  	[dreg:$0x5] =	wrdreg s5  }
0xb5: {  	[dreg:$0x6] =	wrdreg $0x9  }
0xb6: {  	_ =	task.clear_ibuf [dreg:s10], $0x7FFFF;
	_ =	strace $0x90000046  }
0xb7: {  	s29 =	simm.s32 $0x9;
	_ =	strace $0x80000048  }
0xb8: {  	_ =	swait.ge [sflag:s29], $0x1  }
0xb9: {  	[sflag:s29] =	ssyncadd.s32 $0xFFFFFFFF  }
0xba: {  	_ =	strace $0x90000048  }
0xbb: {  	_ =	sfence  }
0xbc: {  	s30 =	sld [smem:$0x0];
	_ =	sdelay $0x2  }
0xbd: {  	s31 =	sshll.u32 s1, $0xD;
	s1 =	sshrl.u32 s1, $0x2  }
0xbe: {  	s3 =	sand.u32 $0x4000, s31;
	s1 =	sadd.s32 s1, s30  }
0xbf: {  	s0 =	sor.u32 s3, s0;
	s1 =	sshll.u32 s1, $0x11  }
0xc0: {  	s0 =	sor.u32 s1, s0  }
0xc1: {  	s0 =	sadd.s32 $0x8F2B, s0  }
0xc2: {  	[sflag:s0] =	ssyncadd.remote.s32 $0x1  }
0xc3: {  	_ =	sfence.sel $0xFFFF  }
0xc4: {  	[dreg:$0x0] =	wrdreg $0xFFFFFFFF;
	(pc) =	sbr.abs _section_cstart, $3  }
0xc5: {  	[dreg:$0x1] =	wrdreg $0xFFFFFFFF  }
0xc6: {  	_ =	task.clear_ibuf [dreg:s10], $0x2FFFF;
	_ =	strace $0x9FFFFFFF  }
0xc7: {  	(tm) =	ssettm $0x7FFFFFFF  }
tec
execute0_lowered:
.L_overlay_start_1:
0x0: {  	(tag) =	ssettag $0x1  }
0x1: {  	s0 =	rddreg [dreg:$0x0]  }
0x2: {  	s10 =	rddreg [dreg:$0x1]  }
0x3: {  	s2 =	rddreg [dreg:$0x2]  }
0x4: {  	s12 =	rddreg [dreg:$0x3]  }
0x5: {  	s1 =	srdreg.scid;
	s13 =	stileid.u32  }
0x6: {  	s1 =	sand.u32 $0x1, s1;
	s4 =	sshll.u32 s13, $0x1;
	s7 =	sshll.u32 s13, $0x2  }
0x7: {  	s5 =	simm.s32 $0x0;
	s4 =	sor.u32 s1, s4;
	s7 =	sand.u32 $0x30, s7  }
0x8: {  	[smem:$0x7FF] =	sst s5;
	s0 =	sadd.s32 s0, s7;
	s22 =	sshll.u32 s4, $0x10  }
0x9: {  	_ =	strace $0x80000047;
	[dreg:$0x5] =	wrdreg s0;
	s14 =	sadd.s32 s12, s22  }
0xa: {  	s0 =	sadd.s32 $0x800, s14;
	[dreg:$0x6] =	wrdreg s14  }
0xb: {  	s23 =	sadd.s32 $0x1000, s14;
	[dreg:$0x7] =	wrdreg s0  }
0xc: {  	s3 =	ssub.s32 $0x2, s1;
	s24 =	sadd.s32 $0x1800, s14;
	[dreg:$0x8] =	wrdreg s23  }
0xd: {  	s6 =	sshrl.u32 s3, $0x1;
	s25 =	sadd.s32 $0x2000, s14;
	[dreg:$0x9] =	wrdreg s24  }
0xe: {  	s3 =	ssub.s32 s3, s6;
	s26 =	sadd.s32 $0x2800, s14;
	[dreg:$0xa] =	wrdreg s25  }
0xf: {  	s6 =	sand.u32 $0x7, s4;
	s4 =	sadd.s32 $0x3000, s14;
	[dreg:$0xb] =	wrdreg s26  }
0x10: {  	s15 =	sadd.s32 $0x3800, s14;
	[dreg:$0xc] =	wrdreg s4  }
0x11: {  	s17 =	sadd.s32 $0x4000, s14;
	[dreg:$0xd] =	wrdreg s15  }
0x12: {  	s20 =	sadd.s32 $0x4800, s14;
	[dreg:$0xe] =	wrdreg s17  }
0x13: {  	s16 =	sand.u32 $0x3, s13;
	s21 =	sadd.s32 $0x5000, s14;
	[dreg:$0x10] =	wrdreg s20  }
0x14: {  	s7 =	sshll.u32 s6, $0x9;
	s22 =	sadd.s32 $0x5800, s14;
	[dreg:$0x12] =	wrdreg s21  }
0x15: {  	p0 =	seq.s32 s6, $0x0;
	s6 =	sadd.s32 $0x9000, s14;
	[dreg:$0x13] =	wrdreg s22  }
0x16: {  	s19 =	sshll.u32 s13, $0xA;
	s13 =	sadd.s32 $0x9800, s14;
	[dreg:$0x1b] =	wrdreg s6  }
0x17: {  	s23 =	smax.u32 s3, $0x1;
	[dreg:$0x1c] =	wrdreg s13  }
0x18: {  	s24 =	sadd.s32 $0x6000, s14;
	[dreg:$0x14] =	wrdreg s23  }
0x19: {  	s25 =	sadd.s32 $0x6800, s14;
	[dreg:$0x15] =	wrdreg s24  }
0x1a: {  	s26 =	sadd.s32 $0x7000, s14;
	[dreg:$0x16] =	wrdreg s25  }
0x1b: {  	s3 =	sadd.s32 $0x8000, s14;
	[dreg:$0x17] =	wrdreg s26  }
0x1c: {  	s4 =	sadd.s32 $0x8800, s14;
	[dreg:$0x19] =	wrdreg s3  }
0x1d: {  	s8 =	sadd.s32 $0x100, s2;
	s15 =	sadd.s32 $0xA000, s14;
	[dreg:$0x1a] =	wrdreg s4  }
0x1e: {  	s0 =	sshll.u32 s16, $0x6;
	s16 =	sadd.s32 $0xA800, s14;
	[dreg:$0x1d] =	wrdreg s15  }
0x1f: {  	s9 =	sadd.s32 $0x200, s2;
	s17 =	sadd.s32 $0xB000, s14;
	[dreg:$0x1e] =	wrdreg s16  }
0x20: {  	s11 =	sadd.s32 $0x300, s2;
	s20 =	sadd.s32 $0xC800, s14;
	[dreg:$0x1f] =	wrdreg s17  }
0x21: {  	s28 =	sadd.s32 $0x200, s10;
	s21 =	sadd.s32 $0xD000, s14;
	[smem:$0x7F7] =	sst s20  }
0x22: {  	v0 =	vimm.s32 $0x8040201;
	v1 =	vimm.s32 $0x80402010;
	s18 =	sshll.u32 s1, $0x5;
	s22 =	sadd.s32 $0xD800, s14;
	[smem:$0x7F8] =	sst s21  }
0x23: {  	s29 =	sadd.s32 $0x300, s10;
	v0 =	vunpack.c.0.s8.s32 v0;
	v1 =	vunpack.c.0.s8.s32 v1;
	s0 =	sor.u32 s18, s0;
	[smem:$0x7F9] =	sst s22  }
0x24: {  	vm0 =	vcmask $0xF00;
	s30 =	sadd.s32 $0x100, s12;
	s18 =	sadd.s32 $0xB800, s14;
	[dreg:$0xf] =	wrdreg s0  }
0x25: {  	s31 =	sadd.s32 $0x200, s12;
	v2 =	vnsel vm0, $0x8000, v0;
	v1 =	vand.u32 $0xFF, v1;
	vm0 =	vcmask $0x1F10;
	s23 =	sadd.s32 $0xE000, s14;
	[smem:$0x7F5] =	sst s18  }
0x26: {  	vm1 =	vcmask $0x2F2C;
	s1 =	sshll.u32 s1, $0x9;
	v2 =	vsel vm0, v1, v2;
	vm0 =	vcmask $0x2320;
	s24 =	sadd.s32 $0xE800, s14;
	[smem:$0x7FA] =	sst s23  }
0x27: {  	v0 =	vlaneseq.u32;
	v2 =	vsel vm0, $0x100, v2;
	vm0 =	vcmask $0x2724;
	s25 =	sadd.s32 $0xF000, s14;
	s26 =	sadd.s32 $0xF800, s14;
	[smem:$0x7FB] =	sst s24  }
0x28: {  	v3 =	vshrl.u32 v0, $0x3;
	v4 =	vsel vm0, $0x200, v2;
	vm0 =	vcmask $0x2B28;
	s17 =	simm.s32 $0x1B800;
	s21 =	simm.s32 $0x1C000;
	[smem:$0x7FC] =	sst s25  }
.Ltmp0:
0x29: {  	v6 =	vimm.f32 $NaN;
	v2 =	vmul.u32 $0x8, v3;
	v3 =	vsel vm0, $0x400, v4;
	s0 =	sor.u32 s1, s19;
	[smem:$0x7FD] =	sst s26;
	(pc) =	sbr.rel .LBB2_1-.Ltmp0, $4  }
0x2a: {  	v7 =	vimm.f32 $0.0e+00;
	s3 =	simm.s32 $0x0;
	s1 =	sadd.s32 $0x7800, s14;
	v4 =	vsel vm1, $0x800, v3;
	vm1 =	vcmask $0x3330;
	[dreg:$0x11] =	wrdreg s0  }
0x2b: {  	v1 =	vand.u32 $0x7, v0;
	s19 =	sadd.s32 $0xC000, s14;
	s26 =	sadd.s32 $0x100, s10;
	[dreg:$0x18] =	wrdreg s1;
	v5 =	vsel vm1, $0x1000, v4;
	vm1 =	vcmask $0x3734  }
0x2c: {  	vm0 =	vmmov $0xffff;
	s24 =	simm.s32 $0x1C800;
	s25 =	simm.s32 $0xD;
	[smem:$0x7F6] =	sst s19;
	v5 =	vsel vm1, $0x2000, v5;
	vm1 =	vcmask $0x3B38  }
0x2d: {  	v3 =	vor.u32 $0x8, v0;
	s0 =	sadd.s32 $0x300, s12;
	s12 =	simm.s32 $0x1;
	v4 =	vimm.s32 $0x0;
	s19 =	simm.s32 $0x1B000;
	v5 =	vsel vm1, $0x4000, v5  }
.LBB2_27:
0x2e: {  	s3 =	sld [smem:$0x7F4];
	_ =	sdelay $0x2  }
0x2f: {  	s1 =	rddreg [dreg:$0x14];
	s3 =	sadd.s32 $0x1, s3  }
0x30: {  	p1 =	sne.s32 s3, s1  }
.Ltmp1:
0x31: {  	_ = 	snop;
	(pc) =	sbr.rel @!p1 .LBB2_28-.Ltmp1, $1  }
0x32: {  	_ =	sdelay $0x3  }
.LBB2_1:
0x33: {  	[smem:$0x7F4] =	sst s3  }
0x34: {  	s1 =	rddreg [dreg:$0x5]  }
0x35: {  	s22 =	simm.s32 $0x80;
	s4 =	simm.s32 $0x200;
	s23 =	simm.s32 $0xE  }
0x36: {  	[tilespmem:s5], [sflag:$0xE] =	stream.strided.gather [hbm4b:s1+s22], $0x1000, s4, s22, $0x38;
	[tilespmem:$0x1D500] =	vst v63  }
0x37: {  	_ =	swait.ge [sflag:s23], $0x1000  }
0x38: {  	[sflag:s23] =	ssyncset.done $0x0  }
0x39: {  	[sflag:s23] =	ssyncadd.s32 $0xFFFFF000  }
0x3a: {  	v8 =	vld [tilespmem:s7+$0x0];
	_ =	sdelay $0x4  }
0x3b: {  	v9 =	vshll.u32 v8, $0x3  }
0x3c: {  	v8 =	vand.u32 $0x7, v8;
	v9 =	vand.u32 $0xFFFFFFC0, v9  }
0x3d: {  	v8 =	vor.u32 v8, v9  }
0x3e: {  	v9 =	vperm.xlane v8, v1;
	_ =	sdelay $0x1  }
0x3f: {  	v9 =	vadd.s32 v2, v9;
	_ =	sdelay $0x3  }
0x40: {  	s3 =	simm.s32 $0x1000  }
0x41: {  	[tilespmem:s3], [sflag:$0x1] =	stream.indirect_vreg.gather [hbm4b:s2+s5], $0x80, v9, vm0, $0xb8;
	[tilespmem:$0x1D500] =	vst v63  }
0x42: {  	s4 =	simm.s32 $0x1800;
	v8 =	vperm.xlane v8, v3  }
0x43: {  	[tilespmem:s4], [sflag:$0x1] =	stream.indirect_vreg.gather [hbm4b:s8+s5], $0x80, v9, vm0, $0xb8;
	[tilespmem:$0x1D500] =	vst v63  }
0x44: {  	s6 =	simm.s32 $0x2000;
	v8 =	vadd.s32 v2, v8  }
0x45: {  	[tilespmem:s6], [sflag:$0x1] =	stream.indirect_vreg.gather [hbm4b:s9+s5], $0x80, v9, vm0, $0xb8;
	[tilespmem:$0x1D500] =	vst v63  }
0x46: {  	s10 =	simm.s32 $0x2800  }
0x47: {  	[tilespmem:s10], [sflag:$0x1] =	stream.indirect_vreg.gather [hbm4b:s11+s5], $0x80, v9, vm0, $0xb8;
	[tilespmem:$0x1D500] =	vst v63  }
0x48: {  	s13 =	simm.s32 $0x3000  }
0x49: {  	[tilespmem:s13], [sflag:$0x1] =	stream.indirect_vreg.gather [hbm4b:s2+s5], $0x80, v8, vm0, $0xb8;
	[tilespmem:$0x1D500] =	vst v63  }
0x4a: {  	s14 =	simm.s32 $0x3800  }
0x4b: {  	[tilespmem:s14], [sflag:$0x1] =	stream.indirect_vreg.gather [hbm4b:s8+s5], $0x80, v8, vm0, $0xb8;
	[tilespmem:$0x1D500] =	vst v63  }
0x4c: {  	s15 =	simm.s32 $0x4000  }
0x4d: {  	[tilespmem:s15], [sflag:$0x1] =	stream.indirect_vreg.gather [hbm4b:s9+s5], $0x80, v8, vm0, $0xb8;
	[tilespmem:$0x1D500] =	vst v63  }
0x4e: {  	s16 =	simm.s32 $0x4800  }
0x4f: {  	[tilespmem:s16], [sflag:$0x1] =	stream.indirect_vreg.gather [hbm4b:s11+s5], $0x80, v8, vm0, $0xb8;
	[tilespmem:$0x1D500] =	vst v63  }
0x50: {  	v8 =	vld [tilespmem:s7+$0x10];
	_ =	sdelay $0x4  }
0x51: {  	v62 =	vshll.u32 v8, $0x3  }
0x52: {  	v8 =	vand.u32 $0x7, v8;
	v9 =	vand.u32 $0xFFFFFFC0, v62  }
0x53: {  	v8 =	vor.u32 v8, v9  }
0x54: {  	v9 =	vperm.xlane v8, v1;
	_ =	sdelay $0x1  }
0x55: {  	v9 =	vadd.s32 v2, v9;
	_ =	sdelay $0x3  }
0x56: {  	s18 =	simm.s32 $0x5000  }
0x57: {  	[tilespmem:s18], [sflag:$0x2] =	stream.indirect_vreg.gather [hbm4b:s2+s5], $0x80, v9, vm0, $0xb8;
	[tilespmem:$0x1D500] =	vst v63  }
0x58: {  	s20 =	simm.s32 $0x5800;
	v8 =	vperm.xlane v8, v3  }
0x59: {  	[tilespmem:s20], [sflag:$0x2] =	stream.indirect_vreg.gather [hbm4b:s8+s5], $0x80, v9, vm0, $0xb8;
	[tilespmem:$0x1D500] =	vst v63  }
0x5a: {  	s22 =	simm.s32 $0x6000;
	v8 =	vadd.s32 v2, v8  }
0x5b: {  	[tilespmem:s22], [sflag:$0x2] =	stream.indirect_vreg.gather [hbm4b:s9+s5], $0x80, v9, vm0, $0xb8;
	[tilespmem:$0x1D500] =	vst v63  }
0x5c: {  	s23 =	simm.s32 $0x6800  }
0x5d: {  	[tilespmem:s23], [sflag:$0x2] =	stream.indirect_vreg.gather [hbm4b:s11+s5], $0x80, v9, vm0, $0xb8;
	[tilespmem:$0x1D500] =	vst v63  }
0x5e: {  	s3 =	simm.s32 $0x7000  }
0x5f: {  	[tilespmem:s3], [sflag:$0x2] =	stream.indirect_vreg.gather [hbm4b:s2+s5], $0x80, v8, vm0, $0xb8;
	[tilespmem:$0x1D500] =	vst v63  }
0x60: {  	s4 =	simm.s32 $0x7800  }
0x61: {  	[tilespmem:s4], [sflag:$0x2] =	stream.indirect_vreg.gather [hbm4b:s8+s5], $0x80, v8, vm0, $0xb8;
	[tilespmem:$0x1D500] =	vst v63  }
0x62: {  	s6 =	simm.s32 $0x8000  }
0x63: {  	[tilespmem:s6], [sflag:$0x2] =	stream.indirect_vreg.gather [hbm4b:s9+s5], $0x80, v8, vm0, $0xb8;
	[tilespmem:$0x1D500] =	vst v63  }
0x64: {  	s10 =	simm.s32 $0x8800  }
0x65: {  	[tilespmem:s10], [sflag:$0x2] =	stream.indirect_vreg.gather [hbm4b:s11+s5], $0x80, v8, vm0, $0xb8;
	[tilespmem:$0x1D500] =	vst v63  }
0x66: {  	v8 =	vld [tilespmem:s7+$0x20];
	_ =	sdelay $0x4  }
0x67: {  	v63 =	vshll.u32 v8, $0x3  }
0x68: {  	v8 =	vand.u32 $0x7, v8;
	v9 =	vand.u32 $0xFFFFFFC0, v63  }
0x69: {  	v8 =	vor.u32 v8, v9  }
0x6a: {  	v9 =	vperm.xlane v8, v1;
	_ =	sdelay $0x1  }
0x6b: {  	v9 =	vadd.s32 v2, v9;
	_ =	sdelay $0x3  }
0x6c: {  	s13 =	simm.s32 $0x9000  }
0x6d: {  	[tilespmem:s13], [sflag:$0x3] =	stream.indirect_vreg.gather [hbm4b:s2+s5], $0x80, v9, vm0, $0xb8;
	[tilespmem:$0x1D500] =	vst v63  }
0x6e: {  	s14 =	simm.s32 $0x9800;
	v8 =	vperm.xlane v8, v3  }
0x6f: {  	[tilespmem:s14], [sflag:$0x3] =	stream.indirect_vreg.gather [hbm4b:s8+s5], $0x80, v9, vm0, $0xb8;
	[tilespmem:$0x1D500] =	vst v63  }
0x70: {  	s15 =	simm.s32 $0xA000;
	v8 =	vadd.s32 v2, v8  }
0x71: {  	[tilespmem:s15], [sflag:$0x3] =	stream.indirect_vreg.gather [hbm4b:s9+s5], $0x80, v9, vm0, $0xb8;
	[tilespmem:$0x1D500] =	vst v63  }
0x72: {  	s16 =	simm.s32 $0xA800  }
0x73: {  	[tilespmem:s16], [sflag:$0x3] =	stream.indirect_vreg.gather [hbm4b:s11+s5], $0x80, v9, vm0, $0xb8;
	[tilespmem:$0x1D500] =	vst v63  }
0x74: {  	s18 =	simm.s32 $0xB000  }
0x75: {  	[tilespmem:s18], [sflag:$0x3] =	stream.indirect_vreg.gather [hbm4b:s2+s5], $0x80, v8, vm0, $0xb8;
	[tilespmem:$0x1D500] =	vst v63  }
0x76: {  	s20 =	simm.s32 $0xB800  }
0x77: {  	[tilespmem:s20], [sflag:$0x3] =	stream.indirect_vreg.gather [hbm4b:s8+s5], $0x80, v8, vm0, $0xb8;
	[tilespmem:$0x1D500] =	vst v63  }
.Ltmp2:
0x78: {  	_ = 	snop;
	(pc) =	sbr.rel @p0 .LBB2_15-.Ltmp2, $4  }
0x79: {  	s22 =	simm.s32 $0xC000  }
0x7a: {  	[tilespmem:s22], [sflag:$0x3] =	stream.indirect_vreg.gather [hbm4b:s9+s5], $0x80, v8, vm0, $0xb8;
	[tilespmem:$0x1D500] =	vst v63  }
0x7b: {  	s23 =	simm.s32 $0xC800;
	s4 =	simm.s32 $0x0  }
0x7c: {  	[tilespmem:s23], [sflag:$0x3] =	stream.indirect_vreg.gather [hbm4b:s11+s5], $0x80, v8, vm0, $0xb8;
	[tilespmem:$0x1D500] =	vst v63  }
0x7d: {  	s1 =	rddreg [dreg:$0xf]  }
0x7e: {  	v8 =	vld [tilespmem:s5+$0x0];
	p5 =	sne.s32 s1, $0x1  }
.Ltmp3:
0x7f: {  	_ = 	snop;
	(pc) =	sbr.rel @!p5 .LBB2_3-.Ltmp3, $3  }
0x80: {  	_ =	sdelay $0x1  }
0x81: {  	p1 =	por $0x0, $0x0;
	p2 =	por $0x0, $0x0;
	p3 =	por $0x0, $0x0  }
0x82: {  	p4 =	por $0x0, $0x0;
	s3 =	sadd.s32 $0xFFFFFFFF, s1;
	s1 =	sadd.s32 $0x10, s5;
	vm1 =	veq.s32 v8, $0x186AF  }
0x83: {  	v8 =	vld [tilespmem:s1+$0x0];
	p5 =	sne.s32 s3, $0x1  }
.Ltmp4:
0x84: {  	_ = 	snop;
	(pc) =	sbr.rel @!p5 .LBB2_5-.Ltmp4, $3  }
0x85: {  	_ =	sdelay $0x1  }
0x86: {  	v9 =	vsel vm1, $0x1, v4  }
0x87: {  	s3 =	sadd.s32 $0xFFFFFFFF, s3;
	s1 =	sadd.s32 $0x10, s1;
	p1 =	por $0x1, $0x1;
	(xrf0) =	vadd.scan.msk.s32 $0xffff, v9;
	vm1 =	veq.s32 v8, $0x186AF  }
0x88: {  	_ = 	snop  }
0x89: {  	v8 =	vld [tilespmem:s1+$0x0];
	p5 =	sne.s32 s3, $0x1  }
.Ltmp5:
0x8a: {  	_ = 	snop;
	(pc) =	sbr.rel @!p5 .LBB2_7-.Ltmp5, $3  }
0x8b: {  	_ =	sdelay $0x1  }
0x8c: {  	v9 =	vsel vm1, $0x1, v4;
	v10, _, _ =	vpop (xrf0)  }
0x8d: {  	s3 =	sadd.s32 $0xFFFFFFFF, s3;
	s1 =	sadd.s32 $0x10, s1;
	p2 =	por $0x1, $0x1;
	(xrf0) =	vadd.scan.msk.s32 $0xffff, v9;
	vm1 =	veq.s32 v8, $0x186AF;
	(v2sf) =	vpush v10, $0xF  }
0x8e: {  	_ =	sdelay $0x4  }
0x8f: {  	v10, _, _ =	vpop (xrf0)  }
0x90: {  	(v2sf) =	vpush v10, $0xF;
	_ =	sdelay $0x3  }
0x91: {  	v8 =	vld [tilespmem:s1+$0x0];
	p5 =	sne.s32 s3, $0x1  }
.Ltmp6:
0x92: {  	_ = 	snop;
	(pc) =	sbr.rel @!p5 .LBB2_9-.Ltmp6, $3  }
0x93: {  	_ =	sdelay $0x1  }
0x94: {  	v9 =	vsel vm1, $0x1, v4  }
0x95: {  	s3 =	sadd.s32 $0xFFFFFFFF, s3;
	s1 =	sadd.s32 $0x10, s1;
	p3 =	por $0x1, $0x1;
	(xrf0) =	vadd.scan.msk.s32 $0xffff, v9;
	vm1 =	veq.s32 v8, $0x186AF  }
0x96: {  	_ =	sdelay $0x4  }
0x97: {  	v10, _, _ =	vpop (xrf0)  }
0x98: {  	(v2sf) =	vpush v10, $0xF;
	_ =	sdelay $0x2  }
0x99: {  	v8 =	vld [tilespmem:s1+$0x0];
	p5 =	sne.s32 s3, $0x1;
	v9 =	vsel vm1, $0x1, v4  }
.Ltmp7:
0x9a: {  	(xrf0) =	vadd.scan.msk.s32 $0xffff, v9;
	(pc) =	sbr.rel @!p5 .LBB2_11-.Ltmp7, $3  }
0x9b: {  	_ =	sdelay $0x1  }
0x9c: {  	s4 =	sadd.s32 $0xFFFFFFFF, s3;
	s10 =	sadd.s32 $0x10, s1  }
0x9d: {  	s3 =	spop (v2sf);
	p4 =	por $0x1, $0x1;
	s1 =	simm.s32 $0x0;
	vm1 =	veq.s32 v8, $0x186AF  }
.LBB2_12:
0x9e: {  	v8 =	vld [tilespmem:s10+$0x0];
	p5 =	sne.s32 s4, $0x1;
	s4 =	sadd.s32 $0xFFFFFFFF, s4;
	v10 =	vsel vm1, $0x1, v4;
	s1 =	sadd.s32 s1, s3  }
.Ltmp8:
0x9f: {  	(xrf0) =	vadd.scan.msk.s32 $0xffff, v10;
	v9, _, _ =	vpop (xrf0);
	(pc) =	sbr.rel @p5 .LBB2_12-.Ltmp8, $2  }
0xa0: {  	(v2sf) =	vpush v9, $0xF;
	_ =	sdelay $0x3  }
0xa1: {  	s10 =	sadd.s32 $0x10, s10;
	vm1 =	veq.s32 v8, $0x186AF;
	s3 =	spop (v2sf)  }
0xa2: {  	_ = 	snop  }
.LBB2_14:
0xa3: {  	v8 =	vsel vm1, $0x1, v4  }
0xa4: {  	(xrf0) =	vadd.scan.msk.s32 $0xffff, v8;
	_ =	sdelay $0x2  }
0xa5: {  	v8, _, _ =	vpop @p1 (xrf0)  }
0xa6: {  	(v2sf) =	vpush @p1 v8, $0xF;
	_ =	sdelay $0x1  }
0xa7: {  	v8, _, _ =	vpop (xrf0)  }
0xa8: {  	(v2sf) =	vpush v8, $0xF;
	_ =	sdelay $0x7  }
0xa9: {  	s4 =	spop @p3 (v2sf);
	s1 =	sadd.s32 @p4 s1, s3;
	s3 =	simm.s32 $0x0  }
0xaa: {  	s4 =	smov.u32 @p3 s4;
	s3 =	smov.u32 @p4 s1  }
0xab: {  	s1 =	sadd.s32 @p3 s3, s4;
	s4 =	simm.s32 $0x0;
	s3 =	spop @p2 (v2sf)  }
0xac: {  	s4 =	smov.u32 @p3 s1;
	s3 =	smov.u32 @p2 s3  }
0xad: {  	s1 =	sadd.s32 @p2 s4, s3;
	s4 =	simm.s32 $0x0;
	s3 =	spop @p1 (v2sf)  }
0xae: {  	s4 =	smov.u32 @p2 s1;
	s3 =	smov.u32 @p1 s3  }
0xaf: {  	s1 =	sadd.s32 @p1 s4, s3;
	s3 =	simm.s32 $0x0  }
0xb0: {  	s3 =	smov.u32 @p1 s1;
	s23 =	spop (v2sf)  }
0xb1: {  	s4 =	sadd.s32 s3, s23  }
.LBB2_15:
0xb2: {  	v8 =	vld [tilespmem:s7+$0x0];
	_ =	sdelay $0x4  }
0xb3: {  	vm1 =	veq.s32 v8, $0x186AF  }
0xb4: {  	v8 =	vsel vm1, $0x1, v4  }
0xb5: {  	(xrf0) =	vadd.scan.msk.s32 $0xffff, v8;
	_ =	sdelay $0x3  }
0xb6: {  	v9 =	vmov s4;
	v8 =	vmctz.xlane vm1  }
0xb7: {  	v9 =	vadd.s32 $0xFFFFFFFF, v9  }
0xb8: {  	v9 =	vbroadcast v9, $0x0;
	vm2 =	vlt.s32 v8, $0xF;
	v11 =	vshrl.u32 v8, $0x1B;
	v10, _, _ =	vpop (xrf0)  }
0xb9: {  	v8 =	vnsel vm2, $0xF, v8;
	v11 =	vand.u32 $0x10, v11;
	(v2sf) =	vpush v10, $0xF  }
0xba: {  	s14 =	rddreg [dreg:$0x11];
	v8 =	vadd.s32 v8, v11;
	v9 =	vadd.s32 v10, v9  }
0xbb: {  	v10 =	vor.u32 s14, v0;
	v11 =	vperm.xlane v9, v8  }
0xbc: {  	v8 =	vperm.xlane v10, v8  }
0xbd: {  	s1 =	simm.s32 $0x1D000;
	v9 =	vsel vm1, v9, v11  }
0xbe: {  	s3 =	simm.s32 $0x1D200;
	v8 =	vsel vm1, v10, v8;
	[tilespmem:s1+$0x0] =	vst v9  }
0xbf: {  	s15 =	sadd.s32 $0x10, s7;
	[tilespmem:s3+$0x0] =	vst v8  }
0xc0: {  	v8 =	vld [tilespmem:s15+$0x0];
	_ =	sdelay $0x4  }
0xc1: {  	vm1 =	veq.s32 v8, $0x186AF  }
0xc2: {  	v8 =	vmctz.xlane vm1;
	v10 =	vsel vm1, $0x1, v4  }
0xc3: {  	(xrf0) =	vadd.scan.msk.s32 $0xffff, v10  }
0xc4: {  	s22 =	simm.s32 $0x1;
	vm2 =	vlt.s32 v8, $0xF;
	v9 =	vshrl.u32 v8, $0x1B;
	s10 =	spop (v2sf)  }
0xc5: {  	s18 =	sadd.s32 $0x10, s14;
	v8 =	vnsel vm2, $0xF, v8;
	v9 =	vand.u32 $0x10, v9;
	p1 =	sgt.s32 s10, $0x0;
	s13 =	sadd.s32 s4, s10  }
0xc6: {  	s20 =	simm.s32 $0x2;
	v8 =	vadd.s32 v8, v9;
	v9 =	vor.u32 s18, v0;
	v11 =	vmov s13;
	s22 =	simm.s32 @!p1 $0x0  }
0xc7: {  	s4 =	simm.s32 $0x0;
	s10 =	simm.s32 $0x1;
	v10 =	vperm.xlane v9, v8;
	v11 =	vadd.s32 $0xFFFFFFFF, v11;
	s22 =	sshll.u32 s22, $0x0  }
.LBB2_16:
0xc8: {  	s4 =	sor.u32 s4, s22;
	s1 =	sadd.s32 $0x10, s1;
	s3 =	sadd.s32 $0x10, s3  }
0xc9: {  	p1 =	sne.s32 s20, $0x1F;
	v11 =	vbroadcast v11, $0x0;
	s23 =	smov.u32 s20;
	s20 =	sadd.s32 $0x1, s20;
	v9 =	vsel vm1, v9, v10;
	v10, _, _ =	vpop (xrf0)  }
0xca: {  	(v2sf) =	vpush v10, $0xF  }
0xcb: {  	v10 =	vadd.s32 v10, v11  }
0xcc: {  	v8 =	vperm.xlane v10, v8;
	_ =	sdelay $0x1  }
0xcd: {  	v8 =	vsel vm1, v10, v8  }
0xce: {  	[tilespmem:s1+$0x0] =	vst v8  }
0xcf: {  	s15 =	sadd.s32 $0x10, s15;
	[tilespmem:s3+$0x0] =	vst v9  }
0xd0: {  	v8 =	vld [tilespmem:s15+$0x0];
	_ =	sdelay $0x4  }
0xd1: {  	vm1 =	veq.s32 v8, $0x186AF  }
0xd2: {  	v8 =	vsel vm1, $0x1, v4;
	v9 =	vmctz.xlane vm1  }
.Ltmp9:
0xd3: {  	(xrf0) =	vadd.scan.msk.s32 $0xffff, v8;
	(pc) =	sbr.rel @p1 .LBB2_16-.Ltmp9, $4  }
0xd4: {  	s18 =	sadd.s32 $0x10, s18;
	vm2 =	vlt.s32 v9, $0xF;
	v8 =	vshrl.u32 v9, $0x1B;
	s22 =	spop (v2sf)  }
0xd5: {  	v10 =	vnsel vm2, $0xF, v9;
	v8 =	vand.u32 $0x10, v8;
	p2 =	sgt.s32 s22, $0x0;
	s13 =	sadd.s32 s13, s22;
	s22 =	simm.s32 $0x1  }
0xd6: {  	v9 =	vor.u32 s18, v0;
	v11 =	vmov s13;
	v8 =	vadd.s32 v10, v8;
	s22 =	simm.s32 @!p2 $0x0  }
0xd7: {  	v11 =	vadd.s32 $0xFFFFFFFF, v11;
	v10 =	vperm.xlane v9, v8;
	s22 =	sshll.u32 s22, s10;
	s10 =	smov.u32 s23  }
0xd8: {  	v11 =	vbroadcast v11, $0x0  }
0xd9: {  	v12, _, _ =	vpop (xrf0)  }
0xda: {  	v11 =	vadd.s32 v12, v11  }
0xdb: {  	v8 =	vperm.xlane v11, v8;
	_ =	sdelay $0x1  }
0xdc: {  	s1 =	sadd.s32 $0x10, s1;
	v8 =	vsel vm1, v11, v8  }
0xdd: {  	s3 =	sadd.s32 $0x10, s3;
	v9 =	vsel vm1, v9, v10;
	[tilespmem:s1+$0x0] =	vst v8  }
0xde: {  	[tilespmem:s3+$0x0] =	vst v9  }
0xdf: {  	v8 =	vld [tilespmem:s7+$0x30];
	_ =	sdelay $0x4  }
0xe0: {  	v35 =	vshll.u32 v8, $0x3  }
0xe1: {  	v8 =	vand.u32 $0x7, v8;
	v9 =	vand.u32 $0xFFFFFFC0, v35  }
0xe2: {  	v8 =	vor.u32 v8, v9  }
0xe3: {  	v9 =	vperm.xlane v8, v1;
	_ =	sdelay $0x1  }
0xe4: {  	v9 =	vadd.s32 v2, v9  }
0xe5: {  	(v2sf) =	vpush v12, $0xF;
	_ =	sdelay $0x2  }
0xe6: {  	s20 =	simm.s32 $0x0;
	s6 =	simm.s32 $0xD000  }
0xe7: {  	[tilespmem:s6], [sflag:$0x4] =	stream.indirect_vreg.gather [hbm4b:s2+s20], $0x80, v9, vm0, $0xb8;
	[tilespmem:$0x1D500] =	vst v63  }
0xe8: {  	s13 =	simm.s32 $0xD800;
	v8 =	vperm.xlane v8, v3  }
0xe9: {  	[tilespmem:s13], [sflag:$0x4] =	stream.indirect_vreg.gather [hbm4b:s8+s20], $0x80, v9, vm0, $0xb8;
	[tilespmem:$0x1D500] =	vst v63  }
0xea: {  	s14 =	simm.s32 $0xE000;
	v8 =	vadd.s32 v2, v8  }
0xeb: {  	[tilespmem:s14], [sflag:$0x4] =	stream.indirect_vreg.gather [hbm4b:s9+s20], $0x80, v9, vm0, $0xb8;
	[tilespmem:$0x1D500] =	vst v63  }
0xec: {  	s15 =	simm.s32 $0xE800  }
0xed: {  	[tilespmem:s15], [sflag:$0x4] =	stream.indirect_vreg.gather [hbm4b:s11+s20], $0x80, v9, vm0, $0xb8;
	[tilespmem:$0x1D500] =	vst v63  }
0xee: {  	s16 =	simm.s32 $0xF000  }
0xef: {  	[tilespmem:s16], [sflag:$0x4] =	stream.indirect_vreg.gather [hbm4b:s2+s20], $0x80, v8, vm0, $0xb8;
	[tilespmem:$0x1D500] =	vst v63  }
0xf0: {  	s18 =	simm.s32 $0xF800  }
0xf1: {  	[tilespmem:s18], [sflag:$0x4] =	stream.indirect_vreg.gather [hbm4b:s8+s20], $0x80, v8, vm0, $0xb8;
	[tilespmem:$0x1D500] =	vst v63  }
0xf2: {  	s3 =	simm.s32 $0x10000;
	s6 =	spop (v2sf)  }
0xf3: {  	[tilespmem:s3], [sflag:$0x4] =	stream.indirect_vreg.gather [hbm4b:s9+s20], $0x80, v8, vm0, $0xb8;
	[tilespmem:$0x1D500] =	vst v63  }
0xf4: {  	[smem:$0x7F3] =	sst s6;
	s13 =	simm.s32 $0x10800  }
0xf5: {  	[tilespmem:s13], [sflag:$0x4] =	stream.indirect_vreg.gather [hbm4b:s11+s20], $0x80, v8, vm0, $0xb8;
	[tilespmem:$0x1D500] =	vst v63  }
0xf6: {  	_ =	swait.ge [sflag:s12], $0x4000  }
0xf7: {  	[sflag:s12] =	ssyncset.done $0x0  }
0xf8: {  	s15 =	simm.s32 $0x1000;
	s14 =	rddreg [dreg:$0x6];
	[sflag:s12] =	ssyncadd.s32 $0xFFFFC000  }
0xf9: {  	[hbm4b:s14+s20] =	stream.linear.scatter [tilespmem:s15], [sflag:$0x7], $0x4000, $0x38;
	[tilespmem:$0x1D500] =	vst v63  }
0xfa: {  	v8 =	vld [tilespmem:s7+$0x40];
	_ =	sdelay $0x4  }
0xfb: {  	v36 =	vshll.u32 v8, $0x3  }
0xfc: {  	v8 =	vand.u32 $0x7, v8;
	v9 =	vand.u32 $0xFFFFFFC0, v36  }
0xfd: {  	v8 =	vor.u32 v8, v9  }
0xfe: {  	v9 =	vperm.xlane v8, v1;
	_ =	sdelay $0x1  }
0xff: {  	v9 =	vadd.s32 v2, v9;
	_ =	sdelay $0x3  }
0x100: {  	s16 =	simm.s32 $0x11000  }
0x101: {  	[tilespmem:s16], [sflag:$0x5] =	stream.indirect_vreg.gather [hbm4b:s2+s20], $0x80, v9, vm0, $0xb8;
	[tilespmem:$0x1D500] =	vst v63  }
0x102: {  	s18 =	simm.s32 $0x11800;
	v8 =	vperm.xlane v8, v3  }
0x103: {  	[tilespmem:s18], [sflag:$0x5] =	stream.indirect_vreg.gather [hbm4b:s8+s20], $0x80, v9, vm0, $0xb8;
	[tilespmem:$0x1D500] =	vst v63  }
0x104: {  	s6 =	simm.s32 $0x12000;
	v8 =	vadd.s32 v2, v8  }
0x105: {  	[tilespmem:s6], [sflag:$0x5] =	stream.indirect_vreg.gather [hbm4b:s9+s20], $0x80, v9, vm0, $0xb8;
	[tilespmem:$0x1D500] =	vst v63  }
0x106: {  	s13 =	simm.s32 $0x12800  }
0x107: {  	[tilespmem:s13], [sflag:$0x5] =	stream.indirect_vreg.gather [hbm4b:s11+s20], $0x80, v9, vm0, $0xb8;
	[tilespmem:$0x1D500] =	vst v63  }
0x108: {  	s15 =	simm.s32 $0x13000  }
0x109: {  	[tilespmem:s15], [sflag:$0x5] =	stream.indirect_vreg.gather [hbm4b:s2+s20], $0x80, v8, vm0, $0xb8;
	[tilespmem:$0x1D500] =	vst v63  }
0x10a: {  	s16 =	simm.s32 $0x13800  }
0x10b: {  	[tilespmem:s16], [sflag:$0x5] =	stream.indirect_vreg.gather [hbm4b:s8+s20], $0x80, v8, vm0, $0xb8;
	[tilespmem:$0x1D500] =	vst v63  }
0x10c: {  	s18 =	simm.s32 $0x14000  }
0x10d: {  	[tilespmem:s18], [sflag:$0x5] =	stream.indirect_vreg.gather [hbm4b:s9+s20], $0x80, v8, vm0, $0xb8;
	[tilespmem:$0x1D500] =	vst v63  }
0x10e: {  	s6 =	simm.s32 $0x14800;
	s13 =	simm.s32 $0x2  }
0x10f: {  	[tilespmem:s6], [sflag:$0x5] =	stream.indirect_vreg.gather [hbm4b:s11+s20], $0x80, v8, vm0, $0xb8;
	[tilespmem:$0x1D500] =	vst v63  }
0x110: {  	_ =	swait.ge [sflag:s13], $0x4000  }
0x111: {  	[sflag:s13] =	ssyncset.done $0x0  }
0x112: {  	s15 =	rddreg [dreg:$0x7];
	[sflag:s13] =	ssyncadd.s32 $0xFFFFC000;
	s13 =	simm.s32 $0x5000  }
0x113: {  	[hbm4b:s15+s20] =	stream.linear.scatter [tilespmem:s13], [sflag:$0x8], $0x4000, $0x38;
	[tilespmem:$0x1D500] =	vst v63  }
0x114: {  	v8 =	vld [tilespmem:s7+$0x50];
	_ =	sdelay $0x4  }
0x115: {  	v37 =	vshll.u32 v8, $0x3  }
0x116: {  	v8 =	vand.u32 $0x7, v8;
	v9 =	vand.u32 $0xFFFFFFC0, v37  }
0x117: {  	v8 =	vor.u32 v8, v9  }
0x118: {  	v9 =	vperm.xlane v8, v1;
	_ =	sdelay $0x1  }
0x119: {  	v9 =	vadd.s32 v2, v9;
	_ =	sdelay $0x3  }
0x11a: {  	s16 =	simm.s32 $0x15000  }
0x11b: {  	[tilespmem:s16], [sflag:$0x6] =	stream.indirect_vreg.gather [hbm4b:s2+s20], $0x80, v9, vm0, $0xb8;
	[tilespmem:$0x1D500] =	vst v63  }
0x11c: {  	s18 =	simm.s32 $0x15800;
	v8 =	vperm.xlane v8, v3  }
0x11d: {  	[tilespmem:s18], [sflag:$0x6] =	stream.indirect_vreg.gather [hbm4b:s8+s20], $0x80, v9, vm0, $0xb8;
	[tilespmem:$0x1D500] =	vst v63  }
0x11e: {  	s6 =	simm.s32 $0x16000;
	v8 =	vadd.s32 v2, v8  }
0x11f: {  	[tilespmem:s6], [sflag:$0x6] =	stream.indirect_vreg.gather [hbm4b:s9+s20], $0x80, v9, vm0, $0xb8;
	[tilespmem:$0x1D500] =	vst v63  }
0x120: {  	s13 =	simm.s32 $0x16800  }
0x121: {  	[tilespmem:s13], [sflag:$0x6] =	stream.indirect_vreg.gather [hbm4b:s11+s20], $0x80, v9, vm0, $0xb8;
	[tilespmem:$0x1D500] =	vst v63  }
0x122: {  	s16 =	simm.s32 $0x17000  }
0x123: {  	[tilespmem:s16], [sflag:$0x6] =	stream.indirect_vreg.gather [hbm4b:s2+s20], $0x80, v8, vm0, $0xb8;
	[tilespmem:$0x1D500] =	vst v63  }
0x124: {  	s18 =	simm.s32 $0x17800  }
0x125: {  	[tilespmem:s18], [sflag:$0x6] =	stream.indirect_vreg.gather [hbm4b:s8+s20], $0x80, v8, vm0, $0xb8;
	[tilespmem:$0x1D500] =	vst v63  }
0x126: {  	s6 =	simm.s32 $0x18000  }
0x127: {  	[tilespmem:s6], [sflag:$0x6] =	stream.indirect_vreg.gather [hbm4b:s9+s20], $0x80, v8, vm0, $0xb8;
	[tilespmem:$0x1D500] =	vst v63  }
0x128: {  	s13 =	simm.s32 $0x18800;
	s16 =	simm.s32 $0x3  }
0x129: {  	[tilespmem:s13], [sflag:$0x6] =	stream.indirect_vreg.gather [hbm4b:s11+s20], $0x80, v8, vm0, $0xb8;
	[tilespmem:$0x1D500] =	vst v63  }
0x12a: {  	_ =	swait.ge [sflag:s16], $0x4000  }
0x12b: {  	[sflag:s16] =	ssyncset.done $0x0  }
0x12c: {  	s6 =	simm.s32 $0x9000;
	s18 =	rddreg [dreg:$0x8];
	[sflag:s16] =	ssyncadd.s32 $0xFFFFC000  }
0x12d: {  	[hbm4b:s18+s20] =	stream.linear.scatter [tilespmem:s6], [sflag:$0x9], $0x4000, $0x38;
	[tilespmem:$0x1D500] =	vst v63  }
0x12e: {  	s18 =	simm.s32 $0x7  }
0x12f: {  	_ =	swait.ge [sflag:s18], $0x4000  }
0x130: {  	[sflag:s18] =	ssyncset.done $0x0  }
0x131: {  	[sflag:s18] =	ssyncadd.s32 $0xFFFFC000  }
0x132: {  	v8 =	vld [tilespmem:s7+$0x60];
	_ =	sdelay $0x4  }
0x133: {  	v38 =	vshll.u32 v8, $0x3  }
0x134: {  	v8 =	vand.u32 $0x7, v8;
	v9 =	vand.u32 $0xFFFFFFC0, v38  }
0x135: {  	v8 =	vor.u32 v8, v9  }
0x136: {  	v9 =	vperm.xlane v8, v1;
	_ =	sdelay $0x1  }
0x137: {  	v9 =	vadd.s32 v2, v9;
	_ =	sdelay $0x3  }
0x138: {  	s3 =	simm.s32 $0x1000  }
0x139: {  	[tilespmem:s3], [sflag:$0x1] =	stream.indirect_vreg.gather [hbm4b:s2+s20], $0x80, v9, vm0, $0xb8;
	[tilespmem:$0x1D500] =	vst v63  }
0x13a: {  	v8 =	vperm.xlane v8, v3;
	s3 =	simm.s32 $0x1800  }
0x13b: {  	[tilespmem:s3], [sflag:$0x1] =	stream.indirect_vreg.gather [hbm4b:s8+s20], $0x80, v9, vm0, $0xb8;
	[tilespmem:$0x1D500] =	vst v63  }
0x13c: {  	s6 =	simm.s32 $0x2000;
	v8 =	vadd.s32 v2, v8  }
0x13d: {  	[tilespmem:s6], [sflag:$0x1] =	stream.indirect_vreg.gather [hbm4b:s9+s20], $0x80, v9, vm0, $0xb8;
	[tilespmem:$0x1D500] =	vst v63  }
0x13e: {  	s16 =	simm.s32 $0x2800  }
0x13f: {  	[tilespmem:s16], [sflag:$0x1] =	stream.indirect_vreg.gather [hbm4b:s11+s20], $0x80, v9, vm0, $0xb8;
	[tilespmem:$0x1D500] =	vst v63  }
0x140: {  	s3 =	simm.s32 $0x3000  }
0x141: {  	[tilespmem:s3], [sflag:$0x1] =	stream.indirect_vreg.gather [hbm4b:s2+s20], $0x80, v8, vm0, $0xb8;
	[tilespmem:$0x1D500] =	vst v63  }
0x142: {  	s6 =	simm.s32 $0x3800  }
0x143: {  	[tilespmem:s6], [sflag:$0x1] =	stream.indirect_vreg.gather [hbm4b:s8+s20], $0x80, v8, vm0, $0xb8;
	[tilespmem:$0x1D500] =	vst v63  }
0x144: {  	s16 =	simm.s32 $0x4000  }
0x145: {  	[tilespmem:s16], [sflag:$0x1] =	stream.indirect_vreg.gather [hbm4b:s9+s20], $0x80, v8, vm0, $0xb8;
	[tilespmem:$0x1D500] =	vst v63  }
0x146: {  	s3 =	simm.s32 $0x4800;
	s6 =	simm.s32 $0x4  }
0x147: {  	[tilespmem:s3], [sflag:$0x1] =	stream.indirect_vreg.gather [hbm4b:s11+s20], $0x80, v8, vm0, $0xb8;
	[tilespmem:$0x1D500] =	vst v63  }
0x148: {  	_ =	swait.ge [sflag:s6], $0x4000  }
0x149: {  	[sflag:s6] =	ssyncset.done $0x0  }
0x14a: {  	s3 =	simm.s32 $0xD000;
	s16 =	rddreg [dreg:$0x9];
	[sflag:s6] =	ssyncadd.s32 $0xFFFFC000  }
0x14b: {  	[hbm4b:s16+s20] =	stream.linear.scatter [tilespmem:s3], [sflag:$0xA], $0x4000, $0x38;
	[tilespmem:$0x1D500] =	vst v63  }
0x14c: {  	s16 =	simm.s32 $0x8  }
0x14d: {  	_ =	swait.ge [sflag:s16], $0x4000  }
0x14e: {  	[sflag:s16] =	ssyncset.done $0x0  }
0x14f: {  	[sflag:s16] =	ssyncadd.s32 $0xFFFFC000  }
0x150: {  	v8 =	vld [tilespmem:s7+$0x70];
	_ =	sdelay $0x4  }
0x151: {  	v39 =	vshll.u32 v8, $0x3  }
0x152: {  	v8 =	vand.u32 $0x7, v8;
	v9 =	vand.u32 $0xFFFFFFC0, v39  }
0x153: {  	v8 =	vor.u32 v8, v9  }
0x154: {  	v9 =	vperm.xlane v8, v1;
	_ =	sdelay $0x1  }
0x155: {  	v9 =	vadd.s32 v2, v9;
	_ =	sdelay $0x3  }
0x156: {  	s15 =	simm.s32 $0x5000  }
0x157: {  	[tilespmem:s15], [sflag:$0x2] =	stream.indirect_vreg.gather [hbm4b:s2+s20], $0x80, v9, vm0, $0xb8;
	[tilespmem:$0x1D500] =	vst v63  }
0x158: {  	s6 =	simm.s32 $0x5800;
	v8 =	vperm.xlane v8, v3  }
0x159: {  	[tilespmem:s6], [sflag:$0x2] =	stream.indirect_vreg.gather [hbm4b:s8+s20], $0x80, v9, vm0, $0xb8;
	[tilespmem:$0x1D500] =	vst v63  }
0x15a: {  	v8 =	vadd.s32 v2, v8;
	s15 =	simm.s32 $0x6000  }
0x15b: {  	[tilespmem:s15], [sflag:$0x2] =	stream.indirect_vreg.gather [hbm4b:s9+s20], $0x80, v9, vm0, $0xb8;
	[tilespmem:$0x1D500] =	vst v63  }
0x15c: {  	s6 =	simm.s32 $0x6800  }
0x15d: {  	[tilespmem:s6], [sflag:$0x2] =	stream.indirect_vreg.gather [hbm4b:s11+s20], $0x80, v9, vm0, $0xb8;
	[tilespmem:$0x1D500] =	vst v63  }
0x15e: {  	s15 =	simm.s32 $0x7000  }
0x15f: {  	[tilespmem:s15], [sflag:$0x2] =	stream.indirect_vreg.gather [hbm4b:s2+s20], $0x80, v8, vm0, $0xb8;
	[tilespmem:$0x1D500] =	vst v63  }
0x160: {  	s6 =	simm.s32 $0x7800  }
0x161: {  	[tilespmem:s6], [sflag:$0x2] =	stream.indirect_vreg.gather [hbm4b:s8+s20], $0x80, v8, vm0, $0xb8;
	[tilespmem:$0x1D500] =	vst v63  }
0x162: {  	s15 =	simm.s32 $0x8000  }
0x163: {  	[tilespmem:s15], [sflag:$0x2] =	stream.indirect_vreg.gather [hbm4b:s9+s20], $0x80, v8, vm0, $0xb8;
	[tilespmem:$0x1D500] =	vst v63  }
0x164: {  	s6 =	simm.s32 $0x8800;
	s15 =	simm.s32 $0x5  }
0x165: {  	[tilespmem:s6], [sflag:$0x2] =	stream.indirect_vreg.gather [hbm4b:s11+s20], $0x80, v8, vm0, $0xb8;
	[tilespmem:$0x1D500] =	vst v63  }
0x166: {  	_ =	swait.ge [sflag:s15], $0x4000  }
0x167: {  	s14 =	simm.s32 $0x11000;
	[sflag:s15] =	ssyncset.done $0x0  }
0x168: {  	s6 =	rddreg [dreg:$0xa];
	[sflag:s15] =	ssyncadd.s32 $0xFFFFC000;
	s15 =	simm.s32 $0x9  }
0x169: {  	[hbm4b:s6+s20] =	stream.linear.scatter [tilespmem:s14], [sflag:$0xB], $0x4000, $0x38;
	[tilespmem:$0x1D500] =	vst v63  }
0x16a: {  	_ =	swait.ge [sflag:s15], $0x4000  }
0x16b: {  	[sflag:s15] =	ssyncset.done $0x0  }
0x16c: {  	[sflag:s15] =	ssyncadd.s32 $0xFFFFC000  }
0x16d: {  	v8 =	vld [tilespmem:s7+$0x80];
	_ =	sdelay $0x4  }
0x16e: {  	v40 =	vshll.u32 v8, $0x3  }
0x16f: {  	v8 =	vand.u32 $0x7, v8;
	v9 =	vand.u32 $0xFFFFFFC0, v40  }
0x170: {  	v8 =	vor.u32 v8, v9  }
0x171: {  	v9 =	vperm.xlane v8, v1;
	_ =	sdelay $0x1  }
0x172: {  	v9 =	vadd.s32 v2, v9;
	_ =	sdelay $0x3  }
0x173: {  	s13 =	simm.s32 $0x9000  }
0x174: {  	[tilespmem:s13], [sflag:$0x3] =	stream.indirect_vreg.gather [hbm4b:s2+s20], $0x80, v9, vm0, $0xb8;
	[tilespmem:$0x1D500] =	vst v63  }
0x175: {  	s14 =	simm.s32 $0x9800;
	v8 =	vperm.xlane v8, v3  }
0x176: {  	[tilespmem:s14], [sflag:$0x3] =	stream.indirect_vreg.gather [hbm4b:s8+s20], $0x80, v9, vm0, $0xb8;
	[tilespmem:$0x1D500] =	vst v63  }
0x177: {  	s15 =	simm.s32 $0xA000;
	v8 =	vadd.s32 v2, v8  }
0x178: {  	[tilespmem:s15], [sflag:$0x3] =	stream.indirect_vreg.gather [hbm4b:s9+s20], $0x80, v9, vm0, $0xb8;
	[tilespmem:$0x1D500] =	vst v63  }
0x179: {  	s13 =	simm.s32 $0xA800  }
0x17a: {  	[tilespmem:s13], [sflag:$0x3] =	stream.indirect_vreg.gather [hbm4b:s11+s20], $0x80, v9, vm0, $0xb8;
	[tilespmem:$0x1D500] =	vst v63  }
0x17b: {  	s14 =	simm.s32 $0xB000  }
0x17c: {  	[tilespmem:s14], [sflag:$0x3] =	stream.indirect_vreg.gather [hbm4b:s2+s20], $0x80, v8, vm0, $0xb8;
	[tilespmem:$0x1D500] =	vst v63  }
0x17d: {  	s15 =	simm.s32 $0xB800  }
0x17e: {  	[tilespmem:s15], [sflag:$0x3] =	stream.indirect_vreg.gather [hbm4b:s8+s20], $0x80, v8, vm0, $0xb8;
	[tilespmem:$0x1D500] =	vst v63  }
0x17f: {  	s13 =	simm.s32 $0xC000  }
0x180: {  	[tilespmem:s13], [sflag:$0x3] =	stream.indirect_vreg.gather [hbm4b:s9+s20], $0x80, v8, vm0, $0xb8;
	[tilespmem:$0x1D500] =	vst v63  }
0x181: {  	s14 =	simm.s32 $0xC800;
	s15 =	simm.s32 $0x6  }
0x182: {  	[tilespmem:s14], [sflag:$0x3] =	stream.indirect_vreg.gather [hbm4b:s11+s20], $0x80, v8, vm0, $0xb8;
	[tilespmem:$0x1D500] =	vst v63  }
0x183: {  	_ =	swait.ge [sflag:s15], $0x4000  }
0x184: {  	s14 =	simm.s32 $0x15000;
	[sflag:s15] =	ssyncset.done $0x0  }
0x185: {  	s13 =	rddreg [dreg:$0xb];
	[sflag:s15] =	ssyncadd.s32 $0xFFFFC000;
	s15 =	simm.s32 $0xA  }
0x186: {  	[hbm4b:s13+s20] =	stream.linear.scatter [tilespmem:s14], [sflag:$0xC], $0x4000, $0x38;
	[tilespmem:$0x1D500] =	vst v63  }
0x187: {  	_ =	swait.ge [sflag:s15], $0x4000  }
0x188: {  	[sflag:s15] =	ssyncset.done $0x0  }
0x189: {  	[sflag:s15] =	ssyncadd.s32 $0xFFFFC000  }
0x18a: {  	v8 =	vld [tilespmem:s7+$0x90];
	_ =	sdelay $0x4  }
0x18b: {  	v41 =	vshll.u32 v8, $0x3  }
0x18c: {  	v8 =	vand.u32 $0x7, v8;
	v9 =	vand.u32 $0xFFFFFFC0, v41  }
0x18d: {  	v8 =	vor.u32 v8, v9  }
0x18e: {  	v9 =	vperm.xlane v8, v1;
	_ =	sdelay $0x1  }
0x18f: {  	v9 =	vadd.s32 v2, v9;
	_ =	sdelay $0x4  }
0x190: {  	[tilespmem:s3], [sflag:$0x4] =	stream.indirect_vreg.gather [hbm4b:s2+s20], $0x80, v9, vm0, $0xb8;
	[tilespmem:$0x1D500] =	vst v63  }
0x191: {  	s14 =	simm.s32 $0xD800;
	v8 =	vperm.xlane v8, v3  }
0x192: {  	[tilespmem:s14], [sflag:$0x4] =	stream.indirect_vreg.gather [hbm4b:s8+s20], $0x80, v9, vm0, $0xb8;
	[tilespmem:$0x1D500] =	vst v63  }
0x193: {  	s23 =	simm.s32 $0xE000;
	v8 =	vadd.s32 v2, v8  }
0x194: {  	[tilespmem:s23], [sflag:$0x4] =	stream.indirect_vreg.gather [hbm4b:s9+s20], $0x80, v9, vm0, $0xb8;
	[tilespmem:$0x1D500] =	vst v63  }
0x195: {  	s15 =	simm.s32 $0xE800  }
0x196: {  	[tilespmem:s15], [sflag:$0x4] =	stream.indirect_vreg.gather [hbm4b:s11+s20], $0x80, v9, vm0, $0xb8;
	[tilespmem:$0x1D500] =	vst v63  }
0x197: {  	s23 =	simm.s32 $0xF000  }
0x198: {  	[tilespmem:s23], [sflag:$0x4] =	stream.indirect_vreg.gather [hbm4b:s2+s20], $0x80, v8, vm0, $0xb8;
	[tilespmem:$0x1D500] =	vst v63  }
0x199: {  	s3 =	simm.s32 $0xF800  }
0x19a: {  	[tilespmem:s3], [sflag:$0x4] =	stream.indirect_vreg.gather [hbm4b:s8+s20], $0x80, v8, vm0, $0xb8;
	[tilespmem:$0x1D500] =	vst v63  }
0x19b: {  	s14 =	simm.s32 $0x10000  }
0x19c: {  	[tilespmem:s14], [sflag:$0x4] =	stream.indirect_vreg.gather [hbm4b:s9+s20], $0x80, v8, vm0, $0xb8;
	[tilespmem:$0x1D500] =	vst v63  }
0x19d: {  	s15 =	simm.s32 $0x10800  }
0x19e: {  	[tilespmem:s15], [sflag:$0x4] =	stream.indirect_vreg.gather [hbm4b:s11+s20], $0x80, v8, vm0, $0xb8;
	[tilespmem:$0x1D500] =	vst v63  }
0x19f: {  	_ =	swait.ge [sflag:s12], $0x4000  }
0x1a0: {  	[sflag:s12] =	ssyncset.done $0x0  }
0x1a1: {  	s3 =	simm.s32 $0x1000;
	s23 =	rddreg [dreg:$0xc];
	[sflag:s12] =	ssyncadd.s32 $0xFFFFC000  }
0x1a2: {  	[hbm4b:s23+s20] =	stream.linear.scatter [tilespmem:s3], [sflag:$0x7], $0x4000, $0x38;
	[tilespmem:$0x1D500] =	vst v63  }
0x1a3: {  	s23 =	simm.s32 $0xB  }
0x1a4: {  	_ =	swait.ge [sflag:s23], $0x4000  }
0x1a5: {  	[sflag:s23] =	ssyncset.done $0x0  }
0x1a6: {  	[sflag:s23] =	ssyncadd.s32 $0xFFFFC000  }
0x1a7: {  	v8 =	vld [tilespmem:s7+$0xA0];
	_ =	sdelay $0x4  }
0x1a8: {  	v42 =	vshll.u32 v8, $0x3  }
0x1a9: {  	v8 =	vand.u32 $0x7, v8;
	v9 =	vand.u32 $0xFFFFFFC0, v42  }
0x1aa: {  	v8 =	vor.u32 v8, v9  }
0x1ab: {  	v9 =	vperm.xlane v8, v1;
	_ =	sdelay $0x1  }
0x1ac: {  	v9 =	vadd.s32 v2, v9;
	_ =	sdelay $0x3  }
0x1ad: {  	s6 =	simm.s32 $0x11000  }
0x1ae: {  	[tilespmem:s6], [sflag:$0x5] =	stream.indirect_vreg.gather [hbm4b:s2+s20], $0x80, v9, vm0, $0xb8;
	[tilespmem:$0x1D500] =	vst v63  }
0x1af: {  	v8 =	vperm.xlane v8, v3;
	s6 =	simm.s32 $0x11800  }
0x1b0: {  	[tilespmem:s6], [sflag:$0x5] =	stream.indirect_vreg.gather [hbm4b:s8+s20], $0x80, v9, vm0, $0xb8;
	[tilespmem:$0x1D500] =	vst v63  }
0x1b1: {  	s14 =	simm.s32 $0x12000;
	v8 =	vadd.s32 v2, v8  }
0x1b2: {  	[tilespmem:s14], [sflag:$0x5] =	stream.indirect_vreg.gather [hbm4b:s9+s20], $0x80, v9, vm0, $0xb8;
	[tilespmem:$0x1D500] =	vst v63  }
0x1b3: {  	s15 =	simm.s32 $0x12800  }
0x1b4: {  	[tilespmem:s15], [sflag:$0x5] =	stream.indirect_vreg.gather [hbm4b:s11+s20], $0x80, v9, vm0, $0xb8;
	[tilespmem:$0x1D500] =	vst v63  }
0x1b5: {  	s6 =	simm.s32 $0x13000  }
0x1b6: {  	[tilespmem:s6], [sflag:$0x5] =	stream.indirect_vreg.gather [hbm4b:s2+s20], $0x80, v8, vm0, $0xb8;
	[tilespmem:$0x1D500] =	vst v63  }
0x1b7: {  	s14 =	simm.s32 $0x13800  }
0x1b8: {  	[tilespmem:s14], [sflag:$0x5] =	stream.indirect_vreg.gather [hbm4b:s8+s20], $0x80, v8, vm0, $0xb8;
	[tilespmem:$0x1D500] =	vst v63  }
0x1b9: {  	s15 =	simm.s32 $0x14000  }
0x1ba: {  	[tilespmem:s15], [sflag:$0x5] =	stream.indirect_vreg.gather [hbm4b:s9+s20], $0x80, v8, vm0, $0xb8;
	[tilespmem:$0x1D500] =	vst v63  }
0x1bb: {  	s6 =	simm.s32 $0x14800;
	s14 =	simm.s32 $0x2  }
0x1bc: {  	[tilespmem:s6], [sflag:$0x5] =	stream.indirect_vreg.gather [hbm4b:s11+s20], $0x80, v8, vm0, $0xb8;
	[tilespmem:$0x1D500] =	vst v63  }
0x1bd: {  	_ =	swait.ge [sflag:s14], $0x4000  }
0x1be: {  	[sflag:s14] =	ssyncset.done $0x0  }
0x1bf: {  	s6 =	simm.s32 $0x5000;
	s15 =	rddreg [dreg:$0xd];
	[sflag:s14] =	ssyncadd.s32 $0xFFFFC000  }
0x1c0: {  	[hbm4b:s15+s20] =	stream.linear.scatter [tilespmem:s6], [sflag:$0x8], $0x4000, $0x38;
	[tilespmem:$0x1D500] =	vst v63  }
0x1c1: {  	s15 =	simm.s32 $0xC  }
0x1c2: {  	_ =	swait.ge [sflag:s15], $0x4000  }
0x1c3: {  	[sflag:s15] =	ssyncset.done $0x0  }
0x1c4: {  	[sflag:s15] =	ssyncadd.s32 $0xFFFFC000  }
0x1c5: {  	v8 =	vld [tilespmem:s7+$0xB0];
	_ =	sdelay $0x4  }
0x1c6: {  	v43 =	vshll.u32 v8, $0x3  }
0x1c7: {  	v8 =	vand.u32 $0x7, v8;
	v9 =	vand.u32 $0xFFFFFFC0, v43  }
0x1c8: {  	v8 =	vor.u32 v8, v9  }
0x1c9: {  	v9 =	vperm.xlane v8, v1;
	_ =	sdelay $0x1  }
0x1ca: {  	v9 =	vadd.s32 v2, v9;
	_ =	sdelay $0x3  }
0x1cb: {  	s13 =	simm.s32 $0x15000  }
0x1cc: {  	[tilespmem:s13], [sflag:$0x6] =	stream.indirect_vreg.gather [hbm4b:s2+s20], $0x80, v9, vm0, $0xb8;
	[tilespmem:$0x1D500] =	vst v63  }
0x1cd: {  	v8 =	vperm.xlane v8, v3;
	s13 =	simm.s32 $0x15800  }
0x1ce: {  	[tilespmem:s13], [sflag:$0x6] =	stream.indirect_vreg.gather [hbm4b:s8+s20], $0x80, v9, vm0, $0xb8;
	[tilespmem:$0x1D500] =	vst v63  }
0x1cf: {  	s14 =	simm.s32 $0x16000;
	v8 =	vadd.s32 v2, v8  }
0x1d0: {  	[tilespmem:s14], [sflag:$0x6] =	stream.indirect_vreg.gather [hbm4b:s9+s20], $0x80, v9, vm0, $0xb8;
	[tilespmem:$0x1D500] =	vst v63  }
0x1d1: {  	s13 =	simm.s32 $0x16800  }
0x1d2: {  	[tilespmem:s13], [sflag:$0x6] =	stream.indirect_vreg.gather [hbm4b:s11+s20], $0x80, v9, vm0, $0xb8;
	[tilespmem:$0x1D500] =	vst v63  }
0x1d3: {  	s14 =	simm.s32 $0x17000  }
0x1d4: {  	[tilespmem:s14], [sflag:$0x6] =	stream.indirect_vreg.gather [hbm4b:s2+s20], $0x80, v8, vm0, $0xb8;
	[tilespmem:$0x1D500] =	vst v63  }
0x1d5: {  	s13 =	simm.s32 $0x17800  }
0x1d6: {  	[tilespmem:s13], [sflag:$0x6] =	stream.indirect_vreg.gather [hbm4b:s8+s20], $0x80, v8, vm0, $0xb8;
	[tilespmem:$0x1D500] =	vst v63  }
0x1d7: {  	s14 =	simm.s32 $0x18000  }
0x1d8: {  	[tilespmem:s14], [sflag:$0x6] =	stream.indirect_vreg.gather [hbm4b:s9+s20], $0x80, v8, vm0, $0xb8;
	[tilespmem:$0x1D500] =	vst v63  }
0x1d9: {  	s13 =	simm.s32 $0x18800;
	s14 =	simm.s32 $0x3  }
0x1da: {  	[tilespmem:s13], [sflag:$0x6] =	stream.indirect_vreg.gather [hbm4b:s11+s20], $0x80, v8, vm0, $0xb8;
	[tilespmem:$0x1D500] =	vst v63  }
0x1db: {  	_ =	swait.ge [sflag:s14], $0x4000  }
0x1dc: {  	[sflag:s14] =	ssyncset.done $0x0  }
0x1dd: {  	s13 =	simm.s32 $0x9000;
	s1 =	rddreg [dreg:$0xe];
	[sflag:s14] =	ssyncadd.s32 $0xFFFFC000  }
0x1de: {  	[hbm4b:s1+s20] =	stream.linear.scatter [tilespmem:s13], [sflag:$0x9], $0x4000, $0x38;
	[tilespmem:$0x1D500] =	vst v63  }
0x1df: {  	_ =	swait.ge [sflag:s18], $0x4000  }
0x1e0: {  	[sflag:s18] =	ssyncset.done $0x0  }
0x1e1: {  	[sflag:s18] =	ssyncadd.s32 $0xFFFFC000  }
0x1e2: {  	v8 =	vld [tilespmem:s7+$0xC0];
	_ =	sdelay $0x4  }
0x1e3: {  	v44 =	vshll.u32 v8, $0x3  }
0x1e4: {  	v8 =	vand.u32 $0x7, v8;
	v9 =	vand.u32 $0xFFFFFFC0, v44  }
0x1e5: {  	v8 =	vor.u32 v8, v9  }
0x1e6: {  	v9 =	vperm.xlane v8, v1;
	_ =	sdelay $0x1  }
0x1e7: {  	v9 =	vadd.s32 v2, v9;
	_ =	sdelay $0x4  }
0x1e8: {  	[tilespmem:s3], [sflag:$0x1] =	stream.indirect_vreg.gather [hbm4b:s2+s20], $0x80, v9, vm0, $0xb8;
	[tilespmem:$0x1D500] =	vst v63  }
0x1e9: {  	v8 =	vperm.xlane v8, v3;
	s3 =	simm.s32 $0x1800  }
0x1ea: {  	[tilespmem:s3], [sflag:$0x1] =	stream.indirect_vreg.gather [hbm4b:s8+s20], $0x80, v9, vm0, $0xb8;
	[tilespmem:$0x1D500] =	vst v63  }
0x1eb: {  	v8 =	vadd.s32 v2, v8;
	s3 =	simm.s32 $0x2000  }
0x1ec: {  	[tilespmem:s3], [sflag:$0x1] =	stream.indirect_vreg.gather [hbm4b:s9+s20], $0x80, v9, vm0, $0xb8;
	[tilespmem:$0x1D500] =	vst v63  }
0x1ed: {  	s3 =	simm.s32 $0x2800  }
0x1ee: {  	[tilespmem:s3], [sflag:$0x1] =	stream.indirect_vreg.gather [hbm4b:s11+s20], $0x80, v9, vm0, $0xb8;
	[tilespmem:$0x1D500] =	vst v63  }
0x1ef: {  	s3 =	simm.s32 $0x3000  }
0x1f0: {  	[tilespmem:s3], [sflag:$0x1] =	stream.indirect_vreg.gather [hbm4b:s2+s20], $0x80, v8, vm0, $0xb8;
	[tilespmem:$0x1D500] =	vst v63  }
0x1f1: {  	s3 =	simm.s32 $0x3800  }
0x1f2: {  	[tilespmem:s3], [sflag:$0x1] =	stream.indirect_vreg.gather [hbm4b:s8+s20], $0x80, v8, vm0, $0xb8;
	[tilespmem:$0x1D500] =	vst v63  }
0x1f3: {  	s3 =	simm.s32 $0x4000  }
0x1f4: {  	[tilespmem:s3], [sflag:$0x1] =	stream.indirect_vreg.gather [hbm4b:s9+s20], $0x80, v8, vm0, $0xb8;
	[tilespmem:$0x1D500] =	vst v63  }
0x1f5: {  	s3 =	simm.s32 $0x4800  }
0x1f6: {  	[tilespmem:s3], [sflag:$0x1] =	stream.indirect_vreg.gather [hbm4b:s11+s20], $0x80, v8, vm0, $0xb8;
	[tilespmem:$0x1D500] =	vst v63  }
0x1f7: {  	s3 =	simm.s32 $0x4  }
0x1f8: {  	_ =	swait.ge [sflag:s3], $0x4000  }
0x1f9: {  	[sflag:s3] =	ssyncset.done $0x0  }
0x1fa: {  	s1 =	rddreg [dreg:$0x10];
	[sflag:s3] =	ssyncadd.s32 $0xFFFFC000;
	s3 =	simm.s32 $0xD000  }
0x1fb: {  	[hbm4b:s1+s20] =	stream.linear.scatter [tilespmem:s3], [sflag:$0xA], $0x4000, $0x38;
	[tilespmem:$0x1D500] =	vst v63  }
0x1fc: {  	_ =	swait.ge [sflag:s16], $0x4000  }
0x1fd: {  	[sflag:s16] =	ssyncset.done $0x0  }
0x1fe: {  	[sflag:s16] =	ssyncadd.s32 $0xFFFFC000  }
0x1ff: {  	v8 =	vld [tilespmem:s7+$0xD0];
	_ =	sdelay $0x4  }
0x200: {  	v45 =	vshll.u32 v8, $0x3  }
0x201: {  	v8 =	vand.u32 $0x7, v8;
	v9 =	vand.u32 $0xFFFFFFC0, v45  }
0x202: {  	v8 =	vor.u32 v8, v9  }
0x203: {  	v9 =	vperm.xlane v8, v1;
	_ =	sdelay $0x1  }
0x204: {  	v9 =	vadd.s32 v2, v9;
	_ =	sdelay $0x4  }
0x205: {  	[tilespmem:s6], [sflag:$0x2] =	stream.indirect_vreg.gather [hbm4b:s2+s20], $0x80, v9, vm0, $0xb8;
	[tilespmem:$0x1D500] =	vst v63  }
0x206: {  	v8 =	vperm.xlane v8, v3;
	s6 =	simm.s32 $0x5800  }
0x207: {  	[tilespmem:s6], [sflag:$0x2] =	stream.indirect_vreg.gather [hbm4b:s8+s20], $0x80, v9, vm0, $0xb8;
	[tilespmem:$0x1D500] =	vst v63  }
0x208: {  	v8 =	vadd.s32 v2, v8;
	s6 =	simm.s32 $0x6000  }
0x209: {  	[tilespmem:s6], [sflag:$0x2] =	stream.indirect_vreg.gather [hbm4b:s9+s20], $0x80, v9, vm0, $0xb8;
	[tilespmem:$0x1D500] =	vst v63  }
0x20a: {  	s6 =	simm.s32 $0x6800  }
0x20b: {  	[tilespmem:s6], [sflag:$0x2] =	stream.indirect_vreg.gather [hbm4b:s11+s20], $0x80, v9, vm0, $0xb8;
	[tilespmem:$0x1D500] =	vst v63  }
0x20c: {  	s6 =	simm.s32 $0x7000  }
0x20d: {  	[tilespmem:s6], [sflag:$0x2] =	stream.indirect_vreg.gather [hbm4b:s2+s20], $0x80, v8, vm0, $0xb8;
	[tilespmem:$0x1D500] =	vst v63  }
0x20e: {  	s6 =	simm.s32 $0x7800  }
0x20f: {  	[tilespmem:s6], [sflag:$0x2] =	stream.indirect_vreg.gather [hbm4b:s8+s20], $0x80, v8, vm0, $0xb8;
	[tilespmem:$0x1D500] =	vst v63  }
0x210: {  	s6 =	simm.s32 $0x8000  }
0x211: {  	[tilespmem:s6], [sflag:$0x2] =	stream.indirect_vreg.gather [hbm4b:s9+s20], $0x80, v8, vm0, $0xb8;
	[tilespmem:$0x1D500] =	vst v63  }
0x212: {  	s6 =	simm.s32 $0x8800  }
0x213: {  	[tilespmem:s6], [sflag:$0x2] =	stream.indirect_vreg.gather [hbm4b:s11+s20], $0x80, v8, vm0, $0xb8;
	[tilespmem:$0x1D500] =	vst v63  }
0x214: {  	s6 =	simm.s32 $0x5  }
0x215: {  	_ =	swait.ge [sflag:s6], $0x4000  }
0x216: {  	[sflag:s6] =	ssyncset.done $0x0  }
0x217: {  	s1 =	rddreg [dreg:$0x12];
	[sflag:s6] =	ssyncadd.s32 $0xFFFFC000;
	s6 =	simm.s32 $0x11000  }
0x218: {  	[hbm4b:s1+s20] =	stream.linear.scatter [tilespmem:s6], [sflag:$0xB], $0x4000, $0x38;
	[tilespmem:$0x1D500] =	vst v63  }
0x219: {  	s1 =	simm.s32 $0x9  }
0x21a: {  	_ =	swait.ge [sflag:s1], $0x4000  }
0x21b: {  	[sflag:s1] =	ssyncset.done $0x0  }
0x21c: {  	[sflag:s1] =	ssyncadd.s32 $0xFFFFC000  }
0x21d: {  	v8 =	vld [tilespmem:s7+$0xE0];
	_ =	sdelay $0x4  }
0x21e: {  	v46 =	vshll.u32 v8, $0x3  }
0x21f: {  	v8 =	vand.u32 $0x7, v8;
	v9 =	vand.u32 $0xFFFFFFC0, v46  }
0x220: {  	v8 =	vor.u32 v8, v9  }
0x221: {  	v9 =	vperm.xlane v8, v1;
	_ =	sdelay $0x1  }
0x222: {  	v9 =	vadd.s32 v2, v9;
	_ =	sdelay $0x4  }
0x223: {  	[tilespmem:s13], [sflag:$0x3] =	stream.indirect_vreg.gather [hbm4b:s2+s20], $0x80, v9, vm0, $0xb8;
	[tilespmem:$0x1D500] =	vst v63  }
0x224: {  	v8 =	vperm.xlane v8, v3;
	s13 =	simm.s32 $0x9800  }
0x225: {  	[tilespmem:s13], [sflag:$0x3] =	stream.indirect_vreg.gather [hbm4b:s8+s20], $0x80, v9, vm0, $0xb8;
	[tilespmem:$0x1D500] =	vst v63  }
0x226: {  	v8 =	vadd.s32 v2, v8;
	s13 =	simm.s32 $0xA000  }
0x227: {  	[tilespmem:s13], [sflag:$0x3] =	stream.indirect_vreg.gather [hbm4b:s9+s20], $0x80, v9, vm0, $0xb8;
	[tilespmem:$0x1D500] =	vst v63  }
0x228: {  	s13 =	simm.s32 $0xA800  }
0x229: {  	[tilespmem:s13], [sflag:$0x3] =	stream.indirect_vreg.gather [hbm4b:s11+s20], $0x80, v9, vm0, $0xb8;
	[tilespmem:$0x1D500] =	vst v63  }
0x22a: {  	s13 =	simm.s32 $0xB000  }
0x22b: {  	[tilespmem:s13], [sflag:$0x3] =	stream.indirect_vreg.gather [hbm4b:s2+s20], $0x80, v8, vm0, $0xb8;
	[tilespmem:$0x1D500] =	vst v63  }
0x22c: {  	s13 =	simm.s32 $0xB800  }
0x22d: {  	[tilespmem:s13], [sflag:$0x3] =	stream.indirect_vreg.gather [hbm4b:s8+s20], $0x80, v8, vm0, $0xb8;
	[tilespmem:$0x1D500] =	vst v63  }
0x22e: {  	s13 =	simm.s32 $0xC000  }
0x22f: {  	[tilespmem:s13], [sflag:$0x3] =	stream.indirect_vreg.gather [hbm4b:s9+s20], $0x80, v8, vm0, $0xb8;
	[tilespmem:$0x1D500] =	vst v63  }
0x230: {  	s13 =	simm.s32 $0xC800  }
0x231: {  	[tilespmem:s13], [sflag:$0x3] =	stream.indirect_vreg.gather [hbm4b:s11+s20], $0x80, v8, vm0, $0xb8;
	[tilespmem:$0x1D500] =	vst v63  }
0x232: {  	s13 =	simm.s32 $0x6  }
0x233: {  	_ =	swait.ge [sflag:s13], $0x4000  }
0x234: {  	[sflag:s13] =	ssyncset.done $0x0  }
0x235: {  	s1 =	rddreg [dreg:$0x13];
	[sflag:s13] =	ssyncadd.s32 $0xFFFFC000;
	s13 =	simm.s32 $0x15000  }
0x236: {  	[hbm4b:s1+s20] =	stream.linear.scatter [tilespmem:s13], [sflag:$0xC], $0x4000, $0x38;
	[tilespmem:$0x1D500] =	vst v63  }
0x237: {  	s1 =	simm.s32 $0xA  }
0x238: {  	_ =	swait.ge [sflag:s1], $0x4000  }
0x239: {  	[sflag:s1] =	ssyncset.done $0x0  }
0x23a: {  	[sflag:s1] =	ssyncadd.s32 $0xFFFFC000  }
0x23b: {  	v8 =	vld [tilespmem:s7+$0xF0];
	_ =	sdelay $0x4  }
0x23c: {  	v47 =	vshll.u32 v8, $0x3  }
0x23d: {  	v8 =	vand.u32 $0x7, v8;
	v9 =	vand.u32 $0xFFFFFFC0, v47  }
0x23e: {  	v8 =	vor.u32 v8, v9  }
0x23f: {  	v9 =	vperm.xlane v8, v1;
	_ =	sdelay $0x1  }
0x240: {  	v9 =	vadd.s32 v2, v9;
	_ =	sdelay $0x4  }
0x241: {  	[tilespmem:s3], [sflag:$0x4] =	stream.indirect_vreg.gather [hbm4b:s2+s20], $0x80, v9, vm0, $0xb8;
	[tilespmem:$0x1D500] =	vst v63  }
0x242: {  	v8 =	vperm.xlane v8, v3;
	s3 =	simm.s32 $0xD800  }
0x243: {  	[tilespmem:s3], [sflag:$0x4] =	stream.indirect_vreg.gather [hbm4b:s8+s20], $0x80, v9, vm0, $0xb8;
	[tilespmem:$0x1D500] =	vst v63  }
0x244: {  	v8 =	vadd.s32 v2, v8;
	s3 =	simm.s32 $0xE000  }
0x245: {  	[tilespmem:s3], [sflag:$0x4] =	stream.indirect_vreg.gather [hbm4b:s9+s20], $0x80, v9, vm0, $0xb8;
	[tilespmem:$0x1D500] =	vst v63  }
0x246: {  	s3 =	simm.s32 $0xE800  }
0x247: {  	[tilespmem:s3], [sflag:$0x4] =	stream.indirect_vreg.gather [hbm4b:s11+s20], $0x80, v9, vm0, $0xb8;
	[tilespmem:$0x1D500] =	vst v63  }
0x248: {  	s3 =	simm.s32 $0xF000  }
0x249: {  	[tilespmem:s3], [sflag:$0x4] =	stream.indirect_vreg.gather [hbm4b:s2+s20], $0x80, v8, vm0, $0xb8;
	[tilespmem:$0x1D500] =	vst v63  }
0x24a: {  	s3 =	simm.s32 $0xF800  }
0x24b: {  	[tilespmem:s3], [sflag:$0x4] =	stream.indirect_vreg.gather [hbm4b:s8+s20], $0x80, v8, vm0, $0xb8;
	[tilespmem:$0x1D500] =	vst v63  }
0x24c: {  	s3 =	simm.s32 $0x10000  }
0x24d: {  	[tilespmem:s3], [sflag:$0x4] =	stream.indirect_vreg.gather [hbm4b:s9+s20], $0x80, v8, vm0, $0xb8;
	[tilespmem:$0x1D500] =	vst v63  }
0x24e: {  	s3 =	simm.s32 $0x10800  }
0x24f: {  	[tilespmem:s3], [sflag:$0x4] =	stream.indirect_vreg.gather [hbm4b:s11+s20], $0x80, v8, vm0, $0xb8;
	[tilespmem:$0x1D500] =	vst v63  }
0x250: {  	_ =	swait.ge [sflag:s12], $0x4000  }
0x251: {  	[sflag:s12] =	ssyncset.done $0x0  }
0x252: {  	s3 =	simm.s32 $0x1000;
	s1 =	rddreg [dreg:$0x15];
	[sflag:s12] =	ssyncadd.s32 $0xFFFFC000  }
0x253: {  	[hbm4b:s1+s20] =	stream.linear.scatter [tilespmem:s3], [sflag:$0x7], $0x4000, $0x38;
	[tilespmem:$0x1D500] =	vst v63  }
0x254: {  	_ =	swait.ge [sflag:s23], $0x4000  }
0x255: {  	[sflag:s23] =	ssyncset.done $0x0  }
0x256: {  	[sflag:s23] =	ssyncadd.s32 $0xFFFFC000  }
0x257: {  	v8 =	vld [tilespmem:s7+$0x100];
	_ =	sdelay $0x4  }
0x258: {  	v48 =	vshll.u32 v8, $0x3  }
0x259: {  	v8 =	vand.u32 $0x7, v8;
	v9 =	vand.u32 $0xFFFFFFC0, v48  }
0x25a: {  	v8 =	vor.u32 v8, v9  }
0x25b: {  	v9 =	vperm.xlane v8, v1;
	_ =	sdelay $0x1  }
0x25c: {  	v9 =	vadd.s32 v2, v9;
	_ =	sdelay $0x4  }
0x25d: {  	[tilespmem:s6], [sflag:$0x5] =	stream.indirect_vreg.gather [hbm4b:s2+s20], $0x80, v9, vm0, $0xb8;
	[tilespmem:$0x1D500] =	vst v63  }
0x25e: {  	v8 =	vperm.xlane v8, v3;
	s6 =	simm.s32 $0x11800  }
0x25f: {  	[tilespmem:s6], [sflag:$0x5] =	stream.indirect_vreg.gather [hbm4b:s8+s20], $0x80, v9, vm0, $0xb8;
	[tilespmem:$0x1D500] =	vst v63  }
0x260: {  	v8 =	vadd.s32 v2, v8;
	s6 =	simm.s32 $0x12000  }
0x261: {  	[tilespmem:s6], [sflag:$0x5] =	stream.indirect_vreg.gather [hbm4b:s9+s20], $0x80, v9, vm0, $0xb8;
	[tilespmem:$0x1D500] =	vst v63  }
0x262: {  	s6 =	simm.s32 $0x12800  }
0x263: {  	[tilespmem:s6], [sflag:$0x5] =	stream.indirect_vreg.gather [hbm4b:s11+s20], $0x80, v9, vm0, $0xb8;
	[tilespmem:$0x1D500] =	vst v63  }
0x264: {  	s6 =	simm.s32 $0x13000  }
0x265: {  	[tilespmem:s6], [sflag:$0x5] =	stream.indirect_vreg.gather [hbm4b:s2+s20], $0x80, v8, vm0, $0xb8;
	[tilespmem:$0x1D500] =	vst v63  }
0x266: {  	s6 =	simm.s32 $0x13800  }
0x267: {  	[tilespmem:s6], [sflag:$0x5] =	stream.indirect_vreg.gather [hbm4b:s8+s20], $0x80, v8, vm0, $0xb8;
	[tilespmem:$0x1D500] =	vst v63  }
0x268: {  	s6 =	simm.s32 $0x14000  }
0x269: {  	[tilespmem:s6], [sflag:$0x5] =	stream.indirect_vreg.gather [hbm4b:s9+s20], $0x80, v8, vm0, $0xb8;
	[tilespmem:$0x1D500] =	vst v63  }
0x26a: {  	s6 =	simm.s32 $0x14800  }
0x26b: {  	[tilespmem:s6], [sflag:$0x5] =	stream.indirect_vreg.gather [hbm4b:s11+s20], $0x80, v8, vm0, $0xb8;
	[tilespmem:$0x1D500] =	vst v63  }
0x26c: {  	s6 =	simm.s32 $0x2  }
0x26d: {  	_ =	swait.ge [sflag:s6], $0x4000  }
0x26e: {  	[sflag:s6] =	ssyncset.done $0x0  }
0x26f: {  	s1 =	rddreg [dreg:$0x16];
	[sflag:s6] =	ssyncadd.s32 $0xFFFFC000;
	s6 =	simm.s32 $0x5000  }
0x270: {  	[hbm4b:s1+s20] =	stream.linear.scatter [tilespmem:s6], [sflag:$0x8], $0x4000, $0x38;
	[tilespmem:$0x1D500] =	vst v63  }
0x271: {  	_ =	swait.ge [sflag:s15], $0x4000  }
0x272: {  	[sflag:s15] =	ssyncset.done $0x0  }
0x273: {  	[sflag:s15] =	ssyncadd.s32 $0xFFFFC000  }
0x274: {  	v8 =	vld [tilespmem:s7+$0x110];
	_ =	sdelay $0x4  }
0x275: {  	v49 =	vshll.u32 v8, $0x3  }
0x276: {  	v8 =	vand.u32 $0x7, v8;
	v9 =	vand.u32 $0xFFFFFFC0, v49  }
0x277: {  	v8 =	vor.u32 v8, v9  }
0x278: {  	v9 =	vperm.xlane v8, v1;
	_ =	sdelay $0x1  }
0x279: {  	v9 =	vadd.s32 v2, v9;
	_ =	sdelay $0x4  }
0x27a: {  	[tilespmem:s13], [sflag:$0x6] =	stream.indirect_vreg.gather [hbm4b:s2+s20], $0x80, v9, vm0, $0xb8;
	[tilespmem:$0x1D500] =	vst v63  }
0x27b: {  	v8 =	vperm.xlane v8, v3;
	s13 =	simm.s32 $0x15800  }
0x27c: {  	[tilespmem:s13], [sflag:$0x6] =	stream.indirect_vreg.gather [hbm4b:s8+s20], $0x80, v9, vm0, $0xb8;
	[tilespmem:$0x1D500] =	vst v63  }
0x27d: {  	v8 =	vadd.s32 v2, v8;
	s13 =	simm.s32 $0x16000  }
0x27e: {  	[tilespmem:s13], [sflag:$0x6] =	stream.indirect_vreg.gather [hbm4b:s9+s20], $0x80, v9, vm0, $0xb8;
	[tilespmem:$0x1D500] =	vst v63  }
0x27f: {  	s13 =	simm.s32 $0x16800  }
0x280: {  	[tilespmem:s13], [sflag:$0x6] =	stream.indirect_vreg.gather [hbm4b:s11+s20], $0x80, v9, vm0, $0xb8;
	[tilespmem:$0x1D500] =	vst v63  }
0x281: {  	s13 =	simm.s32 $0x17000  }
0x282: {  	[tilespmem:s13], [sflag:$0x6] =	stream.indirect_vreg.gather [hbm4b:s2+s20], $0x80, v8, vm0, $0xb8;
	[tilespmem:$0x1D500] =	vst v63  }
0x283: {  	s13 =	simm.s32 $0x17800  }
0x284: {  	[tilespmem:s13], [sflag:$0x6] =	stream.indirect_vreg.gather [hbm4b:s8+s20], $0x80, v8, vm0, $0xb8;
	[tilespmem:$0x1D500] =	vst v63  }
0x285: {  	s13 =	simm.s32 $0x18000  }
0x286: {  	[tilespmem:s13], [sflag:$0x6] =	stream.indirect_vreg.gather [hbm4b:s9+s20], $0x80, v8, vm0, $0xb8;
	[tilespmem:$0x1D500] =	vst v63  }
0x287: {  	s14 =	simm.s32 $0x3;
	s13 =	simm.s32 $0x18800  }
0x288: {  	[tilespmem:s13], [sflag:$0x6] =	stream.indirect_vreg.gather [hbm4b:s11+s20], $0x80, v8, vm0, $0xb8;
	[tilespmem:$0x1D500] =	vst v63  }
0x289: {  	_ =	swait.ge [sflag:s14], $0x4000  }
0x28a: {  	[sflag:s14] =	ssyncset.done $0x0  }
0x28b: {  	s13 =	rddreg [dreg:$0x17];
	[sflag:s14] =	ssyncadd.s32 $0xFFFFC000;
	s14 =	simm.s32 $0x9000  }
0x28c: {  	[hbm4b:s13+s20] =	stream.linear.scatter [tilespmem:s14], [sflag:$0x9], $0x4000, $0x38;
	[tilespmem:$0x1D500] =	vst v63  }
0x28d: {  	_ =	swait.ge [sflag:s18], $0x4000  }
0x28e: {  	[sflag:s18] =	ssyncset.done $0x0  }
0x28f: {  	[sflag:s18] =	ssyncadd.s32 $0xFFFFC000  }
0x290: {  	v8 =	vld [tilespmem:s7+$0x120];
	_ =	sdelay $0x4  }
0x291: {  	v50 =	vshll.u32 v8, $0x3  }
0x292: {  	v8 =	vand.u32 $0x7, v8;
	v9 =	vand.u32 $0xFFFFFFC0, v50  }
0x293: {  	v8 =	vor.u32 v8, v9  }
0x294: {  	v9 =	vperm.xlane v8, v1;
	_ =	sdelay $0x1  }
0x295: {  	v9 =	vadd.s32 v2, v9;
	_ =	sdelay $0x4  }
0x296: {  	[tilespmem:s3], [sflag:$0x1] =	stream.indirect_vreg.gather [hbm4b:s2+s20], $0x80, v9, vm0, $0xb8;
	[tilespmem:$0x1D500] =	vst v63  }
0x297: {  	v8 =	vperm.xlane v8, v3;
	s3 =	simm.s32 $0x1800  }
0x298: {  	[tilespmem:s3], [sflag:$0x1] =	stream.indirect_vreg.gather [hbm4b:s8+s20], $0x80, v9, vm0, $0xb8;
	[tilespmem:$0x1D500] =	vst v63  }
0x299: {  	s13 =	simm.s32 $0x2000;
	v8 =	vadd.s32 v2, v8  }
0x29a: {  	[tilespmem:s13], [sflag:$0x1] =	stream.indirect_vreg.gather [hbm4b:s9+s20], $0x80, v9, vm0, $0xb8;
	[tilespmem:$0x1D500] =	vst v63  }
0x29b: {  	s3 =	simm.s32 $0x2800  }
0x29c: {  	[tilespmem:s3], [sflag:$0x1] =	stream.indirect_vreg.gather [hbm4b:s11+s20], $0x80, v9, vm0, $0xb8;
	[tilespmem:$0x1D500] =	vst v63  }
0x29d: {  	s13 =	simm.s32 $0x3000  }
0x29e: {  	[tilespmem:s13], [sflag:$0x1] =	stream.indirect_vreg.gather [hbm4b:s2+s20], $0x80, v8, vm0, $0xb8;
	[tilespmem:$0x1D500] =	vst v63  }
0x29f: {  	s3 =	simm.s32 $0x3800  }
0x2a0: {  	[tilespmem:s3], [sflag:$0x1] =	stream.indirect_vreg.gather [hbm4b:s8+s20], $0x80, v8, vm0, $0xb8;
	[tilespmem:$0x1D500] =	vst v63  }
0x2a1: {  	s13 =	simm.s32 $0x4000  }
0x2a2: {  	[tilespmem:s13], [sflag:$0x1] =	stream.indirect_vreg.gather [hbm4b:s9+s20], $0x80, v8, vm0, $0xb8;
	[tilespmem:$0x1D500] =	vst v63  }
0x2a3: {  	s3 =	simm.s32 $0x4800;
	s13 =	simm.s32 $0x4  }
0x2a4: {  	[tilespmem:s3], [sflag:$0x1] =	stream.indirect_vreg.gather [hbm4b:s11+s20], $0x80, v8, vm0, $0xb8;
	[tilespmem:$0x1D500] =	vst v63  }
0x2a5: {  	_ =	swait.ge [sflag:s13], $0x4000  }
0x2a6: {  	[sflag:s13] =	ssyncset.done $0x0  }
0x2a7: {  	s3 =	rddreg [dreg:$0x18];
	[sflag:s13] =	ssyncadd.s32 $0xFFFFC000;
	s13 =	simm.s32 $0xD000  }
0x2a8: {  	[hbm4b:s3+s20] =	stream.linear.scatter [tilespmem:s13], [sflag:$0xA], $0x4000, $0x38;
	[tilespmem:$0x1D500] =	vst v63  }
0x2a9: {  	_ =	swait.ge [sflag:s16], $0x4000  }
0x2aa: {  	[sflag:s16] =	ssyncset.done $0x0  }
0x2ab: {  	[sflag:s16] =	ssyncadd.s32 $0xFFFFC000  }
0x2ac: {  	v8 =	vld [tilespmem:s7+$0x130];
	_ =	sdelay $0x4  }
0x2ad: {  	v51 =	vshll.u32 v8, $0x3  }
0x2ae: {  	v8 =	vand.u32 $0x7, v8;
	v9 =	vand.u32 $0xFFFFFFC0, v51  }
0x2af: {  	v8 =	vor.u32 v8, v9  }
0x2b0: {  	v9 =	vperm.xlane v8, v1;
	_ =	sdelay $0x1  }
0x2b1: {  	v9 =	vadd.s32 v2, v9;
	_ =	sdelay $0x4  }
0x2b2: {  	[tilespmem:s6], [sflag:$0x2] =	stream.indirect_vreg.gather [hbm4b:s2+s20], $0x80, v9, vm0, $0xb8;
	[tilespmem:$0x1D500] =	vst v63  }
0x2b3: {  	v8 =	vperm.xlane v8, v3;
	s6 =	simm.s32 $0x5800  }
0x2b4: {  	[tilespmem:s6], [sflag:$0x2] =	stream.indirect_vreg.gather [hbm4b:s8+s20], $0x80, v9, vm0, $0xb8;
	[tilespmem:$0x1D500] =	vst v63  }
0x2b5: {  	s3 =	simm.s32 $0x6000;
	v8 =	vadd.s32 v2, v8  }
0x2b6: {  	[tilespmem:s3], [sflag:$0x2] =	stream.indirect_vreg.gather [hbm4b:s9+s20], $0x80, v9, vm0, $0xb8;
	[tilespmem:$0x1D500] =	vst v63  }
0x2b7: {  	s6 =	simm.s32 $0x6800  }
0x2b8: {  	[tilespmem:s6], [sflag:$0x2] =	stream.indirect_vreg.gather [hbm4b:s11+s20], $0x80, v9, vm0, $0xb8;
	[tilespmem:$0x1D500] =	vst v63  }
0x2b9: {  	s3 =	simm.s32 $0x7000  }
0x2ba: {  	[tilespmem:s3], [sflag:$0x2] =	stream.indirect_vreg.gather [hbm4b:s2+s20], $0x80, v8, vm0, $0xb8;
	[tilespmem:$0x1D500] =	vst v63  }
0x2bb: {  	s6 =	simm.s32 $0x7800  }
0x2bc: {  	[tilespmem:s6], [sflag:$0x2] =	stream.indirect_vreg.gather [hbm4b:s8+s20], $0x80, v8, vm0, $0xb8;
	[tilespmem:$0x1D500] =	vst v63  }
0x2bd: {  	s3 =	simm.s32 $0x8000  }
0x2be: {  	[tilespmem:s3], [sflag:$0x2] =	stream.indirect_vreg.gather [hbm4b:s9+s20], $0x80, v8, vm0, $0xb8;
	[tilespmem:$0x1D500] =	vst v63  }
0x2bf: {  	s6 =	simm.s32 $0x8800;
	s3 =	simm.s32 $0x5  }
0x2c0: {  	[tilespmem:s6], [sflag:$0x2] =	stream.indirect_vreg.gather [hbm4b:s11+s20], $0x80, v8, vm0, $0xb8;
	[tilespmem:$0x1D500] =	vst v63  }
0x2c1: {  	_ =	swait.ge [sflag:s3], $0x4000  }
0x2c2: {  	[sflag:s3] =	ssyncset.done $0x0  }
0x2c3: {  	s6 =	rddreg [dreg:$0x19];
	[sflag:s3] =	ssyncadd.s32 $0xFFFFC000;
	s3 =	simm.s32 $0x11000  }
0x2c4: {  	[hbm4b:s6+s20] =	stream.linear.scatter [tilespmem:s3], [sflag:$0xB], $0x4000, $0x38;
	[tilespmem:$0x1D500] =	vst v63  }
0x2c5: {  	s6 =	simm.s32 $0x9  }
0x2c6: {  	_ =	swait.ge [sflag:s6], $0x4000  }
0x2c7: {  	[sflag:s6] =	ssyncset.done $0x0  }
0x2c8: {  	[sflag:s6] =	ssyncadd.s32 $0xFFFFC000  }
0x2c9: {  	v8 =	vld [tilespmem:s7+$0x140];
	_ =	sdelay $0x4  }
0x2ca: {  	v52 =	vshll.u32 v8, $0x3  }
0x2cb: {  	v8 =	vand.u32 $0x7, v8;
	v9 =	vand.u32 $0xFFFFFFC0, v52  }
0x2cc: {  	v8 =	vor.u32 v8, v9  }
0x2cd: {  	v9 =	vperm.xlane v8, v1;
	_ =	sdelay $0x1  }
0x2ce: {  	v9 =	vadd.s32 v2, v9;
	_ =	sdelay $0x4  }
0x2cf: {  	[tilespmem:s14], [sflag:$0x3] =	stream.indirect_vreg.gather [hbm4b:s2+s20], $0x80, v9, vm0, $0xb8;
	[tilespmem:$0x1D500] =	vst v63  }
0x2d0: {  	v8 =	vperm.xlane v8, v3;
	s14 =	simm.s32 $0x9800  }
0x2d1: {  	[tilespmem:s14], [sflag:$0x3] =	stream.indirect_vreg.gather [hbm4b:s8+s20], $0x80, v9, vm0, $0xb8;
	[tilespmem:$0x1D500] =	vst v63  }
0x2d2: {  	s6 =	simm.s32 $0xA000;
	v8 =	vadd.s32 v2, v8  }
0x2d3: {  	[tilespmem:s6], [sflag:$0x3] =	stream.indirect_vreg.gather [hbm4b:s9+s20], $0x80, v9, vm0, $0xb8;
	[tilespmem:$0x1D500] =	vst v63  }
0x2d4: {  	s14 =	simm.s32 $0xA800  }
0x2d5: {  	[tilespmem:s14], [sflag:$0x3] =	stream.indirect_vreg.gather [hbm4b:s11+s20], $0x80, v9, vm0, $0xb8;
	[tilespmem:$0x1D500] =	vst v63  }
0x2d6: {  	s6 =	simm.s32 $0xB000  }
0x2d7: {  	[tilespmem:s6], [sflag:$0x3] =	stream.indirect_vreg.gather [hbm4b:s2+s20], $0x80, v8, vm0, $0xb8;
	[tilespmem:$0x1D500] =	vst v63  }
0x2d8: {  	s14 =	simm.s32 $0xB800  }
0x2d9: {  	[tilespmem:s14], [sflag:$0x3] =	stream.indirect_vreg.gather [hbm4b:s8+s20], $0x80, v8, vm0, $0xb8;
	[tilespmem:$0x1D500] =	vst v63  }
0x2da: {  	s6 =	simm.s32 $0xC000  }
0x2db: {  	[tilespmem:s6], [sflag:$0x3] =	stream.indirect_vreg.gather [hbm4b:s9+s20], $0x80, v8, vm0, $0xb8;
	[tilespmem:$0x1D500] =	vst v63  }
0x2dc: {  	s14 =	simm.s32 $0xC800;
	s6 =	simm.s32 $0x6  }
0x2dd: {  	[tilespmem:s14], [sflag:$0x3] =	stream.indirect_vreg.gather [hbm4b:s11+s20], $0x80, v8, vm0, $0xb8;
	[tilespmem:$0x1D500] =	vst v63  }
0x2de: {  	_ =	swait.ge [sflag:s6], $0x4000  }
0x2df: {  	[sflag:s6] =	ssyncset.done $0x0  }
0x2e0: {  	s14 =	rddreg [dreg:$0x1a];
	[sflag:s6] =	ssyncadd.s32 $0xFFFFC000;
	s6 =	simm.s32 $0x15000  }
0x2e1: {  	[hbm4b:s14+s20] =	stream.linear.scatter [tilespmem:s6], [sflag:$0xC], $0x4000, $0x38;
	[tilespmem:$0x1D500] =	vst v63  }
0x2e2: {  	s14 =	simm.s32 $0xA  }
0x2e3: {  	_ =	swait.ge [sflag:s14], $0x4000  }
0x2e4: {  	[sflag:s14] =	ssyncset.done $0x0  }
0x2e5: {  	[sflag:s14] =	ssyncadd.s32 $0xFFFFC000  }
0x2e6: {  	v8 =	vld [tilespmem:s7+$0x150];
	_ =	sdelay $0x4  }
0x2e7: {  	v53 =	vshll.u32 v8, $0x3  }
0x2e8: {  	v8 =	vand.u32 $0x7, v8;
	v9 =	vand.u32 $0xFFFFFFC0, v53  }
0x2e9: {  	v8 =	vor.u32 v8, v9  }
0x2ea: {  	v9 =	vperm.xlane v8, v1;
	_ =	sdelay $0x1  }
0x2eb: {  	v9 =	vadd.s32 v2, v9;
	_ =	sdelay $0x4  }
0x2ec: {  	[tilespmem:s13], [sflag:$0x4] =	stream.indirect_vreg.gather [hbm4b:s2+s20], $0x80, v9, vm0, $0xb8;
	[tilespmem:$0x1D500] =	vst v63  }
0x2ed: {  	v8 =	vperm.xlane v8, v3;
	s13 =	simm.s32 $0xD800  }
0x2ee: {  	[tilespmem:s13], [sflag:$0x4] =	stream.indirect_vreg.gather [hbm4b:s8+s20], $0x80, v9, vm0, $0xb8;
	[tilespmem:$0x1D500] =	vst v63  }
0x2ef: {  	s14 =	simm.s32 $0xE000;
	v8 =	vadd.s32 v2, v8  }
0x2f0: {  	[tilespmem:s14], [sflag:$0x4] =	stream.indirect_vreg.gather [hbm4b:s9+s20], $0x80, v9, vm0, $0xb8;
	[tilespmem:$0x1D500] =	vst v63  }
0x2f1: {  	s13 =	simm.s32 $0xE800  }
0x2f2: {  	[tilespmem:s13], [sflag:$0x4] =	stream.indirect_vreg.gather [hbm4b:s11+s20], $0x80, v9, vm0, $0xb8;
	[tilespmem:$0x1D500] =	vst v63  }
0x2f3: {  	s14 =	simm.s32 $0xF000  }
0x2f4: {  	[tilespmem:s14], [sflag:$0x4] =	stream.indirect_vreg.gather [hbm4b:s2+s20], $0x80, v8, vm0, $0xb8;
	[tilespmem:$0x1D500] =	vst v63  }
0x2f5: {  	s13 =	simm.s32 $0xF800  }
0x2f6: {  	[tilespmem:s13], [sflag:$0x4] =	stream.indirect_vreg.gather [hbm4b:s8+s20], $0x80, v8, vm0, $0xb8;
	[tilespmem:$0x1D500] =	vst v63  }
0x2f7: {  	s14 =	simm.s32 $0x10000  }
0x2f8: {  	[tilespmem:s14], [sflag:$0x4] =	stream.indirect_vreg.gather [hbm4b:s9+s20], $0x80, v8, vm0, $0xb8;
	[tilespmem:$0x1D500] =	vst v63  }
0x2f9: {  	s13 =	simm.s32 $0x10800  }
0x2fa: {  	[tilespmem:s13], [sflag:$0x4] =	stream.indirect_vreg.gather [hbm4b:s11+s20], $0x80, v8, vm0, $0xb8;
	[tilespmem:$0x1D500] =	vst v63  }
0x2fb: {  	_ =	swait.ge [sflag:s12], $0x4000  }
0x2fc: {  	[sflag:s12] =	ssyncset.done $0x0  }
0x2fd: {  	s13 =	simm.s32 $0x1000;
	s14 =	rddreg [dreg:$0x1b];
	[sflag:s12] =	ssyncadd.s32 $0xFFFFC000  }
0x2fe: {  	[hbm4b:s14+s20] =	stream.linear.scatter [tilespmem:s13], [sflag:$0x7], $0x4000, $0x38;
	[tilespmem:$0x1D500] =	vst v63  }
0x2ff: {  	_ =	swait.ge [sflag:s23], $0x4000  }
0x300: {  	[sflag:s23] =	ssyncset.done $0x0  }
0x301: {  	[sflag:s23] =	ssyncadd.s32 $0xFFFFC000  }
0x302: {  	v8 =	vld [tilespmem:s7+$0x160];
	_ =	sdelay $0x4  }
0x303: {  	v54 =	vshll.u32 v8, $0x3  }
0x304: {  	v8 =	vand.u32 $0x7, v8;
	v9 =	vand.u32 $0xFFFFFFC0, v54  }
0x305: {  	v8 =	vor.u32 v8, v9  }
0x306: {  	v9 =	vperm.xlane v8, v1;
	_ =	sdelay $0x1  }
0x307: {  	v9 =	vadd.s32 v2, v9;
	_ =	sdelay $0x4  }
0x308: {  	[tilespmem:s3], [sflag:$0x5] =	stream.indirect_vreg.gather [hbm4b:s2+s20], $0x80, v9, vm0, $0xb8;
	[tilespmem:$0x1D500] =	vst v63  }
0x309: {  	s14 =	simm.s32 $0x11800;
	v8 =	vperm.xlane v8, v3  }
0x30a: {  	[tilespmem:s14], [sflag:$0x5] =	stream.indirect_vreg.gather [hbm4b:s8+s20], $0x80, v9, vm0, $0xb8;
	[tilespmem:$0x1D500] =	vst v63  }
0x30b: {  	v8 =	vadd.s32 v2, v8;
	s3 =	simm.s32 $0x12000  }
0x30c: {  	[tilespmem:s3], [sflag:$0x5] =	stream.indirect_vreg.gather [hbm4b:s9+s20], $0x80, v9, vm0, $0xb8;
	[tilespmem:$0x1D500] =	vst v63  }
0x30d: {  	s14 =	simm.s32 $0x12800  }
0x30e: {  	[tilespmem:s14], [sflag:$0x5] =	stream.indirect_vreg.gather [hbm4b:s11+s20], $0x80, v9, vm0, $0xb8;
	[tilespmem:$0x1D500] =	vst v63  }
0x30f: {  	s3 =	simm.s32 $0x13000  }
0x310: {  	[tilespmem:s3], [sflag:$0x5] =	stream.indirect_vreg.gather [hbm4b:s2+s20], $0x80, v8, vm0, $0xb8;
	[tilespmem:$0x1D500] =	vst v63  }
0x311: {  	s14 =	simm.s32 $0x13800  }
0x312: {  	[tilespmem:s14], [sflag:$0x5] =	stream.indirect_vreg.gather [hbm4b:s8+s20], $0x80, v8, vm0, $0xb8;
	[tilespmem:$0x1D500] =	vst v63  }
0x313: {  	s3 =	simm.s32 $0x14000  }
0x314: {  	[tilespmem:s3], [sflag:$0x5] =	stream.indirect_vreg.gather [hbm4b:s9+s20], $0x80, v8, vm0, $0xb8;
	[tilespmem:$0x1D500] =	vst v63  }
0x315: {  	s14 =	simm.s32 $0x14800;
	s3 =	simm.s32 $0x2  }
0x316: {  	[tilespmem:s14], [sflag:$0x5] =	stream.indirect_vreg.gather [hbm4b:s11+s20], $0x80, v8, vm0, $0xb8;
	[tilespmem:$0x1D500] =	vst v63  }
0x317: {  	_ =	swait.ge [sflag:s3], $0x4000  }
0x318: {  	[sflag:s3] =	ssyncset.done $0x0  }
0x319: {  	s14 =	rddreg [dreg:$0x1c];
	[sflag:s3] =	ssyncadd.s32 $0xFFFFC000;
	s3 =	simm.s32 $0x5000  }
0x31a: {  	[hbm4b:s14+s20] =	stream.linear.scatter [tilespmem:s3], [sflag:$0x8], $0x4000, $0x38;
	[tilespmem:$0x1D500] =	vst v63  }
0x31b: {  	_ =	swait.ge [sflag:s15], $0x4000  }
0x31c: {  	[sflag:s15] =	ssyncset.done $0x0  }
0x31d: {  	[sflag:s15] =	ssyncadd.s32 $0xFFFFC000  }
0x31e: {  	v8 =	vld [tilespmem:s7+$0x170];
	_ =	sdelay $0x4  }
0x31f: {  	v55 =	vshll.u32 v8, $0x3  }
0x320: {  	v8 =	vand.u32 $0x7, v8;
	v9 =	vand.u32 $0xFFFFFFC0, v55  }
0x321: {  	v8 =	vor.u32 v8, v9  }
0x322: {  	v9 =	vperm.xlane v8, v1;
	_ =	sdelay $0x1  }
0x323: {  	v9 =	vadd.s32 v2, v9;
	_ =	sdelay $0x4  }
0x324: {  	[tilespmem:s6], [sflag:$0x6] =	stream.indirect_vreg.gather [hbm4b:s2+s20], $0x80, v9, vm0, $0xb8;
	[tilespmem:$0x1D500] =	vst v63  }
0x325: {  	v8 =	vperm.xlane v8, v3;
	s6 =	simm.s32 $0x15800  }
0x326: {  	[tilespmem:s6], [sflag:$0x6] =	stream.indirect_vreg.gather [hbm4b:s8+s20], $0x80, v9, vm0, $0xb8;
	[tilespmem:$0x1D500] =	vst v63  }
0x327: {  	s14 =	simm.s32 $0x16000;
	v8 =	vadd.s32 v2, v8  }
0x328: {  	[tilespmem:s14], [sflag:$0x6] =	stream.indirect_vreg.gather [hbm4b:s9+s20], $0x80, v9, vm0, $0xb8;
	[tilespmem:$0x1D500] =	vst v63  }
0x329: {  	s6 =	simm.s32 $0x16800  }
0x32a: {  	[tilespmem:s6], [sflag:$0x6] =	stream.indirect_vreg.gather [hbm4b:s11+s20], $0x80, v9, vm0, $0xb8;
	[tilespmem:$0x1D500] =	vst v63  }
0x32b: {  	s14 =	simm.s32 $0x17000  }
0x32c: {  	[tilespmem:s14], [sflag:$0x6] =	stream.indirect_vreg.gather [hbm4b:s2+s20], $0x80, v8, vm0, $0xb8;
	[tilespmem:$0x1D500] =	vst v63  }
0x32d: {  	s6 =	simm.s32 $0x17800  }
0x32e: {  	[tilespmem:s6], [sflag:$0x6] =	stream.indirect_vreg.gather [hbm4b:s8+s20], $0x80, v8, vm0, $0xb8;
	[tilespmem:$0x1D500] =	vst v63  }
0x32f: {  	s14 =	simm.s32 $0x18000  }
0x330: {  	[tilespmem:s14], [sflag:$0x6] =	stream.indirect_vreg.gather [hbm4b:s9+s20], $0x80, v8, vm0, $0xb8;
	[tilespmem:$0x1D500] =	vst v63  }
0x331: {  	s6 =	simm.s32 $0x18800;
	s14 =	simm.s32 $0x3  }
0x332: {  	[tilespmem:s6], [sflag:$0x6] =	stream.indirect_vreg.gather [hbm4b:s11+s20], $0x80, v8, vm0, $0xb8;
	[tilespmem:$0x1D500] =	vst v63  }
0x333: {  	_ =	swait.ge [sflag:s14], $0x4000  }
0x334: {  	[sflag:s14] =	ssyncset.done $0x0  }
0x335: {  	s6 =	rddreg [dreg:$0x1d];
	[sflag:s14] =	ssyncadd.s32 $0xFFFFC000;
	s14 =	simm.s32 $0x9000  }
0x336: {  	[hbm4b:s6+s20] =	stream.linear.scatter [tilespmem:s14], [sflag:$0x9], $0x4000, $0x38;
	[tilespmem:$0x1D500] =	vst v63  }
0x337: {  	_ =	swait.ge [sflag:s18], $0x4000  }
0x338: {  	[sflag:s18] =	ssyncset.done $0x0  }
0x339: {  	[sflag:s18] =	ssyncadd.s32 $0xFFFFC000  }
0x33a: {  	v8 =	vld [tilespmem:s7+$0x180];
	_ =	sdelay $0x4  }
0x33b: {  	v56 =	vshll.u32 v8, $0x3  }
0x33c: {  	v8 =	vand.u32 $0x7, v8;
	v9 =	vand.u32 $0xFFFFFFC0, v56  }
0x33d: {  	v8 =	vor.u32 v8, v9  }
0x33e: {  	v9 =	vperm.xlane v8, v1;
	_ =	sdelay $0x1  }
0x33f: {  	v9 =	vadd.s32 v2, v9;
	_ =	sdelay $0x4  }
0x340: {  	[tilespmem:s13], [sflag:$0x1] =	stream.indirect_vreg.gather [hbm4b:s2+s20], $0x80, v9, vm0, $0xb8;
	[tilespmem:$0x1D500] =	vst v63  }
0x341: {  	v8 =	vperm.xlane v8, v3;
	s13 =	simm.s32 $0x1800  }
0x342: {  	[tilespmem:s13], [sflag:$0x1] =	stream.indirect_vreg.gather [hbm4b:s8+s20], $0x80, v9, vm0, $0xb8;
	[tilespmem:$0x1D500] =	vst v63  }
0x343: {  	s6 =	simm.s32 $0x2000;
	v8 =	vadd.s32 v2, v8  }
0x344: {  	[tilespmem:s6], [sflag:$0x1] =	stream.indirect_vreg.gather [hbm4b:s9+s20], $0x80, v9, vm0, $0xb8;
	[tilespmem:$0x1D500] =	vst v63  }
0x345: {  	s13 =	simm.s32 $0x2800  }
0x346: {  	[tilespmem:s13], [sflag:$0x1] =	stream.indirect_vreg.gather [hbm4b:s11+s20], $0x80, v9, vm0, $0xb8;
	[tilespmem:$0x1D500] =	vst v63  }
0x347: {  	s6 =	simm.s32 $0x3000  }
0x348: {  	[tilespmem:s6], [sflag:$0x1] =	stream.indirect_vreg.gather [hbm4b:s2+s20], $0x80, v8, vm0, $0xb8;
	[tilespmem:$0x1D500] =	vst v63  }
0x349: {  	s13 =	simm.s32 $0x3800  }
0x34a: {  	[tilespmem:s13], [sflag:$0x1] =	stream.indirect_vreg.gather [hbm4b:s8+s20], $0x80, v8, vm0, $0xb8;
	[tilespmem:$0x1D500] =	vst v63  }
0x34b: {  	s6 =	simm.s32 $0x4000  }
0x34c: {  	[tilespmem:s6], [sflag:$0x1] =	stream.indirect_vreg.gather [hbm4b:s9+s20], $0x80, v8, vm0, $0xb8;
	[tilespmem:$0x1D500] =	vst v63  }
0x34d: {  	s13 =	simm.s32 $0x4800;
	s6 =	simm.s32 $0x4  }
0x34e: {  	[tilespmem:s13], [sflag:$0x1] =	stream.indirect_vreg.gather [hbm4b:s11+s20], $0x80, v8, vm0, $0xb8;
	[tilespmem:$0x1D500] =	vst v63  }
0x34f: {  	_ =	swait.ge [sflag:s6], $0x4000  }
0x350: {  	[sflag:s6] =	ssyncset.done $0x0  }
0x351: {  	s13 =	rddreg [dreg:$0x1e];
	[sflag:s6] =	ssyncadd.s32 $0xFFFFC000;
	s6 =	simm.s32 $0xD000  }
0x352: {  	[hbm4b:s13+s20] =	stream.linear.scatter [tilespmem:s6], [sflag:$0xA], $0x4000, $0x38;
	[tilespmem:$0x1D500] =	vst v63  }
0x353: {  	_ =	swait.ge [sflag:s16], $0x4000  }
0x354: {  	[sflag:s16] =	ssyncset.done $0x0  }
0x355: {  	[sflag:s16] =	ssyncadd.s32 $0xFFFFC000  }
0x356: {  	v8 =	vld [tilespmem:s7+$0x190];
	_ =	sdelay $0x4  }
0x357: {  	v57 =	vshll.u32 v8, $0x3  }
0x358: {  	v8 =	vand.u32 $0x7, v8;
	v9 =	vand.u32 $0xFFFFFFC0, v57  }
0x359: {  	v8 =	vor.u32 v8, v9  }
0x35a: {  	v9 =	vperm.xlane v8, v1;
	_ =	sdelay $0x1  }
0x35b: {  	v9 =	vadd.s32 v2, v9;
	_ =	sdelay $0x4  }
0x35c: {  	[tilespmem:s3], [sflag:$0x2] =	stream.indirect_vreg.gather [hbm4b:s2+s20], $0x80, v9, vm0, $0xb8;
	[tilespmem:$0x1D500] =	vst v63  }
0x35d: {  	s13 =	simm.s32 $0x5800;
	v8 =	vperm.xlane v8, v3  }
0x35e: {  	[tilespmem:s13], [sflag:$0x2] =	stream.indirect_vreg.gather [hbm4b:s8+s20], $0x80, v9, vm0, $0xb8;
	[tilespmem:$0x1D500] =	vst v63  }
0x35f: {  	v8 =	vadd.s32 v2, v8;
	s3 =	simm.s32 $0x6000  }
0x360: {  	[tilespmem:s3], [sflag:$0x2] =	stream.indirect_vreg.gather [hbm4b:s9+s20], $0x80, v9, vm0, $0xb8;
	[tilespmem:$0x1D500] =	vst v63  }
0x361: {  	s13 =	simm.s32 $0x6800  }
0x362: {  	[tilespmem:s13], [sflag:$0x2] =	stream.indirect_vreg.gather [hbm4b:s11+s20], $0x80, v9, vm0, $0xb8;
	[tilespmem:$0x1D500] =	vst v63  }
0x363: {  	s3 =	simm.s32 $0x7000  }
0x364: {  	[tilespmem:s3], [sflag:$0x2] =	stream.indirect_vreg.gather [hbm4b:s2+s20], $0x80, v8, vm0, $0xb8;
	[tilespmem:$0x1D500] =	vst v63  }
0x365: {  	s13 =	simm.s32 $0x7800  }
0x366: {  	[tilespmem:s13], [sflag:$0x2] =	stream.indirect_vreg.gather [hbm4b:s8+s20], $0x80, v8, vm0, $0xb8;
	[tilespmem:$0x1D500] =	vst v63  }
0x367: {  	s3 =	simm.s32 $0x8000  }
0x368: {  	[tilespmem:s3], [sflag:$0x2] =	stream.indirect_vreg.gather [hbm4b:s9+s20], $0x80, v8, vm0, $0xb8;
	[tilespmem:$0x1D500] =	vst v63  }
0x369: {  	s13 =	simm.s32 $0x8800;
	s3 =	simm.s32 $0x5  }
0x36a: {  	[tilespmem:s13], [sflag:$0x2] =	stream.indirect_vreg.gather [hbm4b:s11+s20], $0x80, v8, vm0, $0xb8;
	[tilespmem:$0x1D500] =	vst v63  }
0x36b: {  	_ =	swait.ge [sflag:s3], $0x4000  }
0x36c: {  	[sflag:s3] =	ssyncset.done $0x0  }
0x36d: {  	s13 =	rddreg [dreg:$0x1f];
	[sflag:s3] =	ssyncadd.s32 $0xFFFFC000;
	s3 =	simm.s32 $0x11000  }
0x36e: {  	[hbm4b:s13+s20] =	stream.linear.scatter [tilespmem:s3], [sflag:$0xB], $0x4000, $0x38;
	[tilespmem:$0x1D500] =	vst v63  }
0x36f: {  	s13 =	simm.s32 $0x9  }
0x370: {  	_ =	swait.ge [sflag:s13], $0x4000  }
0x371: {  	[sflag:s13] =	ssyncset.done $0x0  }
0x372: {  	[sflag:s13] =	ssyncadd.s32 $0xFFFFC000  }
0x373: {  	v8 =	vld [tilespmem:s7+$0x1A0];
	_ =	sdelay $0x4  }
0x374: {  	v58 =	vshll.u32 v8, $0x3  }
0x375: {  	v8 =	vand.u32 $0x7, v8;
	v9 =	vand.u32 $0xFFFFFFC0, v58  }
0x376: {  	v8 =	vor.u32 v8, v9  }
0x377: {  	v9 =	vperm.xlane v8, v1;
	_ =	sdelay $0x1  }
0x378: {  	v9 =	vadd.s32 v2, v9;
	_ =	sdelay $0x4  }
0x379: {  	[tilespmem:s14], [sflag:$0x3] =	stream.indirect_vreg.gather [hbm4b:s2+s20], $0x80, v9, vm0, $0xb8;
	[tilespmem:$0x1D500] =	vst v63  }
0x37a: {  	s13 =	simm.s32 $0x9800;
	v8 =	vperm.xlane v8, v3  }
0x37b: {  	[tilespmem:s13], [sflag:$0x3] =	stream.indirect_vreg.gather [hbm4b:s8+s20], $0x80, v9, vm0, $0xb8;
	[tilespmem:$0x1D500] =	vst v63  }
0x37c: {  	v8 =	vadd.s32 v2, v8;
	s14 =	simm.s32 $0xA000  }
0x37d: {  	[tilespmem:s14], [sflag:$0x3] =	stream.indirect_vreg.gather [hbm4b:s9+s20], $0x80, v9, vm0, $0xb8;
	[tilespmem:$0x1D500] =	vst v63  }
0x37e: {  	s13 =	simm.s32 $0xA800  }
0x37f: {  	[tilespmem:s13], [sflag:$0x3] =	stream.indirect_vreg.gather [hbm4b:s11+s20], $0x80, v9, vm0, $0xb8;
	[tilespmem:$0x1D500] =	vst v63  }
0x380: {  	s14 =	simm.s32 $0xB000  }
0x381: {  	[tilespmem:s14], [sflag:$0x3] =	stream.indirect_vreg.gather [hbm4b:s2+s20], $0x80, v8, vm0, $0xb8;
	[tilespmem:$0x1D500] =	vst v63  }
0x382: {  	s13 =	simm.s32 $0xB800  }
0x383: {  	[tilespmem:s13], [sflag:$0x3] =	stream.indirect_vreg.gather [hbm4b:s8+s20], $0x80, v8, vm0, $0xb8;
	[tilespmem:$0x1D500] =	vst v63  }
0x384: {  	s14 =	simm.s32 $0xC000  }
0x385: {  	[tilespmem:s14], [sflag:$0x3] =	stream.indirect_vreg.gather [hbm4b:s9+s20], $0x80, v8, vm0, $0xb8;
	[tilespmem:$0x1D500] =	vst v63  }
0x386: {  	s13 =	simm.s32 $0xC800;
	s14 =	simm.s32 $0x6  }
0x387: {  	[tilespmem:s13], [sflag:$0x3] =	stream.indirect_vreg.gather [hbm4b:s11+s20], $0x80, v8, vm0, $0xb8;
	[tilespmem:$0x1D500] =	vst v63  }
0x388: {  	_ =	swait.ge [sflag:s14], $0x4000  }
0x389: {  	s13 =	sld [smem:$0x7F5]  }
0x38a: {  	[sflag:s14] =	ssyncset.done $0x0  }
0x38b: {  	[sflag:s14] =	ssyncadd.s32 $0xFFFFC000;
	s14 =	simm.s32 $0x15000  }
0x38c: {  	[hbm4b:s13+s20] =	stream.linear.scatter [tilespmem:s14], [sflag:$0xC], $0x4000, $0x38;
	[tilespmem:$0x1D500] =	vst v63  }
0x38d: {  	s13 =	simm.s32 $0xA  }
0x38e: {  	_ =	swait.ge [sflag:s13], $0x4000  }
0x38f: {  	[sflag:s13] =	ssyncset.done $0x0  }
0x390: {  	[sflag:s13] =	ssyncadd.s32 $0xFFFFC000  }
0x391: {  	v8 =	vld [tilespmem:s7+$0x1B0];
	_ =	sdelay $0x4  }
0x392: {  	v59 =	vshll.u32 v8, $0x3  }
0x393: {  	v8 =	vand.u32 $0x7, v8;
	v9 =	vand.u32 $0xFFFFFFC0, v59  }
0x394: {  	v8 =	vor.u32 v8, v9  }
0x395: {  	v9 =	vperm.xlane v8, v1;
	_ =	sdelay $0x1  }
0x396: {  	v9 =	vadd.s32 v2, v9;
	_ =	sdelay $0x4  }
0x397: {  	[tilespmem:s6], [sflag:$0x4] =	stream.indirect_vreg.gather [hbm4b:s2+s20], $0x80, v9, vm0, $0xb8;
	[tilespmem:$0x1D500] =	vst v63  }
0x398: {  	v8 =	vperm.xlane v8, v3;
	s6 =	simm.s32 $0xD800  }
0x399: {  	[tilespmem:s6], [sflag:$0x4] =	stream.indirect_vreg.gather [hbm4b:s8+s20], $0x80, v9, vm0, $0xb8;
	[tilespmem:$0x1D500] =	vst v63  }
0x39a: {  	s13 =	simm.s32 $0xE000;
	v8 =	vadd.s32 v2, v8  }
0x39b: {  	[tilespmem:s13], [sflag:$0x4] =	stream.indirect_vreg.gather [hbm4b:s9+s20], $0x80, v9, vm0, $0xb8;
	[tilespmem:$0x1D500] =	vst v63  }
0x39c: {  	s6 =	simm.s32 $0xE800  }
0x39d: {  	[tilespmem:s6], [sflag:$0x4] =	stream.indirect_vreg.gather [hbm4b:s11+s20], $0x80, v9, vm0, $0xb8;
	[tilespmem:$0x1D500] =	vst v63  }
0x39e: {  	s13 =	simm.s32 $0xF000  }
0x39f: {  	[tilespmem:s13], [sflag:$0x4] =	stream.indirect_vreg.gather [hbm4b:s2+s20], $0x80, v8, vm0, $0xb8;
	[tilespmem:$0x1D500] =	vst v63  }
0x3a0: {  	s6 =	simm.s32 $0xF800  }
0x3a1: {  	[tilespmem:s6], [sflag:$0x4] =	stream.indirect_vreg.gather [hbm4b:s8+s20], $0x80, v8, vm0, $0xb8;
	[tilespmem:$0x1D500] =	vst v63  }
0x3a2: {  	s13 =	simm.s32 $0x10000  }
0x3a3: {  	[tilespmem:s13], [sflag:$0x4] =	stream.indirect_vreg.gather [hbm4b:s9+s20], $0x80, v8, vm0, $0xb8;
	[tilespmem:$0x1D500] =	vst v63  }
0x3a4: {  	s6 =	simm.s32 $0x10800  }
0x3a5: {  	[tilespmem:s6], [sflag:$0x4] =	stream.indirect_vreg.gather [hbm4b:s11+s20], $0x80, v8, vm0, $0xb8;
	[tilespmem:$0x1D500] =	vst v63  }
0x3a6: {  	_ =	swait.ge [sflag:s12], $0x4000  }
0x3a7: {  	s13 =	sld [smem:$0x7F6]  }
0x3a8: {  	[sflag:s12] =	ssyncset.done $0x0  }
0x3a9: {  	s6 =	simm.s32 $0x1000;
	[sflag:s12] =	ssyncadd.s32 $0xFFFFC000  }
0x3aa: {  	[hbm4b:s13+s20] =	stream.linear.scatter [tilespmem:s6], [sflag:$0x7], $0x4000, $0x38;
	[tilespmem:$0x1D500] =	vst v63  }
0x3ab: {  	_ =	swait.ge [sflag:s23], $0x4000  }
0x3ac: {  	[sflag:s23] =	ssyncset.done $0x0  }
0x3ad: {  	[sflag:s23] =	ssyncadd.s32 $0xFFFFC000  }
0x3ae: {  	v8 =	vld [tilespmem:s7+$0x1C0];
	_ =	sdelay $0x4  }
0x3af: {  	v60 =	vshll.u32 v8, $0x3  }
0x3b0: {  	v8 =	vand.u32 $0x7, v8;
	v9 =	vand.u32 $0xFFFFFFC0, v60  }
0x3b1: {  	v8 =	vor.u32 v8, v9  }
0x3b2: {  	v9 =	vperm.xlane v8, v1;
	_ =	sdelay $0x1  }
0x3b3: {  	v9 =	vadd.s32 v2, v9;
	_ =	sdelay $0x4  }
0x3b4: {  	[tilespmem:s3], [sflag:$0x5] =	stream.indirect_vreg.gather [hbm4b:s2+s20], $0x80, v9, vm0, $0xb8;
	[tilespmem:$0x1D500] =	vst v63  }
0x3b5: {  	v8 =	vperm.xlane v8, v3;
	s3 =	simm.s32 $0x11800  }
0x3b6: {  	[tilespmem:s3], [sflag:$0x5] =	stream.indirect_vreg.gather [hbm4b:s8+s20], $0x80, v9, vm0, $0xb8;
	[tilespmem:$0x1D500] =	vst v63  }
0x3b7: {  	s13 =	simm.s32 $0x12000;
	v8 =	vadd.s32 v2, v8  }
0x3b8: {  	[tilespmem:s13], [sflag:$0x5] =	stream.indirect_vreg.gather [hbm4b:s9+s20], $0x80, v9, vm0, $0xb8;
	[tilespmem:$0x1D500] =	vst v63  }
0x3b9: {  	s3 =	simm.s32 $0x12800  }
0x3ba: {  	[tilespmem:s3], [sflag:$0x5] =	stream.indirect_vreg.gather [hbm4b:s11+s20], $0x80, v9, vm0, $0xb8;
	[tilespmem:$0x1D500] =	vst v63  }
0x3bb: {  	s13 =	simm.s32 $0x13000  }
0x3bc: {  	[tilespmem:s13], [sflag:$0x5] =	stream.indirect_vreg.gather [hbm4b:s2+s20], $0x80, v8, vm0, $0xb8;
	[tilespmem:$0x1D500] =	vst v63  }
0x3bd: {  	s3 =	simm.s32 $0x13800  }
0x3be: {  	[tilespmem:s3], [sflag:$0x5] =	stream.indirect_vreg.gather [hbm4b:s8+s20], $0x80, v8, vm0, $0xb8;
	[tilespmem:$0x1D500] =	vst v63  }
0x3bf: {  	s13 =	simm.s32 $0x14000  }
0x3c0: {  	[tilespmem:s13], [sflag:$0x5] =	stream.indirect_vreg.gather [hbm4b:s9+s20], $0x80, v8, vm0, $0xb8;
	[tilespmem:$0x1D500] =	vst v63  }
0x3c1: {  	s3 =	simm.s32 $0x14800;
	s13 =	simm.s32 $0x2  }
0x3c2: {  	[tilespmem:s3], [sflag:$0x5] =	stream.indirect_vreg.gather [hbm4b:s11+s20], $0x80, v8, vm0, $0xb8;
	[tilespmem:$0x1D500] =	vst v63  }
0x3c3: {  	_ =	swait.ge [sflag:s13], $0x4000  }
0x3c4: {  	s1 =	sld [smem:$0x7F7]  }
0x3c5: {  	[sflag:s13] =	ssyncset.done $0x0  }
0x3c6: {  	[sflag:s13] =	ssyncadd.s32 $0xFFFFC000;
	s13 =	simm.s32 $0x5000  }
0x3c7: {  	[hbm4b:s1+s20] =	stream.linear.scatter [tilespmem:s13], [sflag:$0x8], $0x4000, $0x38;
	[tilespmem:$0x1D500] =	vst v63  }
0x3c8: {  	_ =	swait.ge [sflag:s15], $0x4000  }
0x3c9: {  	[sflag:s15] =	ssyncset.done $0x0  }
0x3ca: {  	[sflag:s15] =	ssyncadd.s32 $0xFFFFC000  }
0x3cb: {  	v8 =	vld [tilespmem:s7+$0x1D0];
	_ =	sdelay $0x4  }
0x3cc: {  	v61 =	vshll.u32 v8, $0x3  }
0x3cd: {  	v8 =	vand.u32 $0x7, v8;
	v9 =	vand.u32 $0xFFFFFFC0, v61  }
0x3ce: {  	v8 =	vor.u32 v8, v9  }
0x3cf: {  	v9 =	vperm.xlane v8, v1;
	_ =	sdelay $0x1  }
0x3d0: {  	v9 =	vadd.s32 v2, v9;
	_ =	sdelay $0x4  }
0x3d1: {  	[tilespmem:s14], [sflag:$0x6] =	stream.indirect_vreg.gather [hbm4b:s2+s20], $0x80, v9, vm0, $0xb8;
	[tilespmem:$0x1D500] =	vst v63  }
0x3d2: {  	v8 =	vperm.xlane v8, v3;
	s14 =	simm.s32 $0x15800  }
0x3d3: {  	[tilespmem:s14], [sflag:$0x6] =	stream.indirect_vreg.gather [hbm4b:s8+s20], $0x80, v9, vm0, $0xb8;
	[tilespmem:$0x1D500] =	vst v63  }
0x3d4: {  	v8 =	vadd.s32 v2, v8;
	s14 =	simm.s32 $0x16000  }
0x3d5: {  	[tilespmem:s14], [sflag:$0x6] =	stream.indirect_vreg.gather [hbm4b:s9+s20], $0x80, v9, vm0, $0xb8;
	[tilespmem:$0x1D500] =	vst v63  }
0x3d6: {  	s14 =	simm.s32 $0x16800  }
0x3d7: {  	[tilespmem:s14], [sflag:$0x6] =	stream.indirect_vreg.gather [hbm4b:s11+s20], $0x80, v9, vm0, $0xb8;
	[tilespmem:$0x1D500] =	vst v63  }
0x3d8: {  	s14 =	simm.s32 $0x17000  }
0x3d9: {  	[tilespmem:s14], [sflag:$0x6] =	stream.indirect_vreg.gather [hbm4b:s2+s20], $0x80, v8, vm0, $0xb8;
	[tilespmem:$0x1D500] =	vst v63  }
0x3da: {  	s14 =	simm.s32 $0x17800  }
0x3db: {  	[tilespmem:s14], [sflag:$0x6] =	stream.indirect_vreg.gather [hbm4b:s8+s20], $0x80, v8, vm0, $0xb8;
	[tilespmem:$0x1D500] =	vst v63  }
0x3dc: {  	s14 =	simm.s32 $0x18000  }
0x3dd: {  	[tilespmem:s14], [sflag:$0x6] =	stream.indirect_vreg.gather [hbm4b:s9+s20], $0x80, v8, vm0, $0xb8;
	[tilespmem:$0x1D500] =	vst v63  }
0x3de: {  	s14 =	simm.s32 $0x18800  }
0x3df: {  	[tilespmem:s14], [sflag:$0x6] =	stream.indirect_vreg.gather [hbm4b:s11+s20], $0x80, v8, vm0, $0xb8;
	[tilespmem:$0x1D500] =	vst v63  }
0x3e0: {  	s14 =	simm.s32 $0x3  }
0x3e1: {  	_ =	swait.ge [sflag:s14], $0x4000  }
0x3e2: {  	s1 =	sld [smem:$0x7F8]  }
0x3e3: {  	[sflag:s14] =	ssyncset.done $0x0  }
0x3e4: {  	[sflag:s14] =	ssyncadd.s32 $0xFFFFC000;
	s14 =	simm.s32 $0x9000  }
0x3e5: {  	[hbm4b:s1+s20] =	stream.linear.scatter [tilespmem:s14], [sflag:$0x9], $0x4000, $0x38;
	[tilespmem:$0x1D500] =	vst v63  }
0x3e6: {  	_ =	swait.ge [sflag:s18], $0x4000  }
0x3e7: {  	[sflag:s18] =	ssyncset.done $0x0  }
0x3e8: {  	[sflag:s18] =	ssyncadd.s32 $0xFFFFC000  }
0x3e9: {  	v8 =	vld [tilespmem:s7+$0x1E0];
	_ =	sdelay $0x4  }
0x3ea: {  	v62 =	vshll.u32 v8, $0x3  }
0x3eb: {  	v8 =	vand.u32 $0x7, v8;
	v9 =	vand.u32 $0xFFFFFFC0, v62  }
0x3ec: {  	v8 =	vor.u32 v8, v9  }
0x3ed: {  	v9 =	vperm.xlane v8, v1;
	_ =	sdelay $0x1  }
0x3ee: {  	v9 =	vadd.s32 v2, v9;
	_ =	sdelay $0x4  }
0x3ef: {  	[tilespmem:s6], [sflag:$0x1] =	stream.indirect_vreg.gather [hbm4b:s2+s20], $0x80, v9, vm0, $0xb8;
	[tilespmem:$0x1D500] =	vst v63  }
0x3f0: {  	s14 =	simm.s32 $0x1800;
	v8 =	vperm.xlane v8, v3  }
0x3f1: {  	[tilespmem:s14], [sflag:$0x1] =	stream.indirect_vreg.gather [hbm4b:s8+s20], $0x80, v9, vm0, $0xb8;
	[tilespmem:$0x1D500] =	vst v63  }
0x3f2: {  	v8 =	vadd.s32 v2, v8;
	s14 =	simm.s32 $0x2000  }
0x3f3: {  	[tilespmem:s14], [sflag:$0x1] =	stream.indirect_vreg.gather [hbm4b:s9+s20], $0x80, v9, vm0, $0xb8;
	[tilespmem:$0x1D500] =	vst v63  }
0x3f4: {  	s14 =	simm.s32 $0x2800  }
0x3f5: {  	[tilespmem:s14], [sflag:$0x1] =	stream.indirect_vreg.gather [hbm4b:s11+s20], $0x80, v9, vm0, $0xb8;
	[tilespmem:$0x1D500] =	vst v63  }
0x3f6: {  	s14 =	simm.s32 $0x3000  }
0x3f7: {  	[tilespmem:s14], [sflag:$0x1] =	stream.indirect_vreg.gather [hbm4b:s2+s20], $0x80, v8, vm0, $0xb8;
	[tilespmem:$0x1D500] =	vst v63  }
0x3f8: {  	s14 =	simm.s32 $0x3800  }
0x3f9: {  	[tilespmem:s14], [sflag:$0x1] =	stream.indirect_vreg.gather [hbm4b:s8+s20], $0x80, v8, vm0, $0xb8;
	[tilespmem:$0x1D500] =	vst v63  }
0x3fa: {  	s14 =	simm.s32 $0x4000  }
0x3fb: {  	[tilespmem:s14], [sflag:$0x1] =	stream.indirect_vreg.gather [hbm4b:s9+s20], $0x80, v8, vm0, $0xb8;
	[tilespmem:$0x1D500] =	vst v63  }
0x3fc: {  	s14 =	simm.s32 $0x4800  }
0x3fd: {  	[tilespmem:s14], [sflag:$0x1] =	stream.indirect_vreg.gather [hbm4b:s11+s20], $0x80, v8, vm0, $0xb8;
	[tilespmem:$0x1D500] =	vst v63  }
0x3fe: {  	s14 =	simm.s32 $0x4  }
0x3ff: {  	_ =	swait.ge [sflag:s14], $0x4000  }
0x400: {  	s1 =	sld [smem:$0x7F9]  }
0x401: {  	[sflag:s14] =	ssyncset.done $0x0  }
0x402: {  	[sflag:s14] =	ssyncadd.s32 $0xFFFFC000;
	s14 =	simm.s32 $0xD000  }
0x403: {  	[hbm4b:s1+s20] =	stream.linear.scatter [tilespmem:s14], [sflag:$0xA], $0x4000, $0x38;
	[tilespmem:$0x1D500] =	vst v63  }
0x404: {  	_ =	swait.ge [sflag:s16], $0x4000  }
0x405: {  	[sflag:s16] =	ssyncset.done $0x0  }
0x406: {  	[sflag:s16] =	ssyncadd.s32 $0xFFFFC000  }
0x407: {  	v8 =	vld [tilespmem:s7+$0x1F0];
	_ =	sdelay $0x4  }
0x408: {  	v63 =	vshll.u32 v8, $0x3  }
0x409: {  	v8 =	vand.u32 $0x7, v8;
	v9 =	vand.u32 $0xFFFFFFC0, v63  }
0x40a: {  	v8 =	vor.u32 v8, v9  }
0x40b: {  	v9 =	vperm.xlane v8, v1;
	_ =	sdelay $0x1  }
0x40c: {  	v9 =	vadd.s32 v2, v9;
	_ =	sdelay $0x4  }
0x40d: {  	[tilespmem:s13], [sflag:$0x2] =	stream.indirect_vreg.gather [hbm4b:s2+s20], $0x80, v9, vm0, $0xb8;
	[tilespmem:$0x1D500] =	vst v63  }
0x40e: {  	s14 =	simm.s32 $0x5800;
	v8 =	vperm.xlane v8, v3  }
0x40f: {  	[tilespmem:s14], [sflag:$0x2] =	stream.indirect_vreg.gather [hbm4b:s8+s20], $0x80, v9, vm0, $0xb8;
	[tilespmem:$0x1D500] =	vst v63  }
0x410: {  	v8 =	vadd.s32 v2, v8;
	s14 =	simm.s32 $0x6000  }
0x411: {  	[tilespmem:s14], [sflag:$0x2] =	stream.indirect_vreg.gather [hbm4b:s9+s20], $0x80, v9, vm0, $0xb8;
	[tilespmem:$0x1D500] =	vst v63  }
0x412: {  	s14 =	simm.s32 $0x6800  }
0x413: {  	[tilespmem:s14], [sflag:$0x2] =	stream.indirect_vreg.gather [hbm4b:s11+s20], $0x80, v9, vm0, $0xb8;
	[tilespmem:$0x1D500] =	vst v63  }
0x414: {  	s14 =	simm.s32 $0x7000  }
0x415: {  	[tilespmem:s14], [sflag:$0x2] =	stream.indirect_vreg.gather [hbm4b:s2+s20], $0x80, v8, vm0, $0xb8;
	[tilespmem:$0x1D500] =	vst v63  }
0x416: {  	s14 =	simm.s32 $0x7800  }
0x417: {  	[tilespmem:s14], [sflag:$0x2] =	stream.indirect_vreg.gather [hbm4b:s8+s20], $0x80, v8, vm0, $0xb8;
	[tilespmem:$0x1D500] =	vst v63  }
0x418: {  	s14 =	simm.s32 $0x8000  }
0x419: {  	[tilespmem:s14], [sflag:$0x2] =	stream.indirect_vreg.gather [hbm4b:s9+s20], $0x80, v8, vm0, $0xb8;
	[tilespmem:$0x1D500] =	vst v63  }
0x41a: {  	s14 =	simm.s32 $0x8800  }
0x41b: {  	[tilespmem:s14], [sflag:$0x2] =	stream.indirect_vreg.gather [hbm4b:s11+s20], $0x80, v8, vm0, $0xb8;
	[tilespmem:$0x1D500] =	vst v63  }
0x41c: {  	s14 =	simm.s32 $0x5  }
0x41d: {  	_ =	swait.ge [sflag:s14], $0x4000  }
0x41e: {  	s1 =	sld [smem:$0x7FA]  }
0x41f: {  	[sflag:s14] =	ssyncset.done $0x0  }
0x420: {  	[sflag:s14] =	ssyncadd.s32 $0xFFFFC000;
	s14 =	simm.s32 $0x11000  }
0x421: {  	[hbm4b:s1+s20] =	stream.linear.scatter [tilespmem:s14], [sflag:$0xB], $0x4000, $0x38;
	[tilespmem:$0x1D500] =	vst v63  }
0x422: {  	s14 =	simm.s32 $0x6  }
0x423: {  	_ =	swait.ge [sflag:s14], $0x4000  }
0x424: {  	s1 =	sld [smem:$0x7FB]  }
0x425: {  	[sflag:s14] =	ssyncset.done $0x0  }
0x426: {  	[sflag:s14] =	ssyncadd.s32 $0xFFFFC000;
	s14 =	simm.s32 $0x15000  }
0x427: {  	[hbm4b:s1+s20] =	stream.linear.scatter [tilespmem:s14], [sflag:$0xC], $0x4000, $0x38;
	[tilespmem:$0x1D500] =	vst v63  }
0x428: {  	_ =	swait.ge [sflag:s12], $0x4000  }
0x429: {  	s14 =	sld [smem:$0x7FC]  }
0x42a: {  	[sflag:s12] =	ssyncset.done $0x0  }
0x42b: {  	s3 =	simm.s32 $0x2;
	s6 =	simm.s32 $0x1000;
	[sflag:s12] =	ssyncadd.s32 $0xFFFFC000  }
0x42c: {  	[hbm4b:s14+s20] =	stream.linear.scatter [tilespmem:s6], [sflag:$0x7], $0x4000, $0x38;
	[tilespmem:$0x1D500] =	vst v63  }
0x42d: {  	_ =	swait.ge [sflag:s3], $0x4000  }
0x42e: {  	s6 =	sld [smem:$0x7FD]  }
0x42f: {  	[sflag:s3] =	ssyncset.done $0x0  }
0x430: {  	s13 =	simm.s32 $0x5000;
	[sflag:s3] =	ssyncadd.s32 $0xFFFFC000  }
0x431: {  	[hbm4b:s6+s20] =	stream.linear.scatter [tilespmem:s13], [sflag:$0x8], $0x4000, $0x38;
	[tilespmem:$0x1D500] =	vst v63  }
0x432: {  	s13 =	simm.s32 $0x9  }
0x433: {  	_ =	swait.ge [sflag:s13], $0x4000  }
0x434: {  	[sflag:s13] =	ssyncset.done $0x0  }
0x435: {  	s14 =	simm.s32 $0xA;
	[sflag:s13] =	ssyncadd.s32 $0xFFFFC000  }
0x436: {  	_ =	swait.ge [sflag:s14], $0x4000  }
0x437: {  	[sflag:s14] =	ssyncset.done $0x0  }
0x438: {  	[sflag:s14] =	ssyncadd.s32 $0xFFFFC000  }
0x439: {  	_ =	swait.ge [sflag:s23], $0x4000  }
0x43a: {  	[sflag:s23] =	ssyncset.done $0x0  }
0x43b: {  	[sflag:s23] =	ssyncadd.s32 $0xFFFFC000  }
0x43c: {  	_ =	swait.ge [sflag:s15], $0x4000  }
0x43d: {  	[sflag:s15] =	ssyncset.done $0x0  }
0x43e: {  	[sflag:s15] =	ssyncadd.s32 $0xFFFFC000  }
0x43f: {  	_ =	swait.ge [sflag:s18], $0x4000  }
0x440: {  	s15 =	sld [smem:$0x7F3];
	_ =	sdelay $0x1  }
.Ltmp10:
0x441: {  	[sflag:s18] =	ssyncset.done $0x0;
	(pc) =	sbr.rel .LBB2_18-.Ltmp10, $4  }
0x442: {  	s1 =	simm.s32 $0x1;
	[sflag:s18] =	ssyncadd.s32 $0xFFFFC000;
	p1 =	sgt.s32 s15, $0x0  }
0x443: {  	_ =	swait.ge [sflag:s16], $0x4000;
	s1 =	simm.s32 @!p1 $0x0  }
0x444: {  	s23 =	sor.u32 s4, s22;
	[sflag:s16] =	ssyncset.done $0x0;
	s1 =	sshll.u32 s1, s10  }
0x445: {  	s6 =	simm.s32 $0x1A800;
	[sflag:s16] =	ssyncadd.s32 $0xFFFFC000;
	s4 =	sor.u32 s23, s1  }
.LBB2_25:
0x446: {  	v8 =	vld [tilespmem:$0x1D400];
	_ =	sdelay $0x4  }
0x447: {  	v9 =	vshll.u32 v8, $0x3  }
0x448: {  	v8 =	vand.u32 $0x7, v8;
	v9 =	vand.u32 $0xFFFFFFC0, v9  }
0x449: {  	v8 =	vor.u32 v8, v9  }
0x44a: {  	v9 =	vperm.xlane v8, v1;
	_ =	sdelay $0x1  }
0x44b: {  	v9 =	vadd.s32 v2, v9;
	_ =	sdelay $0x3  }
0x44c: {  	s1 =	rddreg [dreg:$0x3];
	s3 =	simm.s32 $0x19000  }
0x44d: {  	[hbm4b:s1+s5] =	stream.indirect_vreg.scatter [tilespmem:s3], [sflag:$0xD], $0x80, v9, vm0, $0xb8;
	[tilespmem:$0x1D500] =	vst v63  }
0x44e: {  	s22 =	simm.s32 $0x19800;
	v8 =	vperm.xlane v8, v3  }
0x44f: {  	[hbm4b:s30+s5] =	stream.indirect_vreg.scatter [tilespmem:s22], [sflag:$0xD], $0x80, v9, vm0, $0xb8;
	[tilespmem:$0x1D500] =	vst v63  }
0x450: {  	s23 =	simm.s32 $0x1A000;
	v8 =	vadd.s32 v2, v8  }
0x451: {  	[hbm4b:s31+s5] =	stream.indirect_vreg.scatter [tilespmem:s23], [sflag:$0xD], $0x80, v9, vm0, $0xb8;
	[tilespmem:$0x1D500] =	vst v63  }
0x452: {  	_ = 	snop  }
0x453: {  	[hbm4b:s0+s5] =	stream.indirect_vreg.scatter [tilespmem:s6], [sflag:$0xD], $0x80, v9, vm0, $0xb8;
	[tilespmem:$0x1D500] =	vst v63  }
0x454: {  	_ = 	snop  }
0x455: {  	[hbm4b:s1+s5] =	stream.indirect_vreg.scatter [tilespmem:s19], [sflag:$0xD], $0x80, v8, vm0, $0xb8;
	[tilespmem:$0x1D500] =	vst v63  }
0x456: {  	_ = 	snop  }
0x457: {  	[hbm4b:s30+s5] =	stream.indirect_vreg.scatter [tilespmem:s17], [sflag:$0xD], $0x80, v8, vm0, $0xb8;
	[tilespmem:$0x1D500] =	vst v63  }
0x458: {  	_ = 	snop  }
0x459: {  	[hbm4b:s31+s5] =	stream.indirect_vreg.scatter [tilespmem:s21], [sflag:$0xD], $0x80, v8, vm0, $0xb8;
	[tilespmem:$0x1D500] =	vst v63  }
0x45a: {  	_ = 	snop  }
0x45b: {  	[hbm4b:s0+s5] =	stream.indirect_vreg.scatter [tilespmem:s24], [sflag:$0xD], $0x80, v8, vm0, $0xb8;
	[tilespmem:$0x1D500] =	vst v63  }
0x45c: {  	_ =	swait.ge [sflag:s25], $0x4000  }
0x45d: {  	[sflag:s25] =	ssyncset.done $0x0  }
0x45e: {  	[sflag:s25] =	ssyncadd.s32 $0xFFFFC000  }
.LBB2_26:
0x45f: {  	s20 =	sadd.s32 $0x1, s20  }
0x460: {  	p1 =	sne.s32 s20, $0x20  }
.Ltmp11:
0x461: {  	_ = 	snop;
	(pc) =	sbr.rel @!p1 .LBB2_27-.Ltmp11, $1  }
0x462: {  	_ =	sdelay $0x3  }
.LBB2_18:
0x463: {  	s1 =	sshrl.u32 s4, s20  }
0x464: {  	s1 =	sand.u32 $0x1, s1  }
0x465: {  	p1 =	seq.s32 s1, $0x0  }
.Ltmp12:
0x466: {  	_ = 	snop;
	(pc) =	sbr.rel @p1 .LBB2_26-.Ltmp12, $1  }
0x467: {  	_ =	sdelay $0x3  }
0x468: {  	s1 =	sshll.u32 s20, $0x4  }
0x469: {  	v8 =	vld [tilespmem:s1+$0x1D000];
	_ =	sdelay $0x4  }
0x46a: {  	vm1 =	vlt.s32 v8, $0x3FF  }
0x46b: {  	v9 =	vnsel vm1, $0x3FF, v8;
	vm1 =	veq.s32 v8, $0x400  }
0x46c: {  	[tilespmem:$0x1D480] =	vst v9;
	v10 =	vnsel vm1, $0x0, v5  }
0x46d: {  	vm1 =	vgt.s32 v8, $0x400;
	v9 =	vld [tilespmem:$0x1D480];
	(xrf0) =	vadd.scan.msk.s32 $0xffff, v10  }
0x46e: {  	v8 =	vnsel vm1, $0x0, v5  }
0x46f: {  	(xrf0) =	vadd.scan.msk.s32 $0xffff, v8;
	_ =	sdelay $0x2  }
0x470: {  	v60 =	vshll.u32 v9, $0x3  }
0x471: {  	v8 =	vand.u32 $0x7, v9;
	v61 =	vand.u32 $0xFFFFFFC0, v60;
	v11, _, _ =	vpop (xrf0)  }
0x472: {  	v8 =	vor.u32 v8, v61;
	(v2sf) =	vpush v11, $0xF  }
0x473: {  	v63, _, _ =	vpop (xrf0);
	v9 =	vperm.xlane v8, v1  }
0x474: {  	v62 =	vld [tilespmem:s1+$0x1D200];
	(v2sf) =	vpush v63, $0xF  }
0x475: {  	v9 =	vadd.s32 v2, v9;
	_ =	sdelay $0x3  }
0x476: {  	s10 =	simm.s32 $0x0;
	s16 =	rddreg [dreg:$0x1];
	s3 =	simm.s32 $0x19000;
	[tilespmem:$0x1D400] =	vst v62  }
0x477: {  	[tilespmem:s3], [sflag:$0xD] =	stream.indirect_vreg.gather [hbm4b:s16+s10], $0x80, v9, vm0, $0xb8;
	[tilespmem:$0x1D500] =	vst v63  }
0x478: {  	s18 =	simm.s32 $0x19800;
	v8 =	vperm.xlane v8, v3  }
0x479: {  	[tilespmem:s18], [sflag:$0xD] =	stream.indirect_vreg.gather [hbm4b:s26+s10], $0x80, v9, vm0, $0xb8;
	[tilespmem:$0x1D500] =	vst v63  }
0x47a: {  	s22 =	simm.s32 $0x1A000;
	v8 =	vadd.s32 v2, v8  }
0x47b: {  	[tilespmem:s22], [sflag:$0xD] =	stream.indirect_vreg.gather [hbm4b:s28+s10], $0x80, v9, vm0, $0xb8;
	[tilespmem:$0x1D500] =	vst v63  }
0x47c: {  	_ = 	snop  }
0x47d: {  	[tilespmem:s6], [sflag:$0xD] =	stream.indirect_vreg.gather [hbm4b:s29+s10], $0x80, v9, vm0, $0xb8;
	[tilespmem:$0x1D500] =	vst v63  }
0x47e: {  	s22 =	spop (v2sf)  }
0x47f: {  	[tilespmem:s19], [sflag:$0xD] =	stream.indirect_vreg.gather [hbm4b:s16+s10], $0x80, v8, vm0, $0xb8;
	[tilespmem:$0x1D500] =	vst v63  }
0x480: {  	s15 =	spop (v2sf)  }
0x481: {  	[tilespmem:s17], [sflag:$0xD] =	stream.indirect_vreg.gather [hbm4b:s26+s10], $0x80, v8, vm0, $0xb8;
	[tilespmem:$0x1D500] =	vst v63  }
0x482: {  	s23 =	sor.u32 s15, s22  }
0x483: {  	[tilespmem:s21], [sflag:$0xD] =	stream.indirect_vreg.gather [hbm4b:s28+s10], $0x80, v8, vm0, $0xb8;
	[tilespmem:$0x1D500] =	vst v63  }
0x484: {  	p1 =	seq.s32 s23, $0x0  }
0x485: {  	[tilespmem:s24], [sflag:$0xD] =	stream.indirect_vreg.gather [hbm4b:s29+s10], $0x80, v8, vm0, $0xb8;
	[tilespmem:$0x1D500] =	vst v63  }
.Ltmp13:
0x486: {  	_ = 	snop;
	(pc) =	sbr.rel @!p1 .LBB2_20-.Ltmp13, $4  }
.Ltmp14:
0x487: {  	_ = 	snop;
	(pc) =	sbr.rel @p1 .LBB2_25-.Ltmp14, $4  }
0x488: {  	_ =	swait.ge [sflag:s25], $0x4000  }
0x489: {  	s1 =	simm.s32 $0x0;
	[sflag:s25] =	ssyncset.done $0x0  }
0x48a: {  	s18 =	simm.s32 $0x0;
	s23 =	simm.s32 $0x0;
	[sflag:s25] =	ssyncadd.s32 $0xFFFFC000  }
0x48b: {  	_ = 	snop  }
.LBB2_24:
0x48c: {  	s23 =	sadd.s32 $0x80, s23  }
0x48d: {  	p1 =	sne.s32 s23, $0x800  }
.Ltmp15:
0x48e: {  	_ = 	snop;
	(pc) =	sbr.rel @!p1 .LBB2_25-.Ltmp15, $2  }
0x48f: {  	_ =	sdelay $0x2  }
0x490: {  	s1 =	sadd.s32 $0x1, s1;
	s18 =	sadd.s32 $0x400, s18;
	s10 =	sadd.s32 $0x1, s10  }
.LBB2_20:
0x491: {  	s13 =	sshll.u32 s12, s1  }
0x492: {  	s14 =	sand.u32 s22, s13  }
0x493: {  	p1 =	seq.s32 s14, $0x0  }
.Ltmp16:
0x494: {  	_ = 	snop;
	(pc) =	sbr.rel @p1 .LBB2_22-.Ltmp16, $4  }
0x495: {  	_ = 	snop  }
0x496: {  	s3 =	sand.u32 $0x7, s10  }
0x497: {  	s3 =	sshll.u32 s3, $0x7  }
0x498: {  	s3 =	sadd.s32 s3, s18  }
0x499: {  	s14 =	sand.u32 $0x2000, s18;
	s16 =	sand.u32 $0x380, s23  }
0x49a: {  	s14 =	sor.u32 s16, s14  }
0x49b: {  	[tilespmem:s14+$0x19000] =	vst v7  }
0x49c: {  	[tilespmem:s14+$0x19010] =	vst v7  }
0x49d: {  	[tilespmem:s14+$0x19020] =	vst v7  }
0x49e: {  	[tilespmem:s14+$0x19030] =	vst v7  }
0x49f: {  	[tilespmem:s14+$0x19040] =	vst v7  }
0x4a0: {  	[tilespmem:s14+$0x19050] =	vst v7  }
0x4a1: {  	[tilespmem:s14+$0x19060] =	vst v7  }
0x4a2: {  	[tilespmem:s14+$0x19070] =	vst v7  }
0x4a3: {  	[tilespmem:s14+$0x19400] =	vst v7  }
0x4a4: {  	[tilespmem:s14+$0x19410] =	vst v7  }
0x4a5: {  	[tilespmem:s14+$0x19420] =	vst v7  }
0x4a6: {  	[tilespmem:s14+$0x19430] =	vst v7  }
0x4a7: {  	[tilespmem:s14+$0x19440] =	vst v7  }
0x4a8: {  	[tilespmem:s14+$0x19450] =	vst v7  }
0x4a9: {  	[tilespmem:s14+$0x19460] =	vst v7  }
0x4aa: {  	[tilespmem:s14+$0x19470] =	vst v7  }
0x4ab: {  	[tilespmem:s14+$0x19800] =	vst v7  }
0x4ac: {  	[tilespmem:s14+$0x19810] =	vst v7  }
0x4ad: {  	[tilespmem:s14+$0x19820] =	vst v7  }
0x4ae: {  	[tilespmem:s14+$0x19830] =	vst v7  }
0x4af: {  	[tilespmem:s14+$0x19840] =	vst v7  }
0x4b0: {  	[tilespmem:s14+$0x19850] =	vst v7  }
0x4b1: {  	[tilespmem:s14+$0x19860] =	vst v7  }
0x4b2: {  	[tilespmem:s14+$0x19870] =	vst v7  }
0x4b3: {  	[tilespmem:s14+$0x19C00] =	vst v7  }
0x4b4: {  	[tilespmem:s14+$0x19C10] =	vst v7  }
0x4b5: {  	[tilespmem:s14+$0x19C20] =	vst v7  }
0x4b6: {  	[tilespmem:s14+$0x19C30] =	vst v7  }
0x4b7: {  	[tilespmem:s14+$0x19C40] =	vst v7  }
0x4b8: {  	[tilespmem:s14+$0x19C50] =	vst v7  }
0x4b9: {  	[tilespmem:s14+$0x19C60] =	vst v7  }
0x4ba: {  	[tilespmem:s14+$0x19C70] =	vst v7  }
0x4bb: {  	[tilespmem:s14+$0x1A000] =	vst v7  }
0x4bc: {  	[tilespmem:s14+$0x1A010] =	vst v7  }
0x4bd: {  	[tilespmem:s14+$0x1A020] =	vst v7  }
0x4be: {  	[tilespmem:s14+$0x1A030] =	vst v7  }
0x4bf: {  	[tilespmem:s14+$0x1A040] =	vst v7  }
0x4c0: {  	[tilespmem:s14+$0x1A050] =	vst v7  }
0x4c1: {  	[tilespmem:s14+$0x1A060] =	vst v7  }
0x4c2: {  	[tilespmem:s14+$0x1A070] =	vst v7  }
0x4c3: {  	[tilespmem:s14+$0x1A400] =	vst v7  }
0x4c4: {  	[tilespmem:s14+$0x1A410] =	vst v7  }
0x4c5: {  	[tilespmem:s14+$0x1A420] =	vst v7  }
0x4c6: {  	[tilespmem:s14+$0x1A430] =	vst v7  }
0x4c7: {  	[tilespmem:s14+$0x1A440] =	vst v7  }
0x4c8: {  	[tilespmem:s14+$0x1A450] =	vst v7  }
0x4c9: {  	[tilespmem:s14+$0x1A460] =	vst v7  }
0x4ca: {  	[tilespmem:s14+$0x1A470] =	vst v7  }
0x4cb: {  	[tilespmem:s14+$0x1A800] =	vst v7  }
0x4cc: {  	[tilespmem:s14+$0x1A810] =	vst v7  }
0x4cd: {  	[tilespmem:s14+$0x1A820] =	vst v7  }
0x4ce: {  	[tilespmem:s14+$0x1A830] =	vst v7  }
0x4cf: {  	[tilespmem:s14+$0x1A840] =	vst v7  }
0x4d0: {  	[tilespmem:s14+$0x1A850] =	vst v7  }
0x4d1: {  	[tilespmem:s14+$0x1A860] =	vst v7  }
0x4d2: {  	s16 =	sor.u32 $0x1C00, s3;
	[tilespmem:s14+$0x1A870] =	vst v7  }
0x4d3: {  	[tilespmem:s16+$0x19000] =	vst v7;
	s16 =	sor.u32 $0x1C10, s3  }
0x4d4: {  	[tilespmem:s16+$0x19000] =	vst v7;
	s16 =	sor.u32 $0x1C20, s3  }
0x4d5: {  	[tilespmem:s16+$0x19000] =	vst v7;
	s16 =	sor.u32 $0x1C30, s3  }
0x4d6: {  	[tilespmem:s16+$0x19000] =	vst v7;
	s16 =	sor.u32 $0x1C40, s3  }
0x4d7: {  	[tilespmem:s16+$0x19000] =	vst v7;
	s16 =	sor.u32 $0x1C50, s3  }
0x4d8: {  	[tilespmem:s16+$0x19000] =	vst v7;
	s16 =	sor.u32 $0x1C60, s3  }
0x4d9: {  	[tilespmem:s16+$0x19000] =	vst v7;
	s16 =	sor.u32 $0x1C70, s3  }
0x4da: {  	[tilespmem:s16+$0x19000] =	vst v7  }
.LBB2_22:
0x4db: {  	s13 =	sand.u32 s15, s13  }
0x4dc: {  	p1 =	seq.s32 s13, $0x0  }
.Ltmp17:
0x4dd: {  	_ = 	snop;
	(pc) =	sbr.rel @p1 .LBB2_24-.Ltmp17, $1  }
0x4de: {  	_ =	sdelay $0x3  }
0x4df: {  	s13 =	sand.u32 $0x2000, s18;
	s14 =	sand.u32 $0x380, s23  }
0x4e0: {  	s13 =	sor.u32 s14, s13  }
0x4e1: {  	[tilespmem:s13+$0x19000] =	vst v6  }
0x4e2: {  	[tilespmem:s13+$0x19010] =	vst v6  }
0x4e3: {  	[tilespmem:s13+$0x19020] =	vst v6  }
0x4e4: {  	[tilespmem:s13+$0x19030] =	vst v6  }
0x4e5: {  	[tilespmem:s13+$0x19040] =	vst v6  }
0x4e6: {  	[tilespmem:s13+$0x19050] =	vst v6  }
0x4e7: {  	[tilespmem:s13+$0x19060] =	vst v6  }
0x4e8: {  	[tilespmem:s13+$0x19070] =	vst v6  }
0x4e9: {  	[tilespmem:s13+$0x19400] =	vst v6  }
0x4ea: {  	[tilespmem:s13+$0x19410] =	vst v6  }
0x4eb: {  	[tilespmem:s13+$0x19420] =	vst v6  }
0x4ec: {  	[tilespmem:s13+$0x19430] =	vst v6  }
0x4ed: {  	[tilespmem:s13+$0x19440] =	vst v6  }
0x4ee: {  	[tilespmem:s13+$0x19450] =	vst v6  }
0x4ef: {  	[tilespmem:s13+$0x19460] =	vst v6  }
0x4f0: {  	[tilespmem:s13+$0x19470] =	vst v6  }
0x4f1: {  	[tilespmem:s13+$0x19800] =	vst v6  }
0x4f2: {  	[tilespmem:s13+$0x19810] =	vst v6  }
0x4f3: {  	[tilespmem:s13+$0x19820] =	vst v6  }
0x4f4: {  	[tilespmem:s13+$0x19830] =	vst v6  }
0x4f5: {  	[tilespmem:s13+$0x19840] =	vst v6  }
0x4f6: {  	[tilespmem:s13+$0x19850] =	vst v6  }
0x4f7: {  	[tilespmem:s13+$0x19860] =	vst v6  }
0x4f8: {  	[tilespmem:s13+$0x19870] =	vst v6  }
0x4f9: {  	[tilespmem:s13+$0x19C00] =	vst v6  }
0x4fa: {  	[tilespmem:s13+$0x19C10] =	vst v6  }
0x4fb: {  	[tilespmem:s13+$0x19C20] =	vst v6  }
0x4fc: {  	[tilespmem:s13+$0x19C30] =	vst v6  }
0x4fd: {  	[tilespmem:s13+$0x19C40] =	vst v6  }
0x4fe: {  	[tilespmem:s13+$0x19C50] =	vst v6  }
0x4ff: {  	[tilespmem:s13+$0x19C60] =	vst v6  }
0x500: {  	[tilespmem:s13+$0x19C70] =	vst v6  }
0x501: {  	[tilespmem:s13+$0x1A000] =	vst v6  }
0x502: {  	[tilespmem:s13+$0x1A010] =	vst v6  }
0x503: {  	[tilespmem:s13+$0x1A020] =	vst v6  }
0x504: {  	[tilespmem:s13+$0x1A030] =	vst v6  }
0x505: {  	[tilespmem:s13+$0x1A040] =	vst v6  }
0x506: {  	[tilespmem:s13+$0x1A050] =	vst v6  }
0x507: {  	[tilespmem:s13+$0x1A060] =	vst v6  }
0x508: {  	[tilespmem:s13+$0x1A070] =	vst v6  }
0x509: {  	[tilespmem:s13+$0x1A400] =	vst v6  }
0x50a: {  	[tilespmem:s13+$0x1A410] =	vst v6  }
0x50b: {  	[tilespmem:s13+$0x1A420] =	vst v6  }
0x50c: {  	[tilespmem:s13+$0x1A430] =	vst v6  }
0x50d: {  	[tilespmem:s13+$0x1A440] =	vst v6  }
0x50e: {  	[tilespmem:s13+$0x1A450] =	vst v6  }
0x50f: {  	[tilespmem:s13+$0x1A460] =	vst v6  }
0x510: {  	[tilespmem:s13+$0x1A470] =	vst v6  }
0x511: {  	[tilespmem:s13+$0x1A800] =	vst v6  }
0x512: {  	[tilespmem:s13+$0x1A810] =	vst v6  }
0x513: {  	[tilespmem:s13+$0x1A820] =	vst v6  }
0x514: {  	[tilespmem:s13+$0x1A830] =	vst v6  }
0x515: {  	[tilespmem:s13+$0x1A840] =	vst v6  }
0x516: {  	[tilespmem:s13+$0x1A850] =	vst v6  }
0x517: {  	[tilespmem:s13+$0x1A860] =	vst v6  }
0x518: {  	s14 =	sor.u32 $0x1C00, s3;
	[tilespmem:s13+$0x1A870] =	vst v6  }
0x519: {  	s16 =	sor.u32 $0x1C10, s3;
	[tilespmem:s14+$0x19000] =	vst v6  }
0x51a: {  	s14 =	sor.u32 $0x1C20, s3;
	[tilespmem:s16+$0x19000] =	vst v6  }
0x51b: {  	s16 =	sor.u32 $0x1C30, s3;
	[tilespmem:s14+$0x19000] =	vst v6  }
.Ltmp18:
0x51c: {  	s14 =	sor.u32 $0x1C40, s3;
	[tilespmem:s16+$0x19000] =	vst v6;
	(pc) =	sbr.rel .LBB2_24-.Ltmp18, $4  }
0x51d: {  	s16 =	sor.u32 $0x1C50, s3;
	[tilespmem:s14+$0x19000] =	vst v6  }
0x51e: {  	s14 =	sor.u32 $0x1C60, s3;
	[tilespmem:s16+$0x19000] =	vst v6  }
0x51f: {  	s16 =	sor.u32 $0x1C70, s3;
	[tilespmem:s14+$0x19000] =	vst v6  }
0x520: {  	[tilespmem:s16+$0x19000] =	vst v6  }
.LBB2_3:
.Ltmp19:
0x521: {  	(pc) =	sbr.rel .LBB2_14-.Ltmp19, $2  }
0x522: {  	_ =	sdelay $0x2  }
0x523: {  	s1 =	simm.s32 $0x0  }
.LBB2_5:
.Ltmp20:
0x524: {  	(pc) =	sbr.rel .LBB2_14-.Ltmp20, $2  }
0x525: {  	_ =	sdelay $0x2  }
0x526: {  	s1 =	simm.s32 $0x0  }
.LBB2_7:
.Ltmp21:
0x527: {  	(pc) =	sbr.rel .LBB2_14-.Ltmp21, $2  }
0x528: {  	_ =	sdelay $0x2  }
0x529: {  	s1 =	simm.s32 $0x0  }
.LBB2_9:
.Ltmp22:
0x52a: {  	(pc) =	sbr.rel .LBB2_14-.Ltmp22, $2  }
0x52b: {  	_ =	sdelay $0x2  }
0x52c: {  	s1 =	simm.s32 $0x0  }
.LBB2_11:
.Ltmp23:
0x52d: {  	(pc) =	sbr.rel .LBB2_14-.Ltmp23, $2  }
0x52e: {  	_ =	sdelay $0x2  }
0x52f: {  	s1 =	simm.s32 $0x0  }
.LBB2_28:
0x530: {  	_ =	sfence.sel $0x180000  }
0x531: {  	[bflag:$0x0] =	sbarrier.arrive $0xFFFF  }
0x532: {  	_ =	strace $0x90000047  }
0x533: {  	s0 =	stileid.u32;
	[bflag:$0x2] =	sbarrier.arrive $0xFFFF  }
0x534: {  	p0 =	sne.s32 s0, $0x0;
	s0 =	rddreg [dreg:$0x4]  }
0x535: {  	s0 =	sadd.s32 @!p0 $0x100000, s0  }
0x536: {  	[sflag:s0] =	ssyncadd.tile.s32 @!p0 $0x1;
	_ =	shalt  }
.Lfunc_end2:
_tile_overlayer_lowered:
.L_overlay_start_2:
0x537: {  	(tag) =	ssettag $0x2  }
0x538: {  	s0 =	rddreg [dreg:$0x0];
	s2 =	stileid.u32  }
0x539: {  	s1 =	rddreg [dreg:$0x1];
	p0 =	sne.s32 s2, $0x0  }
0x53a: {  	s3 =	rddreg [dreg:$0x2];
	[bflag:$0x3] =	sbarrier.arrive $0xFFFF;
	s2 =	simm.s32 @!p0 $0x1C0E  }
0x53b: {  	[timem:s3], [sflag:s2] =	dma.local @!p0 [hbm:s0], s1  }
0x53c: {  	s0 =	simm.s32 @!p0 $0xE  }
0x53d: {  	_ =	swait.ge @!p0 [sflag:s0], s1  }
0x53e: {  	s1 =	ssub.s32 @!p0 $0x0, s1;
	[sflag:s0] =	ssyncset.done @!p0 $0x0  }
0x53f: {  	[sflag:s0] =	ssyncadd.s32 @!p0 s1  }
0x540: {  	[bflag:$0x3] =	sbarrier.arrive $0xFFFF  }
0x541: {  	_ =	shalt  }

</sc_bundles>
